<compile_context>
chip_gen: v7x
topology: tpu7x:2x2x1
jax: 0.10.2.dev20260603
libtpu: 0.0.44.dev20260713+nightly
codegen_flags: <defaults>
</compile_context>

<pallas_src>
import functools

import jax
import jax.numpy as jnp
from jax import lax
from jax.experimental import pallas as pl
from jax.experimental.pallas import tpu as pltpu
from jax.experimental.pallas import tpu_sc as plsc

N = 10000
E = 320000
F_IN = 128
H = 256
FH = 128
C = 10
L = 3
G = 128

NC = 2
NS = 16

_CHUNK = 96
_NB = 210
_NBUF = 3
_NIDX = 6
_EPT = _NB * _CHUNK
_E_PAD = NS * _EPT
_ROWS_PER_TILE = 624
_ROWS_TAIL = N - NS * _ROWS_PER_TILE

_BM = 1000
_GRID = N // _BM



def _sc_agg_body(h2_hbm, src_hbm, dst_hbm, out_hbm, *scr):
    rows = list(scr[0:_NBUF])
    srcb = list(scr[_NBUF:_NBUF + _NIDX])
    dstb = list(scr[_NBUF + _NIDX:_NBUF + 2 * _NIDX])
    gsem = list(scr[_NBUF + 2 * _NIDX:2 * _NBUF + 2 * _NIDX])
    ssem = list(scr[2 * _NBUF + 2 * _NIDX:2 * _NBUF + 3 * _NIDX])
    dsem = list(scr[2 * _NBUF + 3 * _NIDX:2 * _NBUF + 4 * _NIDX])
    agg_sh = scr[-1]
    c = lax.axis_index("c")
    s = lax.axis_index("s")
    rbase = s * _ROWS_PER_TILE
    pltpu.sync_copy(h2_hbm.at[pl.ds(c * N + rbase, _ROWS_PER_TILE)],
                    agg_sh.at[pl.ds(rbase, _ROWS_PER_TILE)])

    @pl.when(s == 0)
    def _():
        tb = NS * _ROWS_PER_TILE
        pltpu.sync_copy(h2_hbm.at[pl.ds(c * N + tb, _ROWS_TAIL)],
                        agg_sh.at[pl.ds(tb, _ROWS_TAIL)])

    for k in range(_NIDX):
        pltpu.async_copy(src_hbm.at[c, s, k], srcb[k], ssem[k])
        pltpu.async_copy(dst_hbm.at[s, k], dstb[k], dsem[k])
    for b in range(_NBUF):
        pltpu.make_async_copy(src_hbm.at[c, s, b], srcb[b],
                              ssem[b]).wait()
        pltpu.async_copy(h2_hbm.at[srcb[b]], rows[b], gsem[b])

    plsc.subcore_barrier()

    def body(g, _):
        for ib in range(_NIDX):
            i = g * _NIDX + ib
            b = ib % _NBUF
            pltpu.make_async_copy(h2_hbm.at[srcb[ib]], rows[b],
                                  gsem[b]).wait()
            pltpu.make_async_copy(dst_hbm.at[s, i], dstb[ib],
                                  dsem[ib]).wait()
            pltpu.sync_copy(rows[b], agg_sh.at[dstb[ib]], add=True)

            i2 = (ib + _NBUF) % _NIDX

            @pl.when(i + _NBUF < _NB)
            def _():
                pltpu.make_async_copy(src_hbm.at[c, s, i + _NBUF],
                                      srcb[i2], ssem[i2]).wait()
                pltpu.async_copy(h2_hbm.at[srcb[i2]], rows[b], gsem[b])

            @pl.when(i + _NIDX < _NB)
            def _():
                pltpu.async_copy(src_hbm.at[c, s, i + _NIDX], srcb[ib],
                                 ssem[ib])
                pltpu.async_copy(dst_hbm.at[s, i + _NIDX], dstb[ib],
                                 dsem[ib])
        return 0

    lax.fori_loop(0, _NB // _NIDX, body, 0)
    plsc.subcore_barrier()
    pltpu.sync_copy(agg_sh.at[pl.ds(rbase, _ROWS_PER_TILE)],
                    out_hbm.at[c, pl.ds(rbase, _ROWS_PER_TILE)])

    @pl.when(s == 0)
    def _():
        tb = NS * _ROWS_PER_TILE
        pltpu.sync_copy(agg_sh.at[pl.ds(tb, _ROWS_TAIL)],
                        out_hbm.at[c, pl.ds(tb, _ROWS_TAIL)])


def _sc_aggregate(h2, srcs, dst4):
    mesh = plsc.VectorSubcoreMesh(core_axis_name="c", subcore_axis_name="s")
    f = pl.kernel(
        _sc_agg_body,
        out_type=jax.ShapeDtypeStruct((NC, N, FH), jnp.float32),
        mesh=mesh,
        scratch_types=(
            [pltpu.VMEM((_CHUNK, FH), jnp.float32)] * _NBUF
            + [pltpu.VMEM((_CHUNK,), jnp.int32)] * (2 * _NIDX)
            + [pltpu.SemaphoreType.DMA] * (_NBUF + 2 * _NIDX)
            + [pltpu.VMEM_SHARED((N + 8, FH), jnp.float32)]
        ),
    )
    return f(h2, srcs, dst4)



def _stats_x_body(x_ref, st_ref):
    i = pl.program_id(0)

    @pl.when(i == 0)
    def _():
        st_ref[...] = jnp.zeros_like(st_ref)

    x = x_ref[...]
    s1 = jnp.sum(x, axis=0)
    s2 = jnp.sum(x * x, axis=0)
    st_ref[...] += jnp.concatenate(
        [s1[None], s2[None], jnp.zeros((6, x.shape[1]), jnp.float32)], axis=0)


def _stats_x(x):
    fw = x.shape[1]
    return pl.pallas_call(
        _stats_x_body,
        grid=(_GRID,),
        in_specs=[pl.BlockSpec((_BM, fw), lambda i: (i, 0))],
        out_specs=pl.BlockSpec((8, fw), lambda i: (0, 0)),
        out_shape=jax.ShapeDtypeStruct((8, fw), jnp.float32),
    )(x)


def _bn0_mm_body(x_ref, s_ref, o_ref, w_ref, b_ref, out_ref):
    x = x_ref[...] * s_ref[...] + o_ref[...]
    h = jnp.maximum(
        jnp.dot(x, w_ref[...], preferred_element_type=jnp.float32)
        + b_ref[...], 0.0)
    out_ref[0] = h[:, :FH]
    out_ref[1] = h[:, FH:]


def _bn0_mm(x, s, o, w, b):
    return pl.pallas_call(
        _bn0_mm_body,
        grid=(_GRID,),
        in_specs=[
            pl.BlockSpec((_BM, F_IN), lambda i: (i, 0)),
            pl.BlockSpec((1, F_IN), lambda i: (0, 0)),
            pl.BlockSpec((1, F_IN), lambda i: (0, 0)),
            pl.BlockSpec((F_IN, H), lambda i: (0, 0)),
            pl.BlockSpec((1, H), lambda i: (0, 0)),
        ],
        out_specs=pl.BlockSpec((NC, _BM, FH), lambda i: (0, i, 0)),
        out_shape=jax.ShapeDtypeStruct((NC, N, FH), jnp.float32),
    )(x, s, o, w, b)


def _mm1_stats_body(z_ref, w_ref, b_ref, t_ref, st_ref):
    i = pl.program_id(0)
    z = jnp.concatenate([z_ref[0], z_ref[1]], axis=1)
    t = jnp.dot(z, w_ref[...], preferred_element_type=jnp.float32) + b_ref[...]
    t_ref[...] = t

    @pl.when(i == 0)
    def _():
        st_ref[...] = jnp.zeros_like(st_ref)

    s1 = jnp.sum(t, axis=0)
    s2 = jnp.sum(t * t, axis=0)
    st_ref[...] += jnp.concatenate(
        [s1[None], s2[None], jnp.zeros((6, H), jnp.float32)], axis=0)


def _mm1_stats(z2, w, b):
    return pl.pallas_call(
        _mm1_stats_body,
        grid=(_GRID,),
        in_specs=[
            pl.BlockSpec((NC, _BM, FH), lambda i: (0, i, 0)),
            pl.BlockSpec((H, H), lambda i: (0, 0)),
            pl.BlockSpec((1, H), lambda i: (0, 0)),
        ],
        out_specs=[
            pl.BlockSpec((_BM, H), lambda i: (i, 0)),
            pl.BlockSpec((8, H), lambda i: (0, 0)),
        ],
        out_shape=[
            jax.ShapeDtypeStruct((N, H), jnp.float32),
            jax.ShapeDtypeStruct((8, H), jnp.float32),
        ],
    )(z2, w, b)


def _bn_mm2_body(split_out, t_ref, s_ref, o_ref, w_ref, b_ref, out_ref):
    t = jnp.maximum(t_ref[...] * s_ref[...] + o_ref[...], 0.0)
    h = jnp.maximum(
        jnp.dot(t, w_ref[...], preferred_element_type=jnp.float32)
        + b_ref[...], 0.0)
    if split_out:
        out_ref[0] = h[:, :FH]
        out_ref[1] = h[:, FH:]
    else:
        out_ref[...] = h


def _bn_mm2(t, s, o, w, b, split_out):
    if split_out:
        out_spec = pl.BlockSpec((NC, _BM, FH), lambda i: (0, i, 0))
        out_shape = jax.ShapeDtypeStruct((NC, N, FH), jnp.float32)
    else:
        out_spec = pl.BlockSpec((_BM, H), lambda i: (i, 0))
        out_shape = jax.ShapeDtypeStruct((N, H), jnp.float32)
    return pl.pallas_call(
        functools.partial(_bn_mm2_body, split_out),
        grid=(_GRID,),
        in_specs=[
            pl.BlockSpec((_BM, H), lambda i: (i, 0)),
            pl.BlockSpec((1, H), lambda i: (0, 0)),
            pl.BlockSpec((1, H), lambda i: (0, 0)),
            pl.BlockSpec((H, H), lambda i: (0, 0)),
            pl.BlockSpec((1, H), lambda i: (0, 0)),
        ],
        out_specs=out_spec,
        out_shape=out_shape,
    )(t, s, o, w, b)


def _pool_head_body(h_ref, batch_ref, fcg_ref, fcb_ref, lw_ref, lb_ref,
                    hdg_ref, hdb_ref, cw_ref, cb_ref, hg_ref, out_ref):
    i = pl.program_id(0)

    @pl.when(i == 0)
    def _():
        hg_ref[...] = jnp.zeros_like(hg_ref)
        out_ref[...] = jnp.zeros_like(out_ref)

    bv = batch_ref[...].reshape(1, _BM)
    gi = lax.broadcasted_iota(jnp.int32, (G, _BM), 0)
    onehot = (gi == bv).astype(jnp.float32)
    hg_ref[...] += jnp.dot(onehot, h_ref[...],
                           preferred_element_type=jnp.float32)

    @pl.when(i == _GRID - 1)
    def _():
        hg = hg_ref[...]
        m = jnp.mean(hg, axis=0)
        v = jnp.mean(hg * hg, axis=0) - m * m
        hgn = (hg - m) * lax.rsqrt(v + 1e-5) * fcg_ref[...] + fcb_ref[...]
        h1 = jnp.maximum(
            jnp.dot(hgn, lw_ref[...], preferred_element_type=jnp.float32)
            + lb_ref[...], 0.0)
        m2 = jnp.mean(h1, axis=0)
        v2 = jnp.mean(h1 * h1, axis=0) - m2 * m2
        h1n = (h1 - m2) * lax.rsqrt(v2 + 1e-5) * hdg_ref[...] + hdb_ref[...]
        logits = jnp.dot(h1n, cw_ref[...],
                         preferred_element_type=jnp.float32) + cb_ref[...]
        valid = lax.broadcasted_iota(jnp.int32, (G, 128), 1) < C
        neg = jnp.float32(-1e30)
        lmax = jnp.max(jnp.where(valid, logits, neg), axis=1, keepdims=True)
        shifted = logits - lmax
        se = jnp.sum(jnp.where(valid, jnp.exp(shifted), 0.0), axis=1,
                     keepdims=True)
        out = shifted - jnp.log(se)
        out_ref[...] = jnp.where(valid, out, 0.0)


def _pool_head(h, batch3, fcg, fcb, lw, lb, hdg, hdb, cwp, cbp):
    return pl.pallas_call(
        _pool_head_body,
        grid=(_GRID,),
        in_specs=[
            pl.BlockSpec((_BM, H), lambda i: (i, 0)),
            pl.BlockSpec((1, 1, _BM), lambda i: (i, 0, 0)),
            pl.BlockSpec((1, H), lambda i: (0, 0)),
            pl.BlockSpec((1, H), lambda i: (0, 0)),
            pl.BlockSpec((H, H), lambda i: (0, 0)),
            pl.BlockSpec((1, H), lambda i: (0, 0)),
            pl.BlockSpec((1, H), lambda i: (0, 0)),
            pl.BlockSpec((1, H), lambda i: (0, 0)),
            pl.BlockSpec((H, 128), lambda i: (0, 0)),
            pl.BlockSpec((1, 128), lambda i: (0, 0)),
        ],
        out_specs=[
            pl.BlockSpec((G, H), lambda i: (0, 0)),
            pl.BlockSpec((G, 128), lambda i: (0, 0)),
        ],
        out_shape=[
            jax.ShapeDtypeStruct((G, H), jnp.float32),
            jax.ShapeDtypeStruct((G, 128), jnp.float32),
        ],
    )(h, batch3, fcg, fcb, lw, lb, hdg, hdb, cwp, cbp)



def _scale_offset(st, g, b, n):
    m = st[0] / n
    v = st[1] / n - m * m
    s = g * lax.rsqrt(v + 1e-5)
    o = b - m * s
    return s[None, :], o[None, :]


def kernel(x, edge_index, batch, bn_feat_g, bn_feat_b, W0, b0, gin_W1, gin_b1,
           gin_bn_g, gin_bn_b, gin_W2, gin_b2, bn_fc_g, bn_fc_b, lin_W, lin_b,
           bn_hid_g, bn_hid_b, cls_W, cls_b):
    src = edge_index[0]
    dst = edge_index[1]
    pad = _E_PAD - E
    srcp = jnp.concatenate([src, jnp.zeros((pad,), jnp.int32)])
    dstp = jnp.concatenate([dst, jnp.full((pad,), N, jnp.int32)])
    srcs = jnp.stack([srcp, srcp + N]).reshape(NC, NS, _NB, _CHUNK)
    dst4 = dstp.reshape(NS, _NB, _CHUNK)
    batch3 = batch.reshape(_GRID, 1, _BM)

    st0 = _stats_x(x)
    s0, o0 = _scale_offset(st0, bn_feat_g, bn_feat_b, N)
    h2 = _bn0_mm(x, s0, o0, W0, b0[None, :])

    for i in range(L):
        z2 = _sc_aggregate(h2.reshape(NC * N, FH), srcs, dst4)
        t, st = _mm1_stats(z2, gin_W1[i], gin_b1[i][None, :])
        si, oi = _scale_offset(st, gin_bn_g[i], gin_bn_b[i], N)
        last = i == L - 1
        h2 = _bn_mm2(t, si, oi, gin_W2[i], gin_b2[i][None, :],
                     split_out=not last)

    cwp = jnp.zeros((H, 128), jnp.float32).at[:, :C].set(cls_W)
    cbp = jnp.zeros((1, 128), jnp.float32).at[0, :C].set(cls_b)
    _, logits = _pool_head(h2, batch3, bn_fc_g[None, :], bn_fc_b[None, :],
                           lin_W, lin_b[None, :], bn_hid_g[None, :],
                           bn_hid_b[None, :], cwp, cbp)
    return logits[:, :C]

# --- scband reference (transcript-rebuilt; emitter-appended) ---
"""Pipeline reference for scband-ginnet-20968030339558 (READ-ONLY COPY).

The authoritative reference and input builder live on the scoring server;
editing this copy changes nothing except your own understanding.
"""

import jax, jax.numpy as jnp
import numpy as np

N = 10000
E = 320000
F_IN = 128
H = 256
C = 10
L = 3
G = 128

def setup_inputs(seed: int = 0):
    key = jax.random.key(seed)
    ks = jax.random.split(key, 16)
    x = jax.random.normal(ks[0], (N, F_IN), dtype=jnp.float32)
    edge_index = jax.random.randint(ks[1], (2, E), 0, N, dtype=jnp.int32)
    batch = jnp.sort(jax.random.randint(ks[2], (N,), 0, G, dtype=jnp.int32))
    def lin(k, fi, fo):
        return jax.random.normal(k, (fi, fo), dtype=jnp.float32) / np.sqrt(fi)
    inp = {
        'x': x, 'edge_index': edge_index, 'batch': batch,
        'bn_feat_g': jnp.ones((F_IN,), jnp.float32),
        'bn_feat_b': jnp.full((F_IN,), 1e-4, jnp.float32),
        'W0': lin(ks[3], F_IN, H), 'b0': jnp.zeros((H,), jnp.float32),
        'gin_W1': jnp.stack([lin(ks[4 + i], H, H) for i in range(L)]),
        'gin_b1': jnp.zeros((L, H), jnp.float32),
        'gin_bn_g': jnp.ones((L, H), jnp.float32),
        'gin_bn_b': jnp.full((L, H), 1e-4, jnp.float32),
        'gin_W2': jnp.stack([lin(ks[8 + i], H, H) for i in range(L)]),
        'gin_b2': jnp.zeros((L, H), jnp.float32),
        'bn_fc_g': jnp.ones((H,), jnp.float32),
        'bn_fc_b': jnp.full((H,), 1e-4, jnp.float32),
        'lin_W': lin(ks[12], H, H), 'lin_b': jnp.zeros((H,), jnp.float32),
        'bn_hid_g': jnp.ones((H,), jnp.float32),
        'bn_hid_b': jnp.full((H,), 1e-4, jnp.float32),
        'cls_W': lin(ks[13], H, C), 'cls_b': jnp.zeros((C,), jnp.float32),
    }
    return inp

def _bn(x, g, b):
    m = jnp.mean(x, axis=0)
    v = jnp.var(x, axis=0)
    return (x - m) / jnp.sqrt(v + 1e-5) * g + b

def reference(x, edge_index, batch, bn_feat_g, bn_feat_b, W0, b0, gin_W1, gin_b1, gin_bn_g, gin_bn_b, gin_W2, gin_b2, bn_fc_g, bn_fc_b, lin_W, lin_b, bn_hid_g, bn_hid_b, cls_W, cls_b):
    src = edge_index[0]
    dst = edge_index[1]
    # bn_feat + GCNConv(gfn=True) == linear transform only (no propagation)
    h = _bn(x, bn_feat_g, bn_feat_b)
    h = jax.nn.relu(h @ W0 + b0)
    # GIN layers: h = MLP((1+eps)*h + sum_{j in N(i)} h_j), eps=0
    for i in range(L):
        agg = jax.ops.segment_sum(h[src], dst, num_segments=N)
        z = h + agg
        z = z @ gin_W1[i] + gin_b1[i]
        z = _bn(z, gin_bn_g[i], gin_bn_b[i])
        z = jax.nn.relu(z)
        z = jax.nn.relu(z @ gin_W2[i] + gin_b2[i])
        h = z
    # global_add_pool over graph ids
    hg = jax.ops.segment_sum(h, batch, num_segments=G)
    # fc_num=2 -> one (bn, lin) pair
    hg = _bn(hg, bn_fc_g, bn_fc_b)
    hg = jax.nn.relu(hg @ lin_W + lin_b)
    hg = _bn(hg, bn_hid_g, bn_hid_b)
    logits = hg @ cls_W + cls_b
    return jax.nn.log_softmax(logits, axis=-1)

if __name__ == "__main__":
    import jax
    _d = setup_inputs()
    print(jax.jit(kernel)(*tuple(_d.values())))

</pallas_src>

<mosaic_0001>
#map = affine_map<(d0, d1) -> (0, 0)>
#map1 = affine_map<(d0, d1) -> (0, 0, 0, 0)>
#map2 = affine_map<(d0, d1) -> (0, 0, 0)>
module attributes {stable_mosaic.version = 14 : i64} {
  func.func @_sc_agg_body(%arg0: i32, %arg1: i32, %arg2: memref<20000x128xf32, #tpu.memory_space<hbm>>, %arg3: memref<2x16x210x96xi32, #tpu.memory_space<hbm>>, %arg4: memref<16x210x96xi32, #tpu.memory_space<hbm>>, %arg5: memref<2x10000x128xf32, #tpu.memory_space<hbm>>, %arg6: memref<96x128xf32, #tpu.memory_space<vmem>>, %arg7: memref<96x128xf32, #tpu.memory_space<vmem>>, %arg8: memref<96x128xf32, #tpu.memory_space<vmem>>, %arg9: memref<96xi32, #tpu.memory_space<vmem>>, %arg10: memref<96xi32, #tpu.memory_space<vmem>>, %arg11: memref<96xi32, #tpu.memory_space<vmem>>, %arg12: memref<96xi32, #tpu.memory_space<vmem>>, %arg13: memref<96xi32, #tpu.memory_space<vmem>>, %arg14: memref<96xi32, #tpu.memory_space<vmem>>, %arg15: memref<96xi32, #tpu.memory_space<vmem>>, %arg16: memref<96xi32, #tpu.memory_space<vmem>>, %arg17: memref<96xi32, #tpu.memory_space<vmem>>, %arg18: memref<96xi32, #tpu.memory_space<vmem>>, %arg19: memref<96xi32, #tpu.memory_space<vmem>>, %arg20: memref<96xi32, #tpu.memory_space<vmem>>, %arg21: memref<!tpu.dma_semaphore, #tpu.memory_space<semaphore_mem>>, %arg22: memref<!tpu.dma_semaphore, #tpu.memory_space<semaphore_mem>>, %arg23: memref<!tpu.dma_semaphore, #tpu.memory_space<semaphore_mem>>, %arg24: memref<!tpu.dma_semaphore, #tpu.memory_space<semaphore_mem>>, %arg25: memref<!tpu.dma_semaphore, #tpu.memory_space<semaphore_mem>>, %arg26: memref<!tpu.dma_semaphore, #tpu.memory_space<semaphore_mem>>, %arg27: memref<!tpu.dma_semaphore, #tpu.memory_space<semaphore_mem>>, %arg28: memref<!tpu.dma_semaphore, #tpu.memory_space<semaphore_mem>>, %arg29: memref<!tpu.dma_semaphore, #tpu.memory_space<semaphore_mem>>, %arg30: memref<!tpu.dma_semaphore, #tpu.memory_space<semaphore_mem>>, %arg31: memref<!tpu.dma_semaphore, #tpu.memory_space<semaphore_mem>>, %arg32: memref<!tpu.dma_semaphore, #tpu.memory_space<semaphore_mem>>, %arg33: memref<!tpu.dma_semaphore, #tpu.memory_space<semaphore_mem>>, %arg34: memref<!tpu.dma_semaphore, #tpu.memory_space<semaphore_mem>>, %arg35: memref<!tpu.dma_semaphore, #tpu.memory_space<semaphore_mem>>, %arg36: memref<10008x128xf32, #tpu.memory_space<vmem_shared>>) attributes {dimension_semantics = [#tpu.dimension_semantics<core_parallel>, #tpu.dimension_semantics<subcore_parallel>], iteration_bounds = array<i64: 2, 16>, scalar_prefetch = 0 : i64, scratch_operands = 31 : i64, tpu.core_type = #tpu.core_type<sc_vector_subcore>, window_params = [{transform_indices = #map}, {transform_indices = #map1}, {transform_indices = #map2}, {transform_indices = #map2}]} {
    %mul3A = arith.constant 624 : i32
    %mul3A_0 = arith.muli %arg1, %mul3A : i32
    %mul3A_1 = arith.constant 10000 : i32
    %mul3A_2 = arith.muli %arg0, %mul3A_1 : i32
    %add3A = arith.addi %mul3A_2, %mul3A_0 : i32
    "tpu.region"() ({
      %run_scoped3A = tpu.sem_alloc : memref<!tpu.dma_semaphore, #tpu.memory_space<semaphore_mem>>
      %dma_start3A_129 = arith.constant 0 : i32
      %dma_start3A_130 = tpu.memref_slice %arg36[%mul3A_0, %dma_start3A_129] : memref<10008x128xf32, #tpu.memory_space<vmem_shared>> -> memref<624x128xf32, #tpu.memory_space<vmem_shared>>
      %dma_start3A_131 = arith.constant 0 : i32
      %dma_start3A_132 = tpu.memref_slice %arg2[%add3A, %dma_start3A_131] : memref<20000x128xf32, #tpu.memory_space<hbm>> -> memref<624x128xf32, #tpu.memory_space<hbm>>
      tpu.enqueue_dma source(%dma_start3A_132 : memref<624x128xf32, #tpu.memory_space<hbm>>) target(%dma_start3A_130 : memref<624x128xf32, #tpu.memory_space<vmem_shared>>) target_semaphore(%run_scoped3A : memref<!tpu.dma_semaphore, #tpu.memory_space<semaphore_mem>>)
      %dma_wait3A_133 = arith.constant 0 : i32
      %dma_wait3A_134 = tpu.memref_slice %arg36[%mul3A_0, %dma_wait3A_133] : memref<10008x128xf32, #tpu.memory_space<vmem_shared>> -> memref<624x128xf32, #tpu.memory_space<vmem_shared>>
      %dma_wait3A_135 = arith.constant 0 : i32
      %dma_wait3A_136 = tpu.memref_slice %arg2[%add3A, %dma_wait3A_135] : memref<20000x128xf32, #tpu.memory_space<hbm>> -> memref<624x128xf32, #tpu.memory_space<hbm>>
      tpu.wait_dma2 semaphore(%run_scoped3A : memref<!tpu.dma_semaphore, #tpu.memory_space<semaphore_mem>>) src(%dma_wait3A_136 : memref<624x128xf32, #tpu.memory_space<hbm>>) dst(%dma_wait3A_134 : memref<624x128xf32, #tpu.memory_space<vmem_shared>>)
      tpu.yield
    }) : () -> ()
    %eq3A = arith.constant 0 : i32
    %eq3A_3 = arith.cmpi eq, %arg1, %eq3A : i32
    %convert_element_type3A = arith.extui %eq3A_3 : i1 to i32
    %cond3A = arith.constant 0 : i32
    %cond3A_4 = arith.cmpi ne, %convert_element_type3A, %cond3A : i32
    scf.if %cond3A_4 {
      %mul3A_129 = arith.constant 10000 : i32
      %mul3A_130 = arith.muli %arg0, %mul3A_129 : i32
      %add3A_131 = arith.constant 9984 : i32
      %add3A_132 = arith.addi %mul3A_130, %add3A_131 : i32
      "tpu.region"() ({
        %run_scoped3A = tpu.sem_alloc : memref<!tpu.dma_semaphore, #tpu.memory_space<semaphore_mem>>
        %dma_start3A_133 = arith.constant 9984 : i32
        %dma_start3A_134 = arith.constant 0 : i32
        %dma_start3A_135 = tpu.memref_slice %arg36[%dma_start3A_133, %dma_start3A_134] : memref<10008x128xf32, #tpu.memory_space<vmem_shared>> -> memref<16x128xf32, #tpu.memory_space<vmem_shared>>
        %dma_start3A_136 = arith.constant 0 : i32
        %dma_start3A_137 = tpu.memref_slice %arg2[%add3A_132, %dma_start3A_136] : memref<20000x128xf32, #tpu.memory_space<hbm>> -> memref<16x128xf32, #tpu.memory_space<hbm>>
        tpu.enqueue_dma source(%dma_start3A_137 : memref<16x128xf32, #tpu.memory_space<hbm>>) target(%dma_start3A_135 : memref<16x128xf32, #tpu.memory_space<vmem_shared>>) target_semaphore(%run_scoped3A : memref<!tpu.dma_semaphore, #tpu.memory_space<semaphore_mem>>)
        %dma_wait3A_138 = arith.constant 9984 : i32
        %dma_wait3A_139 = arith.constant 0 : i32
        %dma_wait3A_140 = tpu.memref_slice %arg36[%dma_wait3A_138, %dma_wait3A_139] : memref<10008x128xf32, #tpu.memory_space<vmem_shared>> -> memref<16x128xf32, #tpu.memory_space<vmem_shared>>
        %dma_wait3A_141 = arith.constant 0 : i32
        %dma_wait3A_142 = tpu.memref_slice %arg2[%add3A_132, %dma_wait3A_141] : memref<20000x128xf32, #tpu.memory_space<hbm>> -> memref<16x128xf32, #tpu.memory_space<hbm>>
        tpu.wait_dma2 semaphore(%run_scoped3A : memref<!tpu.dma_semaphore, #tpu.memory_space<semaphore_mem>>) src(%dma_wait3A_142 : memref<16x128xf32, #tpu.memory_space<hbm>>) dst(%dma_wait3A_140 : memref<16x128xf32, #tpu.memory_space<vmem_shared>>)
        tpu.yield
      }) : () -> ()
    } else {
    }
    %dma_start3A = arith.constant 0 : i32
    %dma_start3A_5 = arith.constant 0 : i32
    %dma_start3A_6 = tpu.memref_slice %arg3[%arg0, %arg1, %dma_start3A, %dma_start3A_5] : memref<2x16x210x96xi32, #tpu.memory_space<hbm>> -> memref<1x1x1x96xi32, #tpu.memory_space<hbm>>
    %dma_start3A_7 = tpu.memref_squeeze %dma_start3A_6 : memref<1x1x1x96xi32, #tpu.memory_space<hbm>> -> memref<96xi32, #tpu.memory_space<hbm>>
    %dma_start3A_8 = arith.constant 0 : i32
    %dma_start3A_9 = tpu.memref_slice %arg3[%arg0, %arg1, %dma_start3A, %dma_start3A_8] : memref<2x16x210x96xi32, #tpu.memory_space<hbm>> -> memref<1x1x1x96xi32, #tpu.memory_space<hbm>>
    %dma_start3A_10 = tpu.memref_squeeze %dma_start3A_9 : memref<1x1x1x96xi32, #tpu.memory_space<hbm>> -> memref<96xi32, #tpu.memory_space<hbm>>
    tpu.enqueue_dma source(%dma_start3A_10 : memref<96xi32, #tpu.memory_space<hbm>>) target(%arg9 : memref<96xi32, #tpu.memory_space<vmem>>) target_semaphore(%arg24 : memref<!tpu.dma_semaphore, #tpu.memory_space<semaphore_mem>>)
    %dma_start3A_11 = arith.constant 0 : i32
    %dma_start3A_12 = arith.constant 0 : i32
    %dma_start3A_13 = tpu.memref_slice %arg4[%arg1, %dma_start3A_11, %dma_start3A_12] : memref<16x210x96xi32, #tpu.memory_space<hbm>> -> memref<1x1x96xi32, #tpu.memory_space<hbm>>
    %dma_start3A_14 = tpu.memref_squeeze %dma_start3A_13 : memref<1x1x96xi32, #tpu.memory_space<hbm>> -> memref<96xi32, #tpu.memory_space<hbm>>
    %dma_start3A_15 = arith.constant 0 : i32
    %dma_start3A_16 = tpu.memref_slice %arg4[%arg1, %dma_start3A_11, %dma_start3A_15] : memref<16x210x96xi32, #tpu.memory_space<hbm>> -> memref<1x1x96xi32, #tpu.memory_space<hbm>>
    %dma_start3A_17 = tpu.memref_squeeze %dma_start3A_16 : memref<1x1x96xi32, #tpu.memory_space<hbm>> -> memref<96xi32, #tpu.memory_space<hbm>>
    tpu.enqueue_dma source(%dma_start3A_17 : memref<96xi32, #tpu.memory_space<hbm>>) target(%arg15 : memref<96xi32, #tpu.memory_space<vmem>>) target_semaphore(%arg30 : memref<!tpu.dma_semaphore, #tpu.memory_space<semaphore_mem>>)
    %dma_start3A_18 = arith.constant 1 : i32
    %dma_start3A_19 = arith.constant 0 : i32
    %dma_start3A_20 = tpu.memref_slice %arg3[%arg0, %arg1, %dma_start3A_18, %dma_start3A_19] : memref<2x16x210x96xi32, #tpu.memory_space<hbm>> -> memref<1x1x1x96xi32, #tpu.memory_space<hbm>>
    %dma_start3A_21 = tpu.memref_squeeze %dma_start3A_20 : memref<1x1x1x96xi32, #tpu.memory_space<hbm>> -> memref<96xi32, #tpu.memory_space<hbm>>
    %dma_start3A_22 = arith.constant 0 : i32
    %dma_start3A_23 = tpu.memref_slice %arg3[%arg0, %arg1, %dma_start3A_18, %dma_start3A_22] : memref<2x16x210x96xi32, #tpu.memory_space<hbm>> -> memref<1x1x1x96xi32, #tpu.memory_space<hbm>>
    %dma_start3A_24 = tpu.memref_squeeze %dma_start3A_23 : memref<1x1x1x96xi32, #tpu.memory_space<hbm>> -> memref<96xi32, #tpu.memory_space<hbm>>
    tpu.enqueue_dma source(%dma_start3A_24 : memref<96xi32, #tpu.memory_space<hbm>>) target(%arg10 : memref<96xi32, #tpu.memory_space<vmem>>) target_semaphore(%arg25 : memref<!tpu.dma_semaphore, #tpu.memory_space<semaphore_mem>>)
    %dma_start3A_25 = arith.constant 1 : i32
    %dma_start3A_26 = arith.constant 0 : i32
    %dma_start3A_27 = tpu.memref_slice %arg4[%arg1, %dma_start3A_25, %dma_start3A_26] : memref<16x210x96xi32, #tpu.memory_space<hbm>> -> memref<1x1x96xi32, #tpu.memory_space<hbm>>
    %dma_start3A_28 = tpu.memref_squeeze %dma_start3A_27 : memref<1x1x96xi32, #tpu.memory_space<hbm>> -> memref<96xi32, #tpu.memory_space<hbm>>
    %dma_start3A_29 = arith.constant 0 : i32
    %dma_start3A_30 = tpu.memref_slice %arg4[%arg1, %dma_start3A_25, %dma_start3A_29] : memref<16x210x96xi32, #tpu.memory_space<hbm>> -> memref<1x1x96xi32, #tpu.memory_space<hbm>>
    %dma_start3A_31 = tpu.memref_squeeze %dma_start3A_30 : memref<1x1x96xi32, #tpu.memory_space<hbm>> -> memref<96xi32, #tpu.memory_space<hbm>>
    tpu.enqueue_dma source(%dma_start3A_31 : memref<96xi32, #tpu.memory_space<hbm>>) target(%arg16 : memref<96xi32, #tpu.memory_space<vmem>>) target_semaphore(%arg31 : memref<!tpu.dma_semaphore, #tpu.memory_space<semaphore_mem>>)
    %dma_start3A_32 = arith.constant 2 : i32
    %dma_start3A_33 = arith.constant 0 : i32
    %dma_start3A_34 = tpu.memref_slice %arg3[%arg0, %arg1, %dma_start3A_32, %dma_start3A_33] : memref<2x16x210x96xi32, #tpu.memory_space<hbm>> -> memref<1x1x1x96xi32, #tpu.memory_space<hbm>>
    %dma_start3A_35 = tpu.memref_squeeze %dma_start3A_34 : memref<1x1x1x96xi32, #tpu.memory_space<hbm>> -> memref<96xi32, #tpu.memory_space<hbm>>
    %dma_start3A_36 = arith.constant 0 : i32
    %dma_start3A_37 = tpu.memref_slice %arg3[%arg0, %arg1, %dma_start3A_32, %dma_start3A_36] : memref<2x16x210x96xi32, #tpu.memory_space<hbm>> -> memref<1x1x1x96xi32, #tpu.memory_space<hbm>>
    %dma_start3A_38 = tpu.memref_squeeze %dma_start3A_37 : memref<1x1x1x96xi32, #tpu.memory_space<hbm>> -> memref<96xi32, #tpu.memory_space<hbm>>
    tpu.enqueue_dma source(%dma_start3A_38 : memref<96xi32, #tpu.memory_space<hbm>>) target(%arg11 : memref<96xi32, #tpu.memory_space<vmem>>) target_semaphore(%arg26 : memref<!tpu.dma_semaphore, #tpu.memory_space<semaphore_mem>>)
    %dma_start3A_39 = arith.constant 2 : i32
    %dma_start3A_40 = arith.constant 0 : i32
    %dma_start3A_41 = tpu.memref_slice %arg4[%arg1, %dma_start3A_39, %dma_start3A_40] : memref<16x210x96xi32, #tpu.memory_space<hbm>> -> memref<1x1x96xi32, #tpu.memory_space<hbm>>
    %dma_start3A_42 = tpu.memref_squeeze %dma_start3A_41 : memref<1x1x96xi32, #tpu.memory_space<hbm>> -> memref<96xi32, #tpu.memory_space<hbm>>
    %dma_start3A_43 = arith.constant 0 : i32
    %dma_start3A_44 = tpu.memref_slice %arg4[%arg1, %dma_start3A_39, %dma_start3A_43] : memref<16x210x96xi32, #tpu.memory_space<hbm>> -> memref<1x1x96xi32, #tpu.memory_space<hbm>>
    %dma_start3A_45 = tpu.memref_squeeze %dma_start3A_44 : memref<1x1x96xi32, #tpu.memory_space<hbm>> -> memref<96xi32, #tpu.memory_space<hbm>>
    tpu.enqueue_dma source(%dma_start3A_45 : memref<96xi32, #tpu.memory_space<hbm>>) target(%arg17 : memref<96xi32, #tpu.memory_space<vmem>>) target_semaphore(%arg32 : memref<!tpu.dma_semaphore, #tpu.memory_space<semaphore_mem>>)
    %dma_start3A_46 = arith.constant 3 : i32
    %dma_start3A_47 = arith.constant 0 : i32
    %dma_start3A_48 = tpu.memref_slice %arg3[%arg0, %arg1, %dma_start3A_46, %dma_start3A_47] : memref<2x16x210x96xi32, #tpu.memory_space<hbm>> -> memref<1x1x1x96xi32, #tpu.memory_space<hbm>>
    %dma_start3A_49 = tpu.memref_squeeze %dma_start3A_48 : memref<1x1x1x96xi32, #tpu.memory_space<hbm>> -> memref<96xi32, #tpu.memory_space<hbm>>
    %dma_start3A_50 = arith.constant 0 : i32
    %dma_start3A_51 = tpu.memref_slice %arg3[%arg0, %arg1, %dma_start3A_46, %dma_start3A_50] : memref<2x16x210x96xi32, #tpu.memory_space<hbm>> -> memref<1x1x1x96xi32, #tpu.memory_space<hbm>>
    %dma_start3A_52 = tpu.memref_squeeze %dma_start3A_51 : memref<1x1x1x96xi32, #tpu.memory_space<hbm>> -> memref<96xi32, #tpu.memory_space<hbm>>
    tpu.enqueue_dma source(%dma_start3A_52 : memref<96xi32, #tpu.memory_space<hbm>>) target(%arg12 : memref<96xi32, #tpu.memory_space<vmem>>) target_semaphore(%arg27 : memref<!tpu.dma_semaphore, #tpu.memory_space<semaphore_mem>>)
    %dma_start3A_53 = arith.constant 3 : i32
    %dma_start3A_54 = arith.constant 0 : i32
    %dma_start3A_55 = tpu.memref_slice %arg4[%arg1, %dma_start3A_53, %dma_start3A_54] : memref<16x210x96xi32, #tpu.memory_space<hbm>> -> memref<1x1x96xi32, #tpu.memory_space<hbm>>
    %dma_start3A_56 = tpu.memref_squeeze %dma_start3A_55 : memref<1x1x96xi32, #tpu.memory_space<hbm>> -> memref<96xi32, #tpu.memory_space<hbm>>
    %dma_start3A_57 = arith.constant 0 : i32
    %dma_start3A_58 = tpu.memref_slice %arg4[%arg1, %dma_start3A_53, %dma_start3A_57] : memref<16x210x96xi32, #tpu.memory_space<hbm>> -> memref<1x1x96xi32, #tpu.memory_space<hbm>>
    %dma_start3A_59 = tpu.memref_squeeze %dma_start3A_58 : memref<1x1x96xi32, #tpu.memory_space<hbm>> -> memref<96xi32, #tpu.memory_space<hbm>>
    tpu.enqueue_dma source(%dma_start3A_59 : memref<96xi32, #tpu.memory_space<hbm>>) target(%arg18 : memref<96xi32, #tpu.memory_space<vmem>>) target_semaphore(%arg33 : memref<!tpu.dma_semaphore, #tpu.memory_space<semaphore_mem>>)
    %dma_start3A_60 = arith.constant 4 : i32
    %dma_start3A_61 = arith.constant 0 : i32
    %dma_start3A_62 = tpu.memref_slice %arg3[%arg0, %arg1, %dma_start3A_60, %dma_start3A_61] : memref<2x16x210x96xi32, #tpu.memory_space<hbm>> -> memref<1x1x1x96xi32, #tpu.memory_space<hbm>>
    %dma_start3A_63 = tpu.memref_squeeze %dma_start3A_62 : memref<1x1x1x96xi32, #tpu.memory_space<hbm>> -> memref<96xi32, #tpu.memory_space<hbm>>
    %dma_start3A_64 = arith.constant 0 : i32
    %dma_start3A_65 = tpu.memref_slice %arg3[%arg0, %arg1, %dma_start3A_60, %dma_start3A_64] : memref<2x16x210x96xi32, #tpu.memory_space<hbm>> -> memref<1x1x1x96xi32, #tpu.memory_space<hbm>>
    %dma_start3A_66 = tpu.memref_squeeze %dma_start3A_65 : memref<1x1x1x96xi32, #tpu.memory_space<hbm>> -> memref<96xi32, #tpu.memory_space<hbm>>
    tpu.enqueue_dma source(%dma_start3A_66 : memref<96xi32, #tpu.memory_space<hbm>>) target(%arg13 : memref<96xi32, #tpu.memory_space<vmem>>) target_semaphore(%arg28 : memref<!tpu.dma_semaphore, #tpu.memory_space<semaphore_mem>>)
    %dma_start3A_67 = arith.constant 4 : i32
    %dma_start3A_68 = arith.constant 0 : i32
    %dma_start3A_69 = tpu.memref_slice %arg4[%arg1, %dma_start3A_67, %dma_start3A_68] : memref<16x210x96xi32, #tpu.memory_space<hbm>> -> memref<1x1x96xi32, #tpu.memory_space<hbm>>
    %dma_start3A_70 = tpu.memref_squeeze %dma_start3A_69 : memref<1x1x96xi32, #tpu.memory_space<hbm>> -> memref<96xi32, #tpu.memory_space<hbm>>
    %dma_start3A_71 = arith.constant 0 : i32
    %dma_start3A_72 = tpu.memref_slice %arg4[%arg1, %dma_start3A_67, %dma_start3A_71] : memref<16x210x96xi32, #tpu.memory_space<hbm>> -> memref<1x1x96xi32, #tpu.memory_space<hbm>>
    %dma_start3A_73 = tpu.memref_squeeze %dma_start3A_72 : memref<1x1x96xi32, #tpu.memory_space<hbm>> -> memref<96xi32, #tpu.memory_space<hbm>>
    tpu.enqueue_dma source(%dma_start3A_73 : memref<96xi32, #tpu.memory_space<hbm>>) target(%arg19 : memref<96xi32, #tpu.memory_space<vmem>>) target_semaphore(%arg34 : memref<!tpu.dma_semaphore, #tpu.memory_space<semaphore_mem>>)
    %dma_start3A_74 = arith.constant 5 : i32
    %dma_start3A_75 = arith.constant 0 : i32
    %dma_start3A_76 = tpu.memref_slice %arg3[%arg0, %arg1, %dma_start3A_74, %dma_start3A_75] : memref<2x16x210x96xi32, #tpu.memory_space<hbm>> -> memref<1x1x1x96xi32, #tpu.memory_space<hbm>>
    %dma_start3A_77 = tpu.memref_squeeze %dma_start3A_76 : memref<1x1x1x96xi32, #tpu.memory_space<hbm>> -> memref<96xi32, #tpu.memory_space<hbm>>
    %dma_start3A_78 = arith.constant 0 : i32
    %dma_start3A_79 = tpu.memref_slice %arg3[%arg0, %arg1, %dma_start3A_74, %dma_start3A_78] : memref<2x16x210x96xi32, #tpu.memory_space<hbm>> -> memref<1x1x1x96xi32, #tpu.memory_space<hbm>>
    %dma_start3A_80 = tpu.memref_squeeze %dma_start3A_79 : memref<1x1x1x96xi32, #tpu.memory_space<hbm>> -> memref<96xi32, #tpu.memory_space<hbm>>
    tpu.enqueue_dma source(%dma_start3A_80 : memref<96xi32, #tpu.memory_space<hbm>>) target(%arg14 : memref<96xi32, #tpu.memory_space<vmem>>) target_semaphore(%arg29 : memref<!tpu.dma_semaphore, #tpu.memory_space<semaphore_mem>>)
    %dma_start3A_81 = arith.constant 5 : i32
    %dma_start3A_82 = arith.constant 0 : i32
    %dma_start3A_83 = tpu.memref_slice %arg4[%arg1, %dma_start3A_81, %dma_start3A_82] : memref<16x210x96xi32, #tpu.memory_space<hbm>> -> memref<1x1x96xi32, #tpu.memory_space<hbm>>
    %dma_start3A_84 = tpu.memref_squeeze %dma_start3A_83 : memref<1x1x96xi32, #tpu.memory_space<hbm>> -> memref<96xi32, #tpu.memory_space<hbm>>
    %dma_start3A_85 = arith.constant 0 : i32
    %dma_start3A_86 = tpu.memref_slice %arg4[%arg1, %dma_start3A_81, %dma_start3A_85] : memref<16x210x96xi32, #tpu.memory_space<hbm>> -> memref<1x1x96xi32, #tpu.memory_space<hbm>>
    %dma_start3A_87 = tpu.memref_squeeze %dma_start3A_86 : memref<1x1x96xi32, #tpu.memory_space<hbm>> -> memref<96xi32, #tpu.memory_space<hbm>>
    tpu.enqueue_dma source(%dma_start3A_87 : memref<96xi32, #tpu.memory_space<hbm>>) target(%arg20 : memref<96xi32, #tpu.memory_space<vmem>>) target_semaphore(%arg35 : memref<!tpu.dma_semaphore, #tpu.memory_space<semaphore_mem>>)
    %dma_wait3A = arith.constant 0 : i32
    %dma_wait3A_88 = arith.constant 0 : i32
    %dma_wait3A_89 = tpu.memref_slice %arg3[%arg0, %arg1, %dma_wait3A, %dma_wait3A_88] : memref<2x16x210x96xi32, #tpu.memory_space<hbm>> -> memref<1x1x1x96xi32, #tpu.memory_space<hbm>>
    %dma_wait3A_90 = tpu.memref_squeeze %dma_wait3A_89 : memref<1x1x1x96xi32, #tpu.memory_space<hbm>> -> memref<96xi32, #tpu.memory_space<hbm>>
    %dma_wait3A_91 = arith.constant 0 : i32
    %dma_wait3A_92 = tpu.memref_slice %arg3[%arg0, %arg1, %dma_wait3A, %dma_wait3A_91] : memref<2x16x210x96xi32, #tpu.memory_space<hbm>> -> memref<1x1x1x96xi32, #tpu.memory_space<hbm>>
    %dma_wait3A_93 = tpu.memref_squeeze %dma_wait3A_92 : memref<1x1x1x96xi32, #tpu.memory_space<hbm>> -> memref<96xi32, #tpu.memory_space<hbm>>
    tpu.wait_dma2 semaphore(%arg24 : memref<!tpu.dma_semaphore, #tpu.memory_space<semaphore_mem>>) src(%dma_wait3A_93 : memref<96xi32, #tpu.memory_space<hbm>>) dst(%arg9 : memref<96xi32, #tpu.memory_space<vmem>>)
    %dma_start3A_94 = arith.constant 0 : i32
    %dma_start3A_95 = arith.constant 0 : i32
    %dma_start3A_96 = tpu.memref_slice %arg2[%dma_start3A_94, %dma_start3A_95] : memref<20000x128xf32, #tpu.memory_space<hbm>> -> memref<20000x128xf32, #tpu.memory_space<hbm>>
    tpu.enqueue_indirect_dma source(%dma_start3A_96 : memref<20000x128xf32, #tpu.memory_space<hbm>>) target(%arg6 : memref<96x128xf32, #tpu.memory_space<vmem>>) offsets(%arg9 : memref<96xi32, #tpu.memory_space<vmem>>) semaphore(%arg21 : memref<!tpu.dma_semaphore, #tpu.memory_space<semaphore_mem>>)
    %dma_wait3A_97 = arith.constant 1 : i32
    %dma_wait3A_98 = arith.constant 0 : i32
    %dma_wait3A_99 = tpu.memref_slice %arg3[%arg0, %arg1, %dma_wait3A_97, %dma_wait3A_98] : memref<2x16x210x96xi32, #tpu.memory_space<hbm>> -> memref<1x1x1x96xi32, #tpu.memory_space<hbm>>
    %dma_wait3A_100 = tpu.memref_squeeze %dma_wait3A_99 : memref<1x1x1x96xi32, #tpu.memory_space<hbm>> -> memref<96xi32, #tpu.memory_space<hbm>>
    %dma_wait3A_101 = arith.constant 0 : i32
    %dma_wait3A_102 = tpu.memref_slice %arg3[%arg0, %arg1, %dma_wait3A_97, %dma_wait3A_101] : memref<2x16x210x96xi32, #tpu.memory_space<hbm>> -> memref<1x1x1x96xi32, #tpu.memory_space<hbm>>
    %dma_wait3A_103 = tpu.memref_squeeze %dma_wait3A_102 : memref<1x1x1x96xi32, #tpu.memory_space<hbm>> -> memref<96xi32, #tpu.memory_space<hbm>>
    tpu.wait_dma2 semaphore(%arg25 : memref<!tpu.dma_semaphore, #tpu.memory_space<semaphore_mem>>) src(%dma_wait3A_103 : memref<96xi32, #tpu.memory_space<hbm>>) dst(%arg10 : memref<96xi32, #tpu.memory_space<vmem>>)
    %dma_start3A_104 = arith.constant 0 : i32
    %dma_start3A_105 = arith.constant 0 : i32
    %dma_start3A_106 = tpu.memref_slice %arg2[%dma_start3A_104, %dma_start3A_105] : memref<20000x128xf32, #tpu.memory_space<hbm>> -> memref<20000x128xf32, #tpu.memory_space<hbm>>
    tpu.enqueue_indirect_dma source(%dma_start3A_106 : memref<20000x128xf32, #tpu.memory_space<hbm>>) target(%arg7 : memref<96x128xf32, #tpu.memory_space<vmem>>) offsets(%arg10 : memref<96xi32, #tpu.memory_space<vmem>>) semaphore(%arg22 : memref<!tpu.dma_semaphore, #tpu.memory_space<semaphore_mem>>)
    %dma_wait3A_107 = arith.constant 2 : i32
    %dma_wait3A_108 = arith.constant 0 : i32
    %dma_wait3A_109 = tpu.memref_slice %arg3[%arg0, %arg1, %dma_wait3A_107, %dma_wait3A_108] : memref<2x16x210x96xi32, #tpu.memory_space<hbm>> -> memref<1x1x1x96xi32, #tpu.memory_space<hbm>>
    %dma_wait3A_110 = tpu.memref_squeeze %dma_wait3A_109 : memref<1x1x1x96xi32, #tpu.memory_space<hbm>> -> memref<96xi32, #tpu.memory_space<hbm>>
    %dma_wait3A_111 = arith.constant 0 : i32
    %dma_wait3A_112 = tpu.memref_slice %arg3[%arg0, %arg1, %dma_wait3A_107, %dma_wait3A_111] : memref<2x16x210x96xi32, #tpu.memory_space<hbm>> -> memref<1x1x1x96xi32, #tpu.memory_space<hbm>>
    %dma_wait3A_113 = tpu.memref_squeeze %dma_wait3A_112 : memref<1x1x1x96xi32, #tpu.memory_space<hbm>> -> memref<96xi32, #tpu.memory_space<hbm>>
    tpu.wait_dma2 semaphore(%arg26 : memref<!tpu.dma_semaphore, #tpu.memory_space<semaphore_mem>>) src(%dma_wait3A_113 : memref<96xi32, #tpu.memory_space<hbm>>) dst(%arg11 : memref<96xi32, #tpu.memory_space<vmem>>)
    %dma_start3A_114 = arith.constant 0 : i32
    %dma_start3A_115 = arith.constant 0 : i32
    %dma_start3A_116 = tpu.memref_slice %arg2[%dma_start3A_114, %dma_start3A_115] : memref<20000x128xf32, #tpu.memory_space<hbm>> -> memref<20000x128xf32, #tpu.memory_space<hbm>>
    tpu.enqueue_indirect_dma source(%dma_start3A_116 : memref<20000x128xf32, #tpu.memory_space<hbm>>) target(%arg8 : memref<96x128xf32, #tpu.memory_space<vmem>>) offsets(%arg11 : memref<96xi32, #tpu.memory_space<vmem>>) semaphore(%arg23 : memref<!tpu.dma_semaphore, #tpu.memory_space<semaphore_mem>>)
    %barrier3A = arith.constant 0 : index
    tpu.barrier barrier_id(%barrier3A)
    %scan3A = arith.constant 0 : i32
    %scan3A_117 = arith.constant 0 : i32
    %scan3A_118 = arith.constant 35 : i32
    %scan3A_119 = arith.addi %scan3A_117, %scan3A_118 : i32
    %scan3A_120 = arith.constant 1 : i32
    %scan3A_121 = scf.for %scan3A_129 = %scan3A_117 to %scan3A_119 step %scan3A_120 iter_args(%scan3A_130 = %scan3A) -> (i32)  : i32 {
      %mul3A_131 = arith.constant 6 : i32
      %mul3A_132 = arith.muli %scan3A_129, %mul3A_131 : i32
      %add3A_133 = arith.constant 0 : i32
      %add3A_134 = arith.addi %mul3A_132, %add3A_133 : i32
      %dma_wait3A_135 = arith.constant 0 : i32
      %dma_wait3A_136 = arith.constant 0 : i32
      %dma_wait3A_137 = tpu.memref_slice %arg2[%dma_wait3A_135, %dma_wait3A_136] : memref<20000x128xf32, #tpu.memory_space<hbm>> -> memref<20000x128xf32, #tpu.memory_space<hbm>>
      tpu.wait_indirect_dma semaphore(%arg21 : memref<!tpu.dma_semaphore, #tpu.memory_space<semaphore_mem>>) src(%dma_wait3A_137 : memref<20000x128xf32, #tpu.memory_space<hbm>>) dst(%arg6 : memref<96x128xf32, #tpu.memory_space<vmem>>)
      %dma_wait3A_138 = arith.constant 0 : i32
      %dma_wait3A_139 = tpu.memref_slice %arg4[%arg1, %add3A_134, %dma_wait3A_138] : memref<16x210x96xi32, #tpu.memory_space<hbm>> -> memref<1x1x96xi32, #tpu.memory_space<hbm>>
      %dma_wait3A_140 = tpu.memref_squeeze %dma_wait3A_139 : memref<1x1x96xi32, #tpu.memory_space<hbm>> -> memref<96xi32, #tpu.memory_space<hbm>>
      %dma_wait3A_141 = arith.constant 0 : i32
      %dma_wait3A_142 = tpu.memref_slice %arg4[%arg1, %add3A_134, %dma_wait3A_141] : memref<16x210x96xi32, #tpu.memory_space<hbm>> -> memref<1x1x96xi32, #tpu.memory_space<hbm>>
      %dma_wait3A_143 = tpu.memref_squeeze %dma_wait3A_142 : memref<1x1x96xi32, #tpu.memory_space<hbm>> -> memref<96xi32, #tpu.memory_space<hbm>>
      tpu.wait_dma2 semaphore(%arg30 : memref<!tpu.dma_semaphore, #tpu.memory_space<semaphore_mem>>) src(%dma_wait3A_143 : memref<96xi32, #tpu.memory_space<hbm>>) dst(%arg15 : memref<96xi32, #tpu.memory_space<vmem>>)
      "tpu.region"() ({
        %run_scoped3A = tpu.sem_alloc : memref<!tpu.dma_semaphore, #tpu.memory_space<semaphore_mem>>
        %dma_start3A_293 = arith.constant 0 : i32
        %dma_start3A_294 = arith.constant 0 : i32
        %dma_start3A_295 = tpu.memref_slice %arg36[%dma_start3A_293, %dma_start3A_294] : memref<10008x128xf32, #tpu.memory_space<vmem_shared>> -> memref<10008x128xf32, #tpu.memory_space<vmem_shared>>
        tpu.enqueue_indirect_dma source(%arg6 : memref<96x128xf32, #tpu.memory_space<vmem>>) target(%dma_start3A_295 : memref<10008x128xf32, #tpu.memory_space<vmem_shared>>) offsets(%arg15 : memref<96xi32, #tpu.memory_space<vmem>>) semaphore(%run_scoped3A : memref<!tpu.dma_semaphore, #tpu.memory_space<semaphore_mem>>) {add = true}
        %dma_wait3A_296 = arith.constant 0 : i32
        %dma_wait3A_297 = arith.constant 0 : i32
        %dma_wait3A_298 = tpu.memref_slice %arg36[%dma_wait3A_296, %dma_wait3A_297] : memref<10008x128xf32, #tpu.memory_space<vmem_shared>> -> memref<10008x128xf32, #tpu.memory_space<vmem_shared>>
        tpu.wait_indirect_dma semaphore(%run_scoped3A : memref<!tpu.dma_semaphore, #tpu.memory_space<semaphore_mem>>) src(%arg6 : memref<96x128xf32, #tpu.memory_space<vmem>>) dst(%dma_wait3A_298 : memref<10008x128xf32, #tpu.memory_space<vmem_shared>>)
        tpu.yield
      }) : () -> ()
      %add3A_144 = arith.constant 3 : i32
      %add3A_145 = arith.addi %add3A_134, %add3A_144 : i32
      %lt3A = arith.constant 210 : i32
      %lt3A_146 = arith.cmpi slt, %add3A_145, %lt3A : i32
      %convert_element_type3A_147 = arith.extui %lt3A_146 : i1 to i32
      %cond3A_148 = arith.constant 0 : i32
      %cond3A_149 = arith.cmpi ne, %convert_element_type3A_147, %cond3A_148 : i32
      scf.if %cond3A_149 {
        %add3A_293 = arith.constant 3 : i32
        %add3A_294 = arith.addi %add3A_134, %add3A_293 : i32
        %dma_wait3A_295 = arith.constant 0 : i32
        %dma_wait3A_296 = tpu.memref_slice %arg3[%arg0, %arg1, %add3A_294, %dma_wait3A_295] : memref<2x16x210x96xi32, #tpu.memory_space<hbm>> -> memref<1x1x1x96xi32, #tpu.memory_space<hbm>>
        %dma_wait3A_297 = tpu.memref_squeeze %dma_wait3A_296 : memref<1x1x1x96xi32, #tpu.memory_space<hbm>> -> memref<96xi32, #tpu.memory_space<hbm>>
        %dma_wait3A_298 = arith.constant 0 : i32
        %dma_wait3A_299 = tpu.memref_slice %arg3[%arg0, %arg1, %add3A_294, %dma_wait3A_298] : memref<2x16x210x96xi32, #tpu.memory_space<hbm>> -> memref<1x1x1x96xi32, #tpu.memory_space<hbm>>
        %dma_wait3A_300 = tpu.memref_squeeze %dma_wait3A_299 : memref<1x1x1x96xi32, #tpu.memory_space<hbm>> -> memref<96xi32, #tpu.memory_space<hbm>>
        tpu.wait_dma2 semaphore(%arg27 : memref<!tpu.dma_semaphore, #tpu.memory_space<semaphore_mem>>) src(%dma_wait3A_300 : memref<96xi32, #tpu.memory_space<hbm>>) dst(%arg12 : memref<96xi32, #tpu.memory_space<vmem>>)
        %dma_start3A_301 = arith.constant 0 : i32
        %dma_start3A_302 = arith.constant 0 : i32
        %dma_start3A_303 = tpu.memref_slice %arg2[%dma_start3A_301, %dma_start3A_302] : memref<20000x128xf32, #tpu.memory_space<hbm>> -> memref<20000x128xf32, #tpu.memory_space<hbm>>
        tpu.enqueue_indirect_dma source(%dma_start3A_303 : memref<20000x128xf32, #tpu.memory_space<hbm>>) target(%arg6 : memref<96x128xf32, #tpu.memory_space<vmem>>) offsets(%arg12 : memref<96xi32, #tpu.memory_space<vmem>>) semaphore(%arg21 : memref<!tpu.dma_semaphore, #tpu.memory_space<semaphore_mem>>)
      } else {
      }
      %add3A_150 = arith.constant 6 : i32
      %add3A_151 = arith.addi %add3A_134, %add3A_150 : i32
      %lt3A_152 = arith.constant 210 : i32
      %lt3A_153 = arith.cmpi slt, %add3A_151, %lt3A_152 : i32
      %convert_element_type3A_154 = arith.extui %lt3A_153 : i1 to i32
      %cond3A_155 = arith.constant 0 : i32
      %cond3A_156 = arith.cmpi ne, %convert_element_type3A_154, %cond3A_155 : i32
      scf.if %cond3A_156 {
        %add3A_293 = arith.constant 6 : i32
        %add3A_294 = arith.addi %add3A_134, %add3A_293 : i32
        %dma_start3A_295 = arith.constant 0 : i32
        %dma_start3A_296 = tpu.memref_slice %arg3[%arg0, %arg1, %add3A_294, %dma_start3A_295] : memref<2x16x210x96xi32, #tpu.memory_space<hbm>> -> memref<1x1x1x96xi32, #tpu.memory_space<hbm>>
        %dma_start3A_297 = tpu.memref_squeeze %dma_start3A_296 : memref<1x1x1x96xi32, #tpu.memory_space<hbm>> -> memref<96xi32, #tpu.memory_space<hbm>>
        %dma_start3A_298 = arith.constant 0 : i32
        %dma_start3A_299 = tpu.memref_slice %arg3[%arg0, %arg1, %add3A_294, %dma_start3A_298] : memref<2x16x210x96xi32, #tpu.memory_space<hbm>> -> memref<1x1x1x96xi32, #tpu.memory_space<hbm>>
        %dma_start3A_300 = tpu.memref_squeeze %dma_start3A_299 : memref<1x1x1x96xi32, #tpu.memory_space<hbm>> -> memref<96xi32, #tpu.memory_space<hbm>>
        tpu.enqueue_dma source(%dma_start3A_300 : memref<96xi32, #tpu.memory_space<hbm>>) target(%arg9 : memref<96xi32, #tpu.memory_space<vmem>>) target_semaphore(%arg24 : memref<!tpu.dma_semaphore, #tpu.memory_space<semaphore_mem>>)
        %add3A_301 = arith.constant 6 : i32
        %add3A_302 = arith.addi %add3A_134, %add3A_301 : i32
        %dma_start3A_303 = arith.constant 0 : i32
        %dma_start3A_304 = tpu.memref_slice %arg4[%arg1, %add3A_302, %dma_start3A_303] : memref<16x210x96xi32, #tpu.memory_space<hbm>> -> memref<1x1x96xi32, #tpu.memory_space<hbm>>
        %dma_start3A_305 = tpu.memref_squeeze %dma_start3A_304 : memref<1x1x96xi32, #tpu.memory_space<hbm>> -> memref<96xi32, #tpu.memory_space<hbm>>
        %dma_start3A_306 = arith.constant 0 : i32
        %dma_start3A_307 = tpu.memref_slice %arg4[%arg1, %add3A_302, %dma_start3A_306] : memref<16x210x96xi32, #tpu.memory_space<hbm>> -> memref<1x1x96xi32, #tpu.memory_space<hbm>>
        %dma_start3A_308 = tpu.memref_squeeze %dma_start3A_307 : memref<1x1x96xi32, #tpu.memory_space<hbm>> -> memref<96xi32, #tpu.memory_space<hbm>>
        tpu.enqueue_dma source(%dma_start3A_308 : memref<96xi32, #tpu.memory_space<hbm>>) target(%arg15 : memref<96xi32, #tpu.memory_space<vmem>>) target_semaphore(%arg30 : memref<!tpu.dma_semaphore, #tpu.memory_space<semaphore_mem>>)
      } else {
      }
      %mul3A_157 = arith.constant 6 : i32
      %mul3A_158 = arith.muli %scan3A_129, %mul3A_157 : i32
      %add3A_159 = arith.constant 1 : i32
      %add3A_160 = arith.addi %mul3A_158, %add3A_159 : i32
      %dma_wait3A_161 = arith.constant 0 : i32
      %dma_wait3A_162 = arith.constant 0 : i32
      %dma_wait3A_163 = tpu.memref_slice %arg2[%dma_wait3A_161, %dma_wait3A_162] : memref<20000x128xf32, #tpu.memory_space<hbm>> -> memref<20000x128xf32, #tpu.memory_space<hbm>>
      tpu.wait_indirect_dma semaphore(%arg22 : memref<!tpu.dma_semaphore, #tpu.memory_space<semaphore_mem>>) src(%dma_wait3A_163 : memref<20000x128xf32, #tpu.memory_space<hbm>>) dst(%arg7 : memref<96x128xf32, #tpu.memory_space<vmem>>)
      %dma_wait3A_164 = arith.constant 0 : i32
      %dma_wait3A_165 = tpu.memref_slice %arg4[%arg1, %add3A_160, %dma_wait3A_164] : memref<16x210x96xi32, #tpu.memory_space<hbm>> -> memref<1x1x96xi32, #tpu.memory_space<hbm>>
      %dma_wait3A_166 = tpu.memref_squeeze %dma_wait3A_165 : memref<1x1x96xi32, #tpu.memory_space<hbm>> -> memref<96xi32, #tpu.memory_space<hbm>>
      %dma_wait3A_167 = arith.constant 0 : i32
      %dma_wait3A_168 = tpu.memref_slice %arg4[%arg1, %add3A_160, %dma_wait3A_167] : memref<16x210x96xi32, #tpu.memory_space<hbm>> -> memref<1x1x96xi32, #tpu.memory_space<hbm>>
      %dma_wait3A_169 = tpu.memref_squeeze %dma_wait3A_168 : memref<1x1x96xi32, #tpu.memory_space<hbm>> -> memref<96xi32, #tpu.memory_space<hbm>>
      tpu.wait_dma2 semaphore(%arg31 : memref<!tpu.dma_semaphore, #tpu.memory_space<semaphore_mem>>) src(%dma_wait3A_169 : memref<96xi32, #tpu.memory_space<hbm>>) dst(%arg16 : memref<96xi32, #tpu.memory_space<vmem>>)
      "tpu.region"() ({
        %run_scoped3A = tpu.sem_alloc : memref<!tpu.dma_semaphore, #tpu.memory_space<semaphore_mem>>
        %dma_start3A_293 = arith.constant 0 : i32
        %dma_start3A_294 = arith.constant 0 : i32
        %dma_start3A_295 = tpu.memref_slice %arg36[%dma_start3A_293, %dma_start3A_294] : memref<10008x128xf32, #tpu.memory_space<vmem_shared>> -> memref<10008x128xf32, #tpu.memory_space<vmem_shared>>
        tpu.enqueue_indirect_dma source(%arg7 : memref<96x128xf32, #tpu.memory_space<vmem>>) target(%dma_start3A_295 : memref<10008x128xf32, #tpu.memory_space<vmem_shared>>) offsets(%arg16 : memref<96xi32, #tpu.memory_space<vmem>>) semaphore(%run_scoped3A : memref<!tpu.dma_semaphore, #tpu.memory_space<semaphore_mem>>) {add = true}
        %dma_wait3A_296 = arith.constant 0 : i32
        %dma_wait3A_297 = arith.constant 0 : i32
        %dma_wait3A_298 = tpu.memref_slice %arg36[%dma_wait3A_296, %dma_wait3A_297] : memref<10008x128xf32, #tpu.memory_space<vmem_shared>> -> memref<10008x128xf32, #tpu.memory_space<vmem_shared>>
        tpu.wait_indirect_dma semaphore(%run_scoped3A : memref<!tpu.dma_semaphore, #tpu.memory_space<semaphore_mem>>) src(%arg7 : memref<96x128xf32, #tpu.memory_space<vmem>>) dst(%dma_wait3A_298 : memref<10008x128xf32, #tpu.memory_space<vmem_shared>>)
        tpu.yield
      }) : () -> ()
      %add3A_170 = arith.constant 3 : i32
      %add3A_171 = arith.addi %add3A_160, %add3A_170 : i32
      %lt3A_172 = arith.constant 210 : i32
      %lt3A_173 = arith.cmpi slt, %add3A_171, %lt3A_172 : i32
      %convert_element_type3A_174 = arith.extui %lt3A_173 : i1 to i32
      %cond3A_175 = arith.constant 0 : i32
      %cond3A_176 = arith.cmpi ne, %convert_element_type3A_174, %cond3A_175 : i32
      scf.if %cond3A_176 {
        %add3A_293 = arith.constant 3 : i32
        %add3A_294 = arith.addi %add3A_160, %add3A_293 : i32
        %dma_wait3A_295 = arith.constant 0 : i32
        %dma_wait3A_296 = tpu.memref_slice %arg3[%arg0, %arg1, %add3A_294, %dma_wait3A_295] : memref<2x16x210x96xi32, #tpu.memory_space<hbm>> -> memref<1x1x1x96xi32, #tpu.memory_space<hbm>>
        %dma_wait3A_297 = tpu.memref_squeeze %dma_wait3A_296 : memref<1x1x1x96xi32, #tpu.memory_space<hbm>> -> memref<96xi32, #tpu.memory_space<hbm>>
        %dma_wait3A_298 = arith.constant 0 : i32
        %dma_wait3A_299 = tpu.memref_slice %arg3[%arg0, %arg1, %add3A_294, %dma_wait3A_298] : memref<2x16x210x96xi32, #tpu.memory_space<hbm>> -> memref<1x1x1x96xi32, #tpu.memory_space<hbm>>
        %dma_wait3A_300 = tpu.memref_squeeze %dma_wait3A_299 : memref<1x1x1x96xi32, #tpu.memory_space<hbm>> -> memref<96xi32, #tpu.memory_space<hbm>>
        tpu.wait_dma2 semaphore(%arg28 : memref<!tpu.dma_semaphore, #tpu.memory_space<semaphore_mem>>) src(%dma_wait3A_300 : memref<96xi32, #tpu.memory_space<hbm>>) dst(%arg13 : memref<96xi32, #tpu.memory_space<vmem>>)
        %dma_start3A_301 = arith.constant 0 : i32
        %dma_start3A_302 = arith.constant 0 : i32
        %dma_start3A_303 = tpu.memref_slice %arg2[%dma_start3A_301, %dma_start3A_302] : memref<20000x128xf32, #tpu.memory_space<hbm>> -> memref<20000x128xf32, #tpu.memory_space<hbm>>
        tpu.enqueue_indirect_dma source(%dma_start3A_303 : memref<20000x128xf32, #tpu.memory_space<hbm>>) target(%arg7 : memref<96x128xf32, #tpu.memory_space<vmem>>) offsets(%arg13 : memref<96xi32, #tpu.memory_space<vmem>>) semaphore(%arg22 : memref<!tpu.dma_semaphore, #tpu.memory_space<semaphore_mem>>)
      } else {
      }
      %add3A_177 = arith.constant 6 : i32
      %add3A_178 = arith.addi %add3A_160, %add3A_177 : i32
      %lt3A_179 = arith.constant 210 : i32
      %lt3A_180 = arith.cmpi slt, %add3A_178, %lt3A_179 : i32
      %convert_element_type3A_181 = arith.extui %lt3A_180 : i1 to i32
      %cond3A_182 = arith.constant 0 : i32
      %cond3A_183 = arith.cmpi ne, %convert_element_type3A_181, %cond3A_182 : i32
      scf.if %cond3A_183 {
        %add3A_293 = arith.constant 6 : i32
        %add3A_294 = arith.addi %add3A_160, %add3A_293 : i32
        %dma_start3A_295 = arith.constant 0 : i32
        %dma_start3A_296 = tpu.memref_slice %arg3[%arg0, %arg1, %add3A_294, %dma_start3A_295] : memref<2x16x210x96xi32, #tpu.memory_space<hbm>> -> memref<1x1x1x96xi32, #tpu.memory_space<hbm>>
        %dma_start3A_297 = tpu.memref_squeeze %dma_start3A_296 : memref<1x1x1x96xi32, #tpu.memory_space<hbm>> -> memref<96xi32, #tpu.memory_space<hbm>>
        %dma_start3A_298 = arith.constant 0 : i32
        %dma_start3A_299 = tpu.memref_slice %arg3[%arg0, %arg1, %add3A_294, %dma_start3A_298] : memref<2x16x210x96xi32, #tpu.memory_space<hbm>> -> memref<1x1x1x96xi32, #tpu.memory_space<hbm>>
        %dma_start3A_300 = tpu.memref_squeeze %dma_start3A_299 : memref<1x1x1x96xi32, #tpu.memory_space<hbm>> -> memref<96xi32, #tpu.memory_space<hbm>>
        tpu.enqueue_dma source(%dma_start3A_300 : memref<96xi32, #tpu.memory_space<hbm>>) target(%arg10 : memref<96xi32, #tpu.memory_space<vmem>>) target_semaphore(%arg25 : memref<!tpu.dma_semaphore, #tpu.memory_space<semaphore_mem>>)
        %add3A_301 = arith.constant 6 : i32
        %add3A_302 = arith.addi %add3A_160, %add3A_301 : i32
        %dma_start3A_303 = arith.constant 0 : i32
        %dma_start3A_304 = tpu.memref_slice %arg4[%arg1, %add3A_302, %dma_start3A_303] : memref<16x210x96xi32, #tpu.memory_space<hbm>> -> memref<1x1x96xi32, #tpu.memory_space<hbm>>
        %dma_start3A_305 = tpu.memref_squeeze %dma_start3A_304 : memref<1x1x96xi32, #tpu.memory_space<hbm>> -> memref<96xi32, #tpu.memory_space<hbm>>
        %dma_start3A_306 = arith.constant 0 : i32
        %dma_start3A_307 = tpu.memref_slice %arg4[%arg1, %add3A_302, %dma_start3A_306] : memref<16x210x96xi32, #tpu.memory_space<hbm>> -> memref<1x1x96xi32, #tpu.memory_space<hbm>>
        %dma_start3A_308 = tpu.memref_squeeze %dma_start3A_307 : memref<1x1x96xi32, #tpu.memory_space<hbm>> -> memref<96xi32, #tpu.memory_space<hbm>>
        tpu.enqueue_dma source(%dma_start3A_308 : memref<96xi32, #tpu.memory_space<hbm>>) target(%arg16 : memref<96xi32, #tpu.memory_space<vmem>>) target_semaphore(%arg31 : memref<!tpu.dma_semaphore, #tpu.memory_space<semaphore_mem>>)
      } else {
      }
      %mul3A_184 = arith.constant 6 : i32
      %mul3A_185 = arith.muli %scan3A_129, %mul3A_184 : i32
      %add3A_186 = arith.constant 2 : i32
      %add3A_187 = arith.addi %mul3A_185, %add3A_186 : i32
      %dma_wait3A_188 = arith.constant 0 : i32
      %dma_wait3A_189 = arith.constant 0 : i32
      %dma_wait3A_190 = tpu.memref_slice %arg2[%dma_wait3A_188, %dma_wait3A_189] : memref<20000x128xf32, #tpu.memory_space<hbm>> -> memref<20000x128xf32, #tpu.memory_space<hbm>>
      tpu.wait_indirect_dma semaphore(%arg23 : memref<!tpu.dma_semaphore, #tpu.memory_space<semaphore_mem>>) src(%dma_wait3A_190 : memref<20000x128xf32, #tpu.memory_space<hbm>>) dst(%arg8 : memref<96x128xf32, #tpu.memory_space<vmem>>)
      %dma_wait3A_191 = arith.constant 0 : i32
      %dma_wait3A_192 = tpu.memref_slice %arg4[%arg1, %add3A_187, %dma_wait3A_191] : memref<16x210x96xi32, #tpu.memory_space<hbm>> -> memref<1x1x96xi32, #tpu.memory_space<hbm>>
      %dma_wait3A_193 = tpu.memref_squeeze %dma_wait3A_192 : memref<1x1x96xi32, #tpu.memory_space<hbm>> -> memref<96xi32, #tpu.memory_space<hbm>>
      %dma_wait3A_194 = arith.constant 0 : i32
      %dma_wait3A_195 = tpu.memref_slice %arg4[%arg1, %add3A_187, %dma_wait3A_194] : memref<16x210x96xi32, #tpu.memory_space<hbm>> -> memref<1x1x96xi32, #tpu.memory_space<hbm>>
      %dma_wait3A_196 = tpu.memref_squeeze %dma_wait3A_195 : memref<1x1x96xi32, #tpu.memory_space<hbm>> -> memref<96xi32, #tpu.memory_space<hbm>>
      tpu.wait_dma2 semaphore(%arg32 : memref<!tpu.dma_semaphore, #tpu.memory_space<semaphore_mem>>) src(%dma_wait3A_196 : memref<96xi32, #tpu.memory_space<hbm>>) dst(%arg17 : memref<96xi32, #tpu.memory_space<vmem>>)
      "tpu.region"() ({
        %run_scoped3A = tpu.sem_alloc : memref<!tpu.dma_semaphore, #tpu.memory_space<semaphore_mem>>
        %dma_start3A_293 = arith.constant 0 : i32
        %dma_start3A_294 = arith.constant 0 : i32
        %dma_start3A_295 = tpu.memref_slice %arg36[%dma_start3A_293, %dma_start3A_294] : memref<10008x128xf32, #tpu.memory_space<vmem_shared>> -> memref<10008x128xf32, #tpu.memory_space<vmem_shared>>
        tpu.enqueue_indirect_dma source(%arg8 : memref<96x128xf32, #tpu.memory_space<vmem>>) target(%dma_start3A_295 : memref<10008x128xf32, #tpu.memory_space<vmem_shared>>) offsets(%arg17 : memref<96xi32, #tpu.memory_space<vmem>>) semaphore(%run_scoped3A : memref<!tpu.dma_semaphore, #tpu.memory_space<semaphore_mem>>) {add = true}
        %dma_wait3A_296 = arith.constant 0 : i32
        %dma_wait3A_297 = arith.constant 0 : i32
        %dma_wait3A_298 = tpu.memref_slice %arg36[%dma_wait3A_296, %dma_wait3A_297] : memref<10008x128xf32, #tpu.memory_space<vmem_shared>> -> memref<10008x128xf32, #tpu.memory_space<vmem_shared>>
        tpu.wait_indirect_dma semaphore(%run_scoped3A : memref<!tpu.dma_semaphore, #tpu.memory_space<semaphore_mem>>) src(%arg8 : memref<96x128xf32, #tpu.memory_space<vmem>>) dst(%dma_wait3A_298 : memref<10008x128xf32, #tpu.memory_space<vmem_shared>>)
        tpu.yield
      }) : () -> ()
      %add3A_197 = arith.constant 3 : i32
      %add3A_198 = arith.addi %add3A_187, %add3A_197 : i32
      %lt3A_199 = arith.constant 210 : i32
      %lt3A_200 = arith.cmpi slt, %add3A_198, %lt3A_199 : i32
      %convert_element_type3A_201 = arith.extui %lt3A_200 : i1 to i32
      %cond3A_202 = arith.constant 0 : i32
      %cond3A_203 = arith.cmpi ne, %convert_element_type3A_201, %cond3A_202 : i32
      scf.if %cond3A_203 {
        %add3A_293 = arith.constant 3 : i32
        %add3A_294 = arith.addi %add3A_187, %add3A_293 : i32
        %dma_wait3A_295 = arith.constant 0 : i32
        %dma_wait3A_296 = tpu.memref_slice %arg3[%arg0, %arg1, %add3A_294, %dma_wait3A_295] : memref<2x16x210x96xi32, #tpu.memory_space<hbm>> -> memref<1x1x1x96xi32, #tpu.memory_space<hbm>>
        %dma_wait3A_297 = tpu.memref_squeeze %dma_wait3A_296 : memref<1x1x1x96xi32, #tpu.memory_space<hbm>> -> memref<96xi32, #tpu.memory_space<hbm>>
        %dma_wait3A_298 = arith.constant 0 : i32
        %dma_wait3A_299 = tpu.memref_slice %arg3[%arg0, %arg1, %add3A_294, %dma_wait3A_298] : memref<2x16x210x96xi32, #tpu.memory_space<hbm>> -> memref<1x1x1x96xi32, #tpu.memory_space<hbm>>
        %dma_wait3A_300 = tpu.memref_squeeze %dma_wait3A_299 : memref<1x1x1x96xi32, #tpu.memory_space<hbm>> -> memref<96xi32, #tpu.memory_space<hbm>>
        tpu.wait_dma2 semaphore(%arg29 : memref<!tpu.dma_semaphore, #tpu.memory_space<semaphore_mem>>) src(%dma_wait3A_300 : memref<96xi32, #tpu.memory_space<hbm>>) dst(%arg14 : memref<96xi32, #tpu.memory_space<vmem>>)
        %dma_start3A_301 = arith.constant 0 : i32
        %dma_start3A_302 = arith.constant 0 : i32
        %dma_start3A_303 = tpu.memref_slice %arg2[%dma_start3A_301, %dma_start3A_302] : memref<20000x128xf32, #tpu.memory_space<hbm>> -> memref<20000x128xf32, #tpu.memory_space<hbm>>
        tpu.enqueue_indirect_dma source(%dma_start3A_303 : memref<20000x128xf32, #tpu.memory_space<hbm>>) target(%arg8 : memref<96x128xf32, #tpu.memory_space<vmem>>) offsets(%arg14 : memref<96xi32, #tpu.memory_space<vmem>>) semaphore(%arg23 : memref<!tpu.dma_semaphore, #tpu.memory_space<semaphore_mem>>)
      } else {
      }
      %add3A_204 = arith.constant 6 : i32
      %add3A_205 = arith.addi %add3A_187, %add3A_204 : i32
      %lt3A_206 = arith.constant 210 : i32
      %lt3A_207 = arith.cmpi slt, %add3A_205, %lt3A_206 : i32
      %convert_element_type3A_208 = arith.extui %lt3A_207 : i1 to i32
      %cond3A_209 = arith.constant 0 : i32
      %cond3A_210 = arith.cmpi ne, %convert_element_type3A_208, %cond3A_209 : i32
      scf.if %cond3A_210 {
        %add3A_293 = arith.constant 6 : i32
        %add3A_294 = arith.addi %add3A_187, %add3A_293 : i32
        %dma_start3A_295 = arith.constant 0 : i32
        %dma_start3A_296 = tpu.memref_slice %arg3[%arg0, %arg1, %add3A_294, %dma_start3A_295] : memref<2x16x210x96xi32, #tpu.memory_space<hbm>> -> memref<1x1x1x96xi32, #tpu.memory_space<hbm>>
        %dma_start3A_297 = tpu.memref_squeeze %dma_start3A_296 : memref<1x1x1x96xi32, #tpu.memory_space<hbm>> -> memref<96xi32, #tpu.memory_space<hbm>>
        %dma_start3A_298 = arith.constant 0 : i32
        %dma_start3A_299 = tpu.memref_slice %arg3[%arg0, %arg1, %add3A_294, %dma_start3A_298] : memref<2x16x210x96xi32, #tpu.memory_space<hbm>> -> memref<1x1x1x96xi32, #tpu.memory_space<hbm>>
        %dma_start3A_300 = tpu.memref_squeeze %dma_start3A_299 : memref<1x1x1x96xi32, #tpu.memory_space<hbm>> -> memref<96xi32, #tpu.memory_space<hbm>>
        tpu.enqueue_dma source(%dma_start3A_300 : memref<96xi32, #tpu.memory_space<hbm>>) target(%arg11 : memref<96xi32, #tpu.memory_space<vmem>>) target_semaphore(%arg26 : memref<!tpu.dma_semaphore, #tpu.memory_space<semaphore_mem>>)
        %add3A_301 = arith.constant 6 : i32
        %add3A_302 = arith.addi %add3A_187, %add3A_301 : i32
        %dma_start3A_303 = arith.constant 0 : i32
        %dma_start3A_304 = tpu.memref_slice %arg4[%arg1, %add3A_302, %dma_start3A_303] : memref<16x210x96xi32, #tpu.memory_space<hbm>> -> memref<1x1x96xi32, #tpu.memory_space<hbm>>
        %dma_start3A_305 = tpu.memref_squeeze %dma_start3A_304 : memref<1x1x96xi32, #tpu.memory_space<hbm>> -> memref<96xi32, #tpu.memory_space<hbm>>
        %dma_start3A_306 = arith.constant 0 : i32
        %dma_start3A_307 = tpu.memref_slice %arg4[%arg1, %add3A_302, %dma_start3A_306] : memref<16x210x96xi32, #tpu.memory_space<hbm>> -> memref<1x1x96xi32, #tpu.memory_space<hbm>>
        %dma_start3A_308 = tpu.memref_squeeze %dma_start3A_307 : memref<1x1x96xi32, #tpu.memory_space<hbm>> -> memref<96xi32, #tpu.memory_space<hbm>>
        tpu.enqueue_dma source(%dma_start3A_308 : memref<96xi32, #tpu.memory_space<hbm>>) target(%arg17 : memref<96xi32, #tpu.memory_space<vmem>>) target_semaphore(%arg32 : memref<!tpu.dma_semaphore, #tpu.memory_space<semaphore_mem>>)
      } else {
      }
      %mul3A_211 = arith.constant 6 : i32
      %mul3A_212 = arith.muli %scan3A_129, %mul3A_211 : i32
      %add3A_213 = arith.constant 3 : i32
      %add3A_214 = arith.addi %mul3A_212, %add3A_213 : i32
      %dma_wait3A_215 = arith.constant 0 : i32
      %dma_wait3A_216 = arith.constant 0 : i32
      %dma_wait3A_217 = tpu.memref_slice %arg2[%dma_wait3A_215, %dma_wait3A_216] : memref<20000x128xf32, #tpu.memory_space<hbm>> -> memref<20000x128xf32, #tpu.memory_space<hbm>>
      tpu.wait_indirect_dma semaphore(%arg21 : memref<!tpu.dma_semaphore, #tpu.memory_space<semaphore_mem>>) src(%dma_wait3A_217 : memref<20000x128xf32, #tpu.memory_space<hbm>>) dst(%arg6 : memref<96x128xf32, #tpu.memory_space<vmem>>)
      %dma_wait3A_218 = arith.constant 0 : i32
      %dma_wait3A_219 = tpu.memref_slice %arg4[%arg1, %add3A_214, %dma_wait3A_218] : memref<16x210x96xi32, #tpu.memory_space<hbm>> -> memref<1x1x96xi32, #tpu.memory_space<hbm>>
      %dma_wait3A_220 = tpu.memref_squeeze %dma_wait3A_219 : memref<1x1x96xi32, #tpu.memory_space<hbm>> -> memref<96xi32, #tpu.memory_space<hbm>>
      %dma_wait3A_221 = arith.constant 0 : i32
      %dma_wait3A_222 = tpu.memref_slice %arg4[%arg1, %add3A_214, %dma_wait3A_221] : memref<16x210x96xi32, #tpu.memory_space<hbm>> -> memref<1x1x96xi32, #tpu.memory_space<hbm>>
      %dma_wait3A_223 = tpu.memref_squeeze %dma_wait3A_222 : memref<1x1x96xi32, #tpu.memory_space<hbm>> -> memref<96xi32, #tpu.memory_space<hbm>>
      tpu.wait_dma2 semaphore(%arg33 : memref<!tpu.dma_semaphore, #tpu.memory_space<semaphore_mem>>) src(%dma_wait3A_223 : memref<96xi32, #tpu.memory_space<hbm>>) dst(%arg18 : memref<96xi32, #tpu.memory_space<vmem>>)
      "tpu.region"() ({
        %run_scoped3A = tpu.sem_alloc : memref<!tpu.dma_semaphore, #tpu.memory_space<semaphore_mem>>
        %dma_start3A_293 = arith.constant 0 : i32
        %dma_start3A_294 = arith.constant 0 : i32
        %dma_start3A_295 = tpu.memref_slice %arg36[%dma_start3A_293, %dma_start3A_294] : memref<10008x128xf32, #tpu.memory_space<vmem_shared>> -> memref<10008x128xf32, #tpu.memory_space<vmem_shared>>
        tpu.enqueue_indirect_dma source(%arg6 : memref<96x128xf32, #tpu.memory_space<vmem>>) target(%dma_start3A_295 : memref<10008x128xf32, #tpu.memory_space<vmem_shared>>) offsets(%arg18 : memref<96xi32, #tpu.memory_space<vmem>>) semaphore(%run_scoped3A : memref<!tpu.dma_semaphore, #tpu.memory_space<semaphore_mem>>) {add = true}
        %dma_wait3A_296 = arith.constant 0 : i32
        %dma_wait3A_297 = arith.constant 0 : i32
        %dma_wait3A_298 = tpu.memref_slice %arg36[%dma_wait3A_296, %dma_wait3A_297] : memref<10008x128xf32, #tpu.memory_space<vmem_shared>> -> memref<10008x128xf32, #tpu.memory_space<vmem_shared>>
        tpu.wait_indirect_dma semaphore(%run_scoped3A : memref<!tpu.dma_semaphore, #tpu.memory_space<semaphore_mem>>) src(%arg6 : memref<96x128xf32, #tpu.memory_space<vmem>>) dst(%dma_wait3A_298 : memref<10008x128xf32, #tpu.memory_space<vmem_shared>>)
        tpu.yield
      }) : () -> ()
      %add3A_224 = arith.constant 3 : i32
      %add3A_225 = arith.addi %add3A_214, %add3A_224 : i32
      %lt3A_226 = arith.constant 210 : i32
      %lt3A_227 = arith.cmpi slt, %add3A_225, %lt3A_226 : i32
      %convert_element_type3A_228 = arith.extui %lt3A_227 : i1 to i32
      %cond3A_229 = arith.constant 0 : i32
      %cond3A_230 = arith.cmpi ne, %convert_element_type3A_228, %cond3A_229 : i32
      scf.if %cond3A_230 {
        %add3A_293 = arith.constant 3 : i32
        %add3A_294 = arith.addi %add3A_214, %add3A_293 : i32
        %dma_wait3A_295 = arith.constant 0 : i32
        %dma_wait3A_296 = tpu.memref_slice %arg3[%arg0, %arg1, %add3A_294, %dma_wait3A_295] : memref<2x16x210x96xi32, #tpu.memory_space<hbm>> -> memref<1x1x1x96xi32, #tpu.memory_space<hbm>>
        %dma_wait3A_297 = tpu.memref_squeeze %dma_wait3A_296 : memref<1x1x1x96xi32, #tpu.memory_space<hbm>> -> memref<96xi32, #tpu.memory_space<hbm>>
        %dma_wait3A_298 = arith.constant 0 : i32
        %dma_wait3A_299 = tpu.memref_slice %arg3[%arg0, %arg1, %add3A_294, %dma_wait3A_298] : memref<2x16x210x96xi32, #tpu.memory_space<hbm>> -> memref<1x1x1x96xi32, #tpu.memory_space<hbm>>
        %dma_wait3A_300 = tpu.memref_squeeze %dma_wait3A_299 : memref<1x1x1x96xi32, #tpu.memory_space<hbm>> -> memref<96xi32, #tpu.memory_space<hbm>>
        tpu.wait_dma2 semaphore(%arg24 : memref<!tpu.dma_semaphore, #tpu.memory_space<semaphore_mem>>) src(%dma_wait3A_300 : memref<96xi32, #tpu.memory_space<hbm>>) dst(%arg9 : memref<96xi32, #tpu.memory_space<vmem>>)
        %dma_start3A_301 = arith.constant 0 : i32
        %dma_start3A_302 = arith.constant 0 : i32
        %dma_start3A_303 = tpu.memref_slice %arg2[%dma_start3A_301, %dma_start3A_302] : memref<20000x128xf32, #tpu.memory_space<hbm>> -> memref<20000x128xf32, #tpu.memory_space<hbm>>
        tpu.enqueue_indirect_dma source(%dma_start3A_303 : memref<20000x128xf32, #tpu.memory_space<hbm>>) target(%arg6 : memref<96x128xf32, #tpu.memory_space<vmem>>) offsets(%arg9 : memref<96xi32, #tpu.memory_space<vmem>>) semaphore(%arg21 : memref<!tpu.dma_semaphore, #tpu.memory_space<semaphore_mem>>)
      } else {
      }
      %add3A_231 = arith.constant 6 : i32
      %add3A_232 = arith.addi %add3A_214, %add3A_231 : i32
      %lt3A_233 = arith.constant 210 : i32
      %lt3A_234 = arith.cmpi slt, %add3A_232, %lt3A_233 : i32
      %convert_element_type3A_235 = arith.extui %lt3A_234 : i1 to i32
      %cond3A_236 = arith.constant 0 : i32
      %cond3A_237 = arith.cmpi ne, %convert_element_type3A_235, %cond3A_236 : i32
      scf.if %cond3A_237 {
        %add3A_293 = arith.constant 6 : i32
        %add3A_294 = arith.addi %add3A_214, %add3A_293 : i32
        %dma_start3A_295 = arith.constant 0 : i32
        %dma_start3A_296 = tpu.memref_slice %arg3[%arg0, %arg1, %add3A_294, %dma_start3A_295] : memref<2x16x210x96xi32, #tpu.memory_space<hbm>> -> memref<1x1x1x96xi32, #tpu.memory_space<hbm>>
        %dma_start3A_297 = tpu.memref_squeeze %dma_start3A_296 : memref<1x1x1x96xi32, #tpu.memory_space<hbm>> -> memref<96xi32, #tpu.memory_space<hbm>>
        %dma_start3A_298 = arith.constant 0 : i32
        %dma_start3A_299 = tpu.memref_slice %arg3[%arg0, %arg1, %add3A_294, %dma_start3A_298] : memref<2x16x210x96xi32, #tpu.memory_space<hbm>> -> memref<1x1x1x96xi32, #tpu.memory_space<hbm>>
        %dma_start3A_300 = tpu.memref_squeeze %dma_start3A_299 : memref<1x1x1x96xi32, #tpu.memory_space<hbm>> -> memref<96xi32, #tpu.memory_space<hbm>>
        tpu.enqueue_dma source(%dma_start3A_300 : memref<96xi32, #tpu.memory_space<hbm>>) target(%arg12 : memref<96xi32, #tpu.memory_space<vmem>>) target_semaphore(%arg27 : memref<!tpu.dma_semaphore, #tpu.memory_space<semaphore_mem>>)
        %add3A_301 = arith.constant 6 : i32
        %add3A_302 = arith.addi %add3A_214, %add3A_301 : i32
        %dma_start3A_303 = arith.constant 0 : i32
        %dma_start3A_304 = tpu.memref_slice %arg4[%arg1, %add3A_302, %dma_start3A_303] : memref<16x210x96xi32, #tpu.memory_space<hbm>> -> memref<1x1x96xi32, #tpu.memory_space<hbm>>
        %dma_start3A_305 = tpu.memref_squeeze %dma_start3A_304 : memref<1x1x96xi32, #tpu.memory_space<hbm>> -> memref<96xi32, #tpu.memory_space<hbm>>
        %dma_start3A_306 = arith.constant 0 : i32
        %dma_start3A_307 = tpu.memref_slice %arg4[%arg1, %add3A_302, %dma_start3A_306] : memref<16x210x96xi32, #tpu.memory_space<hbm>> -> memref<1x1x96xi32, #tpu.memory_space<hbm>>
        %dma_start3A_308 = tpu.memref_squeeze %dma_start3A_307 : memref<1x1x96xi32, #tpu.memory_space<hbm>> -> memref<96xi32, #tpu.memory_space<hbm>>
        tpu.enqueue_dma source(%dma_start3A_308 : memref<96xi32, #tpu.memory_space<hbm>>) target(%arg18 : memref<96xi32, #tpu.memory_space<vmem>>) target_semaphore(%arg33 : memref<!tpu.dma_semaphore, #tpu.memory_space<semaphore_mem>>)
      } else {
      }
      %mul3A_238 = arith.constant 6 : i32
      %mul3A_239 = arith.muli %scan3A_129, %mul3A_238 : i32
      %add3A_240 = arith.constant 4 : i32
      %add3A_241 = arith.addi %mul3A_239, %add3A_240 : i32
      %dma_wait3A_242 = arith.constant 0 : i32
      %dma_wait3A_243 = arith.constant 0 : i32
      %dma_wait3A_244 = tpu.memref_slice %arg2[%dma_wait3A_242, %dma_wait3A_243] : memref<20000x128xf32, #tpu.memory_space<hbm>> -> memref<20000x128xf32, #tpu.memory_space<hbm>>
      tpu.wait_indirect_dma semaphore(%arg22 : memref<!tpu.dma_semaphore, #tpu.memory_space<semaphore_mem>>) src(%dma_wait3A_244 : memref<20000x128xf32, #tpu.memory_space<hbm>>) dst(%arg7 : memref<96x128xf32, #tpu.memory_space<vmem>>)
      %dma_wait3A_245 = arith.constant 0 : i32
      %dma_wait3A_246 = tpu.memref_slice %arg4[%arg1, %add3A_241, %dma_wait3A_245] : memref<16x210x96xi32, #tpu.memory_space<hbm>> -> memref<1x1x96xi32, #tpu.memory_space<hbm>>
      %dma_wait3A_247 = tpu.memref_squeeze %dma_wait3A_246 : memref<1x1x96xi32, #tpu.memory_space<hbm>> -> memref<96xi32, #tpu.memory_space<hbm>>
      %dma_wait3A_248 = arith.constant 0 : i32
      %dma_wait3A_249 = tpu.memref_slice %arg4[%arg1, %add3A_241, %dma_wait3A_248] : memref<16x210x96xi32, #tpu.memory_space<hbm>> -> memref<1x1x96xi32, #tpu.memory_space<hbm>>
      %dma_wait3A_250 = tpu.memref_squeeze %dma_wait3A_249 : memref<1x1x96xi32, #tpu.memory_space<hbm>> -> memref<96xi32, #tpu.memory_space<hbm>>
      tpu.wait_dma2 semaphore(%arg34 : memref<!tpu.dma_semaphore, #tpu.memory_space<semaphore_mem>>) src(%dma_wait3A_250 : memref<96xi32, #tpu.memory_space<hbm>>) dst(%arg19 : memref<96xi32, #tpu.memory_space<vmem>>)
      "tpu.region"() ({
        %run_scoped3A = tpu.sem_alloc : memref<!tpu.dma_semaphore, #tpu.memory_space<semaphore_mem>>
        %dma_start3A_293 = arith.constant 0 : i32
        %dma_start3A_294 = arith.constant 0 : i32
        %dma_start3A_295 = tpu.memref_slice %arg36[%dma_start3A_293, %dma_start3A_294] : memref<10008x128xf32, #tpu.memory_space<vmem_shared>> -> memref<10008x128xf32, #tpu.memory_space<vmem_shared>>
        tpu.enqueue_indirect_dma source(%arg7 : memref<96x128xf32, #tpu.memory_space<vmem>>) target(%dma_start3A_295 : memref<10008x128xf32, #tpu.memory_space<vmem_shared>>) offsets(%arg19 : memref<96xi32, #tpu.memory_space<vmem>>) semaphore(%run_scoped3A : memref<!tpu.dma_semaphore, #tpu.memory_space<semaphore_mem>>) {add = true}
        %dma_wait3A_296 = arith.constant 0 : i32
        %dma_wait3A_297 = arith.constant 0 : i32
        %dma_wait3A_298 = tpu.memref_slice %arg36[%dma_wait3A_296, %dma_wait3A_297] : memref<10008x128xf32, #tpu.memory_space<vmem_shared>> -> memref<10008x128xf32, #tpu.memory_space<vmem_shared>>
        tpu.wait_indirect_dma semaphore(%run_scoped3A : memref<!tpu.dma_semaphore, #tpu.memory_space<semaphore_mem>>) src(%arg7 : memref<96x128xf32, #tpu.memory_space<vmem>>) dst(%dma_wait3A_298 : memref<10008x128xf32, #tpu.memory_space<vmem_shared>>)
        tpu.yield
      }) : () -> ()
      %add3A_251 = arith.constant 3 : i32
      %add3A_252 = arith.addi %add3A_241, %add3A_251 : i32
      %lt3A_253 = arith.constant 210 : i32
      %lt3A_254 = arith.cmpi slt, %add3A_252, %lt3A_253 : i32
      %convert_element_type3A_255 = arith.extui %lt3A_254 : i1 to i32
      %cond3A_256 = arith.constant 0 : i32
      %cond3A_257 = arith.cmpi ne, %convert_element_type3A_255, %cond3A_256 : i32
      scf.if %cond3A_257 {
        %add3A_293 = arith.constant 3 : i32
        %add3A_294 = arith.addi %add3A_241, %add3A_293 : i32
        %dma_wait3A_295 = arith.constant 0 : i32
        %dma_wait3A_296 = tpu.memref_slice %arg3[%arg0, %arg1, %add3A_294, %dma_wait3A_295] : memref<2x16x210x96xi32, #tpu.memory_space<hbm>> -> memref<1x1x1x96xi32, #tpu.memory_space<hbm>>
        %dma_wait3A_297 = tpu.memref_squeeze %dma_wait3A_296 : memref<1x1x1x96xi32, #tpu.memory_space<hbm>> -> memref<96xi32, #tpu.memory_space<hbm>>
        %dma_wait3A_298 = arith.constant 0 : i32
        %dma_wait3A_299 = tpu.memref_slice %arg3[%arg0, %arg1, %add3A_294, %dma_wait3A_298] : memref<2x16x210x96xi32, #tpu.memory_space<hbm>> -> memref<1x1x1x96xi32, #tpu.memory_space<hbm>>
        %dma_wait3A_300 = tpu.memref_squeeze %dma_wait3A_299 : memref<1x1x1x96xi32, #tpu.memory_space<hbm>> -> memref<96xi32, #tpu.memory_space<hbm>>
        tpu.wait_dma2 semaphore(%arg25 : memref<!tpu.dma_semaphore, #tpu.memory_space<semaphore_mem>>) src(%dma_wait3A_300 : memref<96xi32, #tpu.memory_space<hbm>>) dst(%arg10 : memref<96xi32, #tpu.memory_space<vmem>>)
        %dma_start3A_301 = arith.constant 0 : i32
        %dma_start3A_302 = arith.constant 0 : i32
        %dma_start3A_303 = tpu.memref_slice %arg2[%dma_start3A_301, %dma_start3A_302] : memref<20000x128xf32, #tpu.memory_space<hbm>> -> memref<20000x128xf32, #tpu.memory_space<hbm>>
        tpu.enqueue_indirect_dma source(%dma_start3A_303 : memref<20000x128xf32, #tpu.memory_space<hbm>>) target(%arg7 : memref<96x128xf32, #tpu.memory_space<vmem>>) offsets(%arg10 : memref<96xi32, #tpu.memory_space<vmem>>) semaphore(%arg22 : memref<!tpu.dma_semaphore, #tpu.memory_space<semaphore_mem>>)
      } else {
      }
      %add3A_258 = arith.constant 6 : i32
      %add3A_259 = arith.addi %add3A_241, %add3A_258 : i32
      %lt3A_260 = arith.constant 210 : i32
      %lt3A_261 = arith.cmpi slt, %add3A_259, %lt3A_260 : i32
      %convert_element_type3A_262 = arith.extui %lt3A_261 : i1 to i32
      %cond3A_263 = arith.constant 0 : i32
      %cond3A_264 = arith.cmpi ne, %convert_element_type3A_262, %cond3A_263 : i32
      scf.if %cond3A_264 {
        %add3A_293 = arith.constant 6 : i32
        %add3A_294 = arith.addi %add3A_241, %add3A_293 : i32
        %dma_start3A_295 = arith.constant 0 : i32
        %dma_start3A_296 = tpu.memref_slice %arg3[%arg0, %arg1, %add3A_294, %dma_start3A_295] : memref<2x16x210x96xi32, #tpu.memory_space<hbm>> -> memref<1x1x1x96xi32, #tpu.memory_space<hbm>>
        %dma_start3A_297 = tpu.memref_squeeze %dma_start3A_296 : memref<1x1x1x96xi32, #tpu.memory_space<hbm>> -> memref<96xi32, #tpu.memory_space<hbm>>
        %dma_start3A_298 = arith.constant 0 : i32
        %dma_start3A_299 = tpu.memref_slice %arg3[%arg0, %arg1, %add3A_294, %dma_start3A_298] : memref<2x16x210x96xi32, #tpu.memory_space<hbm>> -> memref<1x1x1x96xi32, #tpu.memory_space<hbm>>
        %dma_start3A_300 = tpu.memref_squeeze %dma_start3A_299 : memref<1x1x1x96xi32, #tpu.memory_space<hbm>> -> memref<96xi32, #tpu.memory_space<hbm>>
        tpu.enqueue_dma source(%dma_start3A_300 : memref<96xi32, #tpu.memory_space<hbm>>) target(%arg13 : memref<96xi32, #tpu.memory_space<vmem>>) target_semaphore(%arg28 : memref<!tpu.dma_semaphore, #tpu.memory_space<semaphore_mem>>)
        %add3A_301 = arith.constant 6 : i32
        %add3A_302 = arith.addi %add3A_241, %add3A_301 : i32
        %dma_start3A_303 = arith.constant 0 : i32
        %dma_start3A_304 = tpu.memref_slice %arg4[%arg1, %add3A_302, %dma_start3A_303] : memref<16x210x96xi32, #tpu.memory_space<hbm>> -> memref<1x1x96xi32, #tpu.memory_space<hbm>>
        %dma_start3A_305 = tpu.memref_squeeze %dma_start3A_304 : memref<1x1x96xi32, #tpu.memory_space<hbm>> -> memref<96xi32, #tpu.memory_space<hbm>>
        %dma_start3A_306 = arith.constant 0 : i32
        %dma_start3A_307 = tpu.memref_slice %arg4[%arg1, %add3A_302, %dma_start3A_306] : memref<16x210x96xi32, #tpu.memory_space<hbm>> -> memref<1x1x96xi32, #tpu.memory_space<hbm>>
        %dma_start3A_308 = tpu.memref_squeeze %dma_start3A_307 : memref<1x1x96xi32, #tpu.memory_space<hbm>> -> memref<96xi32, #tpu.memory_space<hbm>>
        tpu.enqueue_dma source(%dma_start3A_308 : memref<96xi32, #tpu.memory_space<hbm>>) target(%arg19 : memref<96xi32, #tpu.memory_space<vmem>>) target_semaphore(%arg34 : memref<!tpu.dma_semaphore, #tpu.memory_space<semaphore_mem>>)
      } else {
      }
      %mul3A_265 = arith.constant 6 : i32
      %mul3A_266 = arith.muli %scan3A_129, %mul3A_265 : i32
      %add3A_267 = arith.constant 5 : i32
      %add3A_268 = arith.addi %mul3A_266, %add3A_267 : i32
      %dma_wait3A_269 = arith.constant 0 : i32
      %dma_wait3A_270 = arith.constant 0 : i32
      %dma_wait3A_271 = tpu.memref_slice %arg2[%dma_wait3A_269, %dma_wait3A_270] : memref<20000x128xf32, #tpu.memory_space<hbm>> -> memref<20000x128xf32, #tpu.memory_space<hbm>>
      tpu.wait_indirect_dma semaphore(%arg23 : memref<!tpu.dma_semaphore, #tpu.memory_space<semaphore_mem>>) src(%dma_wait3A_271 : memref<20000x128xf32, #tpu.memory_space<hbm>>) dst(%arg8 : memref<96x128xf32, #tpu.memory_space<vmem>>)
      %dma_wait3A_272 = arith.constant 0 : i32
      %dma_wait3A_273 = tpu.memref_slice %arg4[%arg1, %add3A_268, %dma_wait3A_272] : memref<16x210x96xi32, #tpu.memory_space<hbm>> -> memref<1x1x96xi32, #tpu.memory_space<hbm>>
      %dma_wait3A_274 = tpu.memref_squeeze %dma_wait3A_273 : memref<1x1x96xi32, #tpu.memory_space<hbm>> -> memref<96xi32, #tpu.memory_space<hbm>>
      %dma_wait3A_275 = arith.constant 0 : i32
      %dma_wait3A_276 = tpu.memref_slice %arg4[%arg1, %add3A_268, %dma_wait3A_275] : memref<16x210x96xi32, #tpu.memory_space<hbm>> -> memref<1x1x96xi32, #tpu.memory_space<hbm>>
      %dma_wait3A_277 = tpu.memref_squeeze %dma_wait3A_276 : memref<1x1x96xi32, #tpu.memory_space<hbm>> -> memref<96xi32, #tpu.memory_space<hbm>>
      tpu.wait_dma2 semaphore(%arg35 : memref<!tpu.dma_semaphore, #tpu.memory_space<semaphore_mem>>) src(%dma_wait3A_277 : memref<96xi32, #tpu.memory_space<hbm>>) dst(%arg20 : memref<96xi32, #tpu.memory_space<vmem>>)
      "tpu.region"() ({
        %run_scoped3A = tpu.sem_alloc : memref<!tpu.dma_semaphore, #tpu.memory_space<semaphore_mem>>
        %dma_start3A_293 = arith.constant 0 : i32
        %dma_start3A_294 = arith.constant 0 : i32
        %dma_start3A_295 = tpu.memref_slice %arg36[%dma_start3A_293, %dma_start3A_294] : memref<10008x128xf32, #tpu.memory_space<vmem_shared>> -> memref<10008x128xf32, #tpu.memory_space<vmem_shared>>
        tpu.enqueue_indirect_dma source(%arg8 : memref<96x128xf32, #tpu.memory_space<vmem>>) target(%dma_start3A_295 : memref<10008x128xf32, #tpu.memory_space<vmem_shared>>) offsets(%arg20 : memref<96xi32, #tpu.memory_space<vmem>>) semaphore(%run_scoped3A : memref<!tpu.dma_semaphore, #tpu.memory_space<semaphore_mem>>) {add = true}
        %dma_wait3A_296 = arith.constant 0 : i32
        %dma_wait3A_297 = arith.constant 0 : i32
        %dma_wait3A_298 = tpu.memref_slice %arg36[%dma_wait3A_296, %dma_wait3A_297] : memref<10008x128xf32, #tpu.memory_space<vmem_shared>> -> memref<10008x128xf32, #tpu.memory_space<vmem_shared>>
        tpu.wait_indirect_dma semaphore(%run_scoped3A : memref<!tpu.dma_semaphore, #tpu.memory_space<semaphore_mem>>) src(%arg8 : memref<96x128xf32, #tpu.memory_space<vmem>>) dst(%dma_wait3A_298 : memref<10008x128xf32, #tpu.memory_space<vmem_shared>>)
        tpu.yield
      }) : () -> ()
      %add3A_278 = arith.constant 3 : i32
      %add3A_279 = arith.addi %add3A_268, %add3A_278 : i32
      %lt3A_280 = arith.constant 210 : i32
      %lt3A_281 = arith.cmpi slt, %add3A_279, %lt3A_280 : i32
      %convert_element_type3A_282 = arith.extui %lt3A_281 : i1 to i32
      %cond3A_283 = arith.constant 0 : i32
      %cond3A_284 = arith.cmpi ne, %convert_element_type3A_282, %cond3A_283 : i32
      scf.if %cond3A_284 {
        %add3A_293 = arith.constant 3 : i32
        %add3A_294 = arith.addi %add3A_268, %add3A_293 : i32
        %dma_wait3A_295 = arith.constant 0 : i32
        %dma_wait3A_296 = tpu.memref_slice %arg3[%arg0, %arg1, %add3A_294, %dma_wait3A_295] : memref<2x16x210x96xi32, #tpu.memory_space<hbm>> -> memref<1x1x1x96xi32, #tpu.memory_space<hbm>>
        %dma_wait3A_297 = tpu.memref_squeeze %dma_wait3A_296 : memref<1x1x1x96xi32, #tpu.memory_space<hbm>> -> memref<96xi32, #tpu.memory_space<hbm>>
        %dma_wait3A_298 = arith.constant 0 : i32
        %dma_wait3A_299 = tpu.memref_slice %arg3[%arg0, %arg1, %add3A_294, %dma_wait3A_298] : memref<2x16x210x96xi32, #tpu.memory_space<hbm>> -> memref<1x1x1x96xi32, #tpu.memory_space<hbm>>
        %dma_wait3A_300 = tpu.memref_squeeze %dma_wait3A_299 : memref<1x1x1x96xi32, #tpu.memory_space<hbm>> -> memref<96xi32, #tpu.memory_space<hbm>>
        tpu.wait_dma2 semaphore(%arg26 : memref<!tpu.dma_semaphore, #tpu.memory_space<semaphore_mem>>) src(%dma_wait3A_300 : memref<96xi32, #tpu.memory_space<hbm>>) dst(%arg11 : memref<96xi32, #tpu.memory_space<vmem>>)
        %dma_start3A_301 = arith.constant 0 : i32
        %dma_start3A_302 = arith.constant 0 : i32
        %dma_start3A_303 = tpu.memref_slice %arg2[%dma_start3A_301, %dma_start3A_302] : memref<20000x128xf32, #tpu.memory_space<hbm>> -> memref<20000x128xf32, #tpu.memory_space<hbm>>
        tpu.enqueue_indirect_dma source(%dma_start3A_303 : memref<20000x128xf32, #tpu.memory_space<hbm>>) target(%arg8 : memref<96x128xf32, #tpu.memory_space<vmem>>) offsets(%arg11 : memref<96xi32, #tpu.memory_space<vmem>>) semaphore(%arg23 : memref<!tpu.dma_semaphore, #tpu.memory_space<semaphore_mem>>)
      } else {
      }
      %add3A_285 = arith.constant 6 : i32
      %add3A_286 = arith.addi %add3A_268, %add3A_285 : i32
      %lt3A_287 = arith.constant 210 : i32
      %lt3A_288 = arith.cmpi slt, %add3A_286, %lt3A_287 : i32
      %convert_element_type3A_289 = arith.extui %lt3A_288 : i1 to i32
      %cond3A_290 = arith.constant 0 : i32
      %cond3A_291 = arith.cmpi ne, %convert_element_type3A_289, %cond3A_290 : i32
      scf.if %cond3A_291 {
        %add3A_293 = arith.constant 6 : i32
        %add3A_294 = arith.addi %add3A_268, %add3A_293 : i32
        %dma_start3A_295 = arith.constant 0 : i32
        %dma_start3A_296 = tpu.memref_slice %arg3[%arg0, %arg1, %add3A_294, %dma_start3A_295] : memref<2x16x210x96xi32, #tpu.memory_space<hbm>> -> memref<1x1x1x96xi32, #tpu.memory_space<hbm>>
        %dma_start3A_297 = tpu.memref_squeeze %dma_start3A_296 : memref<1x1x1x96xi32, #tpu.memory_space<hbm>> -> memref<96xi32, #tpu.memory_space<hbm>>
        %dma_start3A_298 = arith.constant 0 : i32
        %dma_start3A_299 = tpu.memref_slice %arg3[%arg0, %arg1, %add3A_294, %dma_start3A_298] : memref<2x16x210x96xi32, #tpu.memory_space<hbm>> -> memref<1x1x1x96xi32, #tpu.memory_space<hbm>>
        %dma_start3A_300 = tpu.memref_squeeze %dma_start3A_299 : memref<1x1x1x96xi32, #tpu.memory_space<hbm>> -> memref<96xi32, #tpu.memory_space<hbm>>
        tpu.enqueue_dma source(%dma_start3A_300 : memref<96xi32, #tpu.memory_space<hbm>>) target(%arg14 : memref<96xi32, #tpu.memory_space<vmem>>) target_semaphore(%arg29 : memref<!tpu.dma_semaphore, #tpu.memory_space<semaphore_mem>>)
        %add3A_301 = arith.constant 6 : i32
        %add3A_302 = arith.addi %add3A_268, %add3A_301 : i32
        %dma_start3A_303 = arith.constant 0 : i32
        %dma_start3A_304 = tpu.memref_slice %arg4[%arg1, %add3A_302, %dma_start3A_303] : memref<16x210x96xi32, #tpu.memory_space<hbm>> -> memref<1x1x96xi32, #tpu.memory_space<hbm>>
        %dma_start3A_305 = tpu.memref_squeeze %dma_start3A_304 : memref<1x1x96xi32, #tpu.memory_space<hbm>> -> memref<96xi32, #tpu.memory_space<hbm>>
        %dma_start3A_306 = arith.constant 0 : i32
        %dma_start3A_307 = tpu.memref_slice %arg4[%arg1, %add3A_302, %dma_start3A_306] : memref<16x210x96xi32, #tpu.memory_space<hbm>> -> memref<1x1x96xi32, #tpu.memory_space<hbm>>
        %dma_start3A_308 = tpu.memref_squeeze %dma_start3A_307 : memref<1x1x96xi32, #tpu.memory_space<hbm>> -> memref<96xi32, #tpu.memory_space<hbm>>
        tpu.enqueue_dma source(%dma_start3A_308 : memref<96xi32, #tpu.memory_space<hbm>>) target(%arg20 : memref<96xi32, #tpu.memory_space<vmem>>) target_semaphore(%arg35 : memref<!tpu.dma_semaphore, #tpu.memory_space<semaphore_mem>>)
      } else {
      }
      %scan3A_292 = arith.constant 0 : i32
      scf.yield %scan3A_292 : i32
    }
    %scan3A_122 = arith.constant 35 : i32
    %barrier3A_123 = arith.constant 0 : index
    tpu.barrier barrier_id(%barrier3A_123)
    "tpu.region"() ({
      %run_scoped3A = tpu.sem_alloc : memref<!tpu.dma_semaphore, #tpu.memory_space<semaphore_mem>>
      %dma_start3A_129 = arith.constant 0 : i32
      %dma_start3A_130 = tpu.memref_slice %arg5[%arg0, %mul3A_0, %dma_start3A_129] : memref<2x10000x128xf32, #tpu.memory_space<hbm>> -> memref<1x624x128xf32, #tpu.memory_space<hbm>>
      %dma_start3A_131 = tpu.memref_squeeze %dma_start3A_130 : memref<1x624x128xf32, #tpu.memory_space<hbm>> -> memref<624x128xf32, #tpu.memory_space<hbm>>
      %dma_start3A_132 = arith.constant 0 : i32
      %dma_start3A_133 = tpu.memref_slice %arg36[%mul3A_0, %dma_start3A_132] : memref<10008x128xf32, #tpu.memory_space<vmem_shared>> -> memref<624x128xf32, #tpu.memory_space<vmem_shared>>
      tpu.enqueue_dma source(%dma_start3A_133 : memref<624x128xf32, #tpu.memory_space<vmem_shared>>) target(%dma_start3A_131 : memref<624x128xf32, #tpu.memory_space<hbm>>) target_semaphore(%run_scoped3A : memref<!tpu.dma_semaphore, #tpu.memory_space<semaphore_mem>>)
      %dma_wait3A_134 = arith.constant 0 : i32
      %dma_wait3A_135 = tpu.memref_slice %arg5[%arg0, %mul3A_0, %dma_wait3A_134] : memref<2x10000x128xf32, #tpu.memory_space<hbm>> -> memref<1x624x128xf32, #tpu.memory_space<hbm>>
      %dma_wait3A_136 = tpu.memref_squeeze %dma_wait3A_135 : memref<1x624x128xf32, #tpu.memory_space<hbm>> -> memref<624x128xf32, #tpu.memory_space<hbm>>
      %dma_wait3A_137 = arith.constant 0 : i32
      %dma_wait3A_138 = tpu.memref_slice %arg36[%mul3A_0, %dma_wait3A_137] : memref<10008x128xf32, #tpu.memory_space<vmem_shared>> -> memref<624x128xf32, #tpu.memory_space<vmem_shared>>
      tpu.wait_dma2 semaphore(%run_scoped3A : memref<!tpu.dma_semaphore, #tpu.memory_space<semaphore_mem>>) src(%dma_wait3A_138 : memref<624x128xf32, #tpu.memory_space<vmem_shared>>) dst(%dma_wait3A_136 : memref<624x128xf32, #tpu.memory_space<hbm>>)
      tpu.yield
    }) : () -> ()
    %eq3A_124 = arith.constant 0 : i32
    %eq3A_125 = arith.cmpi eq, %arg1, %eq3A_124 : i32
    %convert_element_type3A_126 = arith.extui %eq3A_125 : i1 to i32
    %cond3A_127 = arith.constant 0 : i32
    %cond3A_128 = arith.cmpi ne, %convert_element_type3A_126, %cond3A_127 : i32
    scf.if %cond3A_128 {
      "tpu.region"() ({
        %run_scoped3A = tpu.sem_alloc : memref<!tpu.dma_semaphore, #tpu.memory_space<semaphore_mem>>
        %dma_start3A_129 = arith.constant 9984 : i32
        %dma_start3A_130 = arith.constant 0 : i32
        %dma_start3A_131 = tpu.memref_slice %arg5[%arg0, %dma_start3A_129, %dma_start3A_130] : memref<2x10000x128xf32, #tpu.memory_space<hbm>> -> memref<1x16x128xf32, #tpu.memory_space<hbm>>
        %dma_start3A_132 = tpu.memref_squeeze %dma_start3A_131 : memref<1x16x128xf32, #tpu.memory_space<hbm>> -> memref<16x128xf32, #tpu.memory_space<hbm>>
        %dma_start3A_133 = arith.constant 9984 : i32
        %dma_start3A_134 = arith.constant 0 : i32
        %dma_start3A_135 = tpu.memref_slice %arg36[%dma_start3A_133, %dma_start3A_134] : memref<10008x128xf32, #tpu.memory_space<vmem_shared>> -> memref<16x128xf32, #tpu.memory_space<vmem_shared>>
        tpu.enqueue_dma source(%dma_start3A_135 : memref<16x128xf32, #tpu.memory_space<vmem_shared>>) target(%dma_start3A_132 : memref<16x128xf32, #tpu.memory_space<hbm>>) target_semaphore(%run_scoped3A : memref<!tpu.dma_semaphore, #tpu.memory_space<semaphore_mem>>)
        %dma_wait3A_136 = arith.constant 9984 : i32
        %dma_wait3A_137 = arith.constant 0 : i32
        %dma_wait3A_138 = tpu.memref_slice %arg5[%arg0, %dma_wait3A_136, %dma_wait3A_137] : memref<2x10000x128xf32, #tpu.memory_space<hbm>> -> memref<1x16x128xf32, #tpu.memory_space<hbm>>
        %dma_wait3A_139 = tpu.memref_squeeze %dma_wait3A_138 : memref<1x16x128xf32, #tpu.memory_space<hbm>> -> memref<16x128xf32, #tpu.memory_space<hbm>>
        %dma_wait3A_140 = arith.constant 9984 : i32
        %dma_wait3A_141 = arith.constant 0 : i32
        %dma_wait3A_142 = tpu.memref_slice %arg36[%dma_wait3A_140, %dma_wait3A_141] : memref<10008x128xf32, #tpu.memory_space<vmem_shared>> -> memref<16x128xf32, #tpu.memory_space<vmem_shared>>
        tpu.wait_dma2 semaphore(%run_scoped3A : memref<!tpu.dma_semaphore, #tpu.memory_space<semaphore_mem>>) src(%dma_wait3A_142 : memref<16x128xf32, #tpu.memory_space<vmem_shared>>) dst(%dma_wait3A_139 : memref<16x128xf32, #tpu.memory_space<hbm>>)
        tpu.yield
      }) : () -> ()
    } else {
    }
    return
  }
}

#map = affine_map<(d0, d1) -> (0, 0)>
#map1 = affine_map<(d0, d1) -> (0, 0, 0, 0)>
#map2 = affine_map<(d0, d1) -> (0, 0, 0)>
module attributes {stable_mosaic.version = 14 : i64} {
  func.func @_sc_agg_body(%arg0: i32, %arg1: i32, %arg2: memref<20000x128xf32, #tpu.memory_space<hbm>>, %arg3: memref<2x16x210x96xi32, #tpu.memory_space<hbm>>, %arg4: memref<16x210x96xi32, #tpu.memory_space<hbm>>, %arg5: memref<2x10000x128xf32, #tpu.memory_space<hbm>>, %arg6: memref<96x128xf32, #tpu.memory_space<vmem>>, %arg7: memref<96x128xf32, #tpu.memory_space<vmem>>, %arg8: memref<96x128xf32, #tpu.memory_space<vmem>>, %arg9: memref<96xi32, #tpu.memory_space<vmem>>, %arg10: memref<96xi32, #tpu.memory_space<vmem>>, %arg11: memref<96xi32, #tpu.memory_space<vmem>>, %arg12: memref<96xi32, #tpu.memory_space<vmem>>, %arg13: memref<96xi32, #tpu.memory_space<vmem>>, %arg14: memref<96xi32, #tpu.memory_space<vmem>>, %arg15: memref<96xi32, #tpu.memory_space<vmem>>, %arg16: memref<96xi32, #tpu.memory_space<vmem>>, %arg17: memref<96xi32, #tpu.memory_space<vmem>>, %arg18: memref<96xi32, #tpu.memory_space<vmem>>, %arg19: memref<96xi32, #tpu.memory_space<vmem>>, %arg20: memref<96xi32, #tpu.memory_space<vmem>>, %arg21: memref<!tpu.dma_semaphore, #tpu.memory_space<semaphore_mem>>, %arg22: memref<!tpu.dma_semaphore, #tpu.memory_space<semaphore_mem>>, %arg23: memref<!tpu.dma_semaphore, #tpu.memory_space<semaphore_mem>>, %arg24: memref<!tpu.dma_semaphore, #tpu.memory_space<semaphore_mem>>, %arg25: memref<!tpu.dma_semaphore, #tpu.memory_space<semaphore_mem>>, %arg26: memref<!tpu.dma_semaphore, #tpu.memory_space<semaphore_mem>>, %arg27: memref<!tpu.dma_semaphore, #tpu.memory_space<semaphore_mem>>, %arg28: memref<!tpu.dma_semaphore, #tpu.memory_space<semaphore_mem>>, %arg29: memref<!tpu.dma_semaphore, #tpu.memory_space<semaphore_mem>>, %arg30: memref<!tpu.dma_semaphore, #tpu.memory_space<semaphore_mem>>, %arg31: memref<!tpu.dma_semaphore, #tpu.memory_space<semaphore_mem>>, %arg32: memref<!tpu.dma_semaphore, #tpu.memory_space<semaphore_mem>>, %arg33: memref<!tpu.dma_semaphore, #tpu.memory_space<semaphore_mem>>, %arg34: memref<!tpu.dma_semaphore, #tpu.memory_space<semaphore_mem>>, %arg35: memref<!tpu.dma_semaphore, #tpu.memory_space<semaphore_mem>>, %arg36: memref<10008x128xf32, #tpu.memory_space<vmem_shared>>) attributes {dimension_semantics = [#tpu.dimension_semantics<core_parallel>, #tpu.dimension_semantics<subcore_parallel>], iteration_bounds = array<i64: 2, 16>, scalar_prefetch = 0 : i64, scratch_operands = 31 : i64, tpu.core_type = #tpu.core_type<sc_vector_subcore>, window_params = [{transform_indices = #map}, {transform_indices = #map1}, {transform_indices = #map2}, {transform_indices = #map2}]} {
    %mul3A = arith.constant 624 : i32
    %mul3A_0 = arith.muli %arg1, %mul3A : i32
    %mul3A_1 = arith.constant 10000 : i32
    %mul3A_2 = arith.muli %arg0, %mul3A_1 : i32
    %add3A = arith.addi %mul3A_2, %mul3A_0 : i32
    "tpu.region"() ({
      %run_scoped3A = tpu.sem_alloc : memref<!tpu.dma_semaphore, #tpu.memory_space<semaphore_mem>>
      %dma_start3A_129 = arith.constant 0 : i32
      %dma_start3A_130 = tpu.memref_slice %arg36[%mul3A_0, %dma_start3A_129] : memref<10008x128xf32, #tpu.memory_space<vmem_shared>> -> memref<624x128xf32, #tpu.memory_space<vmem_shared>>
      %dma_start3A_131 = arith.constant 0 : i32
      %dma_start3A_132 = tpu.memref_slice %arg2[%add3A, %dma_start3A_131] : memref<20000x128xf32, #tpu.memory_space<hbm>> -> memref<624x128xf32, #tpu.memory_space<hbm>>
      tpu.enqueue_dma source(%dma_start3A_132 : memref<624x128xf32, #tpu.memory_space<hbm>>) target(%dma_start3A_130 : memref<624x128xf32, #tpu.memory_space<vmem_shared>>) target_semaphore(%run_scoped3A : memref<!tpu.dma_semaphore, #tpu.memory_space<semaphore_mem>>)
      %dma_wait3A_133 = arith.constant 0 : i32
      %dma_wait3A_134 = tpu.memref_slice %arg36[%mul3A_0, %dma_wait3A_133] : memref<10008x128xf32, #tpu.memory_space<vmem_shared>> -> memref<624x128xf32, #tpu.memory_space<vmem_shared>>
      %dma_wait3A_135 = arith.constant 0 : i32
      %dma_wait3A_136 = tpu.memref_slice %arg2[%add3A, %dma_wait3A_135] : memref<20000x128xf32, #tpu.memory_space<hbm>> -> memref<624x128xf32, #tpu.memory_space<hbm>>
      tpu.wait_dma2 semaphore(%run_scoped3A : memref<!tpu.dma_semaphore, #tpu.memory_space<semaphore_mem>>) src(%dma_wait3A_136 : memref<624x128xf32, #tpu.memory_space<hbm>>) dst(%dma_wait3A_134 : memref<624x128xf32, #tpu.memory_space<vmem_shared>>)
      tpu.yield
    }) : () -> ()
    %eq3A = arith.constant 0 : i32
    %eq3A_3 = arith.cmpi eq, %arg1, %eq3A : i32
    %convert_element_type3A = arith.extui %eq3A_3 : i1 to i32
    %cond3A = arith.constant 0 : i32
    %cond3A_4 = arith.cmpi ne, %convert_element_type3A, %cond3A : i32
    scf.if %cond3A_4 {
      %mul3A_129 = arith.constant 10000 : i32
      %mul3A_130 = arith.muli %arg0, %mul3A_129 : i32
      %add3A_131 = arith.constant 9984 : i32
      %add3A_132 = arith.addi %mul3A_130, %add3A_131 : i32
      "tpu.region"() ({
        %run_scoped3A = tpu.sem_alloc : memref<!tpu.dma_semaphore, #tpu.memory_space<semaphore_mem>>
        %dma_start3A_133 = arith.constant 9984 : i32
        %dma_start3A_134 = arith.constant 0 : i32
        %dma_start3A_135 = tpu.memref_slice %arg36[%dma_start3A_133, %dma_start3A_134] : memref<10008x128xf32, #tpu.memory_space<vmem_shared>> -> memref<16x128xf32, #tpu.memory_space<vmem_shared>>
        %dma_start3A_136 = arith.constant 0 : i32
        %dma_start3A_137 = tpu.memref_slice %arg2[%add3A_132, %dma_start3A_136] : memref<20000x128xf32, #tpu.memory_space<hbm>> -> memref<16x128xf32, #tpu.memory_space<hbm>>
        tpu.enqueue_dma source(%dma_start3A_137 : memref<16x128xf32, #tpu.memory_space<hbm>>) target(%dma_start3A_135 : memref<16x128xf32, #tpu.memory_space<vmem_shared>>) target_semaphore(%run_scoped3A : memref<!tpu.dma_semaphore, #tpu.memory_space<semaphore_mem>>)
        %dma_wait3A_138 = arith.constant 9984 : i32
        %dma_wait3A_139 = arith.constant 0 : i32
        %dma_wait3A_140 = tpu.memref_slice %arg36[%dma_wait3A_138, %dma_wait3A_139] : memref<10008x128xf32, #tpu.memory_space<vmem_shared>> -> memref<16x128xf32, #tpu.memory_space<vmem_shared>>
        %dma_wait3A_141 = arith.constant 0 : i32
        %dma_wait3A_142 = tpu.memref_slice %arg2[%add3A_132, %dma_wait3A_141] : memref<20000x128xf32, #tpu.memory_space<hbm>> -> memref<16x128xf32, #tpu.memory_space<hbm>>
        tpu.wait_dma2 semaphore(%run_scoped3A : memref<!tpu.dma_semaphore, #tpu.memory_space<semaphore_mem>>) src(%dma_wait3A_142 : memref<16x128xf32, #tpu.memory_space<hbm>>) dst(%dma_wait3A_140 : memref<16x128xf32, #tpu.memory_space<vmem_shared>>)
        tpu.yield
      }) : () -> ()
    } else {
    }
    %dma_start3A = arith.constant 0 : i32
    %dma_start3A_5 = arith.constant 0 : i32
    %dma_start3A_6 = tpu.memref_slice %arg3[%arg0, %arg1, %dma_start3A, %dma_start3A_5] : memref<2x16x210x96xi32, #tpu.memory_space<hbm>> -> memref<1x1x1x96xi32, #tpu.memory_space<hbm>>
    %dma_start3A_7 = tpu.memref_squeeze %dma_start3A_6 : memref<1x1x1x96xi32, #tpu.memory_space<hbm>> -> memref<96xi32, #tpu.memory_space<hbm>>
    %dma_start3A_8 = arith.constant 0 : i32
    %dma_start3A_9 = tpu.memref_slice %arg3[%arg0, %arg1, %dma_start3A, %dma_start3A_8] : memref<2x16x210x96xi32, #tpu.memory_space<hbm>> -> memref<1x1x1x96xi32, #tpu.memory_space<hbm>>
    %dma_start3A_10 = tpu.memref_squeeze %dma_start3A_9 : memref<1x1x1x96xi32, #tpu.memory_space<hbm>> -> memref<96xi32, #tpu.memory_space<hbm>>
    tpu.enqueue_dma source(%dma_start3A_10 : memref<96xi32, #tpu.memory_space<hbm>>) target(%arg9 : memref<96xi32, #tpu.memory_space<vmem>>) target_semaphore(%arg24 : memref<!tpu.dma_semaphore, #tpu.memory_space<semaphore_mem>>)
    %dma_start3A_11 = arith.constant 0 : i32
    %dma_start3A_12 = arith.constant 0 : i32
    %dma_start3A_13 = tpu.memref_slice %arg4[%arg1, %dma_start3A_11, %dma_start3A_12] : memref<16x210x96xi32, #tpu.memory_space<hbm>> -> memref<1x1x96xi32, #tpu.memory_space<hbm>>
    %dma_start3A_14 = tpu.memref_squeeze %dma_start3A_13 : memref<1x1x96xi32, #tpu.memory_space<hbm>> -> memref<96xi32, #tpu.memory_space<hbm>>
    %dma_start3A_15 = arith.constant 0 : i32
    %dma_start3A_16 = tpu.memref_slice %arg4[%arg1, %dma_start3A_11, %dma_start3A_15] : memref<16x210x96xi32, #tpu.memory_space<hbm>> -> memref<1x1x96xi32, #tpu.memory_space<hbm>>
    %dma_start3A_17 = tpu.memref_squeeze %dma_start3A_16 : memref<1x1x96xi32, #tpu.memory_space<hbm>> -> memref<96xi32, #tpu.memory_space<hbm>>
    tpu.enqueue_dma source(%dma_start3A_17 : memref<96xi32, #tpu.memory_space<hbm>>) target(%arg15 : memref<96xi32, #tpu.memory_space<vmem>>) target_semaphore(%arg30 : memref<!tpu.dma_semaphore, #tpu.memory_space<semaphore_mem>>)
    %dma_start3A_18 = arith.constant 1 : i32
    %dma_start3A_19 = arith.constant 0 : i32
    %dma_start3A_20 = tpu.memref_slice %arg3[%arg0, %arg1, %dma_start3A_18, %dma_start3A_19] : memref<2x16x210x96xi32, #tpu.memory_space<hbm>> -> memref<1x1x1x96xi32, #tpu.memory_space<hbm>>
    %dma_start3A_21 = tpu.memref_squeeze %dma_start3A_20 : memref<1x1x1x96xi32, #tpu.memory_space<hbm>> -> memref<96xi32, #tpu.memory_space<hbm>>
    %dma_start3A_22 = arith.constant 0 : i32
    %dma_start3A_23 = tpu.memref_slice %arg3[%arg0, %arg1, %dma_start3A_18, %dma_start3A_22] : memref<2x16x210x96xi32, #tpu.memory_space<hbm>> -> memref<1x1x1x96xi32, #tpu.memory_space<hbm>>
    %dma_start3A_24 = tpu.memref_squeeze %dma_start3A_23 : memref<1x1x1x96xi32, #tpu.memory_space<hbm>> -> memref<96xi32, #tpu.memory_space<hbm>>
    tpu.enqueue_dma source(%dma_start3A_24 : memref<96xi32, #tpu.memory_space<hbm>>) target(%arg10 : memref<96xi32, #tpu.memory_space<vmem>>) target_semaphore(%arg25 : memref<!tpu.dma_semaphore, #tpu.memory_space<semaphore_mem>>)
    %dma_start3A_25 = arith.constant 1 : i32
    %dma_start3A_26 = arith.constant 0 : i32
    %dma_start3A_27 = tpu.memref_slice %arg4[%arg1, %dma_start3A_25, %dma_start3A_26] : memref<16x210x96xi32, #tpu.memory_space<hbm>> -> memref<1x1x96xi32, #tpu.memory_space<hbm>>
    %dma_start3A_28 = tpu.memref_squeeze %dma_start3A_27 : memref<1x1x96xi32, #tpu.memory_space<hbm>> -> memref<96xi32, #tpu.memory_space<hbm>>
    %dma_start3A_29 = arith.constant 0 : i32
    %dma_start3A_30 = tpu.memref_slice %arg4[%arg1, %dma_start3A_25, %dma_start3A_29] : memref<16x210x96xi32, #tpu.memory_space<hbm>> -> memref<1x1x96xi32, #tpu.memory_space<hbm>>
    %dma_start3A_31 = tpu.memref_squeeze %dma_start3A_30 : memref<1x1x96xi32, #tpu.memory_space<hbm>> -> memref<96xi32, #tpu.memory_space<hbm>>
    tpu.enqueue_dma source(%dma_start3A_31 : memref<96xi32, #tpu.memory_space<hbm>>) target(%arg16 : memref<96xi32, #tpu.memory_space<vmem>>) target_semaphore(%arg31 : memref<!tpu.dma_semaphore, #tpu.memory_space<semaphore_mem>>)
    %dma_start3A_32 = arith.constant 2 : i32
    %dma_start3A_33 = arith.constant 0 : i32
    %dma_start3A_34 = tpu.memref_slice %arg3[%arg0, %arg1, %dma_start3A_32, %dma_start3A_33] : memref<2x16x210x96xi32, #tpu.memory_space<hbm>> -> memref<1x1x1x96xi32, #tpu.memory_space<hbm>>
    %dma_start3A_35 = tpu.memref_squeeze %dma_start3A_34 : memref<1x1x1x96xi32, #tpu.memory_space<hbm>> -> memref<96xi32, #tpu.memory_space<hbm>>
    %dma_start3A_36 = arith.constant 0 : i32
    %dma_start3A_37 = tpu.memref_slice %arg3[%arg0, %arg1, %dma_start3A_32, %dma_start3A_36] : memref<2x16x210x96xi32, #tpu.memory_space<hbm>> -> memref<1x1x1x96xi32, #tpu.memory_space<hbm>>
    %dma_start3A_38 = tpu.memref_squeeze %dma_start3A_37 : memref<1x1x1x96xi32, #tpu.memory_space<hbm>> -> memref<96xi32, #tpu.memory_space<hbm>>
    tpu.enqueue_dma source(%dma_start3A_38 : memref<96xi32, #tpu.memory_space<hbm>>) target(%arg11 : memref<96xi32, #tpu.memory_space<vmem>>) target_semaphore(%arg26 : memref<!tpu.dma_semaphore, #tpu.memory_space<semaphore_mem>>)
    %dma_start3A_39 = arith.constant 2 : i32
    %dma_start3A_40 = arith.constant 0 : i32
    %dma_start3A_41 = tpu.memref_slice %arg4[%arg1, %dma_start3A_39, %dma_start3A_40] : memref<16x210x96xi32, #tpu.memory_space<hbm>> -> memref<1x1x96xi32, #tpu.memory_space<hbm>>
    %dma_start3A_42 = tpu.memref_squeeze %dma_start3A_41 : memref<1x1x96xi32, #tpu.memory_space<hbm>> -> memref<96xi32, #tpu.memory_space<hbm>>
    %dma_start3A_43 = arith.constant 0 : i32
    %dma_start3A_44 = tpu.memref_slice %arg4[%arg1, %dma_start3A_39, %dma_start3A_43] : memref<16x210x96xi32, #tpu.memory_space<hbm>> -> memref<1x1x96xi32, #tpu.memory_space<hbm>>
    %dma_start3A_45 = tpu.memref_squeeze %dma_start3A_44 : memref<1x1x96xi32, #tpu.memory_space<hbm>> -> memref<96xi32, #tpu.memory_space<hbm>>
    tpu.enqueue_dma source(%dma_start3A_45 : memref<96xi32, #tpu.memory_space<hbm>>) target(%arg17 : memref<96xi32, #tpu.memory_space<vmem>>) target_semaphore(%arg32 : memref<!tpu.dma_semaphore, #tpu.memory_space<semaphore_mem>>)
    %dma_start3A_46 = arith.constant 3 : i32
    %dma_start3A_47 = arith.constant 0 : i32
    %dma_start3A_48 = tpu.memref_slice %arg3[%arg0, %arg1, %dma_start3A_46, %dma_start3A_47] : memref<2x16x210x96xi32, #tpu.memory_space<hbm>> -> memref<1x1x1x96xi32, #tpu.memory_space<hbm>>
    %dma_start3A_49 = tpu.memref_squeeze %dma_start3A_48 : memref<1x1x1x96xi32, #tpu.memory_space<hbm>> -> memref<96xi32, #tpu.memory_space<hbm>>
    %dma_start3A_50 = arith.constant 0 : i32
    %dma_start3A_51 = tpu.memref_slice %arg3[%arg0, %arg1, %dma_start3A_46, %dma_start3A_50] : memref<2x16x210x96xi32, #tpu.memory_space<hbm>> -> memref<1x1x1x96xi32, #tpu.memory_space<hbm>>
    %dma_start3A_52 = tpu.memref_squeeze %dma_start3A_51 : memref<1x1x1x96xi32, #tpu.memory_space<hbm>> -> memref<96xi32, #tpu.memory_space<hbm>>
    tpu.enqueue_dma source(%dma_start3A_52 : memref<96xi32, #tpu.memory_space<hbm>>) target(%arg12 : memref<96xi32, #tpu.memory_space<vmem>>) target_semaphore(%arg27 : memref<!tpu.dma_semaphore, #tpu.memory_space<semaphore_mem>>)
    %dma_start3A_53 = arith.constant 3 : i32
    %dma_start3A_54 = arith.constant 0 : i32
    %dma_start3A_55 = tpu.memref_slice %arg4[%arg1, %dma_start3A_53, %dma_start3A_54] : memref<16x210x96xi32, #tpu.memory_space<hbm>> -> memref<1x1x96xi32, #tpu.memory_space<hbm>>
    %dma_start3A_56 = tpu.memref_squeeze %dma_start3A_55 : memref<1x1x96xi32, #tpu.memory_space<hbm>> -> memref<96xi32, #tpu.memory_space<hbm>>
    %dma_start3A_57 = arith.constant 0 : i32
    %dma_start3A_58 = tpu.memref_slice %arg4[%arg1, %dma_start3A_53, %dma_start3A_57] : memref<16x210x96xi32, #tpu.memory_space<hbm>> -> memref<1x1x96xi32, #tpu.memory_space<hbm>>
    %dma_start3A_59 = tpu.memref_squeeze %dma_start3A_58 : memref<1x1x96xi32, #tpu.memory_space<hbm>> -> memref<96xi32, #tpu.memory_space<hbm>>
    tpu.enqueue_dma source(%dma_start3A_59 : memref<96xi32, #tpu.memory_space<hbm>>) target(%arg18 : memref<96xi32, #tpu.memory_space<vmem>>) target_semaphore(%arg33 : memref<!tpu.dma_semaphore, #tpu.memory_space<semaphore_mem>>)
    %dma_start3A_60 = arith.constant 4 : i32
    %dma_start3A_61 = arith.constant 0 : i32
    %dma_start3A_62 = tpu.memref_slice %arg3[%arg0, %arg1, %dma_start3A_60, %dma_start3A_61] : memref<2x16x210x96xi32, #tpu.memory_space<hbm>> -> memref<1x1x1x96xi32, #tpu.memory_space<hbm>>
    %dma_start3A_63 = tpu.memref_squeeze %dma_start3A_62 : memref<1x1x1x96xi32, #tpu.memory_space<hbm>> -> memref<96xi32, #tpu.memory_space<hbm>>
    %dma_start3A_64 = arith.constant 0 : i32
    %dma_start3A_65 = tpu.memref_slice %arg3[%arg0, %arg1, %dma_start3A_60, %dma_start3A_64] : memref<2x16x210x96xi32, #tpu.memory_space<hbm>> -> memref<1x1x1x96xi32, #tpu.memory_space<hbm>>
    %dma_start3A_66 = tpu.memref_squeeze %dma_start3A_65 : memref<1x1x1x96xi32, #tpu.memory_space<hbm>> -> memref<96xi32, #tpu.memory_space<hbm>>
    tpu.enqueue_dma source(%dma_start3A_66 : memref<96xi32, #tpu.memory_space<hbm>>) target(%arg13 : memref<96xi32, #tpu.memory_space<vmem>>) target_semaphore(%arg28 : memref<!tpu.dma_semaphore, #tpu.memory_space<semaphore_mem>>)
    %dma_start3A_67 = arith.constant 4 : i32
    %dma_start3A_68 = arith.constant 0 : i32
    %dma_start3A_69 = tpu.memref_slice %arg4[%arg1, %dma_start3A_67, %dma_start3A_68] : memref<16x210x96xi32, #tpu.memory_space<hbm>> -> memref<1x1x96xi32, #tpu.memory_space<hbm>>
    %dma_start3A_70 = tpu.memref_squeeze %dma_start3A_69 : memref<1x1x96xi32, #tpu.memory_space<hbm>> -> memref<96xi32, #tpu.memory_space<hbm>>
    %dma_start3A_71 = arith.constant 0 : i32
    %dma_start3A_72 = tpu.memref_slice %arg4[%arg1, %dma_start3A_67, %dma_start3A_71] : memref<16x210x96xi32, #tpu.memory_space<hbm>> -> memref<1x1x96xi32, #tpu.memory_space<hbm>>
    %dma_start3A_73 = tpu.memref_squeeze %dma_start3A_72 : memref<1x1x96xi32, #tpu.memory_space<hbm>> -> memref<96xi32, #tpu.memory_space<hbm>>
    tpu.enqueue_dma source(%dma_start3A_73 : memref<96xi32, #tpu.memory_space<hbm>>) target(%arg19 : memref<96xi32, #tpu.memory_space<vmem>>) target_semaphore(%arg34 : memref<!tpu.dma_semaphore, #tpu.memory_space<semaphore_mem>>)
    %dma_start3A_74 = arith.constant 5 : i32
    %dma_start3A_75 = arith.constant 0 : i32
    %dma_start3A_76 = tpu.memref_slice %arg3[%arg0, %arg1, %dma_start3A_74, %dma_start3A_75] : memref<2x16x210x96xi32, #tpu.memory_space<hbm>> -> memref<1x1x1x96xi32, #tpu.memory_space<hbm>>
    %dma_start3A_77 = tpu.memref_squeeze %dma_start3A_76 : memref<1x1x1x96xi32, #tpu.memory_space<hbm>> -> memref<96xi32, #tpu.memory_space<hbm>>
    %dma_start3A_78 = arith.constant 0 : i32
    %dma_start3A_79 = tpu.memref_slice %arg3[%arg0, %arg1, %dma_start3A_74, %dma_start3A_78] : memref<2x16x210x96xi32, #tpu.memory_space<hbm>> -> memref<1x1x1x96xi32, #tpu.memory_space<hbm>>
    %dma_start3A_80 = tpu.memref_squeeze %dma_start3A_79 : memref<1x1x1x96xi32, #tpu.memory_space<hbm>> -> memref<96xi32, #tpu.memory_space<hbm>>
    tpu.enqueue_dma source(%dma_start3A_80 : memref<96xi32, #tpu.memory_space<hbm>>) target(%arg14 : memref<96xi32, #tpu.memory_space<vmem>>) target_semaphore(%arg29 : memref<!tpu.dma_semaphore, #tpu.memory_space<semaphore_mem>>)
    %dma_start3A_81 = arith.constant 5 : i32
    %dma_start3A_82 = arith.constant 0 : i32
    %dma_start3A_83 = tpu.memref_slice %arg4[%arg1, %dma_start3A_81, %dma_start3A_82] : memref<16x210x96xi32, #tpu.memory_space<hbm>> -> memref<1x1x96xi32, #tpu.memory_space<hbm>>
    %dma_start3A_84 = tpu.memref_squeeze %dma_start3A_83 : memref<1x1x96xi32, #tpu.memory_space<hbm>> -> memref<96xi32, #tpu.memory_space<hbm>>
    %dma_start3A_85 = arith.constant 0 : i32
    %dma_start3A_86 = tpu.memref_slice %arg4[%arg1, %dma_start3A_81, %dma_start3A_85] : memref<16x210x96xi32, #tpu.memory_space<hbm>> -> memref<1x1x96xi32, #tpu.memory_space<hbm>>
    %dma_start3A_87 = tpu.memref_squeeze %dma_start3A_86 : memref<1x1x96xi32, #tpu.memory_space<hbm>> -> memref<96xi32, #tpu.memory_space<hbm>>
    tpu.enqueue_dma source(%dma_start3A_87 : memref<96xi32, #tpu.memory_space<hbm>>) target(%arg20 : memref<96xi32, #tpu.memory_space<vmem>>) target_semaphore(%arg35 : memref<!tpu.dma_semaphore, #tpu.memory_space<semaphore_mem>>)
    %dma_wait3A = arith.constant 0 : i32
    %dma_wait3A_88 = arith.constant 0 : i32
    %dma_wait3A_89 = tpu.memref_slice %arg3[%arg0, %arg1, %dma_wait3A, %dma_wait3A_88] : memref<2x16x210x96xi32, #tpu.memory_space<hbm>> -> memref<1x1x1x96xi32, #tpu.memory_space<hbm>>
    %dma_wait3A_90 = tpu.memref_squeeze %dma_wait3A_89 : memref<1x1x1x96xi32, #tpu.memory_space<hbm>> -> memref<96xi32, #tpu.memory_space<hbm>>
    %dma_wait3A_91 = arith.constant 0 : i32
    %dma_wait3A_92 = tpu.memref_slice %arg3[%arg0, %arg1, %dma_wait3A, %dma_wait3A_91] : memref<2x16x210x96xi32, #tpu.memory_space<hbm>> -> memref<1x1x1x96xi32, #tpu.memory_space<hbm>>
    %dma_wait3A_93 = tpu.memref_squeeze %dma_wait3A_92 : memref<1x1x1x96xi32, #tpu.memory_space<hbm>> -> memref<96xi32, #tpu.memory_space<hbm>>
    tpu.wait_dma2 semaphore(%arg24 : memref<!tpu.dma_semaphore, #tpu.memory_space<semaphore_mem>>) src(%dma_wait3A_93 : memref<96xi32, #tpu.memory_space<hbm>>) dst(%arg9 : memref<96xi32, #tpu.memory_space<vmem>>)
    %dma_start3A_94 = arith.constant 0 : i32
    %dma_start3A_95 = arith.constant 0 : i32
    %dma_start3A_96 = tpu.memref_slice %arg2[%dma_start3A_94, %dma_start3A_95] : memref<20000x128xf32, #tpu.memory_space<hbm>> -> memref<20000x128xf32, #tpu.memory_space<hbm>>
    tpu.enqueue_indirect_dma source(%dma_start3A_96 : memref<20000x128xf32, #tpu.memory_space<hbm>>) target(%arg6 : memref<96x128xf32, #tpu.memory_space<vmem>>) offsets(%arg9 : memref<96xi32, #tpu.memory_space<vmem>>) semaphore(%arg21 : memref<!tpu.dma_semaphore, #tpu.memory_space<semaphore_mem>>)
    %dma_wait3A_97 = arith.constant 1 : i32
    %dma_wait3A_98 = arith.constant 0 : i32
    %dma_wait3A_99 = tpu.memref_slice %arg3[%arg0, %arg1, %dma_wait3A_97, %dma_wait3A_98] : memref<2x16x210x96xi32, #tpu.memory_space<hbm>> -> memref<1x1x1x96xi32, #tpu.memory_space<hbm>>
    %dma_wait3A_100 = tpu.memref_squeeze %dma_wait3A_99 : memref<1x1x1x96xi32, #tpu.memory_space<hbm>> -> memref<96xi32, #tpu.memory_space<hbm>>
    %dma_wait3A_101 = arith.constant 0 : i32
    %dma_wait3A_102 = tpu.memref_slice %arg3[%arg0, %arg1, %dma_wait3A_97, %dma_wait3A_101] : memref<2x16x210x96xi32, #tpu.memory_space<hbm>> -> memref<1x1x1x96xi32, #tpu.memory_space<hbm>>
    %dma_wait3A_103 = tpu.memref_squeeze %dma_wait3A_102 : memref<1x1x1x96xi32, #tpu.memory_space<hbm>> -> memref<96xi32, #tpu.memory_space<hbm>>
    tpu.wait_dma2 semaphore(%arg25 : memref<!tpu.dma_semaphore, #tpu.memory_space<semaphore_mem>>) src(%dma_wait3A_103 : memref<96xi32, #tpu.memory_space<hbm>>) dst(%arg10 : memref<96xi32, #tpu.memory_space<vmem>>)
    %dma_start3A_104 = arith.constant 0 : i32
    %dma_start3A_105 = arith.constant 0 : i32
    %dma_start3A_106 = tpu.memref_slice %arg2[%dma_start3A_104, %dma_start3A_105] : memref<20000x128xf32, #tpu.memory_space<hbm>> -> memref<20000x128xf32, #tpu.memory_space<hbm>>
    tpu.enqueue_indirect_dma source(%dma_start3A_106 : memref<20000x128xf32, #tpu.memory_space<hbm>>) target(%arg7 : memref<96x128xf32, #tpu.memory_space<vmem>>) offsets(%arg10 : memref<96xi32, #tpu.memory_space<vmem>>) semaphore(%arg22 : memref<!tpu.dma_semaphore, #tpu.memory_space<semaphore_mem>>)
    %dma_wait3A_107 = arith.constant 2 : i32
    %dma_wait3A_108 = arith.constant 0 : i32
    %dma_wait3A_109 = tpu.memref_slice %arg3[%arg0, %arg1, %dma_wait3A_107, %dma_wait3A_108] : memref<2x16x210x96xi32, #tpu.memory_space<hbm>> -> memref<1x1x1x96xi32, #tpu.memory_space<hbm>>
    %dma_wait3A_110 = tpu.memref_squeeze %dma_wait3A_109 : memref<1x1x1x96xi32, #tpu.memory_space<hbm>> -> memref<96xi32, #tpu.memory_space<hbm>>
    %dma_wait3A_111 = arith.constant 0 : i32
    %dma_wait3A_112 = tpu.memref_slice %arg3[%arg0, %arg1, %dma_wait3A_107, %dma_wait3A_111] : memref<2x16x210x96xi32, #tpu.memory_space<hbm>> -> memref<1x1x1x96xi32, #tpu.memory_space<hbm>>
    %dma_wait3A_113 = tpu.memref_squeeze %dma_wait3A_112 : memref<1x1x1x96xi32, #tpu.memory_space<hbm>> -> memref<96xi32, #tpu.memory_space<hbm>>
    tpu.wait_dma2 semaphore(%arg26 : memref<!tpu.dma_semaphore, #tpu.memory_space<semaphore_mem>>) src(%dma_wait3A_113 : memref<96xi32, #tpu.memory_space<hbm>>) dst(%arg11 : memref<96xi32, #tpu.memory_space<vmem>>)
    %dma_start3A_114 = arith.constant 0 : i32
    %dma_start3A_115 = arith.constant 0 : i32
    %dma_start3A_116 = tpu.memref_slice %arg2[%dma_start3A_114, %dma_start3A_115] : memref<20000x128xf32, #tpu.memory_space<hbm>> -> memref<20000x128xf32, #tpu.memory_space<hbm>>
    tpu.enqueue_indirect_dma source(%dma_start3A_116 : memref<20000x128xf32, #tpu.memory_space<hbm>>) target(%arg8 : memref<96x128xf32, #tpu.memory_space<vmem>>) offsets(%arg11 : memref<96xi32, #tpu.memory_space<vmem>>) semaphore(%arg23 : memref<!tpu.dma_semaphore, #tpu.memory_space<semaphore_mem>>)
    %barrier3A = arith.constant 0 : index
    tpu.barrier barrier_id(%barrier3A)
    %scan3A = arith.constant 0 : i32
    %scan3A_117 = arith.constant 0 : i32
    %scan3A_118 = arith.constant 35 : i32
    %scan3A_119 = arith.addi %scan3A_117, %scan3A_118 : i32
    %scan3A_120 = arith.constant 1 : i32
    %scan3A_121 = scf.for %scan3A_129 = %scan3A_117 to %scan3A_119 step %scan3A_120 iter_args(%scan3A_130 = %scan3A) -> (i32)  : i32 {
      %mul3A_131 = arith.constant 6 : i32
      %mul3A_132 = arith.muli %scan3A_129, %mul3A_131 : i32
      %add3A_133 = arith.constant 0 : i32
      %add3A_134 = arith.addi %mul3A_132, %add3A_133 : i32
      %dma_wait3A_135 = arith.constant 0 : i32
      %dma_wait3A_136 = arith.constant 0 : i32
      %dma_wait3A_137 = tpu.memref_slice %arg2[%dma_wait3A_135, %dma_wait3A_136] : memref<20000x128xf32, #tpu.memory_space<hbm>> -> memref<20000x128xf32, #tpu.memory_space<hbm>>
      tpu.wait_indirect_dma semaphore(%arg21 : memref<!tpu.dma_semaphore, #tpu.memory_space<semaphore_mem>>) src(%dma_wait3A_137 : memref<20000x128xf32, #tpu.memory_space<hbm>>) dst(%arg6 : memref<96x128xf32, #tpu.memory_space<vmem>>)
      %dma_wait3A_138 = arith.constant 0 : i32
      %dma_wait3A_139 = tpu.memref_slice %arg4[%arg1, %add3A_134, %dma_wait3A_138] : memref<16x210x96xi32, #tpu.memory_space<hbm>> -> memref<1x1x96xi32, #tpu.memory_space<hbm>>
      %dma_wait3A_140 = tpu.memref_squeeze %dma_wait3A_139 : memref<1x1x96xi32, #tpu.memory_space<hbm>> -> memref<96xi32, #tpu.memory_space<hbm>>
      %dma_wait3A_141 = arith.constant 0 : i32
      %dma_wait3A_142 = tpu.memref_slice %arg4[%arg1, %add3A_134, %dma_wait3A_141] : memref<16x210x96xi32, #tpu.memory_space<hbm>> -> memref<1x1x96xi32, #tpu.memory_space<hbm>>
      %dma_wait3A_143 = tpu.memref_squeeze %dma_wait3A_142 : memref<1x1x96xi32, #tpu.memory_space<hbm>> -> memref<96xi32, #tpu.memory_space<hbm>>
      tpu.wait_dma2 semaphore(%arg30 : memref<!tpu.dma_semaphore, #tpu.memory_space<semaphore_mem>>) src(%dma_wait3A_143 : memref<96xi32, #tpu.memory_space<hbm>>) dst(%arg15 : memref<96xi32, #tpu.memory_space<vmem>>)
      "tpu.region"() ({
        %run_scoped3A = tpu.sem_alloc : memref<!tpu.dma_semaphore, #tpu.memory_space<semaphore_mem>>
        %dma_start3A_293 = arith.constant 0 : i32
        %dma_start3A_294 = arith.constant 0 : i32
        %dma_start3A_295 = tpu.memref_slice %arg36[%dma_start3A_293, %dma_start3A_294] : memref<10008x128xf32, #tpu.memory_space<vmem_shared>> -> memref<10008x128xf32, #tpu.memory_space<vmem_shared>>
        tpu.enqueue_indirect_dma source(%arg6 : memref<96x128xf32, #tpu.memory_space<vmem>>) target(%dma_start3A_295 : memref<10008x128xf32, #tpu.memory_space<vmem_shared>>) offsets(%arg15 : memref<96xi32, #tpu.memory_space<vmem>>) semaphore(%run_scoped3A : memref<!tpu.dma_semaphore, #tpu.memory_space<semaphore_mem>>) {add = true}
        %dma_wait3A_296 = arith.constant 0 : i32
        %dma_wait3A_297 = arith.constant 0 : i32
        %dma_wait3A_298 = tpu.memref_slice %arg36[%dma_wait3A_296, %dma_wait3A_297] : memref<10008x128xf32, #tpu.memory_space<vmem_shared>> -> memref<10008x128xf32, #tpu.memory_space<vmem_shared>>
        tpu.wait_indirect_dma semaphore(%run_scoped3A : memref<!tpu.dma_semaphore, #tpu.memory_space<semaphore_mem>>) src(%arg6 : memref<96x128xf32, #tpu.memory_space<vmem>>) dst(%dma_wait3A_298 : memref<10008x128xf32, #tpu.memory_space<vmem_shared>>)
        tpu.yield
      }) : () -> ()
      %add3A_144 = arith.constant 3 : i32
      %add3A_145 = arith.addi %add3A_134, %add3A_144 : i32
      %lt3A = arith.constant 210 : i32
      %lt3A_146 = arith.cmpi slt, %add3A_145, %lt3A : i32
      %convert_element_type3A_147 = arith.extui %lt3A_146 : i1 to i32
      %cond3A_148 = arith.constant 0 : i32
      %cond3A_149 = arith.cmpi ne, %convert_element_type3A_147, %cond3A_148 : i32
      scf.if %cond3A_149 {
        %add3A_293 = arith.constant 3 : i32
        %add3A_294 = arith.addi %add3A_134, %add3A_293 : i32
        %dma_wait3A_295 = arith.constant 0 : i32
        %dma_wait3A_296 = tpu.memref_slice %arg3[%arg0, %arg1, %add3A_294, %dma_wait3A_295] : memref<2x16x210x96xi32, #tpu.memory_space<hbm>> -> memref<1x1x1x96xi32, #tpu.memory_space<hbm>>
        %dma_wait3A_297 = tpu.memref_squeeze %dma_wait3A_296 : memref<1x1x1x96xi32, #tpu.memory_space<hbm>> -> memref<96xi32, #tpu.memory_space<hbm>>
        %dma_wait3A_298 = arith.constant 0 : i32
        %dma_wait3A_299 = tpu.memref_slice %arg3[%arg0, %arg1, %add3A_294, %dma_wait3A_298] : memref<2x16x210x96xi32, #tpu.memory_space<hbm>> -> memref<1x1x1x96xi32, #tpu.memory_space<hbm>>
        %dma_wait3A_300 = tpu.memref_squeeze %dma_wait3A_299 : memref<1x1x1x96xi32, #tpu.memory_space<hbm>> -> memref<96xi32, #tpu.memory_space<hbm>>
        tpu.wait_dma2 semaphore(%arg27 : memref<!tpu.dma_semaphore, #tpu.memory_space<semaphore_mem>>) src(%dma_wait3A_300 : memref<96xi32, #tpu.memory_space<hbm>>) dst(%arg12 : memref<96xi32, #tpu.memory_space<vmem>>)
        %dma_start3A_301 = arith.constant 0 : i32
        %dma_start3A_302 = arith.constant 0 : i32
        %dma_start3A_303 = tpu.memref_slice %arg2[%dma_start3A_301, %dma_start3A_302] : memref<20000x128xf32, #tpu.memory_space<hbm>> -> memref<20000x128xf32, #tpu.memory_space<hbm>>
        tpu.enqueue_indirect_dma source(%dma_start3A_303 : memref<20000x128xf32, #tpu.memory_space<hbm>>) target(%arg6 : memref<96x128xf32, #tpu.memory_space<vmem>>) offsets(%arg12 : memref<96xi32, #tpu.memory_space<vmem>>) semaphore(%arg21 : memref<!tpu.dma_semaphore, #tpu.memory_space<semaphore_mem>>)
      } else {
      }
      %add3A_150 = arith.constant 6 : i32
      %add3A_151 = arith.addi %add3A_134, %add3A_150 : i32
      %lt3A_152 = arith.constant 210 : i32
      %lt3A_153 = arith.cmpi slt, %add3A_151, %lt3A_152 : i32
      %convert_element_type3A_154 = arith.extui %lt3A_153 : i1 to i32
      %cond3A_155 = arith.constant 0 : i32
      %cond3A_156 = arith.cmpi ne, %convert_element_type3A_154, %cond3A_155 : i32
      scf.if %cond3A_156 {
        %add3A_293 = arith.constant 6 : i32
        %add3A_294 = arith.addi %add3A_134, %add3A_293 : i32
        %dma_start3A_295 = arith.constant 0 : i32
        %dma_start3A_296 = tpu.memref_slice %arg3[%arg0, %arg1, %add3A_294, %dma_start3A_295] : memref<2x16x210x96xi32, #tpu.memory_space<hbm>> -> memref<1x1x1x96xi32, #tpu.memory_space<hbm>>
        %dma_start3A_297 = tpu.memref_squeeze %dma_start3A_296 : memref<1x1x1x96xi32, #tpu.memory_space<hbm>> -> memref<96xi32, #tpu.memory_space<hbm>>
        %dma_start3A_298 = arith.constant 0 : i32
        %dma_start3A_299 = tpu.memref_slice %arg3[%arg0, %arg1, %add3A_294, %dma_start3A_298] : memref<2x16x210x96xi32, #tpu.memory_space<hbm>> -> memref<1x1x1x96xi32, #tpu.memory_space<hbm>>
        %dma_start3A_300 = tpu.memref_squeeze %dma_start3A_299 : memref<1x1x1x96xi32, #tpu.memory_space<hbm>> -> memref<96xi32, #tpu.memory_space<hbm>>
        tpu.enqueue_dma source(%dma_start3A_300 : memref<96xi32, #tpu.memory_space<hbm>>) target(%arg9 : memref<96xi32, #tpu.memory_space<vmem>>) target_semaphore(%arg24 : memref<!tpu.dma_semaphore, #tpu.memory_space<semaphore_mem>>)
        %add3A_301 = arith.constant 6 : i32
        %add3A_302 = arith.addi %add3A_134, %add3A_301 : i32
        %dma_start3A_303 = arith.constant 0 : i32
        %dma_start3A_304 = tpu.memref_slice %arg4[%arg1, %add3A_302, %dma_start3A_303] : memref<16x210x96xi32, #tpu.memory_space<hbm>> -> memref<1x1x96xi32, #tpu.memory_space<hbm>>
        %dma_start3A_305 = tpu.memref_squeeze %dma_start3A_304 : memref<1x1x96xi32, #tpu.memory_space<hbm>> -> memref<96xi32, #tpu.memory_space<hbm>>
        %dma_start3A_306 = arith.constant 0 : i32
        %dma_start3A_307 = tpu.memref_slice %arg4[%arg1, %add3A_302, %dma_start3A_306] : memref<16x210x96xi32, #tpu.memory_space<hbm>> -> memref<1x1x96xi32, #tpu.memory_space<hbm>>
        %dma_start3A_308 = tpu.memref_squeeze %dma_start3A_307 : memref<1x1x96xi32, #tpu.memory_space<hbm>> -> memref<96xi32, #tpu.memory_space<hbm>>
        tpu.enqueue_dma source(%dma_start3A_308 : memref<96xi32, #tpu.memory_space<hbm>>) target(%arg15 : memref<96xi32, #tpu.memory_space<vmem>>) target_semaphore(%arg30 : memref<!tpu.dma_semaphore, #tpu.memory_space<semaphore_mem>>)
      } else {
      }
      %mul3A_157 = arith.constant 6 : i32
      %mul3A_158 = arith.muli %scan3A_129, %mul3A_157 : i32
      %add3A_159 = arith.constant 1 : i32
      %add3A_160 = arith.addi %mul3A_158, %add3A_159 : i32
      %dma_wait3A_161 = arith.constant 0 : i32
      %dma_wait3A_162 = arith.constant 0 : i32
      %dma_wait3A_163 = tpu.memref_slice %arg2[%dma_wait3A_161, %dma_wait3A_162] : memref<20000x128xf32, #tpu.memory_space<hbm>> -> memref<20000x128xf32, #tpu.memory_space<hbm>>
      tpu.wait_indirect_dma semaphore(%arg22 : memref<!tpu.dma_semaphore, #tpu.memory_space<semaphore_mem>>) src(%dma_wait3A_163 : memref<20000x128xf32, #tpu.memory_space<hbm>>) dst(%arg7 : memref<96x128xf32, #tpu.memory_space<vmem>>)
      %dma_wait3A_164 = arith.constant 0 : i32
      %dma_wait3A_165 = tpu.memref_slice %arg4[%arg1, %add3A_160, %dma_wait3A_164] : memref<16x210x96xi32, #tpu.memory_space<hbm>> -> memref<1x1x96xi32, #tpu.memory_space<hbm>>
      %dma_wait3A_166 = tpu.memref_squeeze %dma_wait3A_165 : memref<1x1x96xi32, #tpu.memory_space<hbm>> -> memref<96xi32, #tpu.memory_space<hbm>>
      %dma_wait3A_167 = arith.constant 0 : i32
      %dma_wait3A_168 = tpu.memref_slice %arg4[%arg1, %add3A_160, %dma_wait3A_167] : memref<16x210x96xi32, #tpu.memory_space<hbm>> -> memref<1x1x96xi32, #tpu.memory_space<hbm>>
      %dma_wait3A_169 = tpu.memref_squeeze %dma_wait3A_168 : memref<1x1x96xi32, #tpu.memory_space<hbm>> -> memref<96xi32, #tpu.memory_space<hbm>>
      tpu.wait_dma2 semaphore(%arg31 : memref<!tpu.dma_semaphore, #tpu.memory_space<semaphore_mem>>) src(%dma_wait3A_169 : memref<96xi32, #tpu.memory_space<hbm>>) dst(%arg16 : memref<96xi32, #tpu.memory_space<vmem>>)
      "tpu.region"() ({
        %run_scoped3A = tpu.sem_alloc : memref<!tpu.dma_semaphore, #tpu.memory_space<semaphore_mem>>
        %dma_start3A_293 = arith.constant 0 : i32
        %dma_start3A_294 = arith.constant 0 : i32
        %dma_start3A_295 = tpu.memref_slice %arg36[%dma_start3A_293, %dma_start3A_294] : memref<10008x128xf32, #tpu.memory_space<vmem_shared>> -> memref<10008x128xf32, #tpu.memory_space<vmem_shared>>
        tpu.enqueue_indirect_dma source(%arg7 : memref<96x128xf32, #tpu.memory_space<vmem>>) target(%dma_start3A_295 : memref<10008x128xf32, #tpu.memory_space<vmem_shared>>) offsets(%arg16 : memref<96xi32, #tpu.memory_space<vmem>>) semaphore(%run_scoped3A : memref<!tpu.dma_semaphore, #tpu.memory_space<semaphore_mem>>) {add = true}
        %dma_wait3A_296 = arith.constant 0 : i32
        %dma_wait3A_297 = arith.constant 0 : i32
        %dma_wait3A_298 = tpu.memref_slice %arg36[%dma_wait3A_296, %dma_wait3A_297] : memref<10008x128xf32, #tpu.memory_space<vmem_shared>> -> memref<10008x128xf32, #tpu.memory_space<vmem_shared>>
        tpu.wait_indirect_dma semaphore(%run_scoped3A : memref<!tpu.dma_semaphore, #tpu.memory_space<semaphore_mem>>) src(%arg7 : memref<96x128xf32, #tpu.memory_space<vmem>>) dst(%dma_wait3A_298 : memref<10008x128xf32, #tpu.memory_space<vmem_shared>>)
        tpu.yield
      }) : () -> ()
      %add3A_170 = arith.constant 3 : i32
      %add3A_171 = arith.addi %add3A_160, %add3A_170 : i32
      %lt3A_172 = arith.constant 210 : i32
      %lt3A_173 = arith.cmpi slt, %add3A_171, %lt3A_172 : i32
      %convert_element_type3A_174 = arith.extui %lt3A_173 : i1 to i32
      %cond3A_175 = arith.constant 0 : i32
      %cond3A_176 = arith.cmpi ne, %convert_element_type3A_174, %cond3A_175 : i32
      scf.if %cond3A_176 {
        %add3A_293 = arith.constant 3 : i32
        %add3A_294 = arith.addi %add3A_160, %add3A_293 : i32
        %dma_wait3A_295 = arith.constant 0 : i32
        %dma_wait3A_296 = tpu.memref_slice %arg3[%arg0, %arg1, %add3A_294, %dma_wait3A_295] : memref<2x16x210x96xi32, #tpu.memory_space<hbm>> -> memref<1x1x1x96xi32, #tpu.memory_space<hbm>>
        %dma_wait3A_297 = tpu.memref_squeeze %dma_wait3A_296 : memref<1x1x1x96xi32, #tpu.memory_space<hbm>> -> memref<96xi32, #tpu.memory_space<hbm>>
        %dma_wait3A_298 = arith.constant 0 : i32
        %dma_wait3A_299 = tpu.memref_slice %arg3[%arg0, %arg1, %add3A_294, %dma_wait3A_298] : memref<2x16x210x96xi32, #tpu.memory_space<hbm>> -> memref<1x1x1x96xi32, #tpu.memory_space<hbm>>
        %dma_wait3A_300 = tpu.memref_squeeze %dma_wait3A_299 : memref<1x1x1x96xi32, #tpu.memory_space<hbm>> -> memref<96xi32, #tpu.memory_space<hbm>>
        tpu.wait_dma2 semaphore(%arg28 : memref<!tpu.dma_semaphore, #tpu.memory_space<semaphore_mem>>) src(%dma_wait3A_300 : memref<96xi32, #tpu.memory_space<hbm>>) dst(%arg13 : memref<96xi32, #tpu.memory_space<vmem>>)
        %dma_start3A_301 = arith.constant 0 : i32
        %dma_start3A_302 = arith.constant 0 : i32
        %dma_start3A_303 = tpu.memref_slice %arg2[%dma_start3A_301, %dma_start3A_302] : memref<20000x128xf32, #tpu.memory_space<hbm>> -> memref<20000x128xf32, #tpu.memory_space<hbm>>
        tpu.enqueue_indirect_dma source(%dma_start3A_303 : memref<20000x128xf32, #tpu.memory_space<hbm>>) target(%arg7 : memref<96x128xf32, #tpu.memory_space<vmem>>) offsets(%arg13 : memref<96xi32, #tpu.memory_space<vmem>>) semaphore(%arg22 : memref<!tpu.dma_semaphore, #tpu.memory_space<semaphore_mem>>)
      } else {
      }
      %add3A_177 = arith.constant 6 : i32
      %add3A_178 = arith.addi %add3A_160, %add3A_177 : i32
      %lt3A_179 = arith.constant 210 : i32
      %lt3A_180 = arith.cmpi slt, %add3A_178, %lt3A_179 : i32
      %convert_element_type3A_181 = arith.extui %lt3A_180 : i1 to i32
      %cond3A_182 = arith.constant 0 : i32
      %cond3A_183 = arith.cmpi ne, %convert_element_type3A_181, %cond3A_182 : i32
      scf.if %cond3A_183 {
        %add3A_293 = arith.constant 6 : i32
        %add3A_294 = arith.addi %add3A_160, %add3A_293 : i32
        %dma_start3A_295 = arith.constant 0 : i32
        %dma_start3A_296 = tpu.memref_slice %arg3[%arg0, %arg1, %add3A_294, %dma_start3A_295] : memref<2x16x210x96xi32, #tpu.memory_space<hbm>> -> memref<1x1x1x96xi32, #tpu.memory_space<hbm>>
        %dma_start3A_297 = tpu.memref_squeeze %dma_start3A_296 : memref<1x1x1x96xi32, #tpu.memory_space<hbm>> -> memref<96xi32, #tpu.memory_space<hbm>>
        %dma_start3A_298 = arith.constant 0 : i32
        %dma_start3A_299 = tpu.memref_slice %arg3[%arg0, %arg1, %add3A_294, %dma_start3A_298] : memref<2x16x210x96xi32, #tpu.memory_space<hbm>> -> memref<1x1x1x96xi32, #tpu.memory_space<hbm>>
        %dma_start3A_300 = tpu.memref_squeeze %dma_start3A_299 : memref<1x1x1x96xi32, #tpu.memory_space<hbm>> -> memref<96xi32, #tpu.memory_space<hbm>>
        tpu.enqueue_dma source(%dma_start3A_300 : memref<96xi32, #tpu.memory_space<hbm>>) target(%arg10 : memref<96xi32, #tpu.memory_space<vmem>>) target_semaphore(%arg25 : memref<!tpu.dma_semaphore, #tpu.memory_space<semaphore_mem>>)
        %add3A_301 = arith.constant 6 : i32
        %add3A_302 = arith.addi %add3A_160, %add3A_301 : i32
        %dma_start3A_303 = arith.constant 0 : i32
        %dma_start3A_304 = tpu.memref_slice %arg4[%arg1, %add3A_302, %dma_start3A_303] : memref<16x210x96xi32, #tpu.memory_space<hbm>> -> memref<1x1x96xi32, #tpu.memory_space<hbm>>
        %dma_start3A_305 = tpu.memref_squeeze %dma_start3A_304 : memref<1x1x96xi32, #tpu.memory_space<hbm>> -> memref<96xi32, #tpu.memory_space<hbm>>
        %dma_start3A_306 = arith.constant 0 : i32
        %dma_start3A_307 = tpu.memref_slice %arg4[%arg1, %add3A_302, %dma_start3A_306] : memref<16x210x96xi32, #tpu.memory_space<hbm>> -> memref<1x1x96xi32, #tpu.memory_space<hbm>>
        %dma_start3A_308 = tpu.memref_squeeze %dma_start3A_307 : memref<1x1x96xi32, #tpu.memory_space<hbm>> -> memref<96xi32, #tpu.memory_space<hbm>>
        tpu.enqueue_dma source(%dma_start3A_308 : memref<96xi32, #tpu.memory_space<hbm>>) target(%arg16 : memref<96xi32, #tpu.memory_space<vmem>>) target_semaphore(%arg31 : memref<!tpu.dma_semaphore, #tpu.memory_space<semaphore_mem>>)
      } else {
      }
      %mul3A_184 = arith.constant 6 : i32
      %mul3A_185 = arith.muli %scan3A_129, %mul3A_184 : i32
      %add3A_186 = arith.constant 2 : i32
      %add3A_187 = arith.addi %mul3A_185, %add3A_186 : i32
      %dma_wait3A_188 = arith.constant 0 : i32
      %dma_wait3A_189 = arith.constant 0 : i32
      %dma_wait3A_190 = tpu.memref_slice %arg2[%dma_wait3A_188, %dma_wait3A_189] : memref<20000x128xf32, #tpu.memory_space<hbm>> -> memref<20000x128xf32, #tpu.memory_space<hbm>>
      tpu.wait_indirect_dma semaphore(%arg23 : memref<!tpu.dma_semaphore, #tpu.memory_space<semaphore_mem>>) src(%dma_wait3A_190 : memref<20000x128xf32, #tpu.memory_space<hbm>>) dst(%arg8 : memref<96x128xf32, #tpu.memory_space<vmem>>)
      %dma_wait3A_191 = arith.constant 0 : i32
      %dma_wait3A_192 = tpu.memref_slice %arg4[%arg1, %add3A_187, %dma_wait3A_191] : memref<16x210x96xi32, #tpu.memory_space<hbm>> -> memref<1x1x96xi32, #tpu.memory_space<hbm>>
      %dma_wait3A_193 = tpu.memref_squeeze %dma_wait3A_192 : memref<1x1x96xi32, #tpu.memory_space<hbm>> -> memref<96xi32, #tpu.memory_space<hbm>>
      %dma_wait3A_194 = arith.constant 0 : i32
      %dma_wait3A_195 = tpu.memref_slice %arg4[%arg1, %add3A_187, %dma_wait3A_194] : memref<16x210x96xi32, #tpu.memory_space<hbm>> -> memref<1x1x96xi32, #tpu.memory_space<hbm>>
      %dma_wait3A_196 = tpu.memref_squeeze %dma_wait3A_195 : memref<1x1x96xi32, #tpu.memory_space<hbm>> -> memref<96xi32, #tpu.memory_space<hbm>>
      tpu.wait_dma2 semaphore(%arg32 : memref<!tpu.dma_semaphore, #tpu.memory_space<semaphore_mem>>) src(%dma_wait3A_196 : memref<96xi32, #tpu.memory_space<hbm>>) dst(%arg17 : memref<96xi32, #tpu.memory_space<vmem>>)
      "tpu.region"() ({
        %run_scoped3A = tpu.sem_alloc : memref<!tpu.dma_semaphore, #tpu.memory_space<semaphore_mem>>
        %dma_start3A_293 = arith.constant 0 : i32
        %dma_start3A_294 = arith.constant 0 : i32
        %dma_start3A_295 = tpu.memref_slice %arg36[%dma_start3A_293, %dma_start3A_294] : memref<10008x128xf32, #tpu.memory_space<vmem_shared>> -> memref<10008x128xf32, #tpu.memory_space<vmem_shared>>
        tpu.enqueue_indirect_dma source(%arg8 : memref<96x128xf32, #tpu.memory_space<vmem>>) target(%dma_start3A_295 : memref<10008x128xf32, #tpu.memory_space<vmem_shared>>) offsets(%arg17 : memref<96xi32, #tpu.memory_space<vmem>>) semaphore(%run_scoped3A : memref<!tpu.dma_semaphore, #tpu.memory_space<semaphore_mem>>) {add = true}
        %dma_wait3A_296 = arith.constant 0 : i32
        %dma_wait3A_297 = arith.constant 0 : i32
        %dma_wait3A_298 = tpu.memref_slice %arg36[%dma_wait3A_296, %dma_wait3A_297] : memref<10008x128xf32, #tpu.memory_space<vmem_shared>> -> memref<10008x128xf32, #tpu.memory_space<vmem_shared>>
        tpu.wait_indirect_dma semaphore(%run_scoped3A : memref<!tpu.dma_semaphore, #tpu.memory_space<semaphore_mem>>) src(%arg8 : memref<96x128xf32, #tpu.memory_space<vmem>>) dst(%dma_wait3A_298 : memref<10008x128xf32, #tpu.memory_space<vmem_shared>>)
        tpu.yield
      }) : () -> ()
      %add3A_197 = arith.constant 3 : i32
      %add3A_198 = arith.addi %add3A_187, %add3A_197 : i32
      %lt3A_199 = arith.constant 210 : i32
      %lt3A_200 = arith.cmpi slt, %add3A_198, %lt3A_199 : i32
      %convert_element_type3A_201 = arith.extui %lt3A_200 : i1 to i32
      %cond3A_202 = arith.constant 0 : i32
      %cond3A_203 = arith.cmpi ne, %convert_element_type3A_201, %cond3A_202 : i32
      scf.if %cond3A_203 {
        %add3A_293 = arith.constant 3 : i32
        %add3A_294 = arith.addi %add3A_187, %add3A_293 : i32
        %dma_wait3A_295 = arith.constant 0 : i32
        %dma_wait3A_296 = tpu.memref_slice %arg3[%arg0, %arg1, %add3A_294, %dma_wait3A_295] : memref<2x16x210x96xi32, #tpu.memory_space<hbm>> -> memref<1x1x1x96xi32, #tpu.memory_space<hbm>>
        %dma_wait3A_297 = tpu.memref_squeeze %dma_wait3A_296 : memref<1x1x1x96xi32, #tpu.memory_space<hbm>> -> memref<96xi32, #tpu.memory_space<hbm>>
        %dma_wait3A_298 = arith.constant 0 : i32
        %dma_wait3A_299 = tpu.memref_slice %arg3[%arg0, %arg1, %add3A_294, %dma_wait3A_298] : memref<2x16x210x96xi32, #tpu.memory_space<hbm>> -> memref<1x1x1x96xi32, #tpu.memory_space<hbm>>
        %dma_wait3A_300 = tpu.memref_squeeze %dma_wait3A_299 : memref<1x1x1x96xi32, #tpu.memory_space<hbm>> -> memref<96xi32, #tpu.memory_space<hbm>>
        tpu.wait_dma2 semaphore(%arg29 : memref<!tpu.dma_semaphore, #tpu.memory_space<semaphore_mem>>) src(%dma_wait3A_300 : memref<96xi32, #tpu.memory_space<hbm>>) dst(%arg14 : memref<96xi32, #tpu.memory_space<vmem>>)
        %dma_start3A_301 = arith.constant 0 : i32
        %dma_start3A_302 = arith.constant 0 : i32
        %dma_start3A_303 = tpu.memref_slice %arg2[%dma_start3A_301, %dma_start3A_302] : memref<20000x128xf32, #tpu.memory_space<hbm>> -> memref<20000x128xf32, #tpu.memory_space<hbm>>
        tpu.enqueue_indirect_dma source(%dma_start3A_303 : memref<20000x128xf32, #tpu.memory_space<hbm>>) target(%arg8 : memref<96x128xf32, #tpu.memory_space<vmem>>) offsets(%arg14 : memref<96xi32, #tpu.memory_space<vmem>>) semaphore(%arg23 : memref<!tpu.dma_semaphore, #tpu.memory_space<semaphore_mem>>)
      } else {
      }
      %add3A_204 = arith.constant 6 : i32
      %add3A_205 = arith.addi %add3A_187, %add3A_204 : i32
      %lt3A_206 = arith.constant 210 : i32
      %lt3A_207 = arith.cmpi slt, %add3A_205, %lt3A_206 : i32
      %convert_element_type3A_208 = arith.extui %lt3A_207 : i1 to i32
      %cond3A_209 = arith.constant 0 : i32
      %cond3A_210 = arith.cmpi ne, %convert_element_type3A_208, %cond3A_209 : i32
      scf.if %cond3A_210 {
        %add3A_293 = arith.constant 6 : i32
        %add3A_294 = arith.addi %add3A_187, %add3A_293 : i32
        %dma_start3A_295 = arith.constant 0 : i32
        %dma_start3A_296 = tpu.memref_slice %arg3[%arg0, %arg1, %add3A_294, %dma_start3A_295] : memref<2x16x210x96xi32, #tpu.memory_space<hbm>> -> memref<1x1x1x96xi32, #tpu.memory_space<hbm>>
        %dma_start3A_297 = tpu.memref_squeeze %dma_start3A_296 : memref<1x1x1x96xi32, #tpu.memory_space<hbm>> -> memref<96xi32, #tpu.memory_space<hbm>>
        %dma_start3A_298 = arith.constant 0 : i32
        %dma_start3A_299 = tpu.memref_slice %arg3[%arg0, %arg1, %add3A_294, %dma_start3A_298] : memref<2x16x210x96xi32, #tpu.memory_space<hbm>> -> memref<1x1x1x96xi32, #tpu.memory_space<hbm>>
        %dma_start3A_300 = tpu.memref_squeeze %dma_start3A_299 : memref<1x1x1x96xi32, #tpu.memory_space<hbm>> -> memref<96xi32, #tpu.memory_space<hbm>>
        tpu.enqueue_dma source(%dma_start3A_300 : memref<96xi32, #tpu.memory_space<hbm>>) target(%arg11 : memref<96xi32, #tpu.memory_space<vmem>>) target_semaphore(%arg26 : memref<!tpu.dma_semaphore, #tpu.memory_space<semaphore_mem>>)
        %add3A_301 = arith.constant 6 : i32
        %add3A_302 = arith.addi %add3A_187, %add3A_301 : i32
        %dma_start3A_303 = arith.constant 0 : i32
        %dma_start3A_304 = tpu.memref_slice %arg4[%arg1, %add3A_302, %dma_start3A_303] : memref<16x210x96xi32, #tpu.memory_space<hbm>> -> memref<1x1x96xi32, #tpu.memory_space<hbm>>
        %dma_start3A_305 = tpu.memref_squeeze %dma_start3A_304 : memref<1x1x96xi32, #tpu.memory_space<hbm>> -> memref<96xi32, #tpu.memory_space<hbm>>
        %dma_start3A_306 = arith.constant 0 : i32
        %dma_start3A_307 = tpu.memref_slice %arg4[%arg1, %add3A_302, %dma_start3A_306] : memref<16x210x96xi32, #tpu.memory_space<hbm>> -> memref<1x1x96xi32, #tpu.memory_space<hbm>>
        %dma_start3A_308 = tpu.memref_squeeze %dma_start3A_307 : memref<1x1x96xi32, #tpu.memory_space<hbm>> -> memref<96xi32, #tpu.memory_space<hbm>>
        tpu.enqueue_dma source(%dma_start3A_308 : memref<96xi32, #tpu.memory_space<hbm>>) target(%arg17 : memref<96xi32, #tpu.memory_space<vmem>>) target_semaphore(%arg32 : memref<!tpu.dma_semaphore, #tpu.memory_space<semaphore_mem>>)
      } else {
      }
      %mul3A_211 = arith.constant 6 : i32
      %mul3A_212 = arith.muli %scan3A_129, %mul3A_211 : i32
      %add3A_213 = arith.constant 3 : i32
      %add3A_214 = arith.addi %mul3A_212, %add3A_213 : i32
      %dma_wait3A_215 = arith.constant 0 : i32
      %dma_wait3A_216 = arith.constant 0 : i32
      %dma_wait3A_217 = tpu.memref_slice %arg2[%dma_wait3A_215, %dma_wait3A_216] : memref<20000x128xf32, #tpu.memory_space<hbm>> -> memref<20000x128xf32, #tpu.memory_space<hbm>>
      tpu.wait_indirect_dma semaphore(%arg21 : memref<!tpu.dma_semaphore, #tpu.memory_space<semaphore_mem>>) src(%dma_wait3A_217 : memref<20000x128xf32, #tpu.memory_space<hbm>>) dst(%arg6 : memref<96x128xf32, #tpu.memory_space<vmem>>)
      %dma_wait3A_218 = arith.constant 0 : i32
      %dma_wait3A_219 = tpu.memref_slice %arg4[%arg1, %add3A_214, %dma_wait3A_218] : memref<16x210x96xi32, #tpu.memory_space<hbm>> -> memref<1x1x96xi32, #tpu.memory_space<hbm>>
      %dma_wait3A_220 = tpu.memref_squeeze %dma_wait3A_219 : memref<1x1x96xi32, #tpu.memory_space<hbm>> -> memref<96xi32, #tpu.memory_space<hbm>>
      %dma_wait3A_221 = arith.constant 0 : i32
      %dma_wait3A_222 = tpu.memref_slice %arg4[%arg1, %add3A_214, %dma_wait3A_221] : memref<16x210x96xi32, #tpu.memory_space<hbm>> -> memref<1x1x96xi32, #tpu.memory_space<hbm>>
      %dma_wait3A_223 = tpu.memref_squeeze %dma_wait3A_222 : memref<1x1x96xi32, #tpu.memory_space<hbm>> -> memref<96xi32, #tpu.memory_space<hbm>>
      tpu.wait_dma2 semaphore(%arg33 : memref<!tpu.dma_semaphore, #tpu.memory_space<semaphore_mem>>) src(%dma_wait3A_223 : memref<96xi32, #tpu.memory_space<hbm>>) dst(%arg18 : memref<96xi32, #tpu.memory_space<vmem>>)
      "tpu.region"() ({
        %run_scoped3A = tpu.sem_alloc : memref<!tpu.dma_semaphore, #tpu.memory_space<semaphore_mem>>
        %dma_start3A_293 = arith.constant 0 : i32
        %dma_start3A_294 = arith.constant 0 : i32
        %dma_start3A_295 = tpu.memref_slice %arg36[%dma_start3A_293, %dma_start3A_294] : memref<10008x128xf32, #tpu.memory_space<vmem_shared>> -> memref<10008x128xf32, #tpu.memory_space<vmem_shared>>
        tpu.enqueue_indirect_dma source(%arg6 : memref<96x128xf32, #tpu.memory_space<vmem>>) target(%dma_start3A_295 : memref<10008x128xf32, #tpu.memory_space<vmem_shared>>) offsets(%arg18 : memref<96xi32, #tpu.memory_space<vmem>>) semaphore(%run_scoped3A : memref<!tpu.dma_semaphore, #tpu.memory_space<semaphore_mem>>) {add = true}
        %dma_wait3A_296 = arith.constant 0 : i32
        %dma_wait3A_297 = arith.constant 0 : i32
        %dma_wait3A_298 = tpu.memref_slice %arg36[%dma_wait3A_296, %dma_wait3A_297] : memref<10008x128xf32, #tpu.memory_space<vmem_shared>> -> memref<10008x128xf32, #tpu.memory_space<vmem_shared>>
        tpu.wait_indirect_dma semaphore(%run_scoped3A : memref<!tpu.dma_semaphore, #tpu.memory_space<semaphore_mem>>) src(%arg6 : memref<96x128xf32, #tpu.memory_space<vmem>>) dst(%dma_wait3A_298 : memref<10008x128xf32, #tpu.memory_space<vmem_shared>>)
        tpu.yield
      }) : () -> ()
      %add3A_224 = arith.constant 3 : i32
      %add3A_225 = arith.addi %add3A_214, %add3A_224 : i32
      %lt3A_226 = arith.constant 210 : i32
      %lt3A_227 = arith.cmpi slt, %add3A_225, %lt3A_226 : i32
      %convert_element_type3A_228 = arith.extui %lt3A_227 : i1 to i32
      %cond3A_229 = arith.constant 0 : i32
      %cond3A_230 = arith.cmpi ne, %convert_element_type3A_228, %cond3A_229 : i32
      scf.if %cond3A_230 {
        %add3A_293 = arith.constant 3 : i32
        %add3A_294 = arith.addi %add3A_214, %add3A_293 : i32
        %dma_wait3A_295 = arith.constant 0 : i32
        %dma_wait3A_296 = tpu.memref_slice %arg3[%arg0, %arg1, %add3A_294, %dma_wait3A_295] : memref<2x16x210x96xi32, #tpu.memory_space<hbm>> -> memref<1x1x1x96xi32, #tpu.memory_space<hbm>>
        %dma_wait3A_297 = tpu.memref_squeeze %dma_wait3A_296 : memref<1x1x1x96xi32, #tpu.memory_space<hbm>> -> memref<96xi32, #tpu.memory_space<hbm>>
        %dma_wait3A_298 = arith.constant 0 : i32
        %dma_wait3A_299 = tpu.memref_slice %arg3[%arg0, %arg1, %add3A_294, %dma_wait3A_298] : memref<2x16x210x96xi32, #tpu.memory_space<hbm>> -> memref<1x1x1x96xi32, #tpu.memory_space<hbm>>
        %dma_wait3A_300 = tpu.memref_squeeze %dma_wait3A_299 : memref<1x1x1x96xi32, #tpu.memory_space<hbm>> -> memref<96xi32, #tpu.memory_space<hbm>>
        tpu.wait_dma2 semaphore(%arg24 : memref<!tpu.dma_semaphore, #tpu.memory_space<semaphore_mem>>) src(%dma_wait3A_300 : memref<96xi32, #tpu.memory_space<hbm>>) dst(%arg9 : memref<96xi32, #tpu.memory_space<vmem>>)
        %dma_start3A_301 = arith.constant 0 : i32
        %dma_start3A_302 = arith.constant 0 : i32
        %dma_start3A_303 = tpu.memref_slice %arg2[%dma_start3A_301, %dma_start3A_302] : memref<20000x128xf32, #tpu.memory_space<hbm>> -> memref<20000x128xf32, #tpu.memory_space<hbm>>
        tpu.enqueue_indirect_dma source(%dma_start3A_303 : memref<20000x128xf32, #tpu.memory_space<hbm>>) target(%arg6 : memref<96x128xf32, #tpu.memory_space<vmem>>) offsets(%arg9 : memref<96xi32, #tpu.memory_space<vmem>>) semaphore(%arg21 : memref<!tpu.dma_semaphore, #tpu.memory_space<semaphore_mem>>)
      } else {
      }
      %add3A_231 = arith.constant 6 : i32
      %add3A_232 = arith.addi %add3A_214, %add3A_231 : i32
      %lt3A_233 = arith.constant 210 : i32
      %lt3A_234 = arith.cmpi slt, %add3A_232, %lt3A_233 : i32
      %convert_element_type3A_235 = arith.extui %lt3A_234 : i1 to i32
      %cond3A_236 = arith.constant 0 : i32
      %cond3A_237 = arith.cmpi ne, %convert_element_type3A_235, %cond3A_236 : i32
      scf.if %cond3A_237 {
        %add3A_293 = arith.constant 6 : i32
        %add3A_294 = arith.addi %add3A_214, %add3A_293 : i32
        %dma_start3A_295 = arith.constant 0 : i32
        %dma_start3A_296 = tpu.memref_slice %arg3[%arg0, %arg1, %add3A_294, %dma_start3A_295] : memref<2x16x210x96xi32, #tpu.memory_space<hbm>> -> memref<1x1x1x96xi32, #tpu.memory_space<hbm>>
        %dma_start3A_297 = tpu.memref_squeeze %dma_start3A_296 : memref<1x1x1x96xi32, #tpu.memory_space<hbm>> -> memref<96xi32, #tpu.memory_space<hbm>>
        %dma_start3A_298 = arith.constant 0 : i32
        %dma_start3A_299 = tpu.memref_slice %arg3[%arg0, %arg1, %add3A_294, %dma_start3A_298] : memref<2x16x210x96xi32, #tpu.memory_space<hbm>> -> memref<1x1x1x96xi32, #tpu.memory_space<hbm>>
        %dma_start3A_300 = tpu.memref_squeeze %dma_start3A_299 : memref<1x1x1x96xi32, #tpu.memory_space<hbm>> -> memref<96xi32, #tpu.memory_space<hbm>>
        tpu.enqueue_dma source(%dma_start3A_300 : memref<96xi32, #tpu.memory_space<hbm>>) target(%arg12 : memref<96xi32, #tpu.memory_space<vmem>>) target_semaphore(%arg27 : memref<!tpu.dma_semaphore, #tpu.memory_space<semaphore_mem>>)
        %add3A_301 = arith.constant 6 : i32
        %add3A_302 = arith.addi %add3A_214, %add3A_301 : i32
        %dma_start3A_303 = arith.constant 0 : i32
        %dma_start3A_304 = tpu.memref_slice %arg4[%arg1, %add3A_302, %dma_start3A_303] : memref<16x210x96xi32, #tpu.memory_space<hbm>> -> memref<1x1x96xi32, #tpu.memory_space<hbm>>
        %dma_start3A_305 = tpu.memref_squeeze %dma_start3A_304 : memref<1x1x96xi32, #tpu.memory_space<hbm>> -> memref<96xi32, #tpu.memory_space<hbm>>
        %dma_start3A_306 = arith.constant 0 : i32
        %dma_start3A_307 = tpu.memref_slice %arg4[%arg1, %add3A_302, %dma_start3A_306] : memref<16x210x96xi32, #tpu.memory_space<hbm>> -> memref<1x1x96xi32, #tpu.memory_space<hbm>>
        %dma_start3A_308 = tpu.memref_squeeze %dma_start3A_307 : memref<1x1x96xi32, #tpu.memory_space<hbm>> -> memref<96xi32, #tpu.memory_space<hbm>>
        tpu.enqueue_dma source(%dma_start3A_308 : memref<96xi32, #tpu.memory_space<hbm>>) target(%arg18 : memref<96xi32, #tpu.memory_space<vmem>>) target_semaphore(%arg33 : memref<!tpu.dma_semaphore, #tpu.memory_space<semaphore_mem>>)
      } else {
      }
      %mul3A_238 = arith.constant 6 : i32
      %mul3A_239 = arith.muli %scan3A_129, %mul3A_238 : i32
      %add3A_240 = arith.constant 4 : i32
      %add3A_241 = arith.addi %mul3A_239, %add3A_240 : i32
      %dma_wait3A_242 = arith.constant 0 : i32
      %dma_wait3A_243 = arith.constant 0 : i32
      %dma_wait3A_244 = tpu.memref_slice %arg2[%dma_wait3A_242, %dma_wait3A_243] : memref<20000x128xf32, #tpu.memory_space<hbm>> -> memref<20000x128xf32, #tpu.memory_space<hbm>>
      tpu.wait_indirect_dma semaphore(%arg22 : memref<!tpu.dma_semaphore, #tpu.memory_space<semaphore_mem>>) src(%dma_wait3A_244 : memref<20000x128xf32, #tpu.memory_space<hbm>>) dst(%arg7 : memref<96x128xf32, #tpu.memory_space<vmem>>)
      %dma_wait3A_245 = arith.constant 0 : i32
      %dma_wait3A_246 = tpu.memref_slice %arg4[%arg1, %add3A_241, %dma_wait3A_245] : memref<16x210x96xi32, #tpu.memory_space<hbm>> -> memref<1x1x96xi32, #tpu.memory_space<hbm>>
      %dma_wait3A_247 = tpu.memref_squeeze %dma_wait3A_246 : memref<1x1x96xi32, #tpu.memory_space<hbm>> -> memref<96xi32, #tpu.memory_space<hbm>>
      %dma_wait3A_248 = arith.constant 0 : i32
      %dma_wait3A_249 = tpu.memref_slice %arg4[%arg1, %add3A_241, %dma_wait3A_248] : memref<16x210x96xi32, #tpu.memory_space<hbm>> -> memref<1x1x96xi32, #tpu.memory_space<hbm>>
      %dma_wait3A_250 = tpu.memref_squeeze %dma_wait3A_249 : memref<1x1x96xi32, #tpu.memory_space<hbm>> -> memref<96xi32, #tpu.memory_space<hbm>>
      tpu.wait_dma2 semaphore(%arg34 : memref<!tpu.dma_semaphore, #tpu.memory_space<semaphore_mem>>) src(%dma_wait3A_250 : memref<96xi32, #tpu.memory_space<hbm>>) dst(%arg19 : memref<96xi32, #tpu.memory_space<vmem>>)
      "tpu.region"() ({
        %run_scoped3A = tpu.sem_alloc : memref<!tpu.dma_semaphore, #tpu.memory_space<semaphore_mem>>
        %dma_start3A_293 = arith.constant 0 : i32
        %dma_start3A_294 = arith.constant 0 : i32
        %dma_start3A_295 = tpu.memref_slice %arg36[%dma_start3A_293, %dma_start3A_294] : memref<10008x128xf32, #tpu.memory_space<vmem_shared>> -> memref<10008x128xf32, #tpu.memory_space<vmem_shared>>
        tpu.enqueue_indirect_dma source(%arg7 : memref<96x128xf32, #tpu.memory_space<vmem>>) target(%dma_start3A_295 : memref<10008x128xf32, #tpu.memory_space<vmem_shared>>) offsets(%arg19 : memref<96xi32, #tpu.memory_space<vmem>>) semaphore(%run_scoped3A : memref<!tpu.dma_semaphore, #tpu.memory_space<semaphore_mem>>) {add = true}
        %dma_wait3A_296 = arith.constant 0 : i32
        %dma_wait3A_297 = arith.constant 0 : i32
        %dma_wait3A_298 = tpu.memref_slice %arg36[%dma_wait3A_296, %dma_wait3A_297] : memref<10008x128xf32, #tpu.memory_space<vmem_shared>> -> memref<10008x128xf32, #tpu.memory_space<vmem_shared>>
        tpu.wait_indirect_dma semaphore(%run_scoped3A : memref<!tpu.dma_semaphore, #tpu.memory_space<semaphore_mem>>) src(%arg7 : memref<96x128xf32, #tpu.memory_space<vmem>>) dst(%dma_wait3A_298 : memref<10008x128xf32, #tpu.memory_space<vmem_shared>>)
        tpu.yield
      }) : () -> ()
      %add3A_251 = arith.constant 3 : i32
      %add3A_252 = arith.addi %add3A_241, %add3A_251 : i32
      %lt3A_253 = arith.constant 210 : i32
      %lt3A_254 = arith.cmpi slt, %add3A_252, %lt3A_253 : i32
      %convert_element_type3A_255 = arith.extui %lt3A_254 : i1 to i32
      %cond3A_256 = arith.constant 0 : i32
      %cond3A_257 = arith.cmpi ne, %convert_element_type3A_255, %cond3A_256 : i32
      scf.if %cond3A_257 {
        %add3A_293 = arith.constant 3 : i32
        %add3A_294 = arith.addi %add3A_241, %add3A_293 : i32
        %dma_wait3A_295 = arith.constant 0 : i32
        %dma_wait3A_296 = tpu.memref_slice %arg3[%arg0, %arg1, %add3A_294, %dma_wait3A_295] : memref<2x16x210x96xi32, #tpu.memory_space<hbm>> -> memref<1x1x1x96xi32, #tpu.memory_space<hbm>>
        %dma_wait3A_297 = tpu.memref_squeeze %dma_wait3A_296 : memref<1x1x1x96xi32, #tpu.memory_space<hbm>> -> memref<96xi32, #tpu.memory_space<hbm>>
        %dma_wait3A_298 = arith.constant 0 : i32
        %dma_wait3A_299 = tpu.memref_slice %arg3[%arg0, %arg1, %add3A_294, %dma_wait3A_298] : memref<2x16x210x96xi32, #tpu.memory_space<hbm>> -> memref<1x1x1x96xi32, #tpu.memory_space<hbm>>
        %dma_wait3A_300 = tpu.memref_squeeze %dma_wait3A_299 : memref<1x1x1x96xi32, #tpu.memory_space<hbm>> -> memref<96xi32, #tpu.memory_space<hbm>>
        tpu.wait_dma2 semaphore(%arg25 : memref<!tpu.dma_semaphore, #tpu.memory_space<semaphore_mem>>) src(%dma_wait3A_300 : memref<96xi32, #tpu.memory_space<hbm>>) dst(%arg10 : memref<96xi32, #tpu.memory_space<vmem>>)
        %dma_start3A_301 = arith.constant 0 : i32
        %dma_start3A_302 = arith.constant 0 : i32
        %dma_start3A_303 = tpu.memref_slice %arg2[%dma_start3A_301, %dma_start3A_302] : memref<20000x128xf32, #tpu.memory_space<hbm>> -> memref<20000x128xf32, #tpu.memory_space<hbm>>
        tpu.enqueue_indirect_dma source(%dma_start3A_303 : memref<20000x128xf32, #tpu.memory_space<hbm>>) target(%arg7 : memref<96x128xf32, #tpu.memory_space<vmem>>) offsets(%arg10 : memref<96xi32, #tpu.memory_space<vmem>>) semaphore(%arg22 : memref<!tpu.dma_semaphore, #tpu.memory_space<semaphore_mem>>)
      } else {
      }
      %add3A_258 = arith.constant 6 : i32
      %add3A_259 = arith.addi %add3A_241, %add3A_258 : i32
      %lt3A_260 = arith.constant 210 : i32
      %lt3A_261 = arith.cmpi slt, %add3A_259, %lt3A_260 : i32
      %convert_element_type3A_262 = arith.extui %lt3A_261 : i1 to i32
      %cond3A_263 = arith.constant 0 : i32
      %cond3A_264 = arith.cmpi ne, %convert_element_type3A_262, %cond3A_263 : i32
      scf.if %cond3A_264 {
        %add3A_293 = arith.constant 6 : i32
        %add3A_294 = arith.addi %add3A_241, %add3A_293 : i32
        %dma_start3A_295 = arith.constant 0 : i32
        %dma_start3A_296 = tpu.memref_slice %arg3[%arg0, %arg1, %add3A_294, %dma_start3A_295] : memref<2x16x210x96xi32, #tpu.memory_space<hbm>> -> memref<1x1x1x96xi32, #tpu.memory_space<hbm>>
        %dma_start3A_297 = tpu.memref_squeeze %dma_start3A_296 : memref<1x1x1x96xi32, #tpu.memory_space<hbm>> -> memref<96xi32, #tpu.memory_space<hbm>>
        %dma_start3A_298 = arith.constant 0 : i32
        %dma_start3A_299 = tpu.memref_slice %arg3[%arg0, %arg1, %add3A_294, %dma_start3A_298] : memref<2x16x210x96xi32, #tpu.memory_space<hbm>> -> memref<1x1x1x96xi32, #tpu.memory_space<hbm>>
        %dma_start3A_300 = tpu.memref_squeeze %dma_start3A_299 : memref<1x1x1x96xi32, #tpu.memory_space<hbm>> -> memref<96xi32, #tpu.memory_space<hbm>>
        tpu.enqueue_dma source(%dma_start3A_300 : memref<96xi32, #tpu.memory_space<hbm>>) target(%arg13 : memref<96xi32, #tpu.memory_space<vmem>>) target_semaphore(%arg28 : memref<!tpu.dma_semaphore, #tpu.memory_space<semaphore_mem>>)
        %add3A_301 = arith.constant 6 : i32
        %add3A_302 = arith.addi %add3A_241, %add3A_301 : i32
        %dma_start3A_303 = arith.constant 0 : i32
        %dma_start3A_304 = tpu.memref_slice %arg4[%arg1, %add3A_302, %dma_start3A_303] : memref<16x210x96xi32, #tpu.memory_space<hbm>> -> memref<1x1x96xi32, #tpu.memory_space<hbm>>
        %dma_start3A_305 = tpu.memref_squeeze %dma_start3A_304 : memref<1x1x96xi32, #tpu.memory_space<hbm>> -> memref<96xi32, #tpu.memory_space<hbm>>
        %dma_start3A_306 = arith.constant 0 : i32
        %dma_start3A_307 = tpu.memref_slice %arg4[%arg1, %add3A_302, %dma_start3A_306] : memref<16x210x96xi32, #tpu.memory_space<hbm>> -> memref<1x1x96xi32, #tpu.memory_space<hbm>>
        %dma_start3A_308 = tpu.memref_squeeze %dma_start3A_307 : memref<1x1x96xi32, #tpu.memory_space<hbm>> -> memref<96xi32, #tpu.memory_space<hbm>>
        tpu.enqueue_dma source(%dma_start3A_308 : memref<96xi32, #tpu.memory_space<hbm>>) target(%arg19 : memref<96xi32, #tpu.memory_space<vmem>>) target_semaphore(%arg34 : memref<!tpu.dma_semaphore, #tpu.memory_space<semaphore_mem>>)
      } else {
      }
      %mul3A_265 = arith.constant 6 : i32
      %mul3A_266 = arith.muli %scan3A_129, %mul3A_265 : i32
      %add3A_267 = arith.constant 5 : i32
      %add3A_268 = arith.addi %mul3A_266, %add3A_267 : i32
      %dma_wait3A_269 = arith.constant 0 : i32
      %dma_wait3A_270 = arith.constant 0 : i32
      %dma_wait3A_271 = tpu.memref_slice %arg2[%dma_wait3A_269, %dma_wait3A_270] : memref<20000x128xf32, #tpu.memory_space<hbm>> -> memref<20000x128xf32, #tpu.memory_space<hbm>>
      tpu.wait_indirect_dma semaphore(%arg23 : memref<!tpu.dma_semaphore, #tpu.memory_space<semaphore_mem>>) src(%dma_wait3A_271 : memref<20000x128xf32, #tpu.memory_space<hbm>>) dst(%arg8 : memref<96x128xf32, #tpu.memory_space<vmem>>)
      %dma_wait3A_272 = arith.constant 0 : i32
      %dma_wait3A_273 = tpu.memref_slice %arg4[%arg1, %add3A_268, %dma_wait3A_272] : memref<16x210x96xi32, #tpu.memory_space<hbm>> -> memref<1x1x96xi32, #tpu.memory_space<hbm>>
      %dma_wait3A_274 = tpu.memref_squeeze %dma_wait3A_273 : memref<1x1x96xi32, #tpu.memory_space<hbm>> -> memref<96xi32, #tpu.memory_space<hbm>>
      %dma_wait3A_275 = arith.constant 0 : i32
      %dma_wait3A_276 = tpu.memref_slice %arg4[%arg1, %add3A_268, %dma_wait3A_275] : memref<16x210x96xi32, #tpu.memory_space<hbm>> -> memref<1x1x96xi32, #tpu.memory_space<hbm>>
      %dma_wait3A_277 = tpu.memref_squeeze %dma_wait3A_276 : memref<1x1x96xi32, #tpu.memory_space<hbm>> -> memref<96xi32, #tpu.memory_space<hbm>>
      tpu.wait_dma2 semaphore(%arg35 : memref<!tpu.dma_semaphore, #tpu.memory_space<semaphore_mem>>) src(%dma_wait3A_277 : memref<96xi32, #tpu.memory_space<hbm>>) dst(%arg20 : memref<96xi32, #tpu.memory_space<vmem>>)
      "tpu.region"() ({
        %run_scoped3A = tpu.sem_alloc : memref<!tpu.dma_semaphore, #tpu.memory_space<semaphore_mem>>
        %dma_start3A_293 = arith.constant 0 : i32
        %dma_start3A_294 = arith.constant 0 : i32
        %dma_start3A_295 = tpu.memref_slice %arg36[%dma_start3A_293, %dma_start3A_294] : memref<10008x128xf32, #tpu.memory_space<vmem_shared>> -> memref<10008x128xf32, #tpu.memory_space<vmem_shared>>
        tpu.enqueue_indirect_dma source(%arg8 : memref<96x128xf32, #tpu.memory_space<vmem>>) target(%dma_start3A_295 : memref<10008x128xf32, #tpu.memory_space<vmem_shared>>) offsets(%arg20 : memref<96xi32, #tpu.memory_space<vmem>>) semaphore(%run_scoped3A : memref<!tpu.dma_semaphore, #tpu.memory_space<semaphore_mem>>) {add = true}
        %dma_wait3A_296 = arith.constant 0 : i32
        %dma_wait3A_297 = arith.constant 0 : i32
        %dma_wait3A_298 = tpu.memref_slice %arg36[%dma_wait3A_296, %dma_wait3A_297] : memref<10008x128xf32, #tpu.memory_space<vmem_shared>> -> memref<10008x128xf32, #tpu.memory_space<vmem_shared>>
        tpu.wait_indirect_dma semaphore(%run_scoped3A : memref<!tpu.dma_semaphore, #tpu.memory_space<semaphore_mem>>) src(%arg8 : memref<96x128xf32, #tpu.memory_space<vmem>>) dst(%dma_wait3A_298 : memref<10008x128xf32, #tpu.memory_space<vmem_shared>>)
        tpu.yield
      }) : () -> ()
      %add3A_278 = arith.constant 3 : i32
      %add3A_279 = arith.addi %add3A_268, %add3A_278 : i32
      %lt3A_280 = arith.constant 210 : i32
      %lt3A_281 = arith.cmpi slt, %add3A_279, %lt3A_280 : i32
      %convert_element_type3A_282 = arith.extui %lt3A_281 : i1 to i32
      %cond3A_283 = arith.constant 0 : i32
      %cond3A_284 = arith.cmpi ne, %convert_element_type3A_282, %cond3A_283 : i32
      scf.if %cond3A_284 {
        %add3A_293 = arith.constant 3 : i32
        %add3A_294 = arith.addi %add3A_268, %add3A_293 : i32
        %dma_wait3A_295 = arith.constant 0 : i32
        %dma_wait3A_296 = tpu.memref_slice %arg3[%arg0, %arg1, %add3A_294, %dma_wait3A_295] : memref<2x16x210x96xi32, #tpu.memory_space<hbm>> -> memref<1x1x1x96xi32, #tpu.memory_space<hbm>>
        %dma_wait3A_297 = tpu.memref_squeeze %dma_wait3A_296 : memref<1x1x1x96xi32, #tpu.memory_space<hbm>> -> memref<96xi32, #tpu.memory_space<hbm>>
        %dma_wait3A_298 = arith.constant 0 : i32
        %dma_wait3A_299 = tpu.memref_slice %arg3[%arg0, %arg1, %add3A_294, %dma_wait3A_298] : memref<2x16x210x96xi32, #tpu.memory_space<hbm>> -> memref<1x1x1x96xi32, #tpu.memory_space<hbm>>
        %dma_wait3A_300 = tpu.memref_squeeze %dma_wait3A_299 : memref<1x1x1x96xi32, #tpu.memory_space<hbm>> -> memref<96xi32, #tpu.memory_space<hbm>>
        tpu.wait_dma2 semaphore(%arg26 : memref<!tpu.dma_semaphore, #tpu.memory_space<semaphore_mem>>) src(%dma_wait3A_300 : memref<96xi32, #tpu.memory_space<hbm>>) dst(%arg11 : memref<96xi32, #tpu.memory_space<vmem>>)
        %dma_start3A_301 = arith.constant 0 : i32
        %dma_start3A_302 = arith.constant 0 : i32
        %dma_start3A_303 = tpu.memref_slice %arg2[%dma_start3A_301, %dma_start3A_302] : memref<20000x128xf32, #tpu.memory_space<hbm>> -> memref<20000x128xf32, #tpu.memory_space<hbm>>
        tpu.enqueue_indirect_dma source(%dma_start3A_303 : memref<20000x128xf32, #tpu.memory_space<hbm>>) target(%arg8 : memref<96x128xf32, #tpu.memory_space<vmem>>) offsets(%arg11 : memref<96xi32, #tpu.memory_space<vmem>>) semaphore(%arg23 : memref<!tpu.dma_semaphore, #tpu.memory_space<semaphore_mem>>)
      } else {
      }
      %add3A_285 = arith.constant 6 : i32
      %add3A_286 = arith.addi %add3A_268, %add3A_285 : i32
      %lt3A_287 = arith.constant 210 : i32
      %lt3A_288 = arith.cmpi slt, %add3A_286, %lt3A_287 : i32
      %convert_element_type3A_289 = arith.extui %lt3A_288 : i1 to i32
      %cond3A_290 = arith.constant 0 : i32
      %cond3A_291 = arith.cmpi ne, %convert_element_type3A_289, %cond3A_290 : i32
      scf.if %cond3A_291 {
        %add3A_293 = arith.constant 6 : i32
        %add3A_294 = arith.addi %add3A_268, %add3A_293 : i32
        %dma_start3A_295 = arith.constant 0 : i32
        %dma_start3A_296 = tpu.memref_slice %arg3[%arg0, %arg1, %add3A_294, %dma_start3A_295] : memref<2x16x210x96xi32, #tpu.memory_space<hbm>> -> memref<1x1x1x96xi32, #tpu.memory_space<hbm>>
        %dma_start3A_297 = tpu.memref_squeeze %dma_start3A_296 : memref<1x1x1x96xi32, #tpu.memory_space<hbm>> -> memref<96xi32, #tpu.memory_space<hbm>>
        %dma_start3A_298 = arith.constant 0 : i32
        %dma_start3A_299 = tpu.memref_slice %arg3[%arg0, %arg1, %add3A_294, %dma_start3A_298] : memref<2x16x210x96xi32, #tpu.memory_space<hbm>> -> memref<1x1x1x96xi32, #tpu.memory_space<hbm>>
        %dma_start3A_300 = tpu.memref_squeeze %dma_start3A_299 : memref<1x1x1x96xi32, #tpu.memory_space<hbm>> -> memref<96xi32, #tpu.memory_space<hbm>>
        tpu.enqueue_dma source(%dma_start3A_300 : memref<96xi32, #tpu.memory_space<hbm>>) target(%arg14 : memref<96xi32, #tpu.memory_space<vmem>>) target_semaphore(%arg29 : memref<!tpu.dma_semaphore, #tpu.memory_space<semaphore_mem>>)
        %add3A_301 = arith.constant 6 : i32
        %add3A_302 = arith.addi %add3A_268, %add3A_301 : i32
        %dma_start3A_303 = arith.constant 0 : i32
        %dma_start3A_304 = tpu.memref_slice %arg4[%arg1, %add3A_302, %dma_start3A_303] : memref<16x210x96xi32, #tpu.memory_space<hbm>> -> memref<1x1x96xi32, #tpu.memory_space<hbm>>
        %dma_start3A_305 = tpu.memref_squeeze %dma_start3A_304 : memref<1x1x96xi32, #tpu.memory_space<hbm>> -> memref<96xi32, #tpu.memory_space<hbm>>
        %dma_start3A_306 = arith.constant 0 : i32
        %dma_start3A_307 = tpu.memref_slice %arg4[%arg1, %add3A_302, %dma_start3A_306] : memref<16x210x96xi32, #tpu.memory_space<hbm>> -> memref<1x1x96xi32, #tpu.memory_space<hbm>>
        %dma_start3A_308 = tpu.memref_squeeze %dma_start3A_307 : memref<1x1x96xi32, #tpu.memory_space<hbm>> -> memref<96xi32, #tpu.memory_space<hbm>>
        tpu.enqueue_dma source(%dma_start3A_308 : memref<96xi32, #tpu.memory_space<hbm>>) target(%arg20 : memref<96xi32, #tpu.memory_space<vmem>>) target_semaphore(%arg35 : memref<!tpu.dma_semaphore, #tpu.memory_space<semaphore_mem>>)
      } else {
      }
      %scan3A_292 = arith.constant 0 : i32
      scf.yield %scan3A_292 : i32
    }
    %scan3A_122 = arith.constant 35 : i32
    %barrier3A_123 = arith.constant 0 : index
    tpu.barrier barrier_id(%barrier3A_123)
    "tpu.region"() ({
      %run_scoped3A = tpu.sem_alloc : memref<!tpu.dma_semaphore, #tpu.memory_space<semaphore_mem>>
      %dma_start3A_129 = arith.constant 0 : i32
      %dma_start3A_130 = tpu.memref_slice %arg5[%arg0, %mul3A_0, %dma_start3A_129] : memref<2x10000x128xf32, #tpu.memory_space<hbm>> -> memref<1x624x128xf32, #tpu.memory_space<hbm>>
      %dma_start3A_131 = tpu.memref_squeeze %dma_start3A_130 : memref<1x624x128xf32, #tpu.memory_space<hbm>> -> memref<624x128xf32, #tpu.memory_space<hbm>>
      %dma_start3A_132 = arith.constant 0 : i32
      %dma_start3A_133 = tpu.memref_slice %arg36[%mul3A_0, %dma_start3A_132] : memref<10008x128xf32, #tpu.memory_space<vmem_shared>> -> memref<624x128xf32, #tpu.memory_space<vmem_shared>>
      tpu.enqueue_dma source(%dma_start3A_133 : memref<624x128xf32, #tpu.memory_space<vmem_shared>>) target(%dma_start3A_131 : memref<624x128xf32, #tpu.memory_space<hbm>>) target_semaphore(%run_scoped3A : memref<!tpu.dma_semaphore, #tpu.memory_space<semaphore_mem>>)
      %dma_wait3A_134 = arith.constant 0 : i32
      %dma_wait3A_135 = tpu.memref_slice %arg5[%arg0, %mul3A_0, %dma_wait3A_134] : memref<2x10000x128xf32, #tpu.memory_space<hbm>> -> memref<1x624x128xf32, #tpu.memory_space<hbm>>
      %dma_wait3A_136 = tpu.memref_squeeze %dma_wait3A_135 : memref<1x624x128xf32, #tpu.memory_space<hbm>> -> memref<624x128xf32, #tpu.memory_space<hbm>>
      %dma_wait3A_137 = arith.constant 0 : i32
      %dma_wait3A_138 = tpu.memref_slice %arg36[%mul3A_0, %dma_wait3A_137] : memref<10008x128xf32, #tpu.memory_space<vmem_shared>> -> memref<624x128xf32, #tpu.memory_space<vmem_shared>>
      tpu.wait_dma2 semaphore(%run_scoped3A : memref<!tpu.dma_semaphore, #tpu.memory_space<semaphore_mem>>) src(%dma_wait3A_138 : memref<624x128xf32, #tpu.memory_space<vmem_shared>>) dst(%dma_wait3A_136 : memref<624x128xf32, #tpu.memory_space<hbm>>)
      tpu.yield
    }) : () -> ()
    %eq3A_124 = arith.constant 0 : i32
    %eq3A_125 = arith.cmpi eq, %arg1, %eq3A_124 : i32
    %convert_element_type3A_126 = arith.extui %eq3A_125 : i1 to i32
    %cond3A_127 = arith.constant 0 : i32
    %cond3A_128 = arith.cmpi ne, %convert_element_type3A_126, %cond3A_127 : i32
    scf.if %cond3A_128 {
      "tpu.region"() ({
        %run_scoped3A = tpu.sem_alloc : memref<!tpu.dma_semaphore, #tpu.memory_space<semaphore_mem>>
        %dma_start3A_129 = arith.constant 9984 : i32
        %dma_start3A_130 = arith.constant 0 : i32
        %dma_start3A_131 = tpu.memref_slice %arg5[%arg0, %dma_start3A_129, %dma_start3A_130] : memref<2x10000x128xf32, #tpu.memory_space<hbm>> -> memref<1x16x128xf32, #tpu.memory_space<hbm>>
        %dma_start3A_132 = tpu.memref_squeeze %dma_start3A_131 : memref<1x16x128xf32, #tpu.memory_space<hbm>> -> memref<16x128xf32, #tpu.memory_space<hbm>>
        %dma_start3A_133 = arith.constant 9984 : i32
        %dma_start3A_134 = arith.constant 0 : i32
        %dma_start3A_135 = tpu.memref_slice %arg36[%dma_start3A_133, %dma_start3A_134] : memref<10008x128xf32, #tpu.memory_space<vmem_shared>> -> memref<16x128xf32, #tpu.memory_space<vmem_shared>>
        tpu.enqueue_dma source(%dma_start3A_135 : memref<16x128xf32, #tpu.memory_space<vmem_shared>>) target(%dma_start3A_132 : memref<16x128xf32, #tpu.memory_space<hbm>>) target_semaphore(%run_scoped3A : memref<!tpu.dma_semaphore, #tpu.memory_space<semaphore_mem>>)
        %dma_wait3A_136 = arith.constant 9984 : i32
        %dma_wait3A_137 = arith.constant 0 : i32
        %dma_wait3A_138 = tpu.memref_slice %arg5[%arg0, %dma_wait3A_136, %dma_wait3A_137] : memref<2x10000x128xf32, #tpu.memory_space<hbm>> -> memref<1x16x128xf32, #tpu.memory_space<hbm>>
        %dma_wait3A_139 = tpu.memref_squeeze %dma_wait3A_138 : memref<1x16x128xf32, #tpu.memory_space<hbm>> -> memref<16x128xf32, #tpu.memory_space<hbm>>
        %dma_wait3A_140 = arith.constant 9984 : i32
        %dma_wait3A_141 = arith.constant 0 : i32
        %dma_wait3A_142 = tpu.memref_slice %arg36[%dma_wait3A_140, %dma_wait3A_141] : memref<10008x128xf32, #tpu.memory_space<vmem_shared>> -> memref<16x128xf32, #tpu.memory_space<vmem_shared>>
        tpu.wait_dma2 semaphore(%run_scoped3A : memref<!tpu.dma_semaphore, #tpu.memory_space<semaphore_mem>>) src(%dma_wait3A_142 : memref<16x128xf32, #tpu.memory_space<vmem_shared>>) dst(%dma_wait3A_139 : memref<16x128xf32, #tpu.memory_space<hbm>>)
        tpu.yield
      }) : () -> ()
    } else {
    }
    return
  }
}

#map = affine_map<(d0, d1) -> (0, 0)>
#map1 = affine_map<(d0, d1) -> (0, 0, 0, 0)>
#map2 = affine_map<(d0, d1) -> (0, 0, 0)>
module attributes {stable_mosaic.version = 14 : i64} {
  func.func @_sc_agg_body(%arg0: i32, %arg1: i32, %arg2: memref<20000x128xf32, #tpu.memory_space<hbm>>, %arg3: memref<2x16x210x96xi32, #tpu.memory_space<hbm>>, %arg4: memref<16x210x96xi32, #tpu.memory_space<hbm>>, %arg5: memref<2x10000x128xf32, #tpu.memory_space<hbm>>, %arg6: memref<96x128xf32, #tpu.memory_space<vmem>>, %arg7: memref<96x128xf32, #tpu.memory_space<vmem>>, %arg8: memref<96x128xf32, #tpu.memory_space<vmem>>, %arg9: memref<96xi32, #tpu.memory_space<vmem>>, %arg10: memref<96xi32, #tpu.memory_space<vmem>>, %arg11: memref<96xi32, #tpu.memory_space<vmem>>, %arg12: memref<96xi32, #tpu.memory_space<vmem>>, %arg13: memref<96xi32, #tpu.memory_space<vmem>>, %arg14: memref<96xi32, #tpu.memory_space<vmem>>, %arg15: memref<96xi32, #tpu.memory_space<vmem>>, %arg16: memref<96xi32, #tpu.memory_space<vmem>>, %arg17: memref<96xi32, #tpu.memory_space<vmem>>, %arg18: memref<96xi32, #tpu.memory_space<vmem>>, %arg19: memref<96xi32, #tpu.memory_space<vmem>>, %arg20: memref<96xi32, #tpu.memory_space<vmem>>, %arg21: memref<!tpu.dma_semaphore, #tpu.memory_space<semaphore_mem>>, %arg22: memref<!tpu.dma_semaphore, #tpu.memory_space<semaphore_mem>>, %arg23: memref<!tpu.dma_semaphore, #tpu.memory_space<semaphore_mem>>, %arg24: memref<!tpu.dma_semaphore, #tpu.memory_space<semaphore_mem>>, %arg25: memref<!tpu.dma_semaphore, #tpu.memory_space<semaphore_mem>>, %arg26: memref<!tpu.dma_semaphore, #tpu.memory_space<semaphore_mem>>, %arg27: memref<!tpu.dma_semaphore, #tpu.memory_space<semaphore_mem>>, %arg28: memref<!tpu.dma_semaphore, #tpu.memory_space<semaphore_mem>>, %arg29: memref<!tpu.dma_semaphore, #tpu.memory_space<semaphore_mem>>, %arg30: memref<!tpu.dma_semaphore, #tpu.memory_space<semaphore_mem>>, %arg31: memref<!tpu.dma_semaphore, #tpu.memory_space<semaphore_mem>>, %arg32: memref<!tpu.dma_semaphore, #tpu.memory_space<semaphore_mem>>, %arg33: memref<!tpu.dma_semaphore, #tpu.memory_space<semaphore_mem>>, %arg34: memref<!tpu.dma_semaphore, #tpu.memory_space<semaphore_mem>>, %arg35: memref<!tpu.dma_semaphore, #tpu.memory_space<semaphore_mem>>, %arg36: memref<10008x128xf32, #tpu.memory_space<vmem_shared>>) attributes {dimension_semantics = [#tpu.dimension_semantics<core_parallel>, #tpu.dimension_semantics<subcore_parallel>], iteration_bounds = array<i64: 2, 16>, scalar_prefetch = 0 : i64, scratch_operands = 31 : i64, tpu.core_type = #tpu.core_type<sc_vector_subcore>, window_params = [{transform_indices = #map}, {transform_indices = #map1}, {transform_indices = #map2}, {transform_indices = #map2}]} {
    %mul3A = arith.constant 624 : i32
    %mul3A_0 = arith.muli %arg1, %mul3A : i32
    %mul3A_1 = arith.constant 10000 : i32
    %mul3A_2 = arith.muli %arg0, %mul3A_1 : i32
    %add3A = arith.addi %mul3A_2, %mul3A_0 : i32
    "tpu.region"() ({
      %run_scoped3A = tpu.sem_alloc : memref<!tpu.dma_semaphore, #tpu.memory_space<semaphore_mem>>
      %dma_start3A_129 = arith.constant 0 : i32
      %dma_start3A_130 = tpu.memref_slice %arg36[%mul3A_0, %dma_start3A_129] : memref<10008x128xf32, #tpu.memory_space<vmem_shared>> -> memref<624x128xf32, #tpu.memory_space<vmem_shared>>
      %dma_start3A_131 = arith.constant 0 : i32
      %dma_start3A_132 = tpu.memref_slice %arg2[%add3A, %dma_start3A_131] : memref<20000x128xf32, #tpu.memory_space<hbm>> -> memref<624x128xf32, #tpu.memory_space<hbm>>
      tpu.enqueue_dma source(%dma_start3A_132 : memref<624x128xf32, #tpu.memory_space<hbm>>) target(%dma_start3A_130 : memref<624x128xf32, #tpu.memory_space<vmem_shared>>) target_semaphore(%run_scoped3A : memref<!tpu.dma_semaphore, #tpu.memory_space<semaphore_mem>>)
      %dma_wait3A_133 = arith.constant 0 : i32
      %dma_wait3A_134 = tpu.memref_slice %arg36[%mul3A_0, %dma_wait3A_133] : memref<10008x128xf32, #tpu.memory_space<vmem_shared>> -> memref<624x128xf32, #tpu.memory_space<vmem_shared>>
      %dma_wait3A_135 = arith.constant 0 : i32
      %dma_wait3A_136 = tpu.memref_slice %arg2[%add3A, %dma_wait3A_135] : memref<20000x128xf32, #tpu.memory_space<hbm>> -> memref<624x128xf32, #tpu.memory_space<hbm>>
      tpu.wait_dma2 semaphore(%run_scoped3A : memref<!tpu.dma_semaphore, #tpu.memory_space<semaphore_mem>>) src(%dma_wait3A_136 : memref<624x128xf32, #tpu.memory_space<hbm>>) dst(%dma_wait3A_134 : memref<624x128xf32, #tpu.memory_space<vmem_shared>>)
      tpu.yield
    }) : () -> ()
    %eq3A = arith.constant 0 : i32
    %eq3A_3 = arith.cmpi eq, %arg1, %eq3A : i32
    %convert_element_type3A = arith.extui %eq3A_3 : i1 to i32
    %cond3A = arith.constant 0 : i32
    %cond3A_4 = arith.cmpi ne, %convert_element_type3A, %cond3A : i32
    scf.if %cond3A_4 {
      %mul3A_129 = arith.constant 10000 : i32
      %mul3A_130 = arith.muli %arg0, %mul3A_129 : i32
      %add3A_131 = arith.constant 9984 : i32
      %add3A_132 = arith.addi %mul3A_130, %add3A_131 : i32
      "tpu.region"() ({
        %run_scoped3A = tpu.sem_alloc : memref<!tpu.dma_semaphore, #tpu.memory_space<semaphore_mem>>
        %dma_start3A_133 = arith.constant 9984 : i32
        %dma_start3A_134 = arith.constant 0 : i32
        %dma_start3A_135 = tpu.memref_slice %arg36[%dma_start3A_133, %dma_start3A_134] : memref<10008x128xf32, #tpu.memory_space<vmem_shared>> -> memref<16x128xf32, #tpu.memory_space<vmem_shared>>
        %dma_start3A_136 = arith.constant 0 : i32
        %dma_start3A_137 = tpu.memref_slice %arg2[%add3A_132, %dma_start3A_136] : memref<20000x128xf32, #tpu.memory_space<hbm>> -> memref<16x128xf32, #tpu.memory_space<hbm>>
        tpu.enqueue_dma source(%dma_start3A_137 : memref<16x128xf32, #tpu.memory_space<hbm>>) target(%dma_start3A_135 : memref<16x128xf32, #tpu.memory_space<vmem_shared>>) target_semaphore(%run_scoped3A : memref<!tpu.dma_semaphore, #tpu.memory_space<semaphore_mem>>)
        %dma_wait3A_138 = arith.constant 9984 : i32
        %dma_wait3A_139 = arith.constant 0 : i32
        %dma_wait3A_140 = tpu.memref_slice %arg36[%dma_wait3A_138, %dma_wait3A_139] : memref<10008x128xf32, #tpu.memory_space<vmem_shared>> -> memref<16x128xf32, #tpu.memory_space<vmem_shared>>
        %dma_wait3A_141 = arith.constant 0 : i32
        %dma_wait3A_142 = tpu.memref_slice %arg2[%add3A_132, %dma_wait3A_141] : memref<20000x128xf32, #tpu.memory_space<hbm>> -> memref<16x128xf32, #tpu.memory_space<hbm>>
        tpu.wait_dma2 semaphore(%run_scoped3A : memref<!tpu.dma_semaphore, #tpu.memory_space<semaphore_mem>>) src(%dma_wait3A_142 : memref<16x128xf32, #tpu.memory_space<hbm>>) dst(%dma_wait3A_140 : memref<16x128xf32, #tpu.memory_space<vmem_shared>>)
        tpu.yield
      }) : () -> ()
    } else {
    }
    %dma_start3A = arith.constant 0 : i32
    %dma_start3A_5 = arith.constant 0 : i32
    %dma_start3A_6 = tpu.memref_slice %arg3[%arg0, %arg1, %dma_start3A, %dma_start3A_5] : memref<2x16x210x96xi32, #tpu.memory_space<hbm>> -> memref<1x1x1x96xi32, #tpu.memory_space<hbm>>
    %dma_start3A_7 = tpu.memref_squeeze %dma_start3A_6 : memref<1x1x1x96xi32, #tpu.memory_space<hbm>> -> memref<96xi32, #tpu.memory_space<hbm>>
    %dma_start3A_8 = arith.constant 0 : i32
    %dma_start3A_9 = tpu.memref_slice %arg3[%arg0, %arg1, %dma_start3A, %dma_start3A_8] : memref<2x16x210x96xi32, #tpu.memory_space<hbm>> -> memref<1x1x1x96xi32, #tpu.memory_space<hbm>>
    %dma_start3A_10 = tpu.memref_squeeze %dma_start3A_9 : memref<1x1x1x96xi32, #tpu.memory_space<hbm>> -> memref<96xi32, #tpu.memory_space<hbm>>
    tpu.enqueue_dma source(%dma_start3A_10 : memref<96xi32, #tpu.memory_space<hbm>>) target(%arg9 : memref<96xi32, #tpu.memory_space<vmem>>) target_semaphore(%arg24 : memref<!tpu.dma_semaphore, #tpu.memory_space<semaphore_mem>>)
    %dma_start3A_11 = arith.constant 0 : i32
    %dma_start3A_12 = arith.constant 0 : i32
    %dma_start3A_13 = tpu.memref_slice %arg4[%arg1, %dma_start3A_11, %dma_start3A_12] : memref<16x210x96xi32, #tpu.memory_space<hbm>> -> memref<1x1x96xi32, #tpu.memory_space<hbm>>
    %dma_start3A_14 = tpu.memref_squeeze %dma_start3A_13 : memref<1x1x96xi32, #tpu.memory_space<hbm>> -> memref<96xi32, #tpu.memory_space<hbm>>
    %dma_start3A_15 = arith.constant 0 : i32
    %dma_start3A_16 = tpu.memref_slice %arg4[%arg1, %dma_start3A_11, %dma_start3A_15] : memref<16x210x96xi32, #tpu.memory_space<hbm>> -> memref<1x1x96xi32, #tpu.memory_space<hbm>>
    %dma_start3A_17 = tpu.memref_squeeze %dma_start3A_16 : memref<1x1x96xi32, #tpu.memory_space<hbm>> -> memref<96xi32, #tpu.memory_space<hbm>>
    tpu.enqueue_dma source(%dma_start3A_17 : memref<96xi32, #tpu.memory_space<hbm>>) target(%arg15 : memref<96xi32, #tpu.memory_space<vmem>>) target_semaphore(%arg30 : memref<!tpu.dma_semaphore, #tpu.memory_space<semaphore_mem>>)
    %dma_start3A_18 = arith.constant 1 : i32
    %dma_start3A_19 = arith.constant 0 : i32
    %dma_start3A_20 = tpu.memref_slice %arg3[%arg0, %arg1, %dma_start3A_18, %dma_start3A_19] : memref<2x16x210x96xi32, #tpu.memory_space<hbm>> -> memref<1x1x1x96xi32, #tpu.memory_space<hbm>>
    %dma_start3A_21 = tpu.memref_squeeze %dma_start3A_20 : memref<1x1x1x96xi32, #tpu.memory_space<hbm>> -> memref<96xi32, #tpu.memory_space<hbm>>
    %dma_start3A_22 = arith.constant 0 : i32
    %dma_start3A_23 = tpu.memref_slice %arg3[%arg0, %arg1, %dma_start3A_18, %dma_start3A_22] : memref<2x16x210x96xi32, #tpu.memory_space<hbm>> -> memref<1x1x1x96xi32, #tpu.memory_space<hbm>>
    %dma_start3A_24 = tpu.memref_squeeze %dma_start3A_23 : memref<1x1x1x96xi32, #tpu.memory_space<hbm>> -> memref<96xi32, #tpu.memory_space<hbm>>
    tpu.enqueue_dma source(%dma_start3A_24 : memref<96xi32, #tpu.memory_space<hbm>>) target(%arg10 : memref<96xi32, #tpu.memory_space<vmem>>) target_semaphore(%arg25 : memref<!tpu.dma_semaphore, #tpu.memory_space<semaphore_mem>>)
    %dma_start3A_25 = arith.constant 1 : i32
    %dma_start3A_26 = arith.constant 0 : i32
    %dma_start3A_27 = tpu.memref_slice %arg4[%arg1, %dma_start3A_25, %dma_start3A_26] : memref<16x210x96xi32, #tpu.memory_space<hbm>> -> memref<1x1x96xi32, #tpu.memory_space<hbm>>
    %dma_start3A_28 = tpu.memref_squeeze %dma_start3A_27 : memref<1x1x96xi32, #tpu.memory_space<hbm>> -> memref<96xi32, #tpu.memory_space<hbm>>
    %dma_start3A_29 = arith.constant 0 : i32
    %dma_start3A_30 = tpu.memref_slice %arg4[%arg1, %dma_start3A_25, %dma_start3A_29] : memref<16x210x96xi32, #tpu.memory_space<hbm>> -> memref<1x1x96xi32, #tpu.memory_space<hbm>>
    %dma_start3A_31 = tpu.memref_squeeze %dma_start3A_30 : memref<1x1x96xi32, #tpu.memory_space<hbm>> -> memref<96xi32, #tpu.memory_space<hbm>>
    tpu.enqueue_dma source(%dma_start3A_31 : memref<96xi32, #tpu.memory_space<hbm>>) target(%arg16 : memref<96xi32, #tpu.memory_space<vmem>>) target_semaphore(%arg31 : memref<!tpu.dma_semaphore, #tpu.memory_space<semaphore_mem>>)
    %dma_start3A_32 = arith.constant 2 : i32
    %dma_start3A_33 = arith.constant 0 : i32
    %dma_start3A_34 = tpu.memref_slice %arg3[%arg0, %arg1, %dma_start3A_32, %dma_start3A_33] : memref<2x16x210x96xi32, #tpu.memory_space<hbm>> -> memref<1x1x1x96xi32, #tpu.memory_space<hbm>>
    %dma_start3A_35 = tpu.memref_squeeze %dma_start3A_34 : memref<1x1x1x96xi32, #tpu.memory_space<hbm>> -> memref<96xi32, #tpu.memory_space<hbm>>
    %dma_start3A_36 = arith.constant 0 : i32
    %dma_start3A_37 = tpu.memref_slice %arg3[%arg0, %arg1, %dma_start3A_32, %dma_start3A_36] : memref<2x16x210x96xi32, #tpu.memory_space<hbm>> -> memref<1x1x1x96xi32, #tpu.memory_space<hbm>>
    %dma_start3A_38 = tpu.memref_squeeze %dma_start3A_37 : memref<1x1x1x96xi32, #tpu.memory_space<hbm>> -> memref<96xi32, #tpu.memory_space<hbm>>
    tpu.enqueue_dma source(%dma_start3A_38 : memref<96xi32, #tpu.memory_space<hbm>>) target(%arg11 : memref<96xi32, #tpu.memory_space<vmem>>) target_semaphore(%arg26 : memref<!tpu.dma_semaphore, #tpu.memory_space<semaphore_mem>>)
    %dma_start3A_39 = arith.constant 2 : i32
    %dma_start3A_40 = arith.constant 0 : i32
    %dma_start3A_41 = tpu.memref_slice %arg4[%arg1, %dma_start3A_39, %dma_start3A_40] : memref<16x210x96xi32, #tpu.memory_space<hbm>> -> memref<1x1x96xi32, #tpu.memory_space<hbm>>
    %dma_start3A_42 = tpu.memref_squeeze %dma_start3A_41 : memref<1x1x96xi32, #tpu.memory_space<hbm>> -> memref<96xi32, #tpu.memory_space<hbm>>
    %dma_start3A_43 = arith.constant 0 : i32
    %dma_start3A_44 = tpu.memref_slice %arg4[%arg1, %dma_start3A_39, %dma_start3A_43] : memref<16x210x96xi32, #tpu.memory_space<hbm>> -> memref<1x1x96xi32, #tpu.memory_space<hbm>>
    %dma_start3A_45 = tpu.memref_squeeze %dma_start3A_44 : memref<1x1x96xi32, #tpu.memory_space<hbm>> -> memref<96xi32, #tpu.memory_space<hbm>>
    tpu.enqueue_dma source(%dma_start3A_45 : memref<96xi32, #tpu.memory_space<hbm>>) target(%arg17 : memref<96xi32, #tpu.memory_space<vmem>>) target_semaphore(%arg32 : memref<!tpu.dma_semaphore, #tpu.memory_space<semaphore_mem>>)
    %dma_start3A_46 = arith.constant 3 : i32
    %dma_start3A_47 = arith.constant 0 : i32
    %dma_start3A_48 = tpu.memref_slice %arg3[%arg0, %arg1, %dma_start3A_46, %dma_start3A_47] : memref<2x16x210x96xi32, #tpu.memory_space<hbm>> -> memref<1x1x1x96xi32, #tpu.memory_space<hbm>>
    %dma_start3A_49 = tpu.memref_squeeze %dma_start3A_48 : memref<1x1x1x96xi32, #tpu.memory_space<hbm>> -> memref<96xi32, #tpu.memory_space<hbm>>
    %dma_start3A_50 = arith.constant 0 : i32
    %dma_start3A_51 = tpu.memref_slice %arg3[%arg0, %arg1, %dma_start3A_46, %dma_start3A_50] : memref<2x16x210x96xi32, #tpu.memory_space<hbm>> -> memref<1x1x1x96xi32, #tpu.memory_space<hbm>>
    %dma_start3A_52 = tpu.memref_squeeze %dma_start3A_51 : memref<1x1x1x96xi32, #tpu.memory_space<hbm>> -> memref<96xi32, #tpu.memory_space<hbm>>
    tpu.enqueue_dma source(%dma_start3A_52 : memref<96xi32, #tpu.memory_space<hbm>>) target(%arg12 : memref<96xi32, #tpu.memory_space<vmem>>) target_semaphore(%arg27 : memref<!tpu.dma_semaphore, #tpu.memory_space<semaphore_mem>>)
    %dma_start3A_53 = arith.constant 3 : i32
    %dma_start3A_54 = arith.constant 0 : i32
    %dma_start3A_55 = tpu.memref_slice %arg4[%arg1, %dma_start3A_53, %dma_start3A_54] : memref<16x210x96xi32, #tpu.memory_space<hbm>> -> memref<1x1x96xi32, #tpu.memory_space<hbm>>
    %dma_start3A_56 = tpu.memref_squeeze %dma_start3A_55 : memref<1x1x96xi32, #tpu.memory_space<hbm>> -> memref<96xi32, #tpu.memory_space<hbm>>
    %dma_start3A_57 = arith.constant 0 : i32
    %dma_start3A_58 = tpu.memref_slice %arg4[%arg1, %dma_start3A_53, %dma_start3A_57] : memref<16x210x96xi32, #tpu.memory_space<hbm>> -> memref<1x1x96xi32, #tpu.memory_space<hbm>>
    %dma_start3A_59 = tpu.memref_squeeze %dma_start3A_58 : memref<1x1x96xi32, #tpu.memory_space<hbm>> -> memref<96xi32, #tpu.memory_space<hbm>>
    tpu.enqueue_dma source(%dma_start3A_59 : memref<96xi32, #tpu.memory_space<hbm>>) target(%arg18 : memref<96xi32, #tpu.memory_space<vmem>>) target_semaphore(%arg33 : memref<!tpu.dma_semaphore, #tpu.memory_space<semaphore_mem>>)
    %dma_start3A_60 = arith.constant 4 : i32
    %dma_start3A_61 = arith.constant 0 : i32
    %dma_start3A_62 = tpu.memref_slice %arg3[%arg0, %arg1, %dma_start3A_60, %dma_start3A_61] : memref<2x16x210x96xi32, #tpu.memory_space<hbm>> -> memref<1x1x1x96xi32, #tpu.memory_space<hbm>>
    %dma_start3A_63 = tpu.memref_squeeze %dma_start3A_62 : memref<1x1x1x96xi32, #tpu.memory_space<hbm>> -> memref<96xi32, #tpu.memory_space<hbm>>
    %dma_start3A_64 = arith.constant 0 : i32
    %dma_start3A_65 = tpu.memref_slice %arg3[%arg0, %arg1, %dma_start3A_60, %dma_start3A_64] : memref<2x16x210x96xi32, #tpu.memory_space<hbm>> -> memref<1x1x1x96xi32, #tpu.memory_space<hbm>>
    %dma_start3A_66 = tpu.memref_squeeze %dma_start3A_65 : memref<1x1x1x96xi32, #tpu.memory_space<hbm>> -> memref<96xi32, #tpu.memory_space<hbm>>
    tpu.enqueue_dma source(%dma_start3A_66 : memref<96xi32, #tpu.memory_space<hbm>>) target(%arg13 : memref<96xi32, #tpu.memory_space<vmem>>) target_semaphore(%arg28 : memref<!tpu.dma_semaphore, #tpu.memory_space<semaphore_mem>>)
    %dma_start3A_67 = arith.constant 4 : i32
    %dma_start3A_68 = arith.constant 0 : i32
    %dma_start3A_69 = tpu.memref_slice %arg4[%arg1, %dma_start3A_67, %dma_start3A_68] : memref<16x210x96xi32, #tpu.memory_space<hbm>> -> memref<1x1x96xi32, #tpu.memory_space<hbm>>
    %dma_start3A_70 = tpu.memref_squeeze %dma_start3A_69 : memref<1x1x96xi32, #tpu.memory_space<hbm>> -> memref<96xi32, #tpu.memory_space<hbm>>
    %dma_start3A_71 = arith.constant 0 : i32
    %dma_start3A_72 = tpu.memref_slice %arg4[%arg1, %dma_start3A_67, %dma_start3A_71] : memref<16x210x96xi32, #tpu.memory_space<hbm>> -> memref<1x1x96xi32, #tpu.memory_space<hbm>>
    %dma_start3A_73 = tpu.memref_squeeze %dma_start3A_72 : memref<1x1x96xi32, #tpu.memory_space<hbm>> -> memref<96xi32, #tpu.memory_space<hbm>>
    tpu.enqueue_dma source(%dma_start3A_73 : memref<96xi32, #tpu.memory_space<hbm>>) target(%arg19 : memref<96xi32, #tpu.memory_space<vmem>>) target_semaphore(%arg34 : memref<!tpu.dma_semaphore, #tpu.memory_space<semaphore_mem>>)
    %dma_start3A_74 = arith.constant 5 : i32
    %dma_start3A_75 = arith.constant 0 : i32
    %dma_start3A_76 = tpu.memref_slice %arg3[%arg0, %arg1, %dma_start3A_74, %dma_start3A_75] : memref<2x16x210x96xi32, #tpu.memory_space<hbm>> -> memref<1x1x1x96xi32, #tpu.memory_space<hbm>>
    %dma_start3A_77 = tpu.memref_squeeze %dma_start3A_76 : memref<1x1x1x96xi32, #tpu.memory_space<hbm>> -> memref<96xi32, #tpu.memory_space<hbm>>
    %dma_start3A_78 = arith.constant 0 : i32
    %dma_start3A_79 = tpu.memref_slice %arg3[%arg0, %arg1, %dma_start3A_74, %dma_start3A_78] : memref<2x16x210x96xi32, #tpu.memory_space<hbm>> -> memref<1x1x1x96xi32, #tpu.memory_space<hbm>>
    %dma_start3A_80 = tpu.memref_squeeze %dma_start3A_79 : memref<1x1x1x96xi32, #tpu.memory_space<hbm>> -> memref<96xi32, #tpu.memory_space<hbm>>
    tpu.enqueue_dma source(%dma_start3A_80 : memref<96xi32, #tpu.memory_space<hbm>>) target(%arg14 : memref<96xi32, #tpu.memory_space<vmem>>) target_semaphore(%arg29 : memref<!tpu.dma_semaphore, #tpu.memory_space<semaphore_mem>>)
    %dma_start3A_81 = arith.constant 5 : i32
    %dma_start3A_82 = arith.constant 0 : i32
    %dma_start3A_83 = tpu.memref_slice %arg4[%arg1, %dma_start3A_81, %dma_start3A_82] : memref<16x210x96xi32, #tpu.memory_space<hbm>> -> memref<1x1x96xi32, #tpu.memory_space<hbm>>
    %dma_start3A_84 = tpu.memref_squeeze %dma_start3A_83 : memref<1x1x96xi32, #tpu.memory_space<hbm>> -> memref<96xi32, #tpu.memory_space<hbm>>
    %dma_start3A_85 = arith.constant 0 : i32
    %dma_start3A_86 = tpu.memref_slice %arg4[%arg1, %dma_start3A_81, %dma_start3A_85] : memref<16x210x96xi32, #tpu.memory_space<hbm>> -> memref<1x1x96xi32, #tpu.memory_space<hbm>>
    %dma_start3A_87 = tpu.memref_squeeze %dma_start3A_86 : memref<1x1x96xi32, #tpu.memory_space<hbm>> -> memref<96xi32, #tpu.memory_space<hbm>>
    tpu.enqueue_dma source(%dma_start3A_87 : memref<96xi32, #tpu.memory_space<hbm>>) target(%arg20 : memref<96xi32, #tpu.memory_space<vmem>>) target_semaphore(%arg35 : memref<!tpu.dma_semaphore, #tpu.memory_space<semaphore_mem>>)
    %dma_wait3A = arith.constant 0 : i32
    %dma_wait3A_88 = arith.constant 0 : i32
    %dma_wait3A_89 = tpu.memref_slice %arg3[%arg0, %arg1, %dma_wait3A, %dma_wait3A_88] : memref<2x16x210x96xi32, #tpu.memory_space<hbm>> -> memref<1x1x1x96xi32, #tpu.memory_space<hbm>>
    %dma_wait3A_90 = tpu.memref_squeeze %dma_wait3A_89 : memref<1x1x1x96xi32, #tpu.memory_space<hbm>> -> memref<96xi32, #tpu.memory_space<hbm>>
    %dma_wait3A_91 = arith.constant 0 : i32
    %dma_wait3A_92 = tpu.memref_slice %arg3[%arg0, %arg1, %dma_wait3A, %dma_wait3A_91] : memref<2x16x210x96xi32, #tpu.memory_space<hbm>> -> memref<1x1x1x96xi32, #tpu.memory_space<hbm>>
    %dma_wait3A_93 = tpu.memref_squeeze %dma_wait3A_92 : memref<1x1x1x96xi32, #tpu.memory_space<hbm>> -> memref<96xi32, #tpu.memory_space<hbm>>
    tpu.wait_dma2 semaphore(%arg24 : memref<!tpu.dma_semaphore, #tpu.memory_space<semaphore_mem>>) src(%dma_wait3A_93 : memref<96xi32, #tpu.memory_space<hbm>>) dst(%arg9 : memref<96xi32, #tpu.memory_space<vmem>>)
    %dma_start3A_94 = arith.constant 0 : i32
    %dma_start3A_95 = arith.constant 0 : i32
    %dma_start3A_96 = tpu.memref_slice %arg2[%dma_start3A_94, %dma_start3A_95] : memref<20000x128xf32, #tpu.memory_space<hbm>> -> memref<20000x128xf32, #tpu.memory_space<hbm>>
    tpu.enqueue_indirect_dma source(%dma_start3A_96 : memref<20000x128xf32, #tpu.memory_space<hbm>>) target(%arg6 : memref<96x128xf32, #tpu.memory_space<vmem>>) offsets(%arg9 : memref<96xi32, #tpu.memory_space<vmem>>) semaphore(%arg21 : memref<!tpu.dma_semaphore, #tpu.memory_space<semaphore_mem>>)
    %dma_wait3A_97 = arith.constant 1 : i32
    %dma_wait3A_98 = arith.constant 0 : i32
    %dma_wait3A_99 = tpu.memref_slice %arg3[%arg0, %arg1, %dma_wait3A_97, %dma_wait3A_98] : memref<2x16x210x96xi32, #tpu.memory_space<hbm>> -> memref<1x1x1x96xi32, #tpu.memory_space<hbm>>
    %dma_wait3A_100 = tpu.memref_squeeze %dma_wait3A_99 : memref<1x1x1x96xi32, #tpu.memory_space<hbm>> -> memref<96xi32, #tpu.memory_space<hbm>>
    %dma_wait3A_101 = arith.constant 0 : i32
    %dma_wait3A_102 = tpu.memref_slice %arg3[%arg0, %arg1, %dma_wait3A_97, %dma_wait3A_101] : memref<2x16x210x96xi32, #tpu.memory_space<hbm>> -> memref<1x1x1x96xi32, #tpu.memory_space<hbm>>
    %dma_wait3A_103 = tpu.memref_squeeze %dma_wait3A_102 : memref<1x1x1x96xi32, #tpu.memory_space<hbm>> -> memref<96xi32, #tpu.memory_space<hbm>>
    tpu.wait_dma2 semaphore(%arg25 : memref<!tpu.dma_semaphore, #tpu.memory_space<semaphore_mem>>) src(%dma_wait3A_103 : memref<96xi32, #tpu.memory_space<hbm>>) dst(%arg10 : memref<96xi32, #tpu.memory_space<vmem>>)
    %dma_start3A_104 = arith.constant 0 : i32
    %dma_start3A_105 = arith.constant 0 : i32
    %dma_start3A_106 = tpu.memref_slice %arg2[%dma_start3A_104, %dma_start3A_105] : memref<20000x128xf32, #tpu.memory_space<hbm>> -> memref<20000x128xf32, #tpu.memory_space<hbm>>
    tpu.enqueue_indirect_dma source(%dma_start3A_106 : memref<20000x128xf32, #tpu.memory_space<hbm>>) target(%arg7 : memref<96x128xf32, #tpu.memory_space<vmem>>) offsets(%arg10 : memref<96xi32, #tpu.memory_space<vmem>>) semaphore(%arg22 : memref<!tpu.dma_semaphore, #tpu.memory_space<semaphore_mem>>)
    %dma_wait3A_107 = arith.constant 2 : i32
    %dma_wait3A_108 = arith.constant 0 : i32
    %dma_wait3A_109 = tpu.memref_slice %arg3[%arg0, %arg1, %dma_wait3A_107, %dma_wait3A_108] : memref<2x16x210x96xi32, #tpu.memory_space<hbm>> -> memref<1x1x1x96xi32, #tpu.memory_space<hbm>>
    %dma_wait3A_110 = tpu.memref_squeeze %dma_wait3A_109 : memref<1x1x1x96xi32, #tpu.memory_space<hbm>> -> memref<96xi32, #tpu.memory_space<hbm>>
    %dma_wait3A_111 = arith.constant 0 : i32
    %dma_wait3A_112 = tpu.memref_slice %arg3[%arg0, %arg1, %dma_wait3A_107, %dma_wait3A_111] : memref<2x16x210x96xi32, #tpu.memory_space<hbm>> -> memref<1x1x1x96xi32, #tpu.memory_space<hbm>>
    %dma_wait3A_113 = tpu.memref_squeeze %dma_wait3A_112 : memref<1x1x1x96xi32, #tpu.memory_space<hbm>> -> memref<96xi32, #tpu.memory_space<hbm>>
    tpu.wait_dma2 semaphore(%arg26 : memref<!tpu.dma_semaphore, #tpu.memory_space<semaphore_mem>>) src(%dma_wait3A_113 : memref<96xi32, #tpu.memory_space<hbm>>) dst(%arg11 : memref<96xi32, #tpu.memory_space<vmem>>)
    %dma_start3A_114 = arith.constant 0 : i32
    %dma_start3A_115 = arith.constant 0 : i32
    %dma_start3A_116 = tpu.memref_slice %arg2[%dma_start3A_114, %dma_start3A_115] : memref<20000x128xf32, #tpu.memory_space<hbm>> -> memref<20000x128xf32, #tpu.memory_space<hbm>>
    tpu.enqueue_indirect_dma source(%dma_start3A_116 : memref<20000x128xf32, #tpu.memory_space<hbm>>) target(%arg8 : memref<96x128xf32, #tpu.memory_space<vmem>>) offsets(%arg11 : memref<96xi32, #tpu.memory_space<vmem>>) semaphore(%arg23 : memref<!tpu.dma_semaphore, #tpu.memory_space<semaphore_mem>>)
    %barrier3A = arith.constant 0 : index
    tpu.barrier barrier_id(%barrier3A)
    %scan3A = arith.constant 0 : i32
    %scan3A_117 = arith.constant 0 : i32
    %scan3A_118 = arith.constant 35 : i32
    %scan3A_119 = arith.addi %scan3A_117, %scan3A_118 : i32
    %scan3A_120 = arith.constant 1 : i32
    %scan3A_121 = scf.for %scan3A_129 = %scan3A_117 to %scan3A_119 step %scan3A_120 iter_args(%scan3A_130 = %scan3A) -> (i32)  : i32 {
      %mul3A_131 = arith.constant 6 : i32
      %mul3A_132 = arith.muli %scan3A_129, %mul3A_131 : i32
      %add3A_133 = arith.constant 0 : i32
      %add3A_134 = arith.addi %mul3A_132, %add3A_133 : i32
      %dma_wait3A_135 = arith.constant 0 : i32
      %dma_wait3A_136 = arith.constant 0 : i32
      %dma_wait3A_137 = tpu.memref_slice %arg2[%dma_wait3A_135, %dma_wait3A_136] : memref<20000x128xf32, #tpu.memory_space<hbm>> -> memref<20000x128xf32, #tpu.memory_space<hbm>>
      tpu.wait_indirect_dma semaphore(%arg21 : memref<!tpu.dma_semaphore, #tpu.memory_space<semaphore_mem>>) src(%dma_wait3A_137 : memref<20000x128xf32, #tpu.memory_space<hbm>>) dst(%arg6 : memref<96x128xf32, #tpu.memory_space<vmem>>)
      %dma_wait3A_138 = arith.constant 0 : i32
      %dma_wait3A_139 = tpu.memref_slice %arg4[%arg1, %add3A_134, %dma_wait3A_138] : memref<16x210x96xi32, #tpu.memory_space<hbm>> -> memref<1x1x96xi32, #tpu.memory_space<hbm>>
      %dma_wait3A_140 = tpu.memref_squeeze %dma_wait3A_139 : memref<1x1x96xi32, #tpu.memory_space<hbm>> -> memref<96xi32, #tpu.memory_space<hbm>>
      %dma_wait3A_141 = arith.constant 0 : i32
      %dma_wait3A_142 = tpu.memref_slice %arg4[%arg1, %add3A_134, %dma_wait3A_141] : memref<16x210x96xi32, #tpu.memory_space<hbm>> -> memref<1x1x96xi32, #tpu.memory_space<hbm>>
      %dma_wait3A_143 = tpu.memref_squeeze %dma_wait3A_142 : memref<1x1x96xi32, #tpu.memory_space<hbm>> -> memref<96xi32, #tpu.memory_space<hbm>>
      tpu.wait_dma2 semaphore(%arg30 : memref<!tpu.dma_semaphore, #tpu.memory_space<semaphore_mem>>) src(%dma_wait3A_143 : memref<96xi32, #tpu.memory_space<hbm>>) dst(%arg15 : memref<96xi32, #tpu.memory_space<vmem>>)
      "tpu.region"() ({
        %run_scoped3A = tpu.sem_alloc : memref<!tpu.dma_semaphore, #tpu.memory_space<semaphore_mem>>
        %dma_start3A_293 = arith.constant 0 : i32
        %dma_start3A_294 = arith.constant 0 : i32
        %dma_start3A_295 = tpu.memref_slice %arg36[%dma_start3A_293, %dma_start3A_294] : memref<10008x128xf32, #tpu.memory_space<vmem_shared>> -> memref<10008x128xf32, #tpu.memory_space<vmem_shared>>
        tpu.enqueue_indirect_dma source(%arg6 : memref<96x128xf32, #tpu.memory_space<vmem>>) target(%dma_start3A_295 : memref<10008x128xf32, #tpu.memory_space<vmem_shared>>) offsets(%arg15 : memref<96xi32, #tpu.memory_space<vmem>>) semaphore(%run_scoped3A : memref<!tpu.dma_semaphore, #tpu.memory_space<semaphore_mem>>) {add = true}
        %dma_wait3A_296 = arith.constant 0 : i32
        %dma_wait3A_297 = arith.constant 0 : i32
        %dma_wait3A_298 = tpu.memref_slice %arg36[%dma_wait3A_296, %dma_wait3A_297] : memref<10008x128xf32, #tpu.memory_space<vmem_shared>> -> memref<10008x128xf32, #tpu.memory_space<vmem_shared>>
        tpu.wait_indirect_dma semaphore(%run_scoped3A : memref<!tpu.dma_semaphore, #tpu.memory_space<semaphore_mem>>) src(%arg6 : memref<96x128xf32, #tpu.memory_space<vmem>>) dst(%dma_wait3A_298 : memref<10008x128xf32, #tpu.memory_space<vmem_shared>>)
        tpu.yield
      }) : () -> ()
      %add3A_144 = arith.constant 3 : i32
      %add3A_145 = arith.addi %add3A_134, %add3A_144 : i32
      %lt3A = arith.constant 210 : i32
      %lt3A_146 = arith.cmpi slt, %add3A_145, %lt3A : i32
      %convert_element_type3A_147 = arith.extui %lt3A_146 : i1 to i32
      %cond3A_148 = arith.constant 0 : i32
      %cond3A_149 = arith.cmpi ne, %convert_element_type3A_147, %cond3A_148 : i32
      scf.if %cond3A_149 {
        %add3A_293 = arith.constant 3 : i32
        %add3A_294 = arith.addi %add3A_134, %add3A_293 : i32
        %dma_wait3A_295 = arith.constant 0 : i32
        %dma_wait3A_296 = tpu.memref_slice %arg3[%arg0, %arg1, %add3A_294, %dma_wait3A_295] : memref<2x16x210x96xi32, #tpu.memory_space<hbm>> -> memref<1x1x1x96xi32, #tpu.memory_space<hbm>>
        %dma_wait3A_297 = tpu.memref_squeeze %dma_wait3A_296 : memref<1x1x1x96xi32, #tpu.memory_space<hbm>> -> memref<96xi32, #tpu.memory_space<hbm>>
        %dma_wait3A_298 = arith.constant 0 : i32
        %dma_wait3A_299 = tpu.memref_slice %arg3[%arg0, %arg1, %add3A_294, %dma_wait3A_298] : memref<2x16x210x96xi32, #tpu.memory_space<hbm>> -> memref<1x1x1x96xi32, #tpu.memory_space<hbm>>
        %dma_wait3A_300 = tpu.memref_squeeze %dma_wait3A_299 : memref<1x1x1x96xi32, #tpu.memory_space<hbm>> -> memref<96xi32, #tpu.memory_space<hbm>>
        tpu.wait_dma2 semaphore(%arg27 : memref<!tpu.dma_semaphore, #tpu.memory_space<semaphore_mem>>) src(%dma_wait3A_300 : memref<96xi32, #tpu.memory_space<hbm>>) dst(%arg12 : memref<96xi32, #tpu.memory_space<vmem>>)
        %dma_start3A_301 = arith.constant 0 : i32
        %dma_start3A_302 = arith.constant 0 : i32
        %dma_start3A_303 = tpu.memref_slice %arg2[%dma_start3A_301, %dma_start3A_302] : memref<20000x128xf32, #tpu.memory_space<hbm>> -> memref<20000x128xf32, #tpu.memory_space<hbm>>
        tpu.enqueue_indirect_dma source(%dma_start3A_303 : memref<20000x128xf32, #tpu.memory_space<hbm>>) target(%arg6 : memref<96x128xf32, #tpu.memory_space<vmem>>) offsets(%arg12 : memref<96xi32, #tpu.memory_space<vmem>>) semaphore(%arg21 : memref<!tpu.dma_semaphore, #tpu.memory_space<semaphore_mem>>)
      } else {
      }
      %add3A_150 = arith.constant 6 : i32
      %add3A_151 = arith.addi %add3A_134, %add3A_150 : i32
      %lt3A_152 = arith.constant 210 : i32
      %lt3A_153 = arith.cmpi slt, %add3A_151, %lt3A_152 : i32
      %convert_element_type3A_154 = arith.extui %lt3A_153 : i1 to i32
      %cond3A_155 = arith.constant 0 : i32
      %cond3A_156 = arith.cmpi ne, %convert_element_type3A_154, %cond3A_155 : i32
      scf.if %cond3A_156 {
        %add3A_293 = arith.constant 6 : i32
        %add3A_294 = arith.addi %add3A_134, %add3A_293 : i32
        %dma_start3A_295 = arith.constant 0 : i32
        %dma_start3A_296 = tpu.memref_slice %arg3[%arg0, %arg1, %add3A_294, %dma_start3A_295] : memref<2x16x210x96xi32, #tpu.memory_space<hbm>> -> memref<1x1x1x96xi32, #tpu.memory_space<hbm>>
        %dma_start3A_297 = tpu.memref_squeeze %dma_start3A_296 : memref<1x1x1x96xi32, #tpu.memory_space<hbm>> -> memref<96xi32, #tpu.memory_space<hbm>>
        %dma_start3A_298 = arith.constant 0 : i32
        %dma_start3A_299 = tpu.memref_slice %arg3[%arg0, %arg1, %add3A_294, %dma_start3A_298] : memref<2x16x210x96xi32, #tpu.memory_space<hbm>> -> memref<1x1x1x96xi32, #tpu.memory_space<hbm>>
        %dma_start3A_300 = tpu.memref_squeeze %dma_start3A_299 : memref<1x1x1x96xi32, #tpu.memory_space<hbm>> -> memref<96xi32, #tpu.memory_space<hbm>>
        tpu.enqueue_dma source(%dma_start3A_300 : memref<96xi32, #tpu.memory_space<hbm>>) target(%arg9 : memref<96xi32, #tpu.memory_space<vmem>>) target_semaphore(%arg24 : memref<!tpu.dma_semaphore, #tpu.memory_space<semaphore_mem>>)
        %add3A_301 = arith.constant 6 : i32
        %add3A_302 = arith.addi %add3A_134, %add3A_301 : i32
        %dma_start3A_303 = arith.constant 0 : i32
        %dma_start3A_304 = tpu.memref_slice %arg4[%arg1, %add3A_302, %dma_start3A_303] : memref<16x210x96xi32, #tpu.memory_space<hbm>> -> memref<1x1x96xi32, #tpu.memory_space<hbm>>
        %dma_start3A_305 = tpu.memref_squeeze %dma_start3A_304 : memref<1x1x96xi32, #tpu.memory_space<hbm>> -> memref<96xi32, #tpu.memory_space<hbm>>
        %dma_start3A_306 = arith.constant 0 : i32
        %dma_start3A_307 = tpu.memref_slice %arg4[%arg1, %add3A_302, %dma_start3A_306] : memref<16x210x96xi32, #tpu.memory_space<hbm>> -> memref<1x1x96xi32, #tpu.memory_space<hbm>>
        %dma_start3A_308 = tpu.memref_squeeze %dma_start3A_307 : memref<1x1x96xi32, #tpu.memory_space<hbm>> -> memref<96xi32, #tpu.memory_space<hbm>>
        tpu.enqueue_dma source(%dma_start3A_308 : memref<96xi32, #tpu.memory_space<hbm>>) target(%arg15 : memref<96xi32, #tpu.memory_space<vmem>>) target_semaphore(%arg30 : memref<!tpu.dma_semaphore, #tpu.memory_space<semaphore_mem>>)
      } else {
      }
      %mul3A_157 = arith.constant 6 : i32
      %mul3A_158 = arith.muli %scan3A_129, %mul3A_157 : i32
      %add3A_159 = arith.constant 1 : i32
      %add3A_160 = arith.addi %mul3A_158, %add3A_159 : i32
      %dma_wait3A_161 = arith.constant 0 : i32
      %dma_wait3A_162 = arith.constant 0 : i32
      %dma_wait3A_163 = tpu.memref_slice %arg2[%dma_wait3A_161, %dma_wait3A_162] : memref<20000x128xf32, #tpu.memory_space<hbm>> -> memref<20000x128xf32, #tpu.memory_space<hbm>>
      tpu.wait_indirect_dma semaphore(%arg22 : memref<!tpu.dma_semaphore, #tpu.memory_space<semaphore_mem>>) src(%dma_wait3A_163 : memref<20000x128xf32, #tpu.memory_space<hbm>>) dst(%arg7 : memref<96x128xf32, #tpu.memory_space<vmem>>)
      %dma_wait3A_164 = arith.constant 0 : i32
      %dma_wait3A_165 = tpu.memref_slice %arg4[%arg1, %add3A_160, %dma_wait3A_164] : memref<16x210x96xi32, #tpu.memory_space<hbm>> -> memref<1x1x96xi32, #tpu.memory_space<hbm>>
      %dma_wait3A_166 = tpu.memref_squeeze %dma_wait3A_165 : memref<1x1x96xi32, #tpu.memory_space<hbm>> -> memref<96xi32, #tpu.memory_space<hbm>>
      %dma_wait3A_167 = arith.constant 0 : i32
      %dma_wait3A_168 = tpu.memref_slice %arg4[%arg1, %add3A_160, %dma_wait3A_167] : memref<16x210x96xi32, #tpu.memory_space<hbm>> -> memref<1x1x96xi32, #tpu.memory_space<hbm>>
      %dma_wait3A_169 = tpu.memref_squeeze %dma_wait3A_168 : memref<1x1x96xi32, #tpu.memory_space<hbm>> -> memref<96xi32, #tpu.memory_space<hbm>>
      tpu.wait_dma2 semaphore(%arg31 : memref<!tpu.dma_semaphore, #tpu.memory_space<semaphore_mem>>) src(%dma_wait3A_169 : memref<96xi32, #tpu.memory_space<hbm>>) dst(%arg16 : memref<96xi32, #tpu.memory_space<vmem>>)
      "tpu.region"() ({
        %run_scoped3A = tpu.sem_alloc : memref<!tpu.dma_semaphore, #tpu.memory_space<semaphore_mem>>
        %dma_start3A_293 = arith.constant 0 : i32
        %dma_start3A_294 = arith.constant 0 : i32
        %dma_start3A_295 = tpu.memref_slice %arg36[%dma_start3A_293, %dma_start3A_294] : memref<10008x128xf32, #tpu.memory_space<vmem_shared>> -> memref<10008x128xf32, #tpu.memory_space<vmem_shared>>
        tpu.enqueue_indirect_dma source(%arg7 : memref<96x128xf32, #tpu.memory_space<vmem>>) target(%dma_start3A_295 : memref<10008x128xf32, #tpu.memory_space<vmem_shared>>) offsets(%arg16 : memref<96xi32, #tpu.memory_space<vmem>>) semaphore(%run_scoped3A : memref<!tpu.dma_semaphore, #tpu.memory_space<semaphore_mem>>) {add = true}
        %dma_wait3A_296 = arith.constant 0 : i32
        %dma_wait3A_297 = arith.constant 0 : i32
        %dma_wait3A_298 = tpu.memref_slice %arg36[%dma_wait3A_296, %dma_wait3A_297] : memref<10008x128xf32, #tpu.memory_space<vmem_shared>> -> memref<10008x128xf32, #tpu.memory_space<vmem_shared>>
        tpu.wait_indirect_dma semaphore(%run_scoped3A : memref<!tpu.dma_semaphore, #tpu.memory_space<semaphore_mem>>) src(%arg7 : memref<96x128xf32, #tpu.memory_space<vmem>>) dst(%dma_wait3A_298 : memref<10008x128xf32, #tpu.memory_space<vmem_shared>>)
        tpu.yield
      }) : () -> ()
      %add3A_170 = arith.constant 3 : i32
      %add3A_171 = arith.addi %add3A_160, %add3A_170 : i32
      %lt3A_172 = arith.constant 210 : i32
      %lt3A_173 = arith.cmpi slt, %add3A_171, %lt3A_172 : i32
      %convert_element_type3A_174 = arith.extui %lt3A_173 : i1 to i32
      %cond3A_175 = arith.constant 0 : i32
      %cond3A_176 = arith.cmpi ne, %convert_element_type3A_174, %cond3A_175 : i32
      scf.if %cond3A_176 {
        %add3A_293 = arith.constant 3 : i32
        %add3A_294 = arith.addi %add3A_160, %add3A_293 : i32
        %dma_wait3A_295 = arith.constant 0 : i32
        %dma_wait3A_296 = tpu.memref_slice %arg3[%arg0, %arg1, %add3A_294, %dma_wait3A_295] : memref<2x16x210x96xi32, #tpu.memory_space<hbm>> -> memref<1x1x1x96xi32, #tpu.memory_space<hbm>>
        %dma_wait3A_297 = tpu.memref_squeeze %dma_wait3A_296 : memref<1x1x1x96xi32, #tpu.memory_space<hbm>> -> memref<96xi32, #tpu.memory_space<hbm>>
        %dma_wait3A_298 = arith.constant 0 : i32
        %dma_wait3A_299 = tpu.memref_slice %arg3[%arg0, %arg1, %add3A_294, %dma_wait3A_298] : memref<2x16x210x96xi32, #tpu.memory_space<hbm>> -> memref<1x1x1x96xi32, #tpu.memory_space<hbm>>
        %dma_wait3A_300 = tpu.memref_squeeze %dma_wait3A_299 : memref<1x1x1x96xi32, #tpu.memory_space<hbm>> -> memref<96xi32, #tpu.memory_space<hbm>>
        tpu.wait_dma2 semaphore(%arg28 : memref<!tpu.dma_semaphore, #tpu.memory_space<semaphore_mem>>) src(%dma_wait3A_300 : memref<96xi32, #tpu.memory_space<hbm>>) dst(%arg13 : memref<96xi32, #tpu.memory_space<vmem>>)
        %dma_start3A_301 = arith.constant 0 : i32
        %dma_start3A_302 = arith.constant 0 : i32
        %dma_start3A_303 = tpu.memref_slice %arg2[%dma_start3A_301, %dma_start3A_302] : memref<20000x128xf32, #tpu.memory_space<hbm>> -> memref<20000x128xf32, #tpu.memory_space<hbm>>
        tpu.enqueue_indirect_dma source(%dma_start3A_303 : memref<20000x128xf32, #tpu.memory_space<hbm>>) target(%arg7 : memref<96x128xf32, #tpu.memory_space<vmem>>) offsets(%arg13 : memref<96xi32, #tpu.memory_space<vmem>>) semaphore(%arg22 : memref<!tpu.dma_semaphore, #tpu.memory_space<semaphore_mem>>)
      } else {
      }
      %add3A_177 = arith.constant 6 : i32
      %add3A_178 = arith.addi %add3A_160, %add3A_177 : i32
      %lt3A_179 = arith.constant 210 : i32
      %lt3A_180 = arith.cmpi slt, %add3A_178, %lt3A_179 : i32
      %convert_element_type3A_181 = arith.extui %lt3A_180 : i1 to i32
      %cond3A_182 = arith.constant 0 : i32
      %cond3A_183 = arith.cmpi ne, %convert_element_type3A_181, %cond3A_182 : i32
      scf.if %cond3A_183 {
        %add3A_293 = arith.constant 6 : i32
        %add3A_294 = arith.addi %add3A_160, %add3A_293 : i32
        %dma_start3A_295 = arith.constant 0 : i32
        %dma_start3A_296 = tpu.memref_slice %arg3[%arg0, %arg1, %add3A_294, %dma_start3A_295] : memref<2x16x210x96xi32, #tpu.memory_space<hbm>> -> memref<1x1x1x96xi32, #tpu.memory_space<hbm>>
        %dma_start3A_297 = tpu.memref_squeeze %dma_start3A_296 : memref<1x1x1x96xi32, #tpu.memory_space<hbm>> -> memref<96xi32, #tpu.memory_space<hbm>>
        %dma_start3A_298 = arith.constant 0 : i32
        %dma_start3A_299 = tpu.memref_slice %arg3[%arg0, %arg1, %add3A_294, %dma_start3A_298] : memref<2x16x210x96xi32, #tpu.memory_space<hbm>> -> memref<1x1x1x96xi32, #tpu.memory_space<hbm>>
        %dma_start3A_300 = tpu.memref_squeeze %dma_start3A_299 : memref<1x1x1x96xi32, #tpu.memory_space<hbm>> -> memref<96xi32, #tpu.memory_space<hbm>>
        tpu.enqueue_dma source(%dma_start3A_300 : memref<96xi32, #tpu.memory_space<hbm>>) target(%arg10 : memref<96xi32, #tpu.memory_space<vmem>>) target_semaphore(%arg25 : memref<!tpu.dma_semaphore, #tpu.memory_space<semaphore_mem>>)
        %add3A_301 = arith.constant 6 : i32
        %add3A_302 = arith.addi %add3A_160, %add3A_301 : i32
        %dma_start3A_303 = arith.constant 0 : i32
        %dma_start3A_304 = tpu.memref_slice %arg4[%arg1, %add3A_302, %dma_start3A_303] : memref<16x210x96xi32, #tpu.memory_space<hbm>> -> memref<1x1x96xi32, #tpu.memory_space<hbm>>
        %dma_start3A_305 = tpu.memref_squeeze %dma_start3A_304 : memref<1x1x96xi32, #tpu.memory_space<hbm>> -> memref<96xi32, #tpu.memory_space<hbm>>
        %dma_start3A_306 = arith.constant 0 : i32
        %dma_start3A_307 = tpu.memref_slice %arg4[%arg1, %add3A_302, %dma_start3A_306] : memref<16x210x96xi32, #tpu.memory_space<hbm>> -> memref<1x1x96xi32, #tpu.memory_space<hbm>>
        %dma_start3A_308 = tpu.memref_squeeze %dma_start3A_307 : memref<1x1x96xi32, #tpu.memory_space<hbm>> -> memref<96xi32, #tpu.memory_space<hbm>>
        tpu.enqueue_dma source(%dma_start3A_308 : memref<96xi32, #tpu.memory_space<hbm>>) target(%arg16 : memref<96xi32, #tpu.memory_space<vmem>>) target_semaphore(%arg31 : memref<!tpu.dma_semaphore, #tpu.memory_space<semaphore_mem>>)
      } else {
      }
      %mul3A_184 = arith.constant 6 : i32
      %mul3A_185 = arith.muli %scan3A_129, %mul3A_184 : i32
      %add3A_186 = arith.constant 2 : i32
      %add3A_187 = arith.addi %mul3A_185, %add3A_186 : i32
      %dma_wait3A_188 = arith.constant 0 : i32
      %dma_wait3A_189 = arith.constant 0 : i32
      %dma_wait3A_190 = tpu.memref_slice %arg2[%dma_wait3A_188, %dma_wait3A_189] : memref<20000x128xf32, #tpu.memory_space<hbm>> -> memref<20000x128xf32, #tpu.memory_space<hbm>>
      tpu.wait_indirect_dma semaphore(%arg23 : memref<!tpu.dma_semaphore, #tpu.memory_space<semaphore_mem>>) src(%dma_wait3A_190 : memref<20000x128xf32, #tpu.memory_space<hbm>>) dst(%arg8 : memref<96x128xf32, #tpu.memory_space<vmem>>)
      %dma_wait3A_191 = arith.constant 0 : i32
      %dma_wait3A_192 = tpu.memref_slice %arg4[%arg1, %add3A_187, %dma_wait3A_191] : memref<16x210x96xi32, #tpu.memory_space<hbm>> -> memref<1x1x96xi32, #tpu.memory_space<hbm>>
      %dma_wait3A_193 = tpu.memref_squeeze %dma_wait3A_192 : memref<1x1x96xi32, #tpu.memory_space<hbm>> -> memref<96xi32, #tpu.memory_space<hbm>>
      %dma_wait3A_194 = arith.constant 0 : i32
      %dma_wait3A_195 = tpu.memref_slice %arg4[%arg1, %add3A_187, %dma_wait3A_194] : memref<16x210x96xi32, #tpu.memory_space<hbm>> -> memref<1x1x96xi32, #tpu.memory_space<hbm>>
      %dma_wait3A_196 = tpu.memref_squeeze %dma_wait3A_195 : memref<1x1x96xi32, #tpu.memory_space<hbm>> -> memref<96xi32, #tpu.memory_space<hbm>>
      tpu.wait_dma2 semaphore(%arg32 : memref<!tpu.dma_semaphore, #tpu.memory_space<semaphore_mem>>) src(%dma_wait3A_196 : memref<96xi32, #tpu.memory_space<hbm>>) dst(%arg17 : memref<96xi32, #tpu.memory_space<vmem>>)
      "tpu.region"() ({
        %run_scoped3A = tpu.sem_alloc : memref<!tpu.dma_semaphore, #tpu.memory_space<semaphore_mem>>
        %dma_start3A_293 = arith.constant 0 : i32
        %dma_start3A_294 = arith.constant 0 : i32
        %dma_start3A_295 = tpu.memref_slice %arg36[%dma_start3A_293, %dma_start3A_294] : memref<10008x128xf32, #tpu.memory_space<vmem_shared>> -> memref<10008x128xf32, #tpu.memory_space<vmem_shared>>
        tpu.enqueue_indirect_dma source(%arg8 : memref<96x128xf32, #tpu.memory_space<vmem>>) target(%dma_start3A_295 : memref<10008x128xf32, #tpu.memory_space<vmem_shared>>) offsets(%arg17 : memref<96xi32, #tpu.memory_space<vmem>>) semaphore(%run_scoped3A : memref<!tpu.dma_semaphore, #tpu.memory_space<semaphore_mem>>) {add = true}
        %dma_wait3A_296 = arith.constant 0 : i32
        %dma_wait3A_297 = arith.constant 0 : i32
        %dma_wait3A_298 = tpu.memref_slice %arg36[%dma_wait3A_296, %dma_wait3A_297] : memref<10008x128xf32, #tpu.memory_space<vmem_shared>> -> memref<10008x128xf32, #tpu.memory_space<vmem_shared>>
        tpu.wait_indirect_dma semaphore(%run_scoped3A : memref<!tpu.dma_semaphore, #tpu.memory_space<semaphore_mem>>) src(%arg8 : memref<96x128xf32, #tpu.memory_space<vmem>>) dst(%dma_wait3A_298 : memref<10008x128xf32, #tpu.memory_space<vmem_shared>>)
        tpu.yield
      }) : () -> ()
      %add3A_197 = arith.constant 3 : i32
      %add3A_198 = arith.addi %add3A_187, %add3A_197 : i32
      %lt3A_199 = arith.constant 210 : i32
      %lt3A_200 = arith.cmpi slt, %add3A_198, %lt3A_199 : i32
      %convert_element_type3A_201 = arith.extui %lt3A_200 : i1 to i32
      %cond3A_202 = arith.constant 0 : i32
      %cond3A_203 = arith.cmpi ne, %convert_element_type3A_201, %cond3A_202 : i32
      scf.if %cond3A_203 {
        %add3A_293 = arith.constant 3 : i32
        %add3A_294 = arith.addi %add3A_187, %add3A_293 : i32
        %dma_wait3A_295 = arith.constant 0 : i32
        %dma_wait3A_296 = tpu.memref_slice %arg3[%arg0, %arg1, %add3A_294, %dma_wait3A_295] : memref<2x16x210x96xi32, #tpu.memory_space<hbm>> -> memref<1x1x1x96xi32, #tpu.memory_space<hbm>>
        %dma_wait3A_297 = tpu.memref_squeeze %dma_wait3A_296 : memref<1x1x1x96xi32, #tpu.memory_space<hbm>> -> memref<96xi32, #tpu.memory_space<hbm>>
        %dma_wait3A_298 = arith.constant 0 : i32
        %dma_wait3A_299 = tpu.memref_slice %arg3[%arg0, %arg1, %add3A_294, %dma_wait3A_298] : memref<2x16x210x96xi32, #tpu.memory_space<hbm>> -> memref<1x1x1x96xi32, #tpu.memory_space<hbm>>
        %dma_wait3A_300 = tpu.memref_squeeze %dma_wait3A_299 : memref<1x1x1x96xi32, #tpu.memory_space<hbm>> -> memref<96xi32, #tpu.memory_space<hbm>>
        tpu.wait_dma2 semaphore(%arg29 : memref<!tpu.dma_semaphore, #tpu.memory_space<semaphore_mem>>) src(%dma_wait3A_300 : memref<96xi32, #tpu.memory_space<hbm>>) dst(%arg14 : memref<96xi32, #tpu.memory_space<vmem>>)
        %dma_start3A_301 = arith.constant 0 : i32
        %dma_start3A_302 = arith.constant 0 : i32
        %dma_start3A_303 = tpu.memref_slice %arg2[%dma_start3A_301, %dma_start3A_302] : memref<20000x128xf32, #tpu.memory_space<hbm>> -> memref<20000x128xf32, #tpu.memory_space<hbm>>
        tpu.enqueue_indirect_dma source(%dma_start3A_303 : memref<20000x128xf32, #tpu.memory_space<hbm>>) target(%arg8 : memref<96x128xf32, #tpu.memory_space<vmem>>) offsets(%arg14 : memref<96xi32, #tpu.memory_space<vmem>>) semaphore(%arg23 : memref<!tpu.dma_semaphore, #tpu.memory_space<semaphore_mem>>)
      } else {
      }
      %add3A_204 = arith.constant 6 : i32
      %add3A_205 = arith.addi %add3A_187, %add3A_204 : i32
      %lt3A_206 = arith.constant 210 : i32
      %lt3A_207 = arith.cmpi slt, %add3A_205, %lt3A_206 : i32
      %convert_element_type3A_208 = arith.extui %lt3A_207 : i1 to i32
      %cond3A_209 = arith.constant 0 : i32
      %cond3A_210 = arith.cmpi ne, %convert_element_type3A_208, %cond3A_209 : i32
      scf.if %cond3A_210 {
        %add3A_293 = arith.constant 6 : i32
        %add3A_294 = arith.addi %add3A_187, %add3A_293 : i32
        %dma_start3A_295 = arith.constant 0 : i32
        %dma_start3A_296 = tpu.memref_slice %arg3[%arg0, %arg1, %add3A_294, %dma_start3A_295] : memref<2x16x210x96xi32, #tpu.memory_space<hbm>> -> memref<1x1x1x96xi32, #tpu.memory_space<hbm>>
        %dma_start3A_297 = tpu.memref_squeeze %dma_start3A_296 : memref<1x1x1x96xi32, #tpu.memory_space<hbm>> -> memref<96xi32, #tpu.memory_space<hbm>>
        %dma_start3A_298 = arith.constant 0 : i32
        %dma_start3A_299 = tpu.memref_slice %arg3[%arg0, %arg1, %add3A_294, %dma_start3A_298] : memref<2x16x210x96xi32, #tpu.memory_space<hbm>> -> memref<1x1x1x96xi32, #tpu.memory_space<hbm>>
        %dma_start3A_300 = tpu.memref_squeeze %dma_start3A_299 : memref<1x1x1x96xi32, #tpu.memory_space<hbm>> -> memref<96xi32, #tpu.memory_space<hbm>>
        tpu.enqueue_dma source(%dma_start3A_300 : memref<96xi32, #tpu.memory_space<hbm>>) target(%arg11 : memref<96xi32, #tpu.memory_space<vmem>>) target_semaphore(%arg26 : memref<!tpu.dma_semaphore, #tpu.memory_space<semaphore_mem>>)
        %add3A_301 = arith.constant 6 : i32
        %add3A_302 = arith.addi %add3A_187, %add3A_301 : i32
        %dma_start3A_303 = arith.constant 0 : i32
        %dma_start3A_304 = tpu.memref_slice %arg4[%arg1, %add3A_302, %dma_start3A_303] : memref<16x210x96xi32, #tpu.memory_space<hbm>> -> memref<1x1x96xi32, #tpu.memory_space<hbm>>
        %dma_start3A_305 = tpu.memref_squeeze %dma_start3A_304 : memref<1x1x96xi32, #tpu.memory_space<hbm>> -> memref<96xi32, #tpu.memory_space<hbm>>
        %dma_start3A_306 = arith.constant 0 : i32
        %dma_start3A_307 = tpu.memref_slice %arg4[%arg1, %add3A_302, %dma_start3A_306] : memref<16x210x96xi32, #tpu.memory_space<hbm>> -> memref<1x1x96xi32, #tpu.memory_space<hbm>>
        %dma_start3A_308 = tpu.memref_squeeze %dma_start3A_307 : memref<1x1x96xi32, #tpu.memory_space<hbm>> -> memref<96xi32, #tpu.memory_space<hbm>>
        tpu.enqueue_dma source(%dma_start3A_308 : memref<96xi32, #tpu.memory_space<hbm>>) target(%arg17 : memref<96xi32, #tpu.memory_space<vmem>>) target_semaphore(%arg32 : memref<!tpu.dma_semaphore, #tpu.memory_space<semaphore_mem>>)
      } else {
      }
      %mul3A_211 = arith.constant 6 : i32
      %mul3A_212 = arith.muli %scan3A_129, %mul3A_211 : i32
      %add3A_213 = arith.constant 3 : i32
      %add3A_214 = arith.addi %mul3A_212, %add3A_213 : i32
      %dma_wait3A_215 = arith.constant 0 : i32
      %dma_wait3A_216 = arith.constant 0 : i32
      %dma_wait3A_217 = tpu.memref_slice %arg2[%dma_wait3A_215, %dma_wait3A_216] : memref<20000x128xf32, #tpu.memory_space<hbm>> -> memref<20000x128xf32, #tpu.memory_space<hbm>>
      tpu.wait_indirect_dma semaphore(%arg21 : memref<!tpu.dma_semaphore, #tpu.memory_space<semaphore_mem>>) src(%dma_wait3A_217 : memref<20000x128xf32, #tpu.memory_space<hbm>>) dst(%arg6 : memref<96x128xf32, #tpu.memory_space<vmem>>)
      %dma_wait3A_218 = arith.constant 0 : i32
      %dma_wait3A_219 = tpu.memref_slice %arg4[%arg1, %add3A_214, %dma_wait3A_218] : memref<16x210x96xi32, #tpu.memory_space<hbm>> -> memref<1x1x96xi32, #tpu.memory_space<hbm>>
      %dma_wait3A_220 = tpu.memref_squeeze %dma_wait3A_219 : memref<1x1x96xi32, #tpu.memory_space<hbm>> -> memref<96xi32, #tpu.memory_space<hbm>>
      %dma_wait3A_221 = arith.constant 0 : i32
      %dma_wait3A_222 = tpu.memref_slice %arg4[%arg1, %add3A_214, %dma_wait3A_221] : memref<16x210x96xi32, #tpu.memory_space<hbm>> -> memref<1x1x96xi32, #tpu.memory_space<hbm>>
      %dma_wait3A_223 = tpu.memref_squeeze %dma_wait3A_222 : memref<1x1x96xi32, #tpu.memory_space<hbm>> -> memref<96xi32, #tpu.memory_space<hbm>>
      tpu.wait_dma2 semaphore(%arg33 : memref<!tpu.dma_semaphore, #tpu.memory_space<semaphore_mem>>) src(%dma_wait3A_223 : memref<96xi32, #tpu.memory_space<hbm>>) dst(%arg18 : memref<96xi32, #tpu.memory_space<vmem>>)
      "tpu.region"() ({
        %run_scoped3A = tpu.sem_alloc : memref<!tpu.dma_semaphore, #tpu.memory_space<semaphore_mem>>
        %dma_start3A_293 = arith.constant 0 : i32
        %dma_start3A_294 = arith.constant 0 : i32
        %dma_start3A_295 = tpu.memref_slice %arg36[%dma_start3A_293, %dma_start3A_294] : memref<10008x128xf32, #tpu.memory_space<vmem_shared>> -> memref<10008x128xf32, #tpu.memory_space<vmem_shared>>
        tpu.enqueue_indirect_dma source(%arg6 : memref<96x128xf32, #tpu.memory_space<vmem>>) target(%dma_start3A_295 : memref<10008x128xf32, #tpu.memory_space<vmem_shared>>) offsets(%arg18 : memref<96xi32, #tpu.memory_space<vmem>>) semaphore(%run_scoped3A : memref<!tpu.dma_semaphore, #tpu.memory_space<semaphore_mem>>) {add = true}
        %dma_wait3A_296 = arith.constant 0 : i32
        %dma_wait3A_297 = arith.constant 0 : i32
        %dma_wait3A_298 = tpu.memref_slice %arg36[%dma_wait3A_296, %dma_wait3A_297] : memref<10008x128xf32, #tpu.memory_space<vmem_shared>> -> memref<10008x128xf32, #tpu.memory_space<vmem_shared>>
        tpu.wait_indirect_dma semaphore(%run_scoped3A : memref<!tpu.dma_semaphore, #tpu.memory_space<semaphore_mem>>) src(%arg6 : memref<96x128xf32, #tpu.memory_space<vmem>>) dst(%dma_wait3A_298 : memref<10008x128xf32, #tpu.memory_space<vmem_shared>>)
        tpu.yield
      }) : () -> ()
      %add3A_224 = arith.constant 3 : i32
      %add3A_225 = arith.addi %add3A_214, %add3A_224 : i32
      %lt3A_226 = arith.constant 210 : i32
      %lt3A_227 = arith.cmpi slt, %add3A_225, %lt3A_226 : i32
      %convert_element_type3A_228 = arith.extui %lt3A_227 : i1 to i32
      %cond3A_229 = arith.constant 0 : i32
      %cond3A_230 = arith.cmpi ne, %convert_element_type3A_228, %cond3A_229 : i32
      scf.if %cond3A_230 {
        %add3A_293 = arith.constant 3 : i32
        %add3A_294 = arith.addi %add3A_214, %add3A_293 : i32
        %dma_wait3A_295 = arith.constant 0 : i32
        %dma_wait3A_296 = tpu.memref_slice %arg3[%arg0, %arg1, %add3A_294, %dma_wait3A_295] : memref<2x16x210x96xi32, #tpu.memory_space<hbm>> -> memref<1x1x1x96xi32, #tpu.memory_space<hbm>>
        %dma_wait3A_297 = tpu.memref_squeeze %dma_wait3A_296 : memref<1x1x1x96xi32, #tpu.memory_space<hbm>> -> memref<96xi32, #tpu.memory_space<hbm>>
        %dma_wait3A_298 = arith.constant 0 : i32
        %dma_wait3A_299 = tpu.memref_slice %arg3[%arg0, %arg1, %add3A_294, %dma_wait3A_298] : memref<2x16x210x96xi32, #tpu.memory_space<hbm>> -> memref<1x1x1x96xi32, #tpu.memory_space<hbm>>
        %dma_wait3A_300 = tpu.memref_squeeze %dma_wait3A_299 : memref<1x1x1x96xi32, #tpu.memory_space<hbm>> -> memref<96xi32, #tpu.memory_space<hbm>>
        tpu.wait_dma2 semaphore(%arg24 : memref<!tpu.dma_semaphore, #tpu.memory_space<semaphore_mem>>) src(%dma_wait3A_300 : memref<96xi32, #tpu.memory_space<hbm>>) dst(%arg9 : memref<96xi32, #tpu.memory_space<vmem>>)
        %dma_start3A_301 = arith.constant 0 : i32
        %dma_start3A_302 = arith.constant 0 : i32
        %dma_start3A_303 = tpu.memref_slice %arg2[%dma_start3A_301, %dma_start3A_302] : memref<20000x128xf32, #tpu.memory_space<hbm>> -> memref<20000x128xf32, #tpu.memory_space<hbm>>
        tpu.enqueue_indirect_dma source(%dma_start3A_303 : memref<20000x128xf32, #tpu.memory_space<hbm>>) target(%arg6 : memref<96x128xf32, #tpu.memory_space<vmem>>) offsets(%arg9 : memref<96xi32, #tpu.memory_space<vmem>>) semaphore(%arg21 : memref<!tpu.dma_semaphore, #tpu.memory_space<semaphore_mem>>)
      } else {
      }
      %add3A_231 = arith.constant 6 : i32
      %add3A_232 = arith.addi %add3A_214, %add3A_231 : i32
      %lt3A_233 = arith.constant 210 : i32
      %lt3A_234 = arith.cmpi slt, %add3A_232, %lt3A_233 : i32
      %convert_element_type3A_235 = arith.extui %lt3A_234 : i1 to i32
      %cond3A_236 = arith.constant 0 : i32
      %cond3A_237 = arith.cmpi ne, %convert_element_type3A_235, %cond3A_236 : i32
      scf.if %cond3A_237 {
        %add3A_293 = arith.constant 6 : i32
        %add3A_294 = arith.addi %add3A_214, %add3A_293 : i32
        %dma_start3A_295 = arith.constant 0 : i32
        %dma_start3A_296 = tpu.memref_slice %arg3[%arg0, %arg1, %add3A_294, %dma_start3A_295] : memref<2x16x210x96xi32, #tpu.memory_space<hbm>> -> memref<1x1x1x96xi32, #tpu.memory_space<hbm>>
        %dma_start3A_297 = tpu.memref_squeeze %dma_start3A_296 : memref<1x1x1x96xi32, #tpu.memory_space<hbm>> -> memref<96xi32, #tpu.memory_space<hbm>>
        %dma_start3A_298 = arith.constant 0 : i32
        %dma_start3A_299 = tpu.memref_slice %arg3[%arg0, %arg1, %add3A_294, %dma_start3A_298] : memref<2x16x210x96xi32, #tpu.memory_space<hbm>> -> memref<1x1x1x96xi32, #tpu.memory_space<hbm>>
        %dma_start3A_300 = tpu.memref_squeeze %dma_start3A_299 : memref<1x1x1x96xi32, #tpu.memory_space<hbm>> -> memref<96xi32, #tpu.memory_space<hbm>>
        tpu.enqueue_dma source(%dma_start3A_300 : memref<96xi32, #tpu.memory_space<hbm>>) target(%arg12 : memref<96xi32, #tpu.memory_space<vmem>>) target_semaphore(%arg27 : memref<!tpu.dma_semaphore, #tpu.memory_space<semaphore_mem>>)
        %add3A_301 = arith.constant 6 : i32
        %add3A_302 = arith.addi %add3A_214, %add3A_301 : i32
        %dma_start3A_303 = arith.constant 0 : i32
        %dma_start3A_304 = tpu.memref_slice %arg4[%arg1, %add3A_302, %dma_start3A_303] : memref<16x210x96xi32, #tpu.memory_space<hbm>> -> memref<1x1x96xi32, #tpu.memory_space<hbm>>
        %dma_start3A_305 = tpu.memref_squeeze %dma_start3A_304 : memref<1x1x96xi32, #tpu.memory_space<hbm>> -> memref<96xi32, #tpu.memory_space<hbm>>
        %dma_start3A_306 = arith.constant 0 : i32
        %dma_start3A_307 = tpu.memref_slice %arg4[%arg1, %add3A_302, %dma_start3A_306] : memref<16x210x96xi32, #tpu.memory_space<hbm>> -> memref<1x1x96xi32, #tpu.memory_space<hbm>>
        %dma_start3A_308 = tpu.memref_squeeze %dma_start3A_307 : memref<1x1x96xi32, #tpu.memory_space<hbm>> -> memref<96xi32, #tpu.memory_space<hbm>>
        tpu.enqueue_dma source(%dma_start3A_308 : memref<96xi32, #tpu.memory_space<hbm>>) target(%arg18 : memref<96xi32, #tpu.memory_space<vmem>>) target_semaphore(%arg33 : memref<!tpu.dma_semaphore, #tpu.memory_space<semaphore_mem>>)
      } else {
      }
      %mul3A_238 = arith.constant 6 : i32
      %mul3A_239 = arith.muli %scan3A_129, %mul3A_238 : i32
      %add3A_240 = arith.constant 4 : i32
      %add3A_241 = arith.addi %mul3A_239, %add3A_240 : i32
      %dma_wait3A_242 = arith.constant 0 : i32
      %dma_wait3A_243 = arith.constant 0 : i32
      %dma_wait3A_244 = tpu.memref_slice %arg2[%dma_wait3A_242, %dma_wait3A_243] : memref<20000x128xf32, #tpu.memory_space<hbm>> -> memref<20000x128xf32, #tpu.memory_space<hbm>>
      tpu.wait_indirect_dma semaphore(%arg22 : memref<!tpu.dma_semaphore, #tpu.memory_space<semaphore_mem>>) src(%dma_wait3A_244 : memref<20000x128xf32, #tpu.memory_space<hbm>>) dst(%arg7 : memref<96x128xf32, #tpu.memory_space<vmem>>)
      %dma_wait3A_245 = arith.constant 0 : i32
      %dma_wait3A_246 = tpu.memref_slice %arg4[%arg1, %add3A_241, %dma_wait3A_245] : memref<16x210x96xi32, #tpu.memory_space<hbm>> -> memref<1x1x96xi32, #tpu.memory_space<hbm>>
      %dma_wait3A_247 = tpu.memref_squeeze %dma_wait3A_246 : memref<1x1x96xi32, #tpu.memory_space<hbm>> -> memref<96xi32, #tpu.memory_space<hbm>>
      %dma_wait3A_248 = arith.constant 0 : i32
      %dma_wait3A_249 = tpu.memref_slice %arg4[%arg1, %add3A_241, %dma_wait3A_248] : memref<16x210x96xi32, #tpu.memory_space<hbm>> -> memref<1x1x96xi32, #tpu.memory_space<hbm>>
      %dma_wait3A_250 = tpu.memref_squeeze %dma_wait3A_249 : memref<1x1x96xi32, #tpu.memory_space<hbm>> -> memref<96xi32, #tpu.memory_space<hbm>>
      tpu.wait_dma2 semaphore(%arg34 : memref<!tpu.dma_semaphore, #tpu.memory_space<semaphore_mem>>) src(%dma_wait3A_250 : memref<96xi32, #tpu.memory_space<hbm>>) dst(%arg19 : memref<96xi32, #tpu.memory_space<vmem>>)
      "tpu.region"() ({
        %run_scoped3A = tpu.sem_alloc : memref<!tpu.dma_semaphore, #tpu.memory_space<semaphore_mem>>
        %dma_start3A_293 = arith.constant 0 : i32
        %dma_start3A_294 = arith.constant 0 : i32
        %dma_start3A_295 = tpu.memref_slice %arg36[%dma_start3A_293, %dma_start3A_294] : memref<10008x128xf32, #tpu.memory_space<vmem_shared>> -> memref<10008x128xf32, #tpu.memory_space<vmem_shared>>
        tpu.enqueue_indirect_dma source(%arg7 : memref<96x128xf32, #tpu.memory_space<vmem>>) target(%dma_start3A_295 : memref<10008x128xf32, #tpu.memory_space<vmem_shared>>) offsets(%arg19 : memref<96xi32, #tpu.memory_space<vmem>>) semaphore(%run_scoped3A : memref<!tpu.dma_semaphore, #tpu.memory_space<semaphore_mem>>) {add = true}
        %dma_wait3A_296 = arith.constant 0 : i32
        %dma_wait3A_297 = arith.constant 0 : i32
        %dma_wait3A_298 = tpu.memref_slice %arg36[%dma_wait3A_296, %dma_wait3A_297] : memref<10008x128xf32, #tpu.memory_space<vmem_shared>> -> memref<10008x128xf32, #tpu.memory_space<vmem_shared>>
        tpu.wait_indirect_dma semaphore(%run_scoped3A : memref<!tpu.dma_semaphore, #tpu.memory_space<semaphore_mem>>) src(%arg7 : memref<96x128xf32, #tpu.memory_space<vmem>>) dst(%dma_wait3A_298 : memref<10008x128xf32, #tpu.memory_space<vmem_shared>>)
        tpu.yield
      }) : () -> ()
      %add3A_251 = arith.constant 3 : i32
      %add3A_252 = arith.addi %add3A_241, %add3A_251 : i32
      %lt3A_253 = arith.constant 210 : i32
      %lt3A_254 = arith.cmpi slt, %add3A_252, %lt3A_253 : i32
      %convert_element_type3A_255 = arith.extui %lt3A_254 : i1 to i32
      %cond3A_256 = arith.constant 0 : i32
      %cond3A_257 = arith.cmpi ne, %convert_element_type3A_255, %cond3A_256 : i32
      scf.if %cond3A_257 {
        %add3A_293 = arith.constant 3 : i32
        %add3A_294 = arith.addi %add3A_241, %add3A_293 : i32
        %dma_wait3A_295 = arith.constant 0 : i32
        %dma_wait3A_296 = tpu.memref_slice %arg3[%arg0, %arg1, %add3A_294, %dma_wait3A_295] : memref<2x16x210x96xi32, #tpu.memory_space<hbm>> -> memref<1x1x1x96xi32, #tpu.memory_space<hbm>>
        %dma_wait3A_297 = tpu.memref_squeeze %dma_wait3A_296 : memref<1x1x1x96xi32, #tpu.memory_space<hbm>> -> memref<96xi32, #tpu.memory_space<hbm>>
        %dma_wait3A_298 = arith.constant 0 : i32
        %dma_wait3A_299 = tpu.memref_slice %arg3[%arg0, %arg1, %add3A_294, %dma_wait3A_298] : memref<2x16x210x96xi32, #tpu.memory_space<hbm>> -> memref<1x1x1x96xi32, #tpu.memory_space<hbm>>
        %dma_wait3A_300 = tpu.memref_squeeze %dma_wait3A_299 : memref<1x1x1x96xi32, #tpu.memory_space<hbm>> -> memref<96xi32, #tpu.memory_space<hbm>>
        tpu.wait_dma2 semaphore(%arg25 : memref<!tpu.dma_semaphore, #tpu.memory_space<semaphore_mem>>) src(%dma_wait3A_300 : memref<96xi32, #tpu.memory_space<hbm>>) dst(%arg10 : memref<96xi32, #tpu.memory_space<vmem>>)
        %dma_start3A_301 = arith.constant 0 : i32
        %dma_start3A_302 = arith.constant 0 : i32
        %dma_start3A_303 = tpu.memref_slice %arg2[%dma_start3A_301, %dma_start3A_302] : memref<20000x128xf32, #tpu.memory_space<hbm>> -> memref<20000x128xf32, #tpu.memory_space<hbm>>
        tpu.enqueue_indirect_dma source(%dma_start3A_303 : memref<20000x128xf32, #tpu.memory_space<hbm>>) target(%arg7 : memref<96x128xf32, #tpu.memory_space<vmem>>) offsets(%arg10 : memref<96xi32, #tpu.memory_space<vmem>>) semaphore(%arg22 : memref<!tpu.dma_semaphore, #tpu.memory_space<semaphore_mem>>)
      } else {
      }
      %add3A_258 = arith.constant 6 : i32
      %add3A_259 = arith.addi %add3A_241, %add3A_258 : i32
      %lt3A_260 = arith.constant 210 : i32
      %lt3A_261 = arith.cmpi slt, %add3A_259, %lt3A_260 : i32
      %convert_element_type3A_262 = arith.extui %lt3A_261 : i1 to i32
      %cond3A_263 = arith.constant 0 : i32
      %cond3A_264 = arith.cmpi ne, %convert_element_type3A_262, %cond3A_263 : i32
      scf.if %cond3A_264 {
        %add3A_293 = arith.constant 6 : i32
        %add3A_294 = arith.addi %add3A_241, %add3A_293 : i32
        %dma_start3A_295 = arith.constant 0 : i32
        %dma_start3A_296 = tpu.memref_slice %arg3[%arg0, %arg1, %add3A_294, %dma_start3A_295] : memref<2x16x210x96xi32, #tpu.memory_space<hbm>> -> memref<1x1x1x96xi32, #tpu.memory_space<hbm>>
        %dma_start3A_297 = tpu.memref_squeeze %dma_start3A_296 : memref<1x1x1x96xi32, #tpu.memory_space<hbm>> -> memref<96xi32, #tpu.memory_space<hbm>>
        %dma_start3A_298 = arith.constant 0 : i32
        %dma_start3A_299 = tpu.memref_slice %arg3[%arg0, %arg1, %add3A_294, %dma_start3A_298] : memref<2x16x210x96xi32, #tpu.memory_space<hbm>> -> memref<1x1x1x96xi32, #tpu.memory_space<hbm>>
        %dma_start3A_300 = tpu.memref_squeeze %dma_start3A_299 : memref<1x1x1x96xi32, #tpu.memory_space<hbm>> -> memref<96xi32, #tpu.memory_space<hbm>>
        tpu.enqueue_dma source(%dma_start3A_300 : memref<96xi32, #tpu.memory_space<hbm>>) target(%arg13 : memref<96xi32, #tpu.memory_space<vmem>>) target_semaphore(%arg28 : memref<!tpu.dma_semaphore, #tpu.memory_space<semaphore_mem>>)
        %add3A_301 = arith.constant 6 : i32
        %add3A_302 = arith.addi %add3A_241, %add3A_301 : i32
        %dma_start3A_303 = arith.constant 0 : i32
        %dma_start3A_304 = tpu.memref_slice %arg4[%arg1, %add3A_302, %dma_start3A_303] : memref<16x210x96xi32, #tpu.memory_space<hbm>> -> memref<1x1x96xi32, #tpu.memory_space<hbm>>
        %dma_start3A_305 = tpu.memref_squeeze %dma_start3A_304 : memref<1x1x96xi32, #tpu.memory_space<hbm>> -> memref<96xi32, #tpu.memory_space<hbm>>
        %dma_start3A_306 = arith.constant 0 : i32
        %dma_start3A_307 = tpu.memref_slice %arg4[%arg1, %add3A_302, %dma_start3A_306] : memref<16x210x96xi32, #tpu.memory_space<hbm>> -> memref<1x1x96xi32, #tpu.memory_space<hbm>>
        %dma_start3A_308 = tpu.memref_squeeze %dma_start3A_307 : memref<1x1x96xi32, #tpu.memory_space<hbm>> -> memref<96xi32, #tpu.memory_space<hbm>>
        tpu.enqueue_dma source(%dma_start3A_308 : memref<96xi32, #tpu.memory_space<hbm>>) target(%arg19 : memref<96xi32, #tpu.memory_space<vmem>>) target_semaphore(%arg34 : memref<!tpu.dma_semaphore, #tpu.memory_space<semaphore_mem>>)
      } else {
      }
      %mul3A_265 = arith.constant 6 : i32
      %mul3A_266 = arith.muli %scan3A_129, %mul3A_265 : i32
      %add3A_267 = arith.constant 5 : i32
      %add3A_268 = arith.addi %mul3A_266, %add3A_267 : i32
      %dma_wait3A_269 = arith.constant 0 : i32
      %dma_wait3A_270 = arith.constant 0 : i32
      %dma_wait3A_271 = tpu.memref_slice %arg2[%dma_wait3A_269, %dma_wait3A_270] : memref<20000x128xf32, #tpu.memory_space<hbm>> -> memref<20000x128xf32, #tpu.memory_space<hbm>>
      tpu.wait_indirect_dma semaphore(%arg23 : memref<!tpu.dma_semaphore, #tpu.memory_space<semaphore_mem>>) src(%dma_wait3A_271 : memref<20000x128xf32, #tpu.memory_space<hbm>>) dst(%arg8 : memref<96x128xf32, #tpu.memory_space<vmem>>)
      %dma_wait3A_272 = arith.constant 0 : i32
      %dma_wait3A_273 = tpu.memref_slice %arg4[%arg1, %add3A_268, %dma_wait3A_272] : memref<16x210x96xi32, #tpu.memory_space<hbm>> -> memref<1x1x96xi32, #tpu.memory_space<hbm>>
      %dma_wait3A_274 = tpu.memref_squeeze %dma_wait3A_273 : memref<1x1x96xi32, #tpu.memory_space<hbm>> -> memref<96xi32, #tpu.memory_space<hbm>>
      %dma_wait3A_275 = arith.constant 0 : i32
      %dma_wait3A_276 = tpu.memref_slice %arg4[%arg1, %add3A_268, %dma_wait3A_275] : memref<16x210x96xi32, #tpu.memory_space<hbm>> -> memref<1x1x96xi32, #tpu.memory_space<hbm>>
      %dma_wait3A_277 = tpu.memref_squeeze %dma_wait3A_276 : memref<1x1x96xi32, #tpu.memory_space<hbm>> -> memref<96xi32, #tpu.memory_space<hbm>>
      tpu.wait_dma2 semaphore(%arg35 : memref<!tpu.dma_semaphore, #tpu.memory_space<semaphore_mem>>) src(%dma_wait3A_277 : memref<96xi32, #tpu.memory_space<hbm>>) dst(%arg20 : memref<96xi32, #tpu.memory_space<vmem>>)
      "tpu.region"() ({
        %run_scoped3A = tpu.sem_alloc : memref<!tpu.dma_semaphore, #tpu.memory_space<semaphore_mem>>
        %dma_start3A_293 = arith.constant 0 : i32
        %dma_start3A_294 = arith.constant 0 : i32
        %dma_start3A_295 = tpu.memref_slice %arg36[%dma_start3A_293, %dma_start3A_294] : memref<10008x128xf32, #tpu.memory_space<vmem_shared>> -> memref<10008x128xf32, #tpu.memory_space<vmem_shared>>
        tpu.enqueue_indirect_dma source(%arg8 : memref<96x128xf32, #tpu.memory_space<vmem>>) target(%dma_start3A_295 : memref<10008x128xf32, #tpu.memory_space<vmem_shared>>) offsets(%arg20 : memref<96xi32, #tpu.memory_space<vmem>>) semaphore(%run_scoped3A : memref<!tpu.dma_semaphore, #tpu.memory_space<semaphore_mem>>) {add = true}
        %dma_wait3A_296 = arith.constant 0 : i32
        %dma_wait3A_297 = arith.constant 0 : i32
        %dma_wait3A_298 = tpu.memref_slice %arg36[%dma_wait3A_296, %dma_wait3A_297] : memref<10008x128xf32, #tpu.memory_space<vmem_shared>> -> memref<10008x128xf32, #tpu.memory_space<vmem_shared>>
        tpu.wait_indirect_dma semaphore(%run_scoped3A : memref<!tpu.dma_semaphore, #tpu.memory_space<semaphore_mem>>) src(%arg8 : memref<96x128xf32, #tpu.memory_space<vmem>>) dst(%dma_wait3A_298 : memref<10008x128xf32, #tpu.memory_space<vmem_shared>>)
        tpu.yield
      }) : () -> ()
      %add3A_278 = arith.constant 3 : i32
      %add3A_279 = arith.addi %add3A_268, %add3A_278 : i32
      %lt3A_280 = arith.constant 210 : i32
      %lt3A_281 = arith.cmpi slt, %add3A_279, %lt3A_280 : i32
      %convert_element_type3A_282 = arith.extui %lt3A_281 : i1 to i32
      %cond3A_283 = arith.constant 0 : i32
      %cond3A_284 = arith.cmpi ne, %convert_element_type3A_282, %cond3A_283 : i32
      scf.if %cond3A_284 {
        %add3A_293 = arith.constant 3 : i32
        %add3A_294 = arith.addi %add3A_268, %add3A_293 : i32
        %dma_wait3A_295 = arith.constant 0 : i32
        %dma_wait3A_296 = tpu.memref_slice %arg3[%arg0, %arg1, %add3A_294, %dma_wait3A_295] : memref<2x16x210x96xi32, #tpu.memory_space<hbm>> -> memref<1x1x1x96xi32, #tpu.memory_space<hbm>>
        %dma_wait3A_297 = tpu.memref_squeeze %dma_wait3A_296 : memref<1x1x1x96xi32, #tpu.memory_space<hbm>> -> memref<96xi32, #tpu.memory_space<hbm>>
        %dma_wait3A_298 = arith.constant 0 : i32
        %dma_wait3A_299 = tpu.memref_slice %arg3[%arg0, %arg1, %add3A_294, %dma_wait3A_298] : memref<2x16x210x96xi32, #tpu.memory_space<hbm>> -> memref<1x1x1x96xi32, #tpu.memory_space<hbm>>
        %dma_wait3A_300 = tpu.memref_squeeze %dma_wait3A_299 : memref<1x1x1x96xi32, #tpu.memory_space<hbm>> -> memref<96xi32, #tpu.memory_space<hbm>>
        tpu.wait_dma2 semaphore(%arg26 : memref<!tpu.dma_semaphore, #tpu.memory_space<semaphore_mem>>) src(%dma_wait3A_300 : memref<96xi32, #tpu.memory_space<hbm>>) dst(%arg11 : memref<96xi32, #tpu.memory_space<vmem>>)
        %dma_start3A_301 = arith.constant 0 : i32
        %dma_start3A_302 = arith.constant 0 : i32
        %dma_start3A_303 = tpu.memref_slice %arg2[%dma_start3A_301, %dma_start3A_302] : memref<20000x128xf32, #tpu.memory_space<hbm>> -> memref<20000x128xf32, #tpu.memory_space<hbm>>
        tpu.enqueue_indirect_dma source(%dma_start3A_303 : memref<20000x128xf32, #tpu.memory_space<hbm>>) target(%arg8 : memref<96x128xf32, #tpu.memory_space<vmem>>) offsets(%arg11 : memref<96xi32, #tpu.memory_space<vmem>>) semaphore(%arg23 : memref<!tpu.dma_semaphore, #tpu.memory_space<semaphore_mem>>)
      } else {
      }
      %add3A_285 = arith.constant 6 : i32
      %add3A_286 = arith.addi %add3A_268, %add3A_285 : i32
      %lt3A_287 = arith.constant 210 : i32
      %lt3A_288 = arith.cmpi slt, %add3A_286, %lt3A_287 : i32
      %convert_element_type3A_289 = arith.extui %lt3A_288 : i1 to i32
      %cond3A_290 = arith.constant 0 : i32
      %cond3A_291 = arith.cmpi ne, %convert_element_type3A_289, %cond3A_290 : i32
      scf.if %cond3A_291 {
        %add3A_293 = arith.constant 6 : i32
        %add3A_294 = arith.addi %add3A_268, %add3A_293 : i32
        %dma_start3A_295 = arith.constant 0 : i32
        %dma_start3A_296 = tpu.memref_slice %arg3[%arg0, %arg1, %add3A_294, %dma_start3A_295] : memref<2x16x210x96xi32, #tpu.memory_space<hbm>> -> memref<1x1x1x96xi32, #tpu.memory_space<hbm>>
        %dma_start3A_297 = tpu.memref_squeeze %dma_start3A_296 : memref<1x1x1x96xi32, #tpu.memory_space<hbm>> -> memref<96xi32, #tpu.memory_space<hbm>>
        %dma_start3A_298 = arith.constant 0 : i32
        %dma_start3A_299 = tpu.memref_slice %arg3[%arg0, %arg1, %add3A_294, %dma_start3A_298] : memref<2x16x210x96xi32, #tpu.memory_space<hbm>> -> memref<1x1x1x96xi32, #tpu.memory_space<hbm>>
        %dma_start3A_300 = tpu.memref_squeeze %dma_start3A_299 : memref<1x1x1x96xi32, #tpu.memory_space<hbm>> -> memref<96xi32, #tpu.memory_space<hbm>>
        tpu.enqueue_dma source(%dma_start3A_300 : memref<96xi32, #tpu.memory_space<hbm>>) target(%arg14 : memref<96xi32, #tpu.memory_space<vmem>>) target_semaphore(%arg29 : memref<!tpu.dma_semaphore, #tpu.memory_space<semaphore_mem>>)
        %add3A_301 = arith.constant 6 : i32
        %add3A_302 = arith.addi %add3A_268, %add3A_301 : i32
        %dma_start3A_303 = arith.constant 0 : i32
        %dma_start3A_304 = tpu.memref_slice %arg4[%arg1, %add3A_302, %dma_start3A_303] : memref<16x210x96xi32, #tpu.memory_space<hbm>> -> memref<1x1x96xi32, #tpu.memory_space<hbm>>
        %dma_start3A_305 = tpu.memref_squeeze %dma_start3A_304 : memref<1x1x96xi32, #tpu.memory_space<hbm>> -> memref<96xi32, #tpu.memory_space<hbm>>
        %dma_start3A_306 = arith.constant 0 : i32
        %dma_start3A_307 = tpu.memref_slice %arg4[%arg1, %add3A_302, %dma_start3A_306] : memref<16x210x96xi32, #tpu.memory_space<hbm>> -> memref<1x1x96xi32, #tpu.memory_space<hbm>>
        %dma_start3A_308 = tpu.memref_squeeze %dma_start3A_307 : memref<1x1x96xi32, #tpu.memory_space<hbm>> -> memref<96xi32, #tpu.memory_space<hbm>>
        tpu.enqueue_dma source(%dma_start3A_308 : memref<96xi32, #tpu.memory_space<hbm>>) target(%arg20 : memref<96xi32, #tpu.memory_space<vmem>>) target_semaphore(%arg35 : memref<!tpu.dma_semaphore, #tpu.memory_space<semaphore_mem>>)
      } else {
      }
      %scan3A_292 = arith.constant 0 : i32
      scf.yield %scan3A_292 : i32
    }
    %scan3A_122 = arith.constant 35 : i32
    %barrier3A_123 = arith.constant 0 : index
    tpu.barrier barrier_id(%barrier3A_123)
    "tpu.region"() ({
      %run_scoped3A = tpu.sem_alloc : memref<!tpu.dma_semaphore, #tpu.memory_space<semaphore_mem>>
      %dma_start3A_129 = arith.constant 0 : i32
      %dma_start3A_130 = tpu.memref_slice %arg5[%arg0, %mul3A_0, %dma_start3A_129] : memref<2x10000x128xf32, #tpu.memory_space<hbm>> -> memref<1x624x128xf32, #tpu.memory_space<hbm>>
      %dma_start3A_131 = tpu.memref_squeeze %dma_start3A_130 : memref<1x624x128xf32, #tpu.memory_space<hbm>> -> memref<624x128xf32, #tpu.memory_space<hbm>>
      %dma_start3A_132 = arith.constant 0 : i32
      %dma_start3A_133 = tpu.memref_slice %arg36[%mul3A_0, %dma_start3A_132] : memref<10008x128xf32, #tpu.memory_space<vmem_shared>> -> memref<624x128xf32, #tpu.memory_space<vmem_shared>>
      tpu.enqueue_dma source(%dma_start3A_133 : memref<624x128xf32, #tpu.memory_space<vmem_shared>>) target(%dma_start3A_131 : memref<624x128xf32, #tpu.memory_space<hbm>>) target_semaphore(%run_scoped3A : memref<!tpu.dma_semaphore, #tpu.memory_space<semaphore_mem>>)
      %dma_wait3A_134 = arith.constant 0 : i32
      %dma_wait3A_135 = tpu.memref_slice %arg5[%arg0, %mul3A_0, %dma_wait3A_134] : memref<2x10000x128xf32, #tpu.memory_space<hbm>> -> memref<1x624x128xf32, #tpu.memory_space<hbm>>
      %dma_wait3A_136 = tpu.memref_squeeze %dma_wait3A_135 : memref<1x624x128xf32, #tpu.memory_space<hbm>> -> memref<624x128xf32, #tpu.memory_space<hbm>>
      %dma_wait3A_137 = arith.constant 0 : i32
      %dma_wait3A_138 = tpu.memref_slice %arg36[%mul3A_0, %dma_wait3A_137] : memref<10008x128xf32, #tpu.memory_space<vmem_shared>> -> memref<624x128xf32, #tpu.memory_space<vmem_shared>>
      tpu.wait_dma2 semaphore(%run_scoped3A : memref<!tpu.dma_semaphore, #tpu.memory_space<semaphore_mem>>) src(%dma_wait3A_138 : memref<624x128xf32, #tpu.memory_space<vmem_shared>>) dst(%dma_wait3A_136 : memref<624x128xf32, #tpu.memory_space<hbm>>)
      tpu.yield
    }) : () -> ()
    %eq3A_124 = arith.constant 0 : i32
    %eq3A_125 = arith.cmpi eq, %arg1, %eq3A_124 : i32
    %convert_element_type3A_126 = arith.extui %eq3A_125 : i1 to i32
    %cond3A_127 = arith.constant 0 : i32
    %cond3A_128 = arith.cmpi ne, %convert_element_type3A_126, %cond3A_127 : i32
    scf.if %cond3A_128 {
      "tpu.region"() ({
        %run_scoped3A = tpu.sem_alloc : memref<!tpu.dma_semaphore, #tpu.memory_space<semaphore_mem>>
        %dma_start3A_129 = arith.constant 9984 : i32
        %dma_start3A_130 = arith.constant 0 : i32
        %dma_start3A_131 = tpu.memref_slice %arg5[%arg0, %dma_start3A_129, %dma_start3A_130] : memref<2x10000x128xf32, #tpu.memory_space<hbm>> -> memref<1x16x128xf32, #tpu.memory_space<hbm>>
        %dma_start3A_132 = tpu.memref_squeeze %dma_start3A_131 : memref<1x16x128xf32, #tpu.memory_space<hbm>> -> memref<16x128xf32, #tpu.memory_space<hbm>>
        %dma_start3A_133 = arith.constant 9984 : i32
        %dma_start3A_134 = arith.constant 0 : i32
        %dma_start3A_135 = tpu.memref_slice %arg36[%dma_start3A_133, %dma_start3A_134] : memref<10008x128xf32, #tpu.memory_space<vmem_shared>> -> memref<16x128xf32, #tpu.memory_space<vmem_shared>>
        tpu.enqueue_dma source(%dma_start3A_135 : memref<16x128xf32, #tpu.memory_space<vmem_shared>>) target(%dma_start3A_132 : memref<16x128xf32, #tpu.memory_space<hbm>>) target_semaphore(%run_scoped3A : memref<!tpu.dma_semaphore, #tpu.memory_space<semaphore_mem>>)
        %dma_wait3A_136 = arith.constant 9984 : i32
        %dma_wait3A_137 = arith.constant 0 : i32
        %dma_wait3A_138 = tpu.memref_slice %arg5[%arg0, %dma_wait3A_136, %dma_wait3A_137] : memref<2x10000x128xf32, #tpu.memory_space<hbm>> -> memref<1x16x128xf32, #tpu.memory_space<hbm>>
        %dma_wait3A_139 = tpu.memref_squeeze %dma_wait3A_138 : memref<1x16x128xf32, #tpu.memory_space<hbm>> -> memref<16x128xf32, #tpu.memory_space<hbm>>
        %dma_wait3A_140 = arith.constant 9984 : i32
        %dma_wait3A_141 = arith.constant 0 : i32
        %dma_wait3A_142 = tpu.memref_slice %arg36[%dma_wait3A_140, %dma_wait3A_141] : memref<10008x128xf32, #tpu.memory_space<vmem_shared>> -> memref<16x128xf32, #tpu.memory_space<vmem_shared>>
        tpu.wait_dma2 semaphore(%run_scoped3A : memref<!tpu.dma_semaphore, #tpu.memory_space<semaphore_mem>>) src(%dma_wait3A_142 : memref<16x128xf32, #tpu.memory_space<vmem_shared>>) dst(%dma_wait3A_139 : memref<16x128xf32, #tpu.memory_space<hbm>>)
        tpu.yield
      }) : () -> ()
    } else {
    }
    return
  }
}

module attributes {stable_mosaic.version = 14 : i64} {
  func.func @_stats_x_body(%arg0: i32, %arg1: memref<1000x128xf32, #tpu.memory_space<vmem>>, %arg2: memref<8x128xf32, #tpu.memory_space<vmem>>) attributes {dimension_semantics = [#tpu.dimension_semantics<arbitrary>], iteration_bounds = array<i64: 10>, scalar_prefetch = 0 : i64, scratch_operands = 0 : i64, tpu.core_type = #tpu.core_type<tc>, window_params = [{transform_indices = @transform_0, window_bounds = array<i64: 1000, 128>}, {pipeline_mode = #tpu.pipeline_mode<synchronous>, transform_indices = @transform_1, window_bounds = array<i64: 8, 128>}]} {
    %eq3A = arith.constant 0 : i32
    %eq3A_0 = arith.cmpi eq, %arg0, %eq3A : i32
    %convert_element_type3A = arith.extui %eq3A_0 : i1 to i32
    %cond3A = arith.constant 0 : i32
    %cond3A_1 = arith.cmpi ne, %convert_element_type3A, %cond3A : i32
    scf.if %cond3A_1 {
      %broadcast_in_dim3A_15 = arith.constant 0.000000e+00 : f32
      %broadcast_in_dim3A_16 = vector.broadcast %broadcast_in_dim3A_15 : f32 to vector<8x128xf32>
      %swap3A_17 = arith.constant 0 : index
      %swap3A_18 = arith.constant 0 : index
      %swap3A_19 = vector.load %arg2[%swap3A_17, %swap3A_18] : memref<8x128xf32, #tpu.memory_space<vmem>>, vector<8x128xf32>
      tpu.vector_store %arg2[%swap3A_17, %swap3A_18], %broadcast_in_dim3A_16 {strides = array<i32>} : memref<8x128xf32, #tpu.memory_space<vmem>>, vector<8x128xf32>,
    } else {
    }
    %get3A = arith.constant 0 : index
    %get3A_2 = arith.constant 0 : index
    %get3A_3 = vector.load %arg1[%get3A, %get3A_2] : memref<1000x128xf32, #tpu.memory_space<vmem>>, vector<1000x128xf32>
    %reduce_sum3A = arith.constant dense<0.000000e+00> : vector<128xf32>
    %reduce_sum3A_4 = vector.multi_reduction <add>, %get3A_3, %reduce_sum3A [0] : vector<1000x128xf32> to vector<128xf32>
    %mul3A = arith.mulf %get3A_3, %get3A_3 : vector<1000x128xf32>
    %reduce_sum3A_5 = arith.constant dense<0.000000e+00> : vector<128xf32>
    %reduce_sum3A_6 = vector.multi_reduction <add>, %mul3A, %reduce_sum3A_5 [0] : vector<1000x128xf32> to vector<128xf32>
    %get3A_7 = arith.constant 0 : index
    %get3A_8 = arith.constant 0 : index
    %get3A_9 = vector.load %arg2[%get3A_7, %get3A_8] : memref<8x128xf32, #tpu.memory_space<vmem>>, vector<8x128xf32>
    %broadcast_in_dim3A = vector.shape_cast %reduce_sum3A_4 : vector<128xf32> to vector<1x128xf32>
    %broadcast_in_dim3A_10 = vector.shape_cast %reduce_sum3A_6 : vector<128xf32> to vector<1x128xf32>
    %broadcast_in_dim3A_11 = arith.constant 0.000000e+00 : f32
    %broadcast_in_dim3A_12 = vector.broadcast %broadcast_in_dim3A_11 : f32 to vector<6x128xf32>
    %concatenate3A = tpu.concatenate %broadcast_in_dim3A, %broadcast_in_dim3A_10, %broadcast_in_dim3A_12 in 0 : vector<1x128xf32>, vector<1x128xf32>, vector<6x128xf32> -> vector<8x128xf32>
    %add3A = arith.addf %get3A_9, %concatenate3A : vector<8x128xf32>
    %swap3A = arith.constant 0 : index
    %swap3A_13 = arith.constant 0 : index
    %swap3A_14 = vector.load %arg2[%swap3A, %swap3A_13] : memref<8x128xf32, #tpu.memory_space<vmem>>, vector<8x128xf32>
    tpu.vector_store %arg2[%swap3A, %swap3A_13], %add3A {strides = array<i32>} : memref<8x128xf32, #tpu.memory_space<vmem>>, vector<8x128xf32>,
    return
  }
  func.func @transform_0(%arg0: i32) -> (i32, i32) {
    %c0_i32 = arith.constant 0 : i32
    %c0_i32_0 = arith.constant 0 : i32
    return %arg0, %c0_i32 : i32, i32
  }
  func.func @transform_1(%arg0: i32) -> (i32, i32) {
    %c0_i32 = arith.constant 0 : i32
    %c0_i32_0 = arith.constant 0 : i32
    %c0_i32_1 = arith.constant 0 : i32
    return %c0_i32, %c0_i32_0 : i32, i32
  }
}

module attributes {stable_mosaic.version = 14 : i64} {
  func.func @_bn0_mm_body(%arg0: i32, %arg1: memref<1000x128xf32, #tpu.memory_space<vmem>>, %arg2: memref<1x128xf32, #tpu.memory_space<vmem>>, %arg3: memref<1x128xf32, #tpu.memory_space<vmem>>, %arg4: memref<128x256xf32, #tpu.memory_space<vmem>>, %arg5: memref<1x256xf32, #tpu.memory_space<vmem>>, %arg6: memref<2x1000x128xf32, #tpu.memory_space<vmem>>) attributes {dimension_semantics = [#tpu.dimension_semantics<arbitrary>], iteration_bounds = array<i64: 10>, scalar_prefetch = 0 : i64, scratch_operands = 0 : i64, tpu.core_type = #tpu.core_type<tc>, window_params = [{transform_indices = @transform_0, window_bounds = array<i64: 1000, 128>}, {pipeline_mode = #tpu.pipeline_mode<synchronous>, transform_indices = @transform_1, window_bounds = array<i64: 1, 128>}, {pipeline_mode = #tpu.pipeline_mode<synchronous>, transform_indices = @transform_2, window_bounds = array<i64: 1, 128>}, {pipeline_mode = #tpu.pipeline_mode<synchronous>, transform_indices = @transform_3, window_bounds = array<i64: 128, 256>}, {pipeline_mode = #tpu.pipeline_mode<synchronous>, transform_indices = @transform_4, window_bounds = array<i64: 1, 256>}, {transform_indices = @transform_5, window_bounds = array<i64: 2, 1000, 128>}]} {
    %get3A = arith.constant 0 : index
    %get3A_0 = arith.constant 0 : index
    %get3A_1 = vector.load %arg1[%get3A, %get3A_0] : memref<1000x128xf32, #tpu.memory_space<vmem>>, vector<1000x128xf32>
    %get3A_2 = arith.constant 0 : index
    %get3A_3 = arith.constant 0 : index
    %get3A_4 = vector.load %arg2[%get3A_2, %get3A_3] : memref<1x128xf32, #tpu.memory_space<vmem>>, vector<1x128xf32>
    %mul3A = vector.broadcast %get3A_4 : vector<1x128xf32> to vector<1000x128xf32>
    %mul3A_5 = arith.mulf %get3A_1, %mul3A : vector<1000x128xf32>
    %get3A_6 = arith.constant 0 : index
    %get3A_7 = arith.constant 0 : index
    %get3A_8 = vector.load %arg3[%get3A_6, %get3A_7] : memref<1x128xf32, #tpu.memory_space<vmem>>, vector<1x128xf32>
    %add3A = vector.broadcast %get3A_8 : vector<1x128xf32> to vector<1000x128xf32>
    %add3A_9 = arith.addf %mul3A_5, %add3A : vector<1000x128xf32>
    %get3A_10 = arith.constant 0 : index
    %get3A_11 = arith.constant 0 : index
    %get3A_12 = vector.load %arg4[%get3A_10, %get3A_11] : memref<128x256xf32, #tpu.memory_space<vmem>>, vector<128x256xf32>
    %dot_general3A = arith.constant dense<0.000000e+00> : vector<1000x256xf32>
    %dot_general3A_13 = tpu.matmul %add3A_9, %get3A_12, %dot_general3A {dimension_numbers = #tpu.dot_dimension_numbers<[1], [0], [0], [1], [0, 0, 1, 1], [], []>, transpose_lhs_hint = false} : vector<1000x128xf32>, vector<128x256xf32>, vector<1000x256xf32> -> vector<1000x256xf32>
    %get3A_14 = arith.constant 0 : index
    %get3A_15 = arith.constant 0 : index
    %get3A_16 = vector.load %arg5[%get3A_14, %get3A_15] : memref<1x256xf32, #tpu.memory_space<vmem>>, vector<1x256xf32>
    %add3A_17 = vector.broadcast %get3A_16 : vector<1x256xf32> to vector<1000x256xf32>
    %add3A_18 = arith.addf %dot_general3A_13, %add3A_17 : vector<1000x256xf32>
    %max3A = arith.constant 0.000000e+00 : f32
    %max3A_19 = vector.broadcast %max3A : f32 to vector<1000x256xf32>
    %max3A_20 = arith.maximumf %add3A_18, %max3A_19 : vector<1000x256xf32>
    %slice3A = vector.extract_strided_slice %max3A_20 {offsets = [0, 0], sizes = [1000, 128], strides = [1, 1]} : vector<1000x256xf32> to vector<1000x128xf32>
    %swap3A = arith.constant 0 : index
    %swap3A_21 = arith.constant 0 : index
    %swap3A_22 = arith.constant 0 : index
    %swap3A_23 = vector.load %arg6[%swap3A, %swap3A_21, %swap3A_22] : memref<2x1000x128xf32, #tpu.memory_space<vmem>>, vector<1x1000x128xf32>
    %swap3A_24 = vector.shape_cast %swap3A_23 : vector<1x1000x128xf32> to vector<1000x128xf32>
    %swap3A_25 = vector.shape_cast %slice3A : vector<1000x128xf32> to vector<1x1000x128xf32>
    tpu.vector_store %arg6[%swap3A, %swap3A_21, %swap3A_22], %swap3A_25 {strides = array<i32>} : memref<2x1000x128xf32, #tpu.memory_space<vmem>>, vector<1x1000x128xf32>,
    %slice3A_26 = vector.extract_strided_slice %max3A_20 {offsets = [0, 128], sizes = [1000, 128], strides = [1, 1]} : vector<1000x256xf32> to vector<1000x128xf32>
    %swap3A_27 = arith.constant 1 : index
    %swap3A_28 = arith.constant 0 : index
    %swap3A_29 = arith.constant 0 : index
    %swap3A_30 = vector.load %arg6[%swap3A_27, %swap3A_28, %swap3A_29] : memref<2x1000x128xf32, #tpu.memory_space<vmem>>, vector<1x1000x128xf32>
    %swap3A_31 = vector.shape_cast %swap3A_30 : vector<1x1000x128xf32> to vector<1000x128xf32>
    %swap3A_32 = vector.shape_cast %slice3A_26 : vector<1000x128xf32> to vector<1x1000x128xf32>
    tpu.vector_store %arg6[%swap3A_27, %swap3A_28, %swap3A_29], %swap3A_32 {strides = array<i32>} : memref<2x1000x128xf32, #tpu.memory_space<vmem>>, vector<1x1000x128xf32>,
    return
  }
  func.func @transform_0(%arg0: i32) -> (i32, i32) {
    %c0_i32 = arith.constant 0 : i32
    %c0_i32_0 = arith.constant 0 : i32
    return %arg0, %c0_i32 : i32, i32
  }
  func.func @transform_1(%arg0: i32) -> (i32, i32) {
    %c0_i32 = arith.constant 0 : i32
    %c0_i32_0 = arith.constant 0 : i32
    %c0_i32_1 = arith.constant 0 : i32
    return %c0_i32, %c0_i32_0 : i32, i32
  }
  func.func @transform_2(%arg0: i32) -> (i32, i32) {
    %c0_i32 = arith.constant 0 : i32
    %c0_i32_0 = arith.constant 0 : i32
    %c0_i32_1 = arith.constant 0 : i32
    return %c0_i32, %c0_i32_0 : i32, i32
  }
  func.func @transform_3(%arg0: i32) -> (i32, i32) {
    %c0_i32 = arith.constant 0 : i32
    %c0_i32_0 = arith.constant 0 : i32
    %c0_i32_1 = arith.constant 0 : i32
    return %c0_i32, %c0_i32_0 : i32, i32
  }
  func.func @transform_4(%arg0: i32) -> (i32, i32) {
    %c0_i32 = arith.constant 0 : i32
    %c0_i32_0 = arith.constant 0 : i32
    %c0_i32_1 = arith.constant 0 : i32
    return %c0_i32, %c0_i32_0 : i32, i32
  }
  func.func @transform_5(%arg0: i32) -> (i32, i32, i32) {
    %c0_i32 = arith.constant 0 : i32
    %c0_i32_0 = arith.constant 0 : i32
    %c0_i32_1 = arith.constant 0 : i32
    return %c0_i32, %arg0, %c0_i32_0 : i32, i32, i32
  }
}

module attributes {stable_mosaic.version = 14 : i64} {
  func.func @_mm1_stats_body(%arg0: i32, %arg1: memref<2x1000x128xf32, #tpu.memory_space<vmem>>, %arg2: memref<256x256xf32, #tpu.memory_space<vmem>>, %arg3: memref<1x256xf32, #tpu.memory_space<vmem>>, %arg4: memref<1000x256xf32, #tpu.memory_space<vmem>>, %arg5: memref<8x256xf32, #tpu.memory_space<vmem>>) attributes {dimension_semantics = [#tpu.dimension_semantics<arbitrary>], iteration_bounds = array<i64: 10>, scalar_prefetch = 0 : i64, scratch_operands = 0 : i64, tpu.core_type = #tpu.core_type<tc>, window_params = [{transform_indices = @transform_0, window_bounds = array<i64: 2, 1000, 128>}, {pipeline_mode = #tpu.pipeline_mode<synchronous>, transform_indices = @transform_1, window_bounds = array<i64: 256, 256>}, {pipeline_mode = #tpu.pipeline_mode<synchronous>, transform_indices = @transform_2, window_bounds = array<i64: 1, 256>}, {transform_indices = @transform_3, window_bounds = array<i64: 1000, 256>}, {pipeline_mode = #tpu.pipeline_mode<synchronous>, transform_indices = @transform_4, window_bounds = array<i64: 8, 256>}]} {
    %get3A = arith.constant 0 : index
    %get3A_0 = arith.constant 0 : index
    %get3A_1 = arith.constant 0 : index
    %get3A_2 = vector.load %arg1[%get3A, %get3A_0, %get3A_1] : memref<2x1000x128xf32, #tpu.memory_space<vmem>>, vector<1x1000x128xf32>
    %get3A_3 = vector.shape_cast %get3A_2 : vector<1x1000x128xf32> to vector<1000x128xf32>
    %get3A_4 = arith.constant 1 : index
    %get3A_5 = arith.constant 0 : index
    %get3A_6 = arith.constant 0 : index
    %get3A_7 = vector.load %arg1[%get3A_4, %get3A_5, %get3A_6] : memref<2x1000x128xf32, #tpu.memory_space<vmem>>, vector<1x1000x128xf32>
    %get3A_8 = vector.shape_cast %get3A_7 : vector<1x1000x128xf32> to vector<1000x128xf32>
    %concatenate3A = tpu.concatenate %get3A_3, %get3A_8 in 1 : vector<1000x128xf32>, vector<1000x128xf32> -> vector<1000x256xf32>
    %get3A_9 = arith.constant 0 : index
    %get3A_10 = arith.constant 0 : index
    %get3A_11 = vector.load %arg2[%get3A_9, %get3A_10] : memref<256x256xf32, #tpu.memory_space<vmem>>, vector<256x256xf32>
    %dot_general3A = arith.constant dense<0.000000e+00> : vector<1000x256xf32>
    %dot_general3A_12 = tpu.matmul %concatenate3A, %get3A_11, %dot_general3A {dimension_numbers = #tpu.dot_dimension_numbers<[1], [0], [0], [1], [0, 0, 1, 1], [], []>, transpose_lhs_hint = false} : vector<1000x256xf32>, vector<256x256xf32>, vector<1000x256xf32> -> vector<1000x256xf32>
    %get3A_13 = arith.constant 0 : index
    %get3A_14 = arith.constant 0 : index
    %get3A_15 = vector.load %arg3[%get3A_13, %get3A_14] : memref<1x256xf32, #tpu.memory_space<vmem>>, vector<1x256xf32>
    %add3A = vector.broadcast %get3A_15 : vector<1x256xf32> to vector<1000x256xf32>
    %add3A_16 = arith.addf %dot_general3A_12, %add3A : vector<1000x256xf32>
    %swap3A = arith.constant 0 : index
    %swap3A_17 = arith.constant 0 : index
    %swap3A_18 = vector.load %arg4[%swap3A, %swap3A_17] : memref<1000x256xf32, #tpu.memory_space<vmem>>, vector<1000x256xf32>
    tpu.vector_store %arg4[%swap3A, %swap3A_17], %add3A_16 {strides = array<i32>} : memref<1000x256xf32, #tpu.memory_space<vmem>>, vector<1000x256xf32>,
    %eq3A = arith.constant 0 : i32
    %eq3A_19 = arith.cmpi eq, %arg0, %eq3A : i32
    %convert_element_type3A = arith.extui %eq3A_19 : i1 to i32
    %cond3A = arith.constant 0 : i32
    %cond3A_20 = arith.cmpi ne, %convert_element_type3A, %cond3A : i32
    scf.if %cond3A_20 {
      %broadcast_in_dim3A_35 = arith.constant 0.000000e+00 : f32
      %broadcast_in_dim3A_36 = vector.broadcast %broadcast_in_dim3A_35 : f32 to vector<8x256xf32>
      %swap3A_37 = arith.constant 0 : index
      %swap3A_38 = arith.constant 0 : index
      %swap3A_39 = vector.load %arg5[%swap3A_37, %swap3A_38] : memref<8x256xf32, #tpu.memory_space<vmem>>, vector<8x256xf32>
      tpu.vector_store %arg5[%swap3A_37, %swap3A_38], %broadcast_in_dim3A_36 {strides = array<i32>} : memref<8x256xf32, #tpu.memory_space<vmem>>, vector<8x256xf32>,
    } else {
    }
    %reduce_sum3A = arith.constant dense<0.000000e+00> : vector<256xf32>
    %reduce_sum3A_21 = vector.multi_reduction <add>, %add3A_16, %reduce_sum3A [0] : vector<1000x256xf32> to vector<256xf32>
    %mul3A = arith.mulf %add3A_16, %add3A_16 : vector<1000x256xf32>
    %reduce_sum3A_22 = arith.constant dense<0.000000e+00> : vector<256xf32>
    %reduce_sum3A_23 = vector.multi_reduction <add>, %mul3A, %reduce_sum3A_22 [0] : vector<1000x256xf32> to vector<256xf32>
    %get3A_24 = arith.constant 0 : index
    %get3A_25 = arith.constant 0 : index
    %get3A_26 = vector.load %arg5[%get3A_24, %get3A_25] : memref<8x256xf32, #tpu.memory_space<vmem>>, vector<8x256xf32>
    %broadcast_in_dim3A = vector.shape_cast %reduce_sum3A_21 : vector<256xf32> to vector<1x256xf32>
    %broadcast_in_dim3A_27 = vector.shape_cast %reduce_sum3A_23 : vector<256xf32> to vector<1x256xf32>
    %broadcast_in_dim3A_28 = arith.constant 0.000000e+00 : f32
    %broadcast_in_dim3A_29 = vector.broadcast %broadcast_in_dim3A_28 : f32 to vector<6x256xf32>
    %concatenate3A_30 = tpu.concatenate %broadcast_in_dim3A, %broadcast_in_dim3A_27, %broadcast_in_dim3A_29 in 0 : vector<1x256xf32>, vector<1x256xf32>, vector<6x256xf32> -> vector<8x256xf32>
    %add3A_31 = arith.addf %get3A_26, %concatenate3A_30 : vector<8x256xf32>
    %swap3A_32 = arith.constant 0 : index
    %swap3A_33 = arith.constant 0 : index
    %swap3A_34 = vector.load %arg5[%swap3A_32, %swap3A_33] : memref<8x256xf32, #tpu.memory_space<vmem>>, vector<8x256xf32>
    tpu.vector_store %arg5[%swap3A_32, %swap3A_33], %add3A_31 {strides = array<i32>} : memref<8x256xf32, #tpu.memory_space<vmem>>, vector<8x256xf32>,
    return
  }
  func.func @transform_0(%arg0: i32) -> (i32, i32, i32) {
    %c0_i32 = arith.constant 0 : i32
    %c0_i32_0 = arith.constant 0 : i32
    %c0_i32_1 = arith.constant 0 : i32
    return %c0_i32, %arg0, %c0_i32_0 : i32, i32, i32
  }
  func.func @transform_1(%arg0: i32) -> (i32, i32) {
    %c0_i32 = arith.constant 0 : i32
    %c0_i32_0 = arith.constant 0 : i32
    %c0_i32_1 = arith.constant 0 : i32
    return %c0_i32, %c0_i32_0 : i32, i32
  }
  func.func @transform_2(%arg0: i32) -> (i32, i32) {
    %c0_i32 = arith.constant 0 : i32
    %c0_i32_0 = arith.constant 0 : i32
    %c0_i32_1 = arith.constant 0 : i32
    return %c0_i32, %c0_i32_0 : i32, i32
  }
  func.func @transform_3(%arg0: i32) -> (i32, i32) {
    %c0_i32 = arith.constant 0 : i32
    %c0_i32_0 = arith.constant 0 : i32
    return %arg0, %c0_i32 : i32, i32
  }
  func.func @transform_4(%arg0: i32) -> (i32, i32) {
    %c0_i32 = arith.constant 0 : i32
    %c0_i32_0 = arith.constant 0 : i32
    %c0_i32_1 = arith.constant 0 : i32
    return %c0_i32, %c0_i32_0 : i32, i32
  }
}

module attributes {stable_mosaic.version = 14 : i64} {
  func.func @_bn_mm2_body(%arg0: i32, %arg1: memref<1000x256xf32, #tpu.memory_space<vmem>>, %arg2: memref<1x256xf32, #tpu.memory_space<vmem>>, %arg3: memref<1x256xf32, #tpu.memory_space<vmem>>, %arg4: memref<256x256xf32, #tpu.memory_space<vmem>>, %arg5: memref<1x256xf32, #tpu.memory_space<vmem>>, %arg6: memref<2x1000x128xf32, #tpu.memory_space<vmem>>) attributes {dimension_semantics = [#tpu.dimension_semantics<arbitrary>], iteration_bounds = array<i64: 10>, scalar_prefetch = 0 : i64, scratch_operands = 0 : i64, tpu.core_type = #tpu.core_type<tc>, window_params = [{transform_indices = @transform_0, window_bounds = array<i64: 1000, 256>}, {pipeline_mode = #tpu.pipeline_mode<synchronous>, transform_indices = @transform_1, window_bounds = array<i64: 1, 256>}, {pipeline_mode = #tpu.pipeline_mode<synchronous>, transform_indices = @transform_2, window_bounds = array<i64: 1, 256>}, {pipeline_mode = #tpu.pipeline_mode<synchronous>, transform_indices = @transform_3, window_bounds = array<i64: 256, 256>}, {pipeline_mode = #tpu.pipeline_mode<synchronous>, transform_indices = @transform_4, window_bounds = array<i64: 1, 256>}, {transform_indices = @transform_5, window_bounds = array<i64: 2, 1000, 128>}]} {
    %get3A = arith.constant 0 : index
    %get3A_0 = arith.constant 0 : index
    %get3A_1 = vector.load %arg1[%get3A, %get3A_0] : memref<1000x256xf32, #tpu.memory_space<vmem>>, vector<1000x256xf32>
    %get3A_2 = arith.constant 0 : index
    %get3A_3 = arith.constant 0 : index
    %get3A_4 = vector.load %arg2[%get3A_2, %get3A_3] : memref<1x256xf32, #tpu.memory_space<vmem>>, vector<1x256xf32>
    %mul3A = vector.broadcast %get3A_4 : vector<1x256xf32> to vector<1000x256xf32>
    %mul3A_5 = arith.mulf %get3A_1, %mul3A : vector<1000x256xf32>
    %get3A_6 = arith.constant 0 : index
    %get3A_7 = arith.constant 0 : index
    %get3A_8 = vector.load %arg3[%get3A_6, %get3A_7] : memref<1x256xf32, #tpu.memory_space<vmem>>, vector<1x256xf32>
    %add3A = vector.broadcast %get3A_8 : vector<1x256xf32> to vector<1000x256xf32>
    %add3A_9 = arith.addf %mul3A_5, %add3A : vector<1000x256xf32>
    %max3A = arith.constant 0.000000e+00 : f32
    %max3A_10 = vector.broadcast %max3A : f32 to vector<1000x256xf32>
    %max3A_11 = arith.maximumf %add3A_9, %max3A_10 : vector<1000x256xf32>
    %get3A_12 = arith.constant 0 : index
    %get3A_13 = arith.constant 0 : index
    %get3A_14 = vector.load %arg4[%get3A_12, %get3A_13] : memref<256x256xf32, #tpu.memory_space<vmem>>, vector<256x256xf32>
    %dot_general3A = arith.constant dense<0.000000e+00> : vector<1000x256xf32>
    %dot_general3A_15 = tpu.matmul %max3A_11, %get3A_14, %dot_general3A {dimension_numbers = #tpu.dot_dimension_numbers<[1], [0], [0], [1], [0, 0, 1, 1], [], []>, transpose_lhs_hint = false} : vector<1000x256xf32>, vector<256x256xf32>, vector<1000x256xf32> -> vector<1000x256xf32>
    %get3A_16 = arith.constant 0 : index
    %get3A_17 = arith.constant 0 : index
    %get3A_18 = vector.load %arg5[%get3A_16, %get3A_17] : memref<1x256xf32, #tpu.memory_space<vmem>>, vector<1x256xf32>
    %add3A_19 = vector.broadcast %get3A_18 : vector<1x256xf32> to vector<1000x256xf32>
    %add3A_20 = arith.addf %dot_general3A_15, %add3A_19 : vector<1000x256xf32>
    %max3A_21 = arith.constant 0.000000e+00 : f32
    %max3A_22 = vector.broadcast %max3A_21 : f32 to vector<1000x256xf32>
    %max3A_23 = arith.maximumf %add3A_20, %max3A_22 : vector<1000x256xf32>
    %slice3A = vector.extract_strided_slice %max3A_23 {offsets = [0, 0], sizes = [1000, 128], strides = [1, 1]} : vector<1000x256xf32> to vector<1000x128xf32>
    %swap3A = arith.constant 0 : index
    %swap3A_24 = arith.constant 0 : index
    %swap3A_25 = arith.constant 0 : index
    %swap3A_26 = vector.load %arg6[%swap3A, %swap3A_24, %swap3A_25] : memref<2x1000x128xf32, #tpu.memory_space<vmem>>, vector<1x1000x128xf32>
    %swap3A_27 = vector.shape_cast %swap3A_26 : vector<1x1000x128xf32> to vector<1000x128xf32>
    %swap3A_28 = vector.shape_cast %slice3A : vector<1000x128xf32> to vector<1x1000x128xf32>
    tpu.vector_store %arg6[%swap3A, %swap3A_24, %swap3A_25], %swap3A_28 {strides = array<i32>} : memref<2x1000x128xf32, #tpu.memory_space<vmem>>, vector<1x1000x128xf32>,
    %slice3A_29 = vector.extract_strided_slice %max3A_23 {offsets = [0, 128], sizes = [1000, 128], strides = [1, 1]} : vector<1000x256xf32> to vector<1000x128xf32>
    %swap3A_30 = arith.constant 1 : index
    %swap3A_31 = arith.constant 0 : index
    %swap3A_32 = arith.constant 0 : index
    %swap3A_33 = vector.load %arg6[%swap3A_30, %swap3A_31, %swap3A_32] : memref<2x1000x128xf32, #tpu.memory_space<vmem>>, vector<1x1000x128xf32>
    %swap3A_34 = vector.shape_cast %swap3A_33 : vector<1x1000x128xf32> to vector<1000x128xf32>
    %swap3A_35 = vector.shape_cast %slice3A_29 : vector<1000x128xf32> to vector<1x1000x128xf32>
    tpu.vector_store %arg6[%swap3A_30, %swap3A_31, %swap3A_32], %swap3A_35 {strides = array<i32>} : memref<2x1000x128xf32, #tpu.memory_space<vmem>>, vector<1x1000x128xf32>,
    return
  }
  func.func @transform_0(%arg0: i32) -> (i32, i32) {
    %c0_i32 = arith.constant 0 : i32
    %c0_i32_0 = arith.constant 0 : i32
    return %arg0, %c0_i32 : i32, i32
  }
  func.func @transform_1(%arg0: i32) -> (i32, i32) {
    %c0_i32 = arith.constant 0 : i32
    %c0_i32_0 = arith.constant 0 : i32
    %c0_i32_1 = arith.constant 0 : i32
    return %c0_i32, %c0_i32_0 : i32, i32
  }
  func.func @transform_2(%arg0: i32) -> (i32, i32) {
    %c0_i32 = arith.constant 0 : i32
    %c0_i32_0 = arith.constant 0 : i32
    %c0_i32_1 = arith.constant 0 : i32
    return %c0_i32, %c0_i32_0 : i32, i32
  }
  func.func @transform_3(%arg0: i32) -> (i32, i32) {
    %c0_i32 = arith.constant 0 : i32
    %c0_i32_0 = arith.constant 0 : i32
    %c0_i32_1 = arith.constant 0 : i32
    return %c0_i32, %c0_i32_0 : i32, i32
  }
  func.func @transform_4(%arg0: i32) -> (i32, i32) {
    %c0_i32 = arith.constant 0 : i32
    %c0_i32_0 = arith.constant 0 : i32
    %c0_i32_1 = arith.constant 0 : i32
    return %c0_i32, %c0_i32_0 : i32, i32
  }
  func.func @transform_5(%arg0: i32) -> (i32, i32, i32) {
    %c0_i32 = arith.constant 0 : i32
    %c0_i32_0 = arith.constant 0 : i32
    %c0_i32_1 = arith.constant 0 : i32
    return %c0_i32, %arg0, %c0_i32_0 : i32, i32, i32
  }
}

module attributes {stable_mosaic.version = 14 : i64} {
  func.func @_bn_mm2_body(%arg0: i32, %arg1: memref<1000x256xf32, #tpu.memory_space<vmem>>, %arg2: memref<1x256xf32, #tpu.memory_space<vmem>>, %arg3: memref<1x256xf32, #tpu.memory_space<vmem>>, %arg4: memref<256x256xf32, #tpu.memory_space<vmem>>, %arg5: memref<1x256xf32, #tpu.memory_space<vmem>>, %arg6: memref<1000x256xf32, #tpu.memory_space<vmem>>) attributes {dimension_semantics = [#tpu.dimension_semantics<arbitrary>], iteration_bounds = array<i64: 10>, scalar_prefetch = 0 : i64, scratch_operands = 0 : i64, tpu.core_type = #tpu.core_type<tc>, window_params = [{transform_indices = @transform_0, window_bounds = array<i64: 1000, 256>}, {pipeline_mode = #tpu.pipeline_mode<synchronous>, transform_indices = @transform_1, window_bounds = array<i64: 1, 256>}, {pipeline_mode = #tpu.pipeline_mode<synchronous>, transform_indices = @transform_2, window_bounds = array<i64: 1, 256>}, {pipeline_mode = #tpu.pipeline_mode<synchronous>, transform_indices = @transform_3, window_bounds = array<i64: 256, 256>}, {pipeline_mode = #tpu.pipeline_mode<synchronous>, transform_indices = @transform_4, window_bounds = array<i64: 1, 256>}, {transform_indices = @transform_5, window_bounds = array<i64: 1000, 256>}]} {
    %get3A = arith.constant 0 : index
    %get3A_0 = arith.constant 0 : index
    %get3A_1 = vector.load %arg1[%get3A, %get3A_0] : memref<1000x256xf32, #tpu.memory_space<vmem>>, vector<1000x256xf32>
    %get3A_2 = arith.constant 0 : index
    %get3A_3 = arith.constant 0 : index
    %get3A_4 = vector.load %arg2[%get3A_2, %get3A_3] : memref<1x256xf32, #tpu.memory_space<vmem>>, vector<1x256xf32>
    %mul3A = vector.broadcast %get3A_4 : vector<1x256xf32> to vector<1000x256xf32>
    %mul3A_5 = arith.mulf %get3A_1, %mul3A : vector<1000x256xf32>
    %get3A_6 = arith.constant 0 : index
    %get3A_7 = arith.constant 0 : index
    %get3A_8 = vector.load %arg3[%get3A_6, %get3A_7] : memref<1x256xf32, #tpu.memory_space<vmem>>, vector<1x256xf32>
    %add3A = vector.broadcast %get3A_8 : vector<1x256xf32> to vector<1000x256xf32>
    %add3A_9 = arith.addf %mul3A_5, %add3A : vector<1000x256xf32>
    %max3A = arith.constant 0.000000e+00 : f32
    %max3A_10 = vector.broadcast %max3A : f32 to vector<1000x256xf32>
    %max3A_11 = arith.maximumf %add3A_9, %max3A_10 : vector<1000x256xf32>
    %get3A_12 = arith.constant 0 : index
    %get3A_13 = arith.constant 0 : index
    %get3A_14 = vector.load %arg4[%get3A_12, %get3A_13] : memref<256x256xf32, #tpu.memory_space<vmem>>, vector<256x256xf32>
    %dot_general3A = arith.constant dense<0.000000e+00> : vector<1000x256xf32>
    %dot_general3A_15 = tpu.matmul %max3A_11, %get3A_14, %dot_general3A {dimension_numbers = #tpu.dot_dimension_numbers<[1], [0], [0], [1], [0, 0, 1, 1], [], []>, transpose_lhs_hint = false} : vector<1000x256xf32>, vector<256x256xf32>, vector<1000x256xf32> -> vector<1000x256xf32>
    %get3A_16 = arith.constant 0 : index
    %get3A_17 = arith.constant 0 : index
    %get3A_18 = vector.load %arg5[%get3A_16, %get3A_17] : memref<1x256xf32, #tpu.memory_space<vmem>>, vector<1x256xf32>
    %add3A_19 = vector.broadcast %get3A_18 : vector<1x256xf32> to vector<1000x256xf32>
    %add3A_20 = arith.addf %dot_general3A_15, %add3A_19 : vector<1000x256xf32>
    %max3A_21 = arith.constant 0.000000e+00 : f32
    %max3A_22 = vector.broadcast %max3A_21 : f32 to vector<1000x256xf32>
    %max3A_23 = arith.maximumf %add3A_20, %max3A_22 : vector<1000x256xf32>
    %swap3A = arith.constant 0 : index
    %swap3A_24 = arith.constant 0 : index
    %swap3A_25 = vector.load %arg6[%swap3A, %swap3A_24] : memref<1000x256xf32, #tpu.memory_space<vmem>>, vector<1000x256xf32>
    tpu.vector_store %arg6[%swap3A, %swap3A_24], %max3A_23 {strides = array<i32>} : memref<1000x256xf32, #tpu.memory_space<vmem>>, vector<1000x256xf32>,
    return
  }
  func.func @transform_0(%arg0: i32) -> (i32, i32) {
    %c0_i32 = arith.constant 0 : i32
    %c0_i32_0 = arith.constant 0 : i32
    return %arg0, %c0_i32 : i32, i32
  }
  func.func @transform_1(%arg0: i32) -> (i32, i32) {
    %c0_i32 = arith.constant 0 : i32
    %c0_i32_0 = arith.constant 0 : i32
    %c0_i32_1 = arith.constant 0 : i32
    return %c0_i32, %c0_i32_0 : i32, i32
  }
  func.func @transform_2(%arg0: i32) -> (i32, i32) {
    %c0_i32 = arith.constant 0 : i32
    %c0_i32_0 = arith.constant 0 : i32
    %c0_i32_1 = arith.constant 0 : i32
    return %c0_i32, %c0_i32_0 : i32, i32
  }
  func.func @transform_3(%arg0: i32) -> (i32, i32) {
    %c0_i32 = arith.constant 0 : i32
    %c0_i32_0 = arith.constant 0 : i32
    %c0_i32_1 = arith.constant 0 : i32
    return %c0_i32, %c0_i32_0 : i32, i32
  }
  func.func @transform_4(%arg0: i32) -> (i32, i32) {
    %c0_i32 = arith.constant 0 : i32
    %c0_i32_0 = arith.constant 0 : i32
    %c0_i32_1 = arith.constant 0 : i32
    return %c0_i32, %c0_i32_0 : i32, i32
  }
  func.func @transform_5(%arg0: i32) -> (i32, i32) {
    %c0_i32 = arith.constant 0 : i32
    %c0_i32_0 = arith.constant 0 : i32
    return %arg0, %c0_i32 : i32, i32
  }
}

module attributes {stable_mosaic.version = 14 : i64} {
  func.func @_pool_head_body(%arg0: i32, %arg1: memref<1000x256xf32, #tpu.memory_space<vmem>>, %arg2: memref<1x1x1000xi32, #tpu.memory_space<vmem>>, %arg3: memref<1x256xf32, #tpu.memory_space<vmem>>, %arg4: memref<1x256xf32, #tpu.memory_space<vmem>>, %arg5: memref<256x256xf32, #tpu.memory_space<vmem>>, %arg6: memref<1x256xf32, #tpu.memory_space<vmem>>, %arg7: memref<1x256xf32, #tpu.memory_space<vmem>>, %arg8: memref<1x256xf32, #tpu.memory_space<vmem>>, %arg9: memref<256x128xf32, #tpu.memory_space<vmem>>, %arg10: memref<1x128xf32, #tpu.memory_space<vmem>>, %arg11: memref<128x256xf32, #tpu.memory_space<vmem>>, %arg12: memref<128x128xf32, #tpu.memory_space<vmem>>) attributes {dimension_semantics = [#tpu.dimension_semantics<arbitrary>], iteration_bounds = array<i64: 10>, scalar_prefetch = 0 : i64, scratch_operands = 0 : i64, tpu.core_type = #tpu.core_type<tc>, window_params = [{transform_indices = @transform_0, window_bounds = array<i64: 1000, 256>}, {transform_indices = @transform_1, window_bounds = array<i64: 1, 1, 1000>}, {pipeline_mode = #tpu.pipeline_mode<synchronous>, transform_indices = @transform_2, window_bounds = array<i64: 1, 256>}, {pipeline_mode = #tpu.pipeline_mode<synchronous>, transform_indices = @transform_3, window_bounds = array<i64: 1, 256>}, {pipeline_mode = #tpu.pipeline_mode<synchronous>, transform_indices = @transform_4, window_bounds = array<i64: 256, 256>}, {pipeline_mode = #tpu.pipeline_mode<synchronous>, transform_indices = @transform_5, window_bounds = array<i64: 1, 256>}, {pipeline_mode = #tpu.pipeline_mode<synchronous>, transform_indices = @transform_6, window_bounds = array<i64: 1, 256>}, {pipeline_mode = #tpu.pipeline_mode<synchronous>, transform_indices = @transform_7, window_bounds = array<i64: 1, 256>}, {pipeline_mode = #tpu.pipeline_mode<synchronous>, transform_indices = @transform_8, window_bounds = array<i64: 256, 128>}, {pipeline_mode = #tpu.pipeline_mode<synchronous>, transform_indices = @transform_9, window_bounds = array<i64: 1, 128>}, {pipeline_mode = #tpu.pipeline_mode<synchronous>, transform_indices = @transform_10, window_bounds = array<i64: 128, 256>}, {pipeline_mode = #tpu.pipeline_mode<synchronous>, transform_indices = @transform_11, window_bounds = array<i64: 128, 128>}]} {
    %eq3A = arith.constant 0 : i32
    %eq3A_0 = arith.cmpi eq, %arg0, %eq3A : i32
    %convert_element_type3A = arith.extui %eq3A_0 : i1 to i32
    %cond3A = arith.constant 0 : i32
    %cond3A_1 = arith.cmpi ne, %convert_element_type3A, %cond3A : i32
    scf.if %cond3A_1 {
      %broadcast_in_dim3A = arith.constant 0.000000e+00 : f32
      %broadcast_in_dim3A_23 = vector.broadcast %broadcast_in_dim3A : f32 to vector<128x256xf32>
      %swap3A_24 = arith.constant 0 : index
      %swap3A_25 = arith.constant 0 : index
      %swap3A_26 = vector.load %arg11[%swap3A_24, %swap3A_25] : memref<128x256xf32, #tpu.memory_space<vmem>>, vector<128x256xf32>
      tpu.vector_store %arg11[%swap3A_24, %swap3A_25], %broadcast_in_dim3A_23 {strides = array<i32>} : memref<128x256xf32, #tpu.memory_space<vmem>>, vector<128x256xf32>,
      %broadcast_in_dim3A_27 = arith.constant 0.000000e+00 : f32
      %broadcast_in_dim3A_28 = vector.broadcast %broadcast_in_dim3A_27 : f32 to vector<128x128xf32>
      %swap3A_29 = arith.constant 0 : index
      %swap3A_30 = arith.constant 0 : index
      %swap3A_31 = vector.load %arg12[%swap3A_29, %swap3A_30] : memref<128x128xf32, #tpu.memory_space<vmem>>, vector<128x128xf32>
      tpu.vector_store %arg12[%swap3A_29, %swap3A_30], %broadcast_in_dim3A_28 {strides = array<i32>} : memref<128x128xf32, #tpu.memory_space<vmem>>, vector<128x128xf32>,
    } else {
    }
    %get3A = arith.constant 0 : index
    %get3A_2 = arith.constant 0 : index
    %get3A_3 = arith.constant 0 : index
    %get3A_4 = vector.load %arg2[%get3A, %get3A_2, %get3A_3] : memref<1x1x1000xi32, #tpu.memory_space<vmem>>, vector<1x1x1000xi32>
    %reshape3A = vector.shape_cast %get3A_4 : vector<1x1x1000xi32> to vector<1x1000xi32>
    %iota3A = tpu.iota {dimensions = array<i32: 0>} : vector<128x1000xi32>
    %eq3A_5 = vector.broadcast %reshape3A : vector<1x1000xi32> to vector<128x1000xi32>
    %eq3A_6 = arith.cmpi eq, %iota3A, %eq3A_5 : vector<128x1000xi32>
    %convert_element_type3A_7 = arith.extui %eq3A_6 : vector<128x1000xi1> to vector<128x1000xi32>
    %convert_element_type3A_8 = arith.sitofp %convert_element_type3A_7 : vector<128x1000xi32> to vector<128x1000xf32>
    %get3A_9 = arith.constant 0 : index
    %get3A_10 = arith.constant 0 : index
    %get3A_11 = vector.load %arg11[%get3A_9, %get3A_10] : memref<128x256xf32, #tpu.memory_space<vmem>>, vector<128x256xf32>
    %get3A_12 = arith.constant 0 : index
    %get3A_13 = arith.constant 0 : index
    %get3A_14 = vector.load %arg1[%get3A_12, %get3A_13] : memref<1000x256xf32, #tpu.memory_space<vmem>>, vector<1000x256xf32>
    %dot_general3A = arith.constant dense<0.000000e+00> : vector<128x256xf32>
    %dot_general3A_15 = tpu.matmul %convert_element_type3A_8, %get3A_14, %dot_general3A {dimension_numbers = #tpu.dot_dimension_numbers<[1], [0], [0], [1], [0, 0, 1, 1], [], []>, transpose_lhs_hint = false} : vector<128x1000xf32>, vector<1000x256xf32>, vector<128x256xf32> -> vector<128x256xf32>
    %add3A = arith.addf %get3A_11, %dot_general3A_15 : vector<128x256xf32>
    %swap3A = arith.constant 0 : index
    %swap3A_16 = arith.constant 0 : index
    %swap3A_17 = vector.load %arg11[%swap3A, %swap3A_16] : memref<128x256xf32, #tpu.memory_space<vmem>>, vector<128x256xf32>
    tpu.vector_store %arg11[%swap3A, %swap3A_16], %add3A {strides = array<i32>} : memref<128x256xf32, #tpu.memory_space<vmem>>, vector<128x256xf32>,
    %eq3A_18 = arith.constant 9 : i32
    %eq3A_19 = arith.cmpi eq, %arg0, %eq3A_18 : i32
    %convert_element_type3A_20 = arith.extui %eq3A_19 : i1 to i32
    %cond3A_21 = arith.constant 0 : i32
    %cond3A_22 = arith.cmpi ne, %convert_element_type3A_20, %cond3A_21 : i32
    scf.if %cond3A_22 {
      %get3A_23 = arith.constant 0 : index
      %get3A_24 = arith.constant 0 : index
      %get3A_25 = vector.load %arg11[%get3A_23, %get3A_24] : memref<128x256xf32, #tpu.memory_space<vmem>>, vector<128x256xf32>
      %reduce_sum3A = arith.constant dense<0.000000e+00> : vector<256xf32>
      %reduce_sum3A_26 = vector.multi_reduction <add>, %get3A_25, %reduce_sum3A [0] : vector<128x256xf32> to vector<256xf32>
      %div3A = arith.constant 1.280000e+02 : f32
      %div3A_27 = vector.broadcast %div3A : f32 to vector<256xf32>
      %div3A_28 = arith.divf %reduce_sum3A_26, %div3A_27 : vector<256xf32>
      %mul3A = arith.mulf %get3A_25, %get3A_25 : vector<128x256xf32>
      %reduce_sum3A_29 = arith.constant dense<0.000000e+00> : vector<256xf32>
      %reduce_sum3A_30 = vector.multi_reduction <add>, %mul3A, %reduce_sum3A_29 [0] : vector<128x256xf32> to vector<256xf32>
      %div3A_31 = arith.constant 1.280000e+02 : f32
      %div3A_32 = vector.broadcast %div3A_31 : f32 to vector<256xf32>
      %div3A_33 = arith.divf %reduce_sum3A_30, %div3A_32 : vector<256xf32>
      %mul3A_34 = arith.mulf %div3A_28, %div3A_28 : vector<256xf32>
      %sub3A = arith.subf %div3A_33, %mul3A_34 : vector<256xf32>
      %broadcast_in_dim3A = vector.shape_cast %div3A_28 : vector<256xf32> to vector<1x256xf32>
      %sub3A_35 = vector.broadcast %broadcast_in_dim3A : vector<1x256xf32> to vector<128x256xf32>
      %sub3A_36 = arith.subf %get3A_25, %sub3A_35 : vector<128x256xf32>
      %add3A_37 = arith.constant 9.99999974E-6 : f32
      %add3A_38 = vector.broadcast %add3A_37 : f32 to vector<256xf32>
      %add3A_39 = arith.addf %sub3A, %add3A_38 : vector<256xf32>
      %rsqrt3A = math.rsqrt %add3A_39 : vector<256xf32>
      %broadcast_in_dim3A_40 = vector.shape_cast %rsqrt3A : vector<256xf32> to vector<1x256xf32>
      %mul3A_41 = vector.broadcast %broadcast_in_dim3A_40 : vector<1x256xf32> to vector<128x256xf32>
      %mul3A_42 = arith.mulf %sub3A_36, %mul3A_41 : vector<128x256xf32>
      %get3A_43 = arith.constant 0 : index
      %get3A_44 = arith.constant 0 : index
      %get3A_45 = vector.load %arg3[%get3A_43, %get3A_44] : memref<1x256xf32, #tpu.memory_space<vmem>>, vector<1x256xf32>
      %mul3A_46 = vector.broadcast %get3A_45 : vector<1x256xf32> to vector<128x256xf32>
      %mul3A_47 = arith.mulf %mul3A_42, %mul3A_46 : vector<128x256xf32>
      %get3A_48 = arith.constant 0 : index
      %get3A_49 = arith.constant 0 : index
      %get3A_50 = vector.load %arg4[%get3A_48, %get3A_49] : memref<1x256xf32, #tpu.memory_space<vmem>>, vector<1x256xf32>
      %add3A_51 = vector.broadcast %get3A_50 : vector<1x256xf32> to vector<128x256xf32>
      %add3A_52 = arith.addf %mul3A_47, %add3A_51 : vector<128x256xf32>
      %get3A_53 = arith.constant 0 : index
      %get3A_54 = arith.constant 0 : index
      %get3A_55 = vector.load %arg5[%get3A_53, %get3A_54] : memref<256x256xf32, #tpu.memory_space<vmem>>, vector<256x256xf32>
      %dot_general3A_56 = arith.constant dense<0.000000e+00> : vector<128x256xf32>
      %dot_general3A_57 = tpu.matmul %add3A_52, %get3A_55, %dot_general3A_56 {dimension_numbers = #tpu.dot_dimension_numbers<[1], [0], [0], [1], [0, 0, 1, 1], [], []>, transpose_lhs_hint = false} : vector<128x256xf32>, vector<256x256xf32>, vector<128x256xf32> -> vector<128x256xf32>
      %get3A_58 = arith.constant 0 : index
      %get3A_59 = arith.constant 0 : index
      %get3A_60 = vector.load %arg6[%get3A_58, %get3A_59] : memref<1x256xf32, #tpu.memory_space<vmem>>, vector<1x256xf32>
      %add3A_61 = vector.broadcast %get3A_60 : vector<1x256xf32> to vector<128x256xf32>
      %add3A_62 = arith.addf %dot_general3A_57, %add3A_61 : vector<128x256xf32>
      %max3A = arith.constant 0.000000e+00 : f32
      %max3A_63 = vector.broadcast %max3A : f32 to vector<128x256xf32>
      %max3A_64 = arith.maximumf %add3A_62, %max3A_63 : vector<128x256xf32>
      %reduce_sum3A_65 = arith.constant dense<0.000000e+00> : vector<256xf32>
      %reduce_sum3A_66 = vector.multi_reduction <add>, %max3A_64, %reduce_sum3A_65 [0] : vector<128x256xf32> to vector<256xf32>
      %div3A_67 = arith.constant 1.280000e+02 : f32
      %div3A_68 = vector.broadcast %div3A_67 : f32 to vector<256xf32>
      %div3A_69 = arith.divf %reduce_sum3A_66, %div3A_68 : vector<256xf32>
      %mul3A_70 = arith.mulf %max3A_64, %max3A_64 : vector<128x256xf32>
      %reduce_sum3A_71 = arith.constant dense<0.000000e+00> : vector<256xf32>
      %reduce_sum3A_72 = vector.multi_reduction <add>, %mul3A_70, %reduce_sum3A_71 [0] : vector<128x256xf32> to vector<256xf32>
      %div3A_73 = arith.constant 1.280000e+02 : f32
      %div3A_74 = vector.broadcast %div3A_73 : f32 to vector<256xf32>
      %div3A_75 = arith.divf %reduce_sum3A_72, %div3A_74 : vector<256xf32>
      %mul3A_76 = arith.mulf %div3A_69, %div3A_69 : vector<256xf32>
      %sub3A_77 = arith.subf %div3A_75, %mul3A_76 : vector<256xf32>
      %broadcast_in_dim3A_78 = vector.shape_cast %div3A_69 : vector<256xf32> to vector<1x256xf32>
      %sub3A_79 = vector.broadcast %broadcast_in_dim3A_78 : vector<1x256xf32> to vector<128x256xf32>
      %sub3A_80 = arith.subf %max3A_64, %sub3A_79 : vector<128x256xf32>
      %add3A_81 = arith.constant 9.99999974E-6 : f32
      %add3A_82 = vector.broadcast %add3A_81 : f32 to vector<256xf32>
      %add3A_83 = arith.addf %sub3A_77, %add3A_82 : vector<256xf32>
      %rsqrt3A_84 = math.rsqrt %add3A_83 : vector<256xf32>
      %broadcast_in_dim3A_85 = vector.shape_cast %rsqrt3A_84 : vector<256xf32> to vector<1x256xf32>
      %mul3A_86 = vector.broadcast %broadcast_in_dim3A_85 : vector<1x256xf32> to vector<128x256xf32>
      %mul3A_87 = arith.mulf %sub3A_80, %mul3A_86 : vector<128x256xf32>
      %get3A_88 = arith.constant 0 : index
      %get3A_89 = arith.constant 0 : index
      %get3A_90 = vector.load %arg7[%get3A_88, %get3A_89] : memref<1x256xf32, #tpu.memory_space<vmem>>, vector<1x256xf32>
      %mul3A_91 = vector.broadcast %get3A_90 : vector<1x256xf32> to vector<128x256xf32>
      %mul3A_92 = arith.mulf %mul3A_87, %mul3A_91 : vector<128x256xf32>
      %get3A_93 = arith.constant 0 : index
      %get3A_94 = arith.constant 0 : index
      %get3A_95 = vector.load %arg8[%get3A_93, %get3A_94] : memref<1x256xf32, #tpu.memory_space<vmem>>, vector<1x256xf32>
      %add3A_96 = vector.broadcast %get3A_95 : vector<1x256xf32> to vector<128x256xf32>
      %add3A_97 = arith.addf %mul3A_92, %add3A_96 : vector<128x256xf32>
      %get3A_98 = arith.constant 0 : index
      %get3A_99 = arith.constant 0 : index
      %get3A_100 = vector.load %arg9[%get3A_98, %get3A_99] : memref<256x128xf32, #tpu.memory_space<vmem>>, vector<256x128xf32>
      %dot_general3A_101 = arith.constant dense<0.000000e+00> : vector<128x128xf32>
      %dot_general3A_102 = tpu.matmul %add3A_97, %get3A_100, %dot_general3A_101 {dimension_numbers = #tpu.dot_dimension_numbers<[1], [0], [0], [1], [0, 0, 1, 1], [], []>, transpose_lhs_hint = false} : vector<128x256xf32>, vector<256x128xf32>, vector<128x128xf32> -> vector<128x128xf32>
      %get3A_103 = arith.constant 0 : index
      %get3A_104 = arith.constant 0 : index
      %get3A_105 = vector.load %arg10[%get3A_103, %get3A_104] : memref<1x128xf32, #tpu.memory_space<vmem>>, vector<1x128xf32>
      %add3A_106 = vector.broadcast %get3A_105 : vector<1x128xf32> to vector<128x128xf32>
      %add3A_107 = arith.addf %dot_general3A_102, %add3A_106 : vector<128x128xf32>
      %iota3A_108 = tpu.iota {dimensions = array<i32: 1>} : vector<128x128xi32>
      %lt3A = arith.constant 10 : i32
      %lt3A_109 = vector.broadcast %lt3A : i32 to vector<128x128xi32>
      %lt3A_110 = arith.cmpi slt, %iota3A_108, %lt3A_109 : vector<128x128xi32>
      %jit3A = arith.constant -1.000000e+30 : f32
      %broadcast_in_dim3A_111 = vector.broadcast %jit3A : f32 to vector<128x128xf32>
      %select_n3A = arith.select %lt3A_110, %add3A_107, %broadcast_in_dim3A_111 : vector<128x128xi1>, vector<128x128xf32>
      %reduce_max3A = arith.constant dense<0xFF800000> : vector<128xf32>
      %reduce_max3A_112 = vector.multi_reduction <maximumf>, %select_n3A, %reduce_max3A [1] : vector<128x128xf32> to vector<128xf32>
      %broadcast_in_dim3A_113 = vector.shape_cast %reduce_max3A_112 : vector<128xf32> to vector<128x1xf32>
      %sub3A_114 = vector.broadcast %broadcast_in_dim3A_113 : vector<128x1xf32> to vector<128x128xf32>
      %sub3A_115 = arith.subf %add3A_107, %sub3A_114 : vector<128x128xf32>
      %exp3A = math.exp %sub3A_115 : vector<128x128xf32>
      %jit3A_116 = arith.constant 0.000000e+00 : f32
      %broadcast_in_dim3A_117 = vector.broadcast %jit3A_116 : f32 to vector<128x128xf32>
      %select_n3A_118 = arith.select %lt3A_110, %exp3A, %broadcast_in_dim3A_117 : vector<128x128xi1>, vector<128x128xf32>
      %reduce_sum3A_119 = arith.constant dense<0.000000e+00> : vector<128xf32>
      %reduce_sum3A_120 = vector.multi_reduction <add>, %select_n3A_118, %reduce_sum3A_119 [1] : vector<128x128xf32> to vector<128xf32>
      %broadcast_in_dim3A_121 = vector.shape_cast %reduce_sum3A_120 : vector<128xf32> to vector<128x1xf32>
      %log3A = math.log %broadcast_in_dim3A_121 : vector<128x1xf32>
      %sub3A_122 = vector.broadcast %log3A : vector<128x1xf32> to vector<128x128xf32>
      %sub3A_123 = arith.subf %sub3A_115, %sub3A_122 : vector<128x128xf32>
      %jit3A_124 = arith.constant 0.000000e+00 : f32
      %broadcast_in_dim3A_125 = vector.broadcast %jit3A_124 : f32 to vector<128x128xf32>
      %select_n3A_126 = arith.select %lt3A_110, %sub3A_123, %broadcast_in_dim3A_125 : vector<128x128xi1>, vector<128x128xf32>
      %swap3A_127 = arith.constant 0 : index
      %swap3A_128 = arith.constant 0 : index
      %swap3A_129 = vector.load %arg12[%swap3A_127, %swap3A_128] : memref<128x128xf32, #tpu.memory_space<vmem>>, vector<128x128xf32>
      tpu.vector_store %arg12[%swap3A_127, %swap3A_128], %select_n3A_126 {strides = array<i32>} : memref<128x128xf32, #tpu.memory_space<vmem>>, vector<128x128xf32>,
    } else {
    }
    return
  }
  func.func @transform_0(%arg0: i32) -> (i32, i32) {
    %c0_i32 = arith.constant 0 : i32
    %c0_i32_0 = arith.constant 0 : i32
    return %arg0, %c0_i32 : i32, i32
  }
  func.func @transform_1(%arg0: i32) -> (i32, i32, i32) {
    %c0_i32 = arith.constant 0 : i32
    %c0_i32_0 = arith.constant 0 : i32
    %c0_i32_1 = arith.constant 0 : i32
    return %arg0, %c0_i32, %c0_i32_0 : i32, i32, i32
  }
  func.func @transform_2(%arg0: i32) -> (i32, i32) {
    %c0_i32 = arith.constant 0 : i32
    %c0_i32_0 = arith.constant 0 : i32
    %c0_i32_1 = arith.constant 0 : i32
    return %c0_i32, %c0_i32_0 : i32, i32
  }
  func.func @transform_3(%arg0: i32) -> (i32, i32) {
    %c0_i32 = arith.constant 0 : i32
    %c0_i32_0 = arith.constant 0 : i32
    %c0_i32_1 = arith.constant 0 : i32
    return %c0_i32, %c0_i32_0 : i32, i32
  }
  func.func @transform_4(%arg0: i32) -> (i32, i32) {
    %c0_i32 = arith.constant 0 : i32
    %c0_i32_0 = arith.constant 0 : i32
    %c0_i32_1 = arith.constant 0 : i32
    return %c0_i32, %c0_i32_0 : i32, i32
  }
  func.func @transform_5(%arg0: i32) -> (i32, i32) {
    %c0_i32 = arith.constant 0 : i32
    %c0_i32_0 = arith.constant 0 : i32
    %c0_i32_1 = arith.constant 0 : i32
    return %c0_i32, %c0_i32_0 : i32, i32
  }
  func.func @transform_6(%arg0: i32) -> (i32, i32) {
    %c0_i32 = arith.constant 0 : i32
    %c0_i32_0 = arith.constant 0 : i32
    %c0_i32_1 = arith.constant 0 : i32
    return %c0_i32, %c0_i32_0 : i32, i32
  }
  func.func @transform_7(%arg0: i32) -> (i32, i32) {
    %c0_i32 = arith.constant 0 : i32
    %c0_i32_0 = arith.constant 0 : i32
    %c0_i32_1 = arith.constant 0 : i32
    return %c0_i32, %c0_i32_0 : i32, i32
  }
  func.func @transform_8(%arg0: i32) -> (i32, i32) {
    %c0_i32 = arith.constant 0 : i32
    %c0_i32_0 = arith.constant 0 : i32
    %c0_i32_1 = arith.constant 0 : i32
    return %c0_i32, %c0_i32_0 : i32, i32
  }
  func.func @transform_9(%arg0: i32) -> (i32, i32) {
    %c0_i32 = arith.constant 0 : i32
    %c0_i32_0 = arith.constant 0 : i32
    %c0_i32_1 = arith.constant 0 : i32
    return %c0_i32, %c0_i32_0 : i32, i32
  }
  func.func @transform_10(%arg0: i32) -> (i32, i32) {
    %c0_i32 = arith.constant 0 : i32
    %c0_i32_0 = arith.constant 0 : i32
    %c0_i32_1 = arith.constant 0 : i32
    return %c0_i32, %c0_i32_0 : i32, i32
  }
  func.func @transform_11(%arg0: i32) -> (i32, i32) {
    %c0_i32 = arith.constant 0 : i32
    %c0_i32_0 = arith.constant 0 : i32
    %c0_i32_1 = arith.constant 0 : i32
    return %c0_i32, %c0_i32_0 : i32, i32
  }
}

</mosaic_0001>

<sc_bundles>
// kernel: kernel.14.cloned.1.call-start
scs
__scs_entry_jumppad:
0x0: {  	(pc) =	sbr.rel $0x88, $3  }
0x1: {  	(tag) =	ssettag $0x0;
	lr =	simm.s32 $0x1  }
0x2: {  	[smem:$0x3F8C] =	sst lr;
	_ =	strace $0xD0000000  }
0x3: {  	_ = 	snop  }
0x4: {  	_ = 	snop  }
0x5: {  	_ = 	snop  }
0x6: {  	_ = 	snop  }
0x7: {  	_ = 	snop  }
__scs_overlays_trampoline_lowered:
0x8: {  	[smem:$0x3F9B] =	sst s0  }
0x9: {  	[smem:$0x3F9C] =	sst s1  }
0xa: {  	[smem:$0x3F9D] =	sst s2  }
0xb: {  	[smem:$0x3F9E] =	sst s3  }
0xc: {  	[smem:$0x3F9F] =	sst s4  }
0xd: {  	[smem:$0x3FA0] =	sst s5  }
0xe: {  	[smem:$0x3FA1] =	sst s6  }
0xf: {  	[smem:$0x3FA2] =	sst s7  }
0x10: {  	[smem:$0x3FA3] =	sst s8  }
0x11: {  	[smem:$0x3FA4] =	sst s9;
	s0 =	simm.s32 @!p0 $0x0  }
0x12: {  	s1 =	sld [smem:$0x3F8A];
	s0 =	simm.s32 @p0 $0x1  }
0x13: {  	[smem:$0x3FA5] =	sst s0;
	s0 =	simm.s32 @!p1 $0x0  }
0x14: {  	s2 =	sld [smem:$0x3F89];
	s0 =	simm.s32 @p1 $0x1  }
0x15: {  	[smem:$0x3FA6] =	sst s0;
	s0 =	simm.s32 @!p2 $0x0  }
0x16: {  	s3 =	sld [smem:$0x3FDB];
	s0 =	simm.s32 @p2 $0x1  }
0x17: {  	s4 =	simm.s32 $0x1BF5;
	[smem:$0x3FA8] =	sst s0  }
0x18: {  	s0 =	sld [smem:$0x3F8B];
	_ =	swait.ge [sflag:s4], $0x0  }
0x19: {  	s7 =	sld [smem:$0x3F8C]  }
0x1a: {  	s8 =	sadd.s32 $0xFFFFE003, lr  }
0x1b: {  	s9 =	sadd.s32 $0xFFFFFEF7, lr;
	s5 =	simm.s32 $0xFFFFFFFF;
	p2 =	slt.u32 s8, $0xFFFFF086  }
0x1c: {  	p1 =	slt.u32 s9, $0xF7A;
	s5 =	simm.s32 @!p2 $0x0  }
0x1d: {  	s5 =	simm.s32 @p1 $0x1;
	p0 =	seq.s32 s7, s2  }
0x1e: {  	s7 =	smul.u32 @!p0 $0xF7A, s2;
	p2 =	seq.s32 @!p0 s5, $0x0  }
0x1f: {  	s9 =	smul.u32 $0xF7A, s1;
	s8 =	simm.s32 @!p0 $0x1BF5;
	p2 =	por !p2, p0  }
0x20: {  	[sflag:s8] =	ssyncset.s32 @!p0 $0xFFFFF086;
	s6 =	sadd.s32 @!p0 s3, s7;
	s7 =	simm.s32 @!p0 $0x108  }
0x21: {  	s3 =	sadd.s32 s3, s9;
	s6 =	sadd.s32 @!p0 $0x88, s6;
	s7 =	simm.s32 @p2 $0x1082  }
0x22: {  	[simem:s7], [sflag:s8] =	dma.local @!p0 [hbm:s6], $0xF7A  }
0x23: {  	s9 =	sor.u32 $0xD0000000, s2;
	s6 =	simm.s32 $0x108;
	_ =	swait.ge @!p0 [sflag:s8], $0x0  }
0x24: {  	s3 =	sadd.s32 $0x88, s3;
	s6 =	simm.s32 @!p1 $0x1082;
	[sflag:s4] =	ssyncset.s32 $0xFFFFF086  }
0x25: {  	[simem:s6], [sflag:s4] =	dma.local [hbm:s3], $0xF7A  }
0x26: {  	[smem:$0x3F8C] =	sst s1;
	(tag) =	ssettag s2;
	_ =	strace s9  }
0x27: {  	s1 =	sld [smem:$0x3F9C]  }
0x28: {  	s2 =	sld [smem:$0x3F9D]  }
0x29: {  	s4 =	sld [smem:$0x3F9F]  }
0x2a: {  	p0 =	seq.s32 s5, $0x0;
	s5 =	sld [smem:$0x3FA0]  }
0x2b: {  	s6 =	sld [smem:$0x3FA1]  }
0x2c: {  	s7 =	sld [smem:$0x3FA2]  }
0x2d: {  	s3 =	simm.s32 $0x108;
	s8 =	sld [smem:$0x3FA3]  }
0x2e: {  	s3 =	simm.s32 @!p0 $0x1082;
	s9 =	sld [smem:$0x3FA4]  }
0x2f: {  	lr =	sadd.s32 s0, s3;
	s0 =	sld [smem:$0x3F9B]  }
0x30: {  	s3 =	sld [smem:$0x3F9E]  }
0x31: {  	[smem:$0x3FA7] =	sst s10  }
0x32: {  	s10 =	sld [smem:$0x3FA5];
	_ =	sdelay $0x3  }
0x33: {  	p0 =	seq.s32 s10, $0x1;
	s10 =	sld [smem:$0x3FA7];
	_ =	sdelay $0x3  }
0x34: {  	[smem:$0x3FA7] =	sst s10  }
0x35: {  	s10 =	sld [smem:$0x3FA6];
	_ =	sdelay $0x3  }
0x36: {  	p1 =	seq.s32 s10, $0x1;
	s10 =	sld [smem:$0x3FA7];
	_ =	sdelay $0x3  }
0x37: {  	[smem:$0x3FA7] =	sst s10  }
0x38: {  	s10 =	sld [smem:$0x3FA8]  }
0x39: {  	_ = 	snop;
	(pc) =	sbr.ind lr, $3  }
0x3a: {  	_ = 	snop  }
0x3b: {  	_ = 	snop  }
0x3c: {  	p2 =	seq.s32 s10, $0x1;
	s10 =	sld [smem:$0x3FA7]  }
0x3d: {  	_ =	shalt  }
0x3e: {  	_ =	shalt  }
0x3f: {  	_ =	shalt  }
0x40: {  	_ =	shalt  }
0x41: {  	_ =	shalt  }
0x42: {  	_ =	shalt  }
0x43: {  	_ =	shalt  }
0x44: {  	_ =	shalt  }
0x45: {  	_ =	shalt  }
0x46: {  	_ =	shalt  }
0x47: {  	_ =	shalt  }
0x48: {  	_ =	shalt  }
0x49: {  	_ =	shalt  }
0x4a: {  	_ =	shalt  }
0x4b: {  	_ =	shalt  }
0x4c: {  	_ =	shalt  }
0x4d: {  	_ =	shalt  }
0x4e: {  	_ =	shalt  }
0x4f: {  	_ =	shalt  }
0x50: {  	_ =	shalt  }
0x51: {  	_ =	shalt  }
0x52: {  	_ =	shalt  }
0x53: {  	_ =	shalt  }
0x54: {  	_ =	shalt  }
0x55: {  	_ =	shalt  }
0x56: {  	_ =	shalt  }
0x57: {  	_ =	shalt  }
0x58: {  	_ =	shalt  }
0x59: {  	_ =	shalt  }
0x5a: {  	_ =	shalt  }
0x5b: {  	_ =	shalt  }
0x5c: {  	_ =	shalt  }
0x5d: {  	_ =	shalt  }
0x5e: {  	_ =	shalt  }
0x5f: {  	_ =	shalt  }
0x60: {  	_ =	shalt  }
0x61: {  	_ =	shalt  }
0x62: {  	_ =	shalt  }
0x63: {  	_ =	shalt  }
0x64: {  	_ =	shalt  }
0x65: {  	_ =	shalt  }
0x66: {  	_ =	shalt  }
0x67: {  	_ =	shalt  }
0x68: {  	_ =	shalt  }
0x69: {  	_ =	shalt  }
0x6a: {  	_ =	shalt  }
0x6b: {  	_ =	shalt  }
0x6c: {  	_ =	shalt  }
0x6d: {  	_ =	shalt  }
0x6e: {  	_ =	shalt  }
0x6f: {  	_ =	shalt  }
0x70: {  	_ =	shalt  }
0x71: {  	_ =	shalt  }
0x72: {  	_ =	shalt  }
0x73: {  	_ =	shalt  }
0x74: {  	_ =	shalt  }
0x75: {  	_ =	shalt  }
0x76: {  	_ =	shalt  }
0x77: {  	_ =	shalt  }
0x78: {  	_ =	shalt  }
0x79: {  	_ =	shalt  }
0x7a: {  	_ =	shalt  }
0x7b: {  	_ =	shalt  }
0x7c: {  	_ =	shalt  }
0x7d: {  	_ =	shalt  }
0x7e: {  	_ =	shalt  }
0x7f: {  	_ =	shalt  }
0x80: {  	_ =	shalt  }
0x81: {  	_ =	shalt  }
0x82: {  	_ =	shalt  }
0x83: {  	_ =	shalt  }
0x84: {  	_ =	shalt  }
0x85: {  	_ =	shalt  }
0x86: {  	_ =	shalt  }
0x87: {  	_ =	shalt  }
.Lfunc_end0:
.L_simem_size_0:
called_computation_lowered:
.L_overlay_start_0:
0x88: {  	s2 =	sld [smem:$0x3FD9]  }
0x89: {  	s3 =	sld [smem:$0x3FFE];
	_ =	sdelay $0x1  }
0x8a: {  	s1 =	srdreg.scid  }
0x8b: {  	s0 =	sand.u32 $0x1, s1  }
0x8c: {  	s16 =	sshll.u32 s0, $0xA;
	s2 =	sadd.s32 s3, s2  }
0x8d: {  	s2 =	sadd.s32 s2, s16  }
0x8e: {  	[smem:$0x3FB3] =	sst s2  }
0x8f: {  	_ = 	snop  }
0x90: {  	(tm) =	ssettm $0x1  }
0x91: {  	s17 =	sld [smem:$0x3FFB];
	_ =	sdelay $0x3  }
0x92: {  	_ =	strace s17  }
0x93: {  	s2 =	sld [smem:$0x3FFC];
	_ =	sdelay $0x3  }
0x94: {  	_ =	strace s2  }
0x95: {  	s2 =	sld [smem:$0x3FFD];
	_ =	sdelay $0x3  }
0x96: {  	_ =	strace s2  }
0x97: {  	_ =	strace $0x8FFFFFFF  }
0x98: {  	s18 =	sld [smem:$0x3FDB];
	_ =	sdelay $0x1  }
0x99: {  	s19 =	simm.s32 $_scs_section_size  }
0x9a: {  	s4 =	simm.s32 $_size__tile_overlayer_lowered;
	s5 =	simm.s32 $_tile_overlayer_lowered  }
0x9b: {  	s22 =	simm.s32 $0x1BFF;
	s21 =	sshll.u32 s5, $0x1;
	s2 =	sadd.s32 s19, s18  }
0x9c: {  	s6 =	simm.s32 $0x0;
	s20 =	sshll.u32 s4, $0x1;
	s4 =	sadd.s32 s21, s2  }
0x9d: {  	[timem:s6], [sflag:s22] =	dma.local [hbm:s4], s20  }
0x9e: {  	_ =	swait.ge [sflag:s22], s20  }
0x9f: {  	s3 =	ssub.s32 $0x0, s20;
	[sflag:s22] =	ssyncset.done $0x0  }
0xa0: {  	[sflag:s22] =	ssyncadd.s32 s3;
	_ =	sdelay $0x1  }
0xa1: {  	s23 =	simm.s32 $0x1B8B  }
0xa2: {  	_ =	swait.ge [sflag:s23], $0x1  }
0xa3: {  	[sflag:s23] =	ssyncset.done $0x0  }
0xa4: {  	s25 =	simm.s32 $0x1B8E;
	s24 =	sld [smem:$0x3FFE];
	[sflag:s23] =	ssyncadd.s32 $0xFFFFFFFF  }
0xa5: {  	s26 =	simm.s32 $execute0_lowered;
	[smem:$0x3FD2] =	sst s25  }
0xa6: {  	s4 =	sshll.u32 s26, $0x1;
	_ =	strace $0x80000046;
	[dreg:$0x1] =	wrdreg $0xFFFFFFFF  }
0xa7: {  	s28 =	simm.s32 $_size_execute0_lowered;
	s2 =	sadd.s32 s2, s4;
	[dreg:$0x0] =	wrdreg $0x0  }
0xa8: {  	s4 =	sshll.u32 s28, $0x1;
	[dreg:$0x2] =	wrdreg s2  }
0xa9: {  	[dreg:$0x3] =	wrdreg s4  }
0xaa: {  	[dreg:$0x4] =	wrdreg $0xC0  }
0xab: {  	_ =	task [dreg:s6], $0x5FFFF  }
0xac: {  	[dreg:$0x1] =	wrdreg $0xFFFFFFFF  }
0xad: {  	[dreg:$0x0] =	wrdreg $0x60  }
0xae: {  	[dreg:$0x2] =	wrdreg s24  }
0xaf: {  	[dreg:$0x3] =	wrdreg $0x96000  }
0xb0: {  	[dreg:$0x4] =	wrdreg $0x9  }
0xb1: {  	_ =	task.clear_ibuf [dreg:s6], $0x5FFFF;
	_ =	strace $0x90000046  }
0xb2: {  	s29 =	simm.s32 $0x9;
	_ =	strace $0x80000048  }
0xb3: {  	_ =	swait.ge [sflag:s29], $0x1  }
0xb4: {  	[sflag:s29] =	ssyncadd.s32 $0xFFFFFFFF  }
0xb5: {  	_ =	strace $0x90000048  }
0xb6: {  	_ =	sfence  }
0xb7: {  	s30 =	sld [smem:$0x0];
	_ =	sdelay $0x2  }
0xb8: {  	s31 =	sshll.u32 s1, $0xD;
	s1 =	sshrl.u32 s1, $0x2  }
0xb9: {  	s3 =	sand.u32 $0x4000, s31;
	s1 =	sadd.s32 s1, s30  }
0xba: {  	s0 =	sor.u32 s3, s0;
	s1 =	sshll.u32 s1, $0x11  }
0xbb: {  	s0 =	sor.u32 s1, s0  }
0xbc: {  	s0 =	sadd.s32 $0x8F2B, s0  }
0xbd: {  	[sflag:s0] =	ssyncadd.remote.s32 $0x1  }
0xbe: {  	_ =	sfence.sel $0xFFFF  }
0xbf: {  	[dreg:$0x0] =	wrdreg $0xFFFFFFFF;
	(pc) =	sbr.abs _section_cstart, $3  }
0xc0: {  	[dreg:$0x1] =	wrdreg $0xFFFFFFFF  }
0xc1: {  	_ =	task.clear_ibuf [dreg:s6], $0x2FFFF;
	_ =	strace $0x9FFFFFFF  }
0xc2: {  	(tm) =	ssettm $0x7FFFFFFF  }
0xc3: {  	_ =	shalt  }
tec
execute0_lowered:
.L_overlay_start_1:
0x0: {  	(tag) =	ssettag $0x1  }
0x1: {  	s0 =	rddreg [dreg:$0x0]  }
0x2: {  	s1 =	rddreg [dreg:$0x1];
	s2 =	simm.s32 $0x0;
	s3 =	srdreg.scid  }
0x3: {  	s7 =	stileid.u32;
	s29 =	simm.s32 $0x10;
	s30 =	simm.s32 $0x1  }
0x4: {  	s28 =	simm.s32 $0x2;
	s31 =	simm.s32 $0x9;
	s8 =	smul.u32 $0x4E000, s7  }
0x5: {  	[smem:$0x7FF] =	sst s2;
	s6 =	sand.u32 $0x1, s3;
	s11 =	smul.u32 $0x2700, s7  }
0x6: {  	s3 =	sadd.s32 $0x2DA00, s0;
	s4 =	sadd.s32 $0x12A00, s0;
	s9 =	smul.u32 $0x27100, s6  }
0x7: {  	s5 =	sadd.s32 $0x5200, s0;
	s0 =	sadd.s32 $0x7BC00, s0;
	s13 =	smul.u32 $0x138800, s6  }
0x8: {  	s19 =	sshll.u32 s7, $0x6;
	s21 =	sadd.s32 $0x138000, s1;
	s18 =	smul.u32 $0x6C000, s6  }
0x9: {  	_ =	strace $0x80000047;
	s10 =	ssub.s32 $0x2, s6;
	s6 =	smul.u32 $0x6C00, s7  }
0xa: {  	s14 =	sor.u32 $0x1C10, s19;
	[dreg:$0x6] =	wrdreg s21;
	s12 =	sshrl.u32 s10, $0x1  }
0xb: {  	s8 =	sshrl.u32 s8, $0x2;
	[dreg:$0x5] =	wrdreg s14;
	s10 =	ssub.s32 s10, s12  }
0xc: {  	s9 =	sadd.s32 s11, s9;
	s8 =	sadd.s32 s8, s1;
	s22 =	sshrl.u32 s13, $0x3  }
0xd: {  	s24 =	sshrl.u32 s6, $0x3;
	[dreg:$0x3] =	wrdreg s8;
	s20 =	sadd.s32 s3, s9  }
0xe: {  	s12 =	sadd.s32 s5, s24;
	s24 =	smax.u32 s10, $0x1;
	[dreg:$0x4] =	wrdreg s20  }
0xf: {  	s25 =	smul.u32 $0x13800, s7;
	s8 =	sadd.s32 $0x27000, s22;
	[dreg:$0x14] =	wrdreg s24  }
0x10: {  	p0 =	sne.s32 s7, $0x0;
	s16 =	sadd.s32 s3, s8;
	[dreg:$0x8] =	wrdreg s12  }
0x11: {  	s7 =	simm.s32 $0xF;
	s17 =	sadd.s32 $0x10, s12;
	[dreg:$0x9] =	wrdreg s16  }
0x12: {  	s11 =	sadd.s32 s6, s18;
	s19 =	sadd.s32 $0x20, s12;
	[dreg:$0xb] =	wrdreg s17  }
0x13: {  	s23 =	sshrl.u32 s11, $0x3;
	s21 =	sadd.s32 $0x30, s12;
	[dreg:$0xd] =	wrdreg s19  }
0x14: {  	s15 =	sadd.s32 s4, s23;
	s23 =	sadd.s32 $0x40, s12;
	[dreg:$0xf] =	wrdreg s21  }
0x15: {  	s9 =	sadd.s32 s25, s13;
	s13 =	simm.s32 $0x8;
	[dreg:$0x13] =	wrdreg s23  }
0x16: {  	s9 =	sshrl.u32 s9, $0x3;
	s26 =	sadd.s32 $0x10, s15;
	[dreg:$0x7] =	wrdreg s15  }
0x17: {  	s24 =	simm.s32 $0x6000;
	s18 =	sadd.s32 $0x20, s15;
	[dreg:$0xa] =	wrdreg s26  }
0x18: {  	s20 =	sadd.s32 $0x30, s15;
	s9 =	sadd.s32 s0, s9;
	[dreg:$0xc] =	wrdreg s18  }
0x19: {  	s0 =	sadd.s32 s0, s8;
	s22 =	sadd.s32 $0x40, s15;
	[dreg:$0xe] =	wrdreg s20  }
0x1a: {  	s25 =	sadd.s32 $0x50, s15;
	s17 =	simm.s32 $0x9500;
	[dreg:$0x10] =	wrdreg s9  }
0x1b: {  	s21 =	simm.s32 $0x9280;
	s23 =	simm.s32 $0x9580;
	[dreg:$0x11] =	wrdreg s0  }
.Ltmp0:
0x1c: {  	s19 =	simm.s32 $0x3;
	[dreg:$0x12] =	wrdreg s22;
	(pc) =	sbr.rel .LBB2_1-.Ltmp0, $4  }
0x1d: {  	s15 =	simm.s32 $0x0;
	[dreg:$0x15] =	wrdreg s25;
	s26 =	sadd.s32 $0x50, s12  }
0x1e: {  	s18 =	simm.s32 $0x9200;
	s20 =	simm.s32 $0x60;
	s22 =	simm.s32 $0x3000  }
0x1f: {  	s25 =	simm.s32 $0xA;
	s12 =	simm.s32 $0xB;
	s9 =	simm.s32 $0xC  }
0x20: {  	s0 =	simm.s32 $0xE;
	[dreg:$0x16] =	wrdreg s26;
	s26 =	simm.s32 $0x7  }
.LBB2_4:
0x21: {  	_ =	swait.ge [sflag:s19], $0x3000  }
0x22: {  	[sflag:s19] =	ssyncset.done $0x0  }
0x23: {  	[sflag:s19] =	ssyncadd.s32 $0xFFFFD000  }
0x24: {  	_ =	swait.ge [sflag:s7], $0x80  }
0x25: {  	[sflag:s7] =	ssyncset.done $0x0  }
0x26: {  	s23 =	simm.s32 $0x9580;
	[sflag:s7] =	ssyncadd.s32 $0xFFFFFF80  }
0x27: {  	[spmem:s1] =	stream.indirect.scatter.add.f32 [tilespmem:s24], [sflag:$0x10], $0x80, s23, s20, $0xb8;
	[tilespmem:$0x1CEC0] =	vst v63  }
0x28: {  	_ =	swait.ge [sflag:s29], $0x3000  }
0x29: {  	[sflag:s29] =	ssyncset.done $0x0  }
0x2a: {  	[sflag:s29] =	ssyncadd.s32 $0xFFFFD000  }
0x2b: {  	[bflag:$0x0] =	sbarrier.arrive $0xFFFF  }
0x2c: {  	s14 =	rddreg [dreg:$0x5]  }
0x2d: {  	s8 =	rddreg [dreg:$0x10]  }
0x2e: {  	s10 =	rddreg [dreg:$0x18]  }
0x2f: {  	[hbm:s8], [sflag:s14] =	dma.local [spmem:s10], $0x2700  }
0x30: {  	_ =	swait.ge [sflag:s29], $0x2700  }
0x31: {  	[sflag:s29] =	ssyncset.done $0x0;
	s8 =	rddreg [dreg:$0x11]  }
0x32: {  	s10 =	rddreg [dreg:$0x19];
	[sflag:s29] =	ssyncadd.s32 $0xFFFFD900  }
0x33: {  	[hbm:s8], [sflag:s14] =	dma.local @!p0 [spmem:s10], $0x100  }
0x34: {  	s8 =	simm.s32 @!p0 $0x10  }
0x35: {  	_ =	swait.ge @!p0 [sflag:s8], $0x100  }
0x36: {  	s15 =	rddreg [dreg:$0x17]  }
0x37: {  	s21 =	rddreg [dreg:$0x14];
	s15 =	sadd.s32 $0x1, s15  }
0x38: {  	p1 =	sne.s32 s15, s21  }
.Ltmp1:
0x39: {  	_ = 	snop;
	(pc) =	sbr.rel @!p1 .LBB2_5-.Ltmp1, $3  }
0x3a: {  	_ =	sdelay $0x1  }
0x3b: {  	[sflag:s8] =	ssyncset.done @!p0 $0x0  }
0x3c: {  	s18 =	simm.s32 $0x9200;
	[sflag:s8] =	ssyncadd.s32 @!p0 $0xFFFFFF00;
	s21 =	simm.s32 $0x9280  }
.LBB2_1:
0x3d: {  	[dreg:$0x17] =	wrdreg s15  }
0x3e: {  	s8 =	rddreg [dreg:$0x3]  }
0x3f: {  	s15 =	rddreg [dreg:$0x4];
	s10 =	sshrl.u32 s8, $0x3  }
0x40: {  	[dreg:$0x18] =	wrdreg s10  }
0x41: {  	[spmem:s10], [sflag:s14] =	dma.local [hbm:s15], $0x2700  }
0x42: {  	_ =	swait.ge [sflag:s29], $0x2700  }
0x43: {  	s8 =	rddreg [dreg:$0x6]  }
0x44: {  	[sflag:s29] =	ssyncset.done $0x0;
	s10 =	sshrl.u32 @!p0 s8, $0x3;
	s8 =	rddreg [dreg:$0x9]  }
0x45: {  	[sflag:s29] =	ssyncadd.s32 $0xFFFFD900;
	[dreg:$0x19] =	wrdreg s10  }
0x46: {  	[spmem:s10], [sflag:s14] =	dma.local @!p0 [hbm:s8], $0x100  }
0x47: {  	s8 =	simm.s32 @!p0 $0x10  }
0x48: {  	_ =	swait.ge @!p0 [sflag:s8], $0x100  }
0x49: {  	[sflag:s8] =	ssyncset.done @!p0 $0x0  }
0x4a: {  	s10 =	simm.s32 $0x9000;
	s16 =	rddreg [dreg:$0x7];
	[sflag:s8] =	ssyncadd.s32 @!p0 $0xFFFFFF00  }
0x4b: {  	[tilespmem:s10], [sflag:$0x4] =	stream.linear.gather [hbm4b:s16+s2], $0x80, $0x38;
	[tilespmem:$0x1CEC0] =	vst v63  }
0x4c: {  	s15 =	simm.s32 $0x9300;
	s14 =	rddreg [dreg:$0x8]  }
0x4d: {  	[tilespmem:s15], [sflag:$0xA] =	stream.linear.gather [hbm4b:s14+s2], $0x80, $0x38;
	[tilespmem:$0x1CEC0] =	vst v63  }
0x4e: {  	s16 =	rddreg [dreg:$0xa];
	s14 =	simm.s32 $0x9080  }
0x4f: {  	[tilespmem:s14], [sflag:$0x5] =	stream.linear.gather [hbm4b:s16+s2], $0x80, $0x38;
	[tilespmem:$0x1CEC0] =	vst v63  }
0x50: {  	s15 =	rddreg [dreg:$0xb];
	s16 =	simm.s32 $0x9380  }
0x51: {  	[tilespmem:s16], [sflag:$0xB] =	stream.linear.gather [hbm4b:s15+s2], $0x80, $0x38;
	[tilespmem:$0x1CEC0] =	vst v63  }
0x52: {  	s16 =	rddreg [dreg:$0xc];
	s15 =	simm.s32 $0x9100  }
0x53: {  	[tilespmem:s15], [sflag:$0x6] =	stream.linear.gather [hbm4b:s16+s2], $0x80, $0x38;
	[tilespmem:$0x1CEC0] =	vst v63  }
0x54: {  	s8 =	rddreg [dreg:$0xd];
	s16 =	simm.s32 $0x9400  }
0x55: {  	[tilespmem:s16], [sflag:$0xC] =	stream.linear.gather [hbm4b:s8+s2], $0x80, $0x38;
	[tilespmem:$0x1CEC0] =	vst v63  }
0x56: {  	s8 =	rddreg [dreg:$0xe];
	s16 =	simm.s32 $0x9180  }
0x57: {  	[tilespmem:s16], [sflag:$0x7] =	stream.linear.gather [hbm4b:s8+s2], $0x80, $0x38;
	[tilespmem:$0x1CEC0] =	vst v63  }
0x58: {  	s8 =	rddreg [dreg:$0xf];
	s16 =	simm.s32 $0x9480  }
0x59: {  	[tilespmem:s16], [sflag:$0xD] =	stream.linear.gather [hbm4b:s8+s2], $0x80, $0x38;
	[tilespmem:$0x1CEC0] =	vst v63  }
0x5a: {  	s16 =	rddreg [dreg:$0x12]  }
0x5b: {  	[tilespmem:s18], [sflag:$0x8] =	stream.linear.gather [hbm4b:s16+s2], $0x80, $0x38;
	[tilespmem:$0x1CEC0] =	vst v63  }
0x5c: {  	s16 =	rddreg [dreg:$0x13]  }
0x5d: {  	[tilespmem:s17], [sflag:$0xE] =	stream.linear.gather [hbm4b:s16+s2], $0x80, $0x38;
	[tilespmem:$0x1CEC0] =	vst v63  }
0x5e: {  	s17 =	rddreg [dreg:$0x15]  }
0x5f: {  	[tilespmem:s21], [sflag:$0x9] =	stream.linear.gather [hbm4b:s17+s2], $0x80, $0x38;
	[tilespmem:$0x1CEC0] =	vst v63  }
0x60: {  	s16 =	rddreg [dreg:$0x16];
	s17 =	simm.s32 $0x4  }
0x61: {  	[tilespmem:s23], [sflag:$0xF] =	stream.linear.gather [hbm4b:s16+s2], $0x80, $0x38;
	[tilespmem:$0x1CEC0] =	vst v63  }
0x62: {  	_ =	swait.ge [sflag:s17], $0x80  }
0x63: {  	[sflag:s17] =	ssyncset.done $0x0  }
0x64: {  	s21 =	simm.s32 $0x5;
	[sflag:s17] =	ssyncadd.s32 $0xFFFFFF80  }
0x65: {  	[tilespmem:s2], [sflag:$0x1] =	stream.indirect.gather [hbm4b:s3+s20], $0x80, s10, s20, $0xb8;
	[tilespmem:$0x1CEC0] =	vst v63  }
0x66: {  	_ =	swait.ge [sflag:s21], $0x80  }
0x67: {  	[sflag:s21] =	ssyncset.done $0x0  }
0x68: {  	s23 =	simm.s32 $0x6;
	[sflag:s21] =	ssyncadd.s32 $0xFFFFFF80  }
0x69: {  	[tilespmem:s22], [sflag:$0x2] =	stream.indirect.gather [hbm4b:s3+s20], $0x80, s14, s20, $0xb8;
	[tilespmem:$0x1CEC0] =	vst v63  }
0x6a: {  	_ =	swait.ge [sflag:s23], $0x80  }
0x6b: {  	[sflag:s23] =	ssyncset.done $0x0  }
0x6c: {  	[sflag:s23] =	ssyncadd.s32 $0xFFFFFF80  }
0x6d: {  	[tilespmem:s24], [sflag:$0x3] =	stream.indirect.gather [hbm4b:s3+s20], $0x80, s15, s20, $0xb8;
	[tilespmem:$0x1CEC0] =	vst v63  }
0x6e: {  	s8 =	simm.s32 $0x580;
	s23 =	simm.s32 $0x9500;
	[bflag:$0x0] =	sbarrier.arrive $0xFFFF  }
.LBB2_2:
0x6f: {  	_ =	swait.ge [sflag:s30], $0x3000  }
0x70: {  	[sflag:s30] =	ssyncset.done $0x0  }
0x71: {  	[sflag:s30] =	ssyncadd.s32 $0xFFFFD000  }
0x72: {  	_ =	swait.ge [sflag:s25], $0x80  }
0x73: {  	[sflag:s25] =	ssyncset.done $0x0  }
0x74: {  	s10 =	simm.s32 $0x9300;
	[sflag:s25] =	ssyncadd.s32 $0xFFFFFF80  }
0x75: {  	[spmem:s1] =	stream.indirect.scatter.add.f32 [tilespmem:s2], [sflag:$0x10], $0x80, s10, s20, $0xb8;
	[tilespmem:$0x1CEC0] =	vst v63  }
0x76: {  	_ =	swait.ge [sflag:s29], $0x3000  }
0x77: {  	[sflag:s29] =	ssyncset.done $0x0  }
0x78: {  	[sflag:s29] =	ssyncadd.s32 $0xFFFFD000  }
0x79: {  	_ =	swait.ge [sflag:s26], $0x80  }
0x7a: {  	p1 =	seq.s32 s8, $0x6B80;
	[sflag:s26] =	ssyncset.done $0x0  }
0x7b: {  	s15 =	simm.s32 $0x9180;
	s10 =	sadd.s32 @!p1 $0xFFFFFD80, s8;
	[sflag:s26] =	ssyncadd.s32 $0xFFFFFF80  }
0x7c: {  	[tilespmem:s2], [sflag:$0x1] =	stream.indirect.gather [hbm4b:s3+s20], $0x80, s15, s20, $0xb8;
	[tilespmem:$0x1CEC0] =	vst v63  }
0x7d: {  	s15 =	sand.u32 @!p1 $0x1FC00, s10  }
0x7e: {  	s16 =	sand.u32 @!p1 $0x300, s10;
	s14 =	sadd.s32 @!p1 s11, s15  }
0x7f: {  	s15 =	sadd.s32 @!p1 s6, s15;
	s10 =	sor.u32 @!p1 s16, s14  }
0x80: {  	s14 =	simm.s32 @!p1 $0x9000;
	s15 =	sor.u32 @!p1 s16, s15;
	s10 =	sshrl.u32 @!p1 s10, $0x3  }
0x81: {  	s15 =	sshrl.u32 @!p1 s15, $0x3;
	s17 =	sadd.s32 @!p1 s4, s10;
	s10 =	simm.s32 @!p1 $0x0  }
0x82: {  	[tilespmem:s14], [sflag:$0x4] =	stream.linear.gather @!p1 [hbm4b:s17+s10], $0x80, $0x38;
	[tilespmem:$0x1CEC0] =	vst v63  }
0x83: {  	s16 =	simm.s32 @!p1 $0x9300;
	s15 =	sadd.s32 @!p1 s5, s15  }
0x84: {  	[tilespmem:s16], [sflag:$0xA] =	stream.linear.gather @!p1 [hbm4b:s15+s10], $0x80, $0x38;
	[tilespmem:$0x1CEC0] =	vst v63  }
0x85: {  	_ =	swait.ge [sflag:s28], $0x3000  }
0x86: {  	[sflag:s28] =	ssyncset.done $0x0  }
0x87: {  	[sflag:s28] =	ssyncadd.s32 $0xFFFFD000  }
0x88: {  	_ =	swait.ge [sflag:s12], $0x80  }
0x89: {  	[sflag:s12] =	ssyncset.done $0x0  }
0x8a: {  	s16 =	simm.s32 $0x9380;
	[sflag:s12] =	ssyncadd.s32 $0xFFFFFF80  }
0x8b: {  	[spmem:s1] =	stream.indirect.scatter.add.f32 [tilespmem:s22], [sflag:$0x10], $0x80, s16, s20, $0xb8;
	[tilespmem:$0x1CEC0] =	vst v63  }
0x8c: {  	_ =	swait.ge [sflag:s29], $0x3000  }
0x8d: {  	s15 =	sadd.s32 @!p1 $0xFFFFFE00, s8;
	[sflag:s29] =	ssyncset.done $0x0  }
0x8e: {  	s16 =	sand.u32 @!p1 $0x1FC00, s15;
	[sflag:s29] =	ssyncadd.s32 $0xFFFFD000  }
0x8f: {  	s15 =	sand.u32 @!p1 $0x380, s15;
	s17 =	sadd.s32 @!p1 s11, s16;
	_ =	swait.ge [sflag:s13], $0x80  }
0x90: {  	s16 =	sadd.s32 @!p1 s6, s16;
	s17 =	sor.u32 @!p1 s15, s17;
	[sflag:s13] =	ssyncset.done $0x0  }
0x91: {  	s15 =	sor.u32 @!p1 s15, s16;
	s17 =	sshrl.u32 @!p1 s17, $0x3;
	[sflag:s13] =	ssyncadd.s32 $0xFFFFFF80  }
0x92: {  	[tilespmem:s22], [sflag:$0x2] =	stream.indirect.gather [hbm4b:s3+s20], $0x80, s18, s20, $0xb8;
	[tilespmem:$0x1CEC0] =	vst v63  }
0x93: {  	s15 =	sshrl.u32 @!p1 s15, $0x3;
	s17 =	sadd.s32 @!p1 s4, s17;
	s18 =	simm.s32 @!p1 $0x9080  }
0x94: {  	[tilespmem:s18], [sflag:$0x5] =	stream.linear.gather @!p1 [hbm4b:s17+s10], $0x80, $0x38;
	[tilespmem:$0x1CEC0] =	vst v63  }
0x95: {  	s16 =	simm.s32 @!p1 $0x9380;
	s15 =	sadd.s32 @!p1 s5, s15  }
0x96: {  	[tilespmem:s16], [sflag:$0xB] =	stream.linear.gather @!p1 [hbm4b:s15+s10], $0x80, $0x38;
	[tilespmem:$0x1CEC0] =	vst v63  }
0x97: {  	_ =	swait.ge [sflag:s19], $0x3000  }
0x98: {  	[sflag:s19] =	ssyncset.done $0x0  }
0x99: {  	[sflag:s19] =	ssyncadd.s32 $0xFFFFD000  }
0x9a: {  	_ =	swait.ge [sflag:s9], $0x80  }
0x9b: {  	[sflag:s9] =	ssyncset.done $0x0  }
0x9c: {  	s17 =	simm.s32 $0x9400;
	[sflag:s9] =	ssyncadd.s32 $0xFFFFFF80  }
0x9d: {  	[spmem:s1] =	stream.indirect.scatter.add.f32 [tilespmem:s24], [sflag:$0x10], $0x80, s17, s20, $0xb8;
	[tilespmem:$0x1CEC0] =	vst v63  }
0x9e: {  	_ =	swait.ge [sflag:s29], $0x3000  }
0x9f: {  	[sflag:s29] =	ssyncset.done $0x0  }
0xa0: {  	[sflag:s29] =	ssyncadd.s32 $0xFFFFD000  }
0xa1: {  	_ =	swait.ge [sflag:s31], $0x80  }
0xa2: {  	[sflag:s31] =	ssyncset.done $0x0  }
0xa3: {  	s18 =	simm.s32 $0x9280;
	s15 =	simm.s32 @p1 $0x1;
	[sflag:s31] =	ssyncadd.s32 $0xFFFFFF80  }
0xa4: {  	[tilespmem:s24], [sflag:$0x3] =	stream.indirect.gather [hbm4b:s3+s20], $0x80, s18, s20, $0xb8;
	[tilespmem:$0x1CEC0] =	vst v63  }
0xa5: {  	_ =	swait.ge @p1 [sflag:s15], $0x3000  }
0xa6: {  	[sflag:s15] =	ssyncset.done @p1 $0x0  }
0xa7: {  	[sflag:s15] =	ssyncadd.s32 @p1 $0xFFFFD000;
	s15 =	simm.s32 @p1 $0xD  }
0xa8: {  	_ =	swait.ge @p1 [sflag:s15], $0x80  }
0xa9: {  	s16 =	simm.s32 @p1 $0x9480;
	[sflag:s15] =	ssyncset.done @p1 $0x0  }
0xaa: {  	s17 =	simm.s32 @p1 $0x0;
	[sflag:s15] =	ssyncadd.s32 @p1 $0xFFFFFF80;
	s15 =	simm.s32 @p1 $0x60  }
0xab: {  	[spmem:s1] =	stream.indirect.scatter.add.f32 @p1 [tilespmem:s17], [sflag:$0x10], $0x80, s16, s15, $0xb8;
	[tilespmem:$0x1CEC0] =	vst v63  }
0xac: {  	s15 =	sadd.s32 @!p1 $0xFFFFFE80, s8  }
0xad: {  	s16 =	sadd.s32 @!p1 $0xFFFFFA80, s8;
	s17 =	simm.s32 @p1 $0x10;
	s15 =	sand.u32 @!p1 $0x1FC00, s15  }
0xae: {  	s16 =	sand.u32 @!p1 $0x300, s16;
	_ =	swait.ge @p1 [sflag:s17], $0x3000;
	s18 =	sadd.s32 @!p1 s11, s15  }
0xaf: {  	[sflag:s17] =	ssyncset.done @p1 $0x0;
	s15 =	sadd.s32 @!p1 s6, s15;
	s18 =	sor.u32 @!p1 s16, s18  }
0xb0: {  	[sflag:s17] =	ssyncadd.s32 @p1 $0xFFFFD000;
	s15 =	sor.u32 @!p1 s16, s15;
	s18 =	sshrl.u32 @!p1 s18, $0x3  }
0xb1: {  	s15 =	sshrl.u32 @!p1 s15, $0x3;
	s17 =	sadd.s32 @!p1 s4, s18;
	s18 =	simm.s32 @!p1 $0x9100  }
0xb2: {  	[tilespmem:s18], [sflag:$0x6] =	stream.linear.gather @!p1 [hbm4b:s17+s10], $0x80, $0x38;
	[tilespmem:$0x1CEC0] =	vst v63  }
0xb3: {  	s16 =	simm.s32 @!p1 $0x9400;
	s15 =	sadd.s32 @!p1 s5, s15  }
0xb4: {  	[tilespmem:s16], [sflag:$0xC] =	stream.linear.gather @!p1 [hbm4b:s15+s10], $0x80, $0x38;
	[tilespmem:$0x1CEC0] =	vst v63  }
0xb5: {  	s15 =	simm.s32 @!p1 $0x1  }
0xb6: {  	_ =	swait.ge @!p1 [sflag:s15], $0x3000  }
0xb7: {  	[sflag:s15] =	ssyncset.done @!p1 $0x0  }
0xb8: {  	[sflag:s15] =	ssyncadd.s32 @!p1 $0xFFFFD000;
	s15 =	simm.s32 @!p1 $0xD  }
0xb9: {  	_ =	swait.ge @!p1 [sflag:s15], $0x80  }
0xba: {  	s17 =	simm.s32 @!p1 $0x10;
	[sflag:s15] =	ssyncset.done @!p1 $0x0  }
0xbb: {  	s16 =	simm.s32 @!p1 $0x9480;
	[sflag:s15] =	ssyncadd.s32 @!p1 $0xFFFFFF80;
	s15 =	simm.s32 @!p1 $0x60  }
0xbc: {  	[spmem:s1] =	stream.indirect.scatter.add.f32 @!p1 [tilespmem:s10], [sflag:$0x10], $0x80, s16, s15, $0xb8;
	[tilespmem:$0x1CEC0] =	vst v63  }
0xbd: {  	_ =	swait.ge @!p1 [sflag:s17], $0x3000  }
0xbe: {  	[sflag:s17] =	ssyncset.done @!p1 $0x0  }
0xbf: {  	[sflag:s17] =	ssyncadd.s32 @!p1 $0xFFFFD000;
	s17 =	simm.s32 @!p1 $0x4  }
0xc0: {  	_ =	swait.ge @!p1 [sflag:s17], $0x80  }
0xc1: {  	[sflag:s17] =	ssyncset.done @!p1 $0x0  }
0xc2: {  	[sflag:s17] =	ssyncadd.s32 @!p1 $0xFFFFFF80  }
0xc3: {  	[tilespmem:s10], [sflag:$0x1] =	stream.indirect.gather @!p1 [hbm4b:s3+s15], $0x80, s14, s15, $0xb8;
	[tilespmem:$0x1CEC0] =	vst v63  }
0xc4: {  	s14 =	sadd.s32 @!p1 $0xFFFFFF00, s8  }
0xc5: {  	s15 =	sand.u32 @!p1 $0x1FC00, s14  }
0xc6: {  	s14 =	sand.u32 @!p1 $0x380, s14;
	s17 =	sadd.s32 @!p1 s11, s15  }
0xc7: {  	s15 =	sadd.s32 @!p1 s6, s15;
	s17 =	sor.u32 @!p1 s14, s17  }
0xc8: {  	s14 =	sor.u32 @!p1 s14, s15;
	s17 =	sshrl.u32 @!p1 s17, $0x3  }
0xc9: {  	s18 =	simm.s32 @!p1 $0x9180;
	s14 =	sshrl.u32 @!p1 s14, $0x3;
	s17 =	sadd.s32 @!p1 s4, s17  }
0xca: {  	[tilespmem:s18], [sflag:$0x7] =	stream.linear.gather @!p1 [hbm4b:s17+s10], $0x80, $0x38;
	[tilespmem:$0x1CEC0] =	vst v63  }
0xcb: {  	s14 =	sadd.s32 @!p1 s5, s14  }
0xcc: {  	[tilespmem:s16], [sflag:$0xD] =	stream.linear.gather @!p1 [hbm4b:s14+s10], $0x80, $0x38;
	[tilespmem:$0x1CEC0] =	vst v63  }
0xcd: {  	_ =	swait.ge [sflag:s28], $0x3000  }
0xce: {  	[sflag:s28] =	ssyncset.done $0x0  }
0xcf: {  	[sflag:s28] =	ssyncadd.s32 $0xFFFFD000  }
0xd0: {  	_ =	swait.ge [sflag:s0], $0x80  }
0xd1: {  	[sflag:s0] =	ssyncset.done $0x0  }
.Ltmp2:
0xd2: {  	[sflag:s0] =	ssyncadd.s32 $0xFFFFFF80;
	(pc) =	sbr.rel @p1 .LBB2_4-.Ltmp2, $4  }
0xd3: {  	[spmem:s1] =	stream.indirect.scatter.add.f32 [tilespmem:s22], [sflag:$0x10], $0x80, s23, s20, $0xb8;
	[tilespmem:$0x1CEC0] =	vst v63  }
0xd4: {  	_ =	swait.ge [sflag:s29], $0x3000  }
0xd5: {  	[sflag:s29] =	ssyncset.done $0x0  }
0xd6: {  	s21 =	simm.s32 $0x9200;
	s17 =	simm.s32 $0x9500;
	[sflag:s29] =	ssyncadd.s32 $0xFFFFD000  }
0xd7: {  	s10 =	simm.s32 $0x5  }
0xd8: {  	s18 =	sadd.s32 $0xFFFFFF80, s8;
	_ =	swait.ge [sflag:s10], $0x80  }
0xd9: {  	s16 =	simm.s32 $0x9080;
	s14 =	sand.u32 $0x1FC00, s18;
	[sflag:s10] =	ssyncset.done $0x0  }
0xda: {  	s15 =	sadd.s32 s11, s14;
	[sflag:s10] =	ssyncadd.s32 $0xFFFFFF80;
	s10 =	sand.u32 $0x300, s18  }
0xdb: {  	[tilespmem:s22], [sflag:$0x2] =	stream.indirect.gather [hbm4b:s3+s20], $0x80, s16, s20, $0xb8;
	[tilespmem:$0x1CEC0] =	vst v63  }
0xdc: {  	s14 =	sadd.s32 s6, s14;
	s15 =	sor.u32 s10, s15  }
0xdd: {  	s10 =	sor.u32 s10, s14;
	s15 =	sshrl.u32 s15, $0x3  }
0xde: {  	s10 =	sshrl.u32 s10, $0x3;
	s15 =	sadd.s32 s4, s15  }
0xdf: {  	[tilespmem:s21], [sflag:$0x8] =	stream.linear.gather [hbm4b:s15+s2], $0x80, $0x38;
	[tilespmem:$0x1CEC0] =	vst v63  }
0xe0: {  	s10 =	sadd.s32 s5, s10  }
0xe1: {  	[tilespmem:s17], [sflag:$0xE] =	stream.linear.gather [hbm4b:s10+s2], $0x80, $0x38;
	[tilespmem:$0x1CEC0] =	vst v63  }
0xe2: {  	_ =	swait.ge [sflag:s19], $0x3000  }
0xe3: {  	[sflag:s19] =	ssyncset.done $0x0  }
0xe4: {  	[sflag:s19] =	ssyncadd.s32 $0xFFFFD000  }
0xe5: {  	_ =	swait.ge [sflag:s7], $0x80  }
0xe6: {  	[sflag:s7] =	ssyncset.done $0x0  }
0xe7: {  	s16 =	simm.s32 $0x9580;
	[sflag:s7] =	ssyncadd.s32 $0xFFFFFF80  }
0xe8: {  	[spmem:s1] =	stream.indirect.scatter.add.f32 [tilespmem:s24], [sflag:$0x10], $0x80, s16, s20, $0xb8;
	[tilespmem:$0x1CEC0] =	vst v63  }
0xe9: {  	_ =	swait.ge [sflag:s29], $0x3000  }
0xea: {  	[sflag:s29] =	ssyncset.done $0x0  }
0xeb: {  	s23 =	simm.s32 $0x6;
	[sflag:s29] =	ssyncadd.s32 $0xFFFFD000  }
0xec: {  	_ =	swait.ge [sflag:s23], $0x80  }
0xed: {  	s14 =	simm.s32 $0x9100;
	s15 =	sand.u32 $0x1FC00, s8;
	[sflag:s23] =	ssyncset.done $0x0  }
0xee: {  	s21 =	sand.u32 $0x380, s8;
	s18 =	sadd.s32 s11, s15;
	[sflag:s23] =	ssyncadd.s32 $0xFFFFFF80  }
0xef: {  	[tilespmem:s24], [sflag:$0x3] =	stream.indirect.gather [hbm4b:s3+s20], $0x80, s14, s20, $0xb8;
	[tilespmem:$0x1CEC0] =	vst v63  }
0xf0: {  	s8 =	sadd.s32 $0x300, s8;
	s10 =	sadd.s32 s6, s15;
	s14 =	sor.u32 s21, s18  }
.Ltmp3:
0xf1: {  	s10 =	sor.u32 s21, s10;
	s14 =	sshrl.u32 s14, $0x3;
	(pc) =	sbr.rel .LBB2_2-.Ltmp3, $4  }
0xf2: {  	s10 =	sshrl.u32 s10, $0x3;
	s23 =	simm.s32 $0x9280;
	s14 =	sadd.s32 s4, s14  }
0xf3: {  	[tilespmem:s23], [sflag:$0x9] =	stream.linear.gather [hbm4b:s14+s2], $0x80, $0x38;
	[tilespmem:$0x1CEC0] =	vst v63  }
0xf4: {  	s10 =	sadd.s32 s5, s10;
	s18 =	simm.s32 $0x9200;
	s23 =	simm.s32 $0x9500  }
0xf5: {  	[tilespmem:s16], [sflag:$0xF] =	stream.linear.gather [hbm4b:s10+s2], $0x80, $0x38;
	[tilespmem:$0x1CEC0] =	vst v63  }
.LBB2_5:
0xf6: {  	_ =	sfence.sel $0x180000  }
0xf7: {  	[bflag:$0x0] =	sbarrier.arrive $0xFFFF  }
0xf8: {  	_ =	strace $0x90000047  }
0xf9: {  	[bflag:$0x2] =	sbarrier.arrive $0xFFFF  }
0xfa: {  	s0 =	rddreg [dreg:$0x2]  }
0xfb: {  	s0 =	sadd.s32 @!p0 $0x100000, s0  }
0xfc: {  	[sflag:s0] =	ssyncadd.tile.s32 @!p0 $0x1;
	_ =	shalt  }
.Lfunc_end2:
_tile_overlayer_lowered:
.L_overlay_start_2:
0xfd: {  	(tag) =	ssettag $0x2  }
0xfe: {  	s0 =	rddreg [dreg:$0x0];
	s2 =	stileid.u32  }
0xff: {  	s1 =	rddreg [dreg:$0x1];
	p0 =	sne.s32 s2, $0x0  }
0x100: {  	s3 =	rddreg [dreg:$0x2];
	[bflag:$0x3] =	sbarrier.arrive $0xFFFF;
	s2 =	simm.s32 @!p0 $0x1C10  }
0x101: {  	[timem:s3], [sflag:s2] =	dma.local @!p0 [hbm:s0], s1  }
0x102: {  	s0 =	simm.s32 @!p0 $0x10  }
0x103: {  	_ =	swait.ge @!p0 [sflag:s0], s1  }
0x104: {  	s1 =	ssub.s32 @!p0 $0x0, s1;
	[sflag:s0] =	ssyncset.done @!p0 $0x0  }
0x105: {  	[sflag:s0] =	ssyncadd.s32 @!p0 s1  }
0x106: {  	[bflag:$0x3] =	sbarrier.arrive $0xFFFF  }
0x107: {  	_ =	shalt  }

// kernel: kernel.17.cloned.1.call-start
scs
__scs_entry_jumppad:
0x0: {  	(pc) =	sbr.rel $0x88, $3  }
0x1: {  	(tag) =	ssettag $0x0;
	lr =	simm.s32 $0x1  }
0x2: {  	[smem:$0x3F8C] =	sst lr;
	_ =	strace $0xD0000000  }
0x3: {  	_ = 	snop  }
0x4: {  	_ = 	snop  }
0x5: {  	_ = 	snop  }
0x6: {  	_ = 	snop  }
0x7: {  	_ = 	snop  }
__scs_overlays_trampoline_lowered:
0x8: {  	[smem:$0x3F9B] =	sst s0  }
0x9: {  	[smem:$0x3F9C] =	sst s1  }
0xa: {  	[smem:$0x3F9D] =	sst s2  }
0xb: {  	[smem:$0x3F9E] =	sst s3  }
0xc: {  	[smem:$0x3F9F] =	sst s4  }
0xd: {  	[smem:$0x3FA0] =	sst s5  }
0xe: {  	[smem:$0x3FA1] =	sst s6  }
0xf: {  	[smem:$0x3FA2] =	sst s7  }
0x10: {  	[smem:$0x3FA3] =	sst s8  }
0x11: {  	[smem:$0x3FA4] =	sst s9;
	s0 =	simm.s32 @!p0 $0x0  }
0x12: {  	s1 =	sld [smem:$0x3F8A];
	s0 =	simm.s32 @p0 $0x1  }
0x13: {  	[smem:$0x3FA5] =	sst s0;
	s0 =	simm.s32 @!p1 $0x0  }
0x14: {  	s2 =	sld [smem:$0x3F89];
	s0 =	simm.s32 @p1 $0x1  }
0x15: {  	[smem:$0x3FA6] =	sst s0;
	s0 =	simm.s32 @!p2 $0x0  }
0x16: {  	s3 =	sld [smem:$0x3FDB];
	s0 =	simm.s32 @p2 $0x1  }
0x17: {  	s4 =	simm.s32 $0x1BF5;
	[smem:$0x3FA8] =	sst s0  }
0x18: {  	s0 =	sld [smem:$0x3F8B];
	_ =	swait.ge [sflag:s4], $0x0  }
0x19: {  	s7 =	sld [smem:$0x3F8C]  }
0x1a: {  	s8 =	sadd.s32 $0xFFFFE003, lr  }
0x1b: {  	s9 =	sadd.s32 $0xFFFFFEF7, lr;
	s5 =	simm.s32 $0xFFFFFFFF;
	p2 =	slt.u32 s8, $0xFFFFF086  }
0x1c: {  	p1 =	slt.u32 s9, $0xF7A;
	s5 =	simm.s32 @!p2 $0x0  }
0x1d: {  	s5 =	simm.s32 @p1 $0x1;
	p0 =	seq.s32 s7, s2  }
0x1e: {  	s7 =	smul.u32 @!p0 $0xF7A, s2;
	p2 =	seq.s32 @!p0 s5, $0x0  }
0x1f: {  	s9 =	smul.u32 $0xF7A, s1;
	s8 =	simm.s32 @!p0 $0x1BF5;
	p2 =	por !p2, p0  }
0x20: {  	[sflag:s8] =	ssyncset.s32 @!p0 $0xFFFFF086;
	s6 =	sadd.s32 @!p0 s3, s7;
	s7 =	simm.s32 @!p0 $0x108  }
0x21: {  	s3 =	sadd.s32 s3, s9;
	s6 =	sadd.s32 @!p0 $0x88, s6;
	s7 =	simm.s32 @p2 $0x1082  }
0x22: {  	[simem:s7], [sflag:s8] =	dma.local @!p0 [hbm:s6], $0xF7A  }
0x23: {  	s9 =	sor.u32 $0xD0000000, s2;
	s6 =	simm.s32 $0x108;
	_ =	swait.ge @!p0 [sflag:s8], $0x0  }
0x24: {  	s3 =	sadd.s32 $0x88, s3;
	s6 =	simm.s32 @!p1 $0x1082;
	[sflag:s4] =	ssyncset.s32 $0xFFFFF086  }
0x25: {  	[simem:s6], [sflag:s4] =	dma.local [hbm:s3], $0xF7A  }
0x26: {  	[smem:$0x3F8C] =	sst s1;
	(tag) =	ssettag s2;
	_ =	strace s9  }
0x27: {  	s1 =	sld [smem:$0x3F9C]  }
0x28: {  	s2 =	sld [smem:$0x3F9D]  }
0x29: {  	s4 =	sld [smem:$0x3F9F]  }
0x2a: {  	p0 =	seq.s32 s5, $0x0;
	s5 =	sld [smem:$0x3FA0]  }
0x2b: {  	s6 =	sld [smem:$0x3FA1]  }
0x2c: {  	s7 =	sld [smem:$0x3FA2]  }
0x2d: {  	s3 =	simm.s32 $0x108;
	s8 =	sld [smem:$0x3FA3]  }
0x2e: {  	s3 =	simm.s32 @!p0 $0x1082;
	s9 =	sld [smem:$0x3FA4]  }
0x2f: {  	lr =	sadd.s32 s0, s3;
	s0 =	sld [smem:$0x3F9B]  }
0x30: {  	s3 =	sld [smem:$0x3F9E]  }
0x31: {  	[smem:$0x3FA7] =	sst s10  }
0x32: {  	s10 =	sld [smem:$0x3FA5];
	_ =	sdelay $0x3  }
0x33: {  	p0 =	seq.s32 s10, $0x1;
	s10 =	sld [smem:$0x3FA7];
	_ =	sdelay $0x3  }
0x34: {  	[smem:$0x3FA7] =	sst s10  }
0x35: {  	s10 =	sld [smem:$0x3FA6];
	_ =	sdelay $0x3  }
0x36: {  	p1 =	seq.s32 s10, $0x1;
	s10 =	sld [smem:$0x3FA7];
	_ =	sdelay $0x3  }
0x37: {  	[smem:$0x3FA7] =	sst s10  }
0x38: {  	s10 =	sld [smem:$0x3FA8]  }
0x39: {  	_ = 	snop;
	(pc) =	sbr.ind lr, $3  }
0x3a: {  	_ = 	snop  }
0x3b: {  	_ = 	snop  }
0x3c: {  	p2 =	seq.s32 s10, $0x1;
	s10 =	sld [smem:$0x3FA7]  }
0x3d: {  	_ =	shalt  }
0x3e: {  	_ =	shalt  }
0x3f: {  	_ =	shalt  }
0x40: {  	_ =	shalt  }
0x41: {  	_ =	shalt  }
0x42: {  	_ =	shalt  }
0x43: {  	_ =	shalt  }
0x44: {  	_ =	shalt  }
0x45: {  	_ =	shalt  }
0x46: {  	_ =	shalt  }
0x47: {  	_ =	shalt  }
0x48: {  	_ =	shalt  }
0x49: {  	_ =	shalt  }
0x4a: {  	_ =	shalt  }
0x4b: {  	_ =	shalt  }
0x4c: {  	_ =	shalt  }
0x4d: {  	_ =	shalt  }
0x4e: {  	_ =	shalt  }
0x4f: {  	_ =	shalt  }
0x50: {  	_ =	shalt  }
0x51: {  	_ =	shalt  }
0x52: {  	_ =	shalt  }
0x53: {  	_ =	shalt  }
0x54: {  	_ =	shalt  }
0x55: {  	_ =	shalt  }
0x56: {  	_ =	shalt  }
0x57: {  	_ =	shalt  }
0x58: {  	_ =	shalt  }
0x59: {  	_ =	shalt  }
0x5a: {  	_ =	shalt  }
0x5b: {  	_ =	shalt  }
0x5c: {  	_ =	shalt  }
0x5d: {  	_ =	shalt  }
0x5e: {  	_ =	shalt  }
0x5f: {  	_ =	shalt  }
0x60: {  	_ =	shalt  }
0x61: {  	_ =	shalt  }
0x62: {  	_ =	shalt  }
0x63: {  	_ =	shalt  }
0x64: {  	_ =	shalt  }
0x65: {  	_ =	shalt  }
0x66: {  	_ =	shalt  }
0x67: {  	_ =	shalt  }
0x68: {  	_ =	shalt  }
0x69: {  	_ =	shalt  }
0x6a: {  	_ =	shalt  }
0x6b: {  	_ =	shalt  }
0x6c: {  	_ =	shalt  }
0x6d: {  	_ =	shalt  }
0x6e: {  	_ =	shalt  }
0x6f: {  	_ =	shalt  }
0x70: {  	_ =	shalt  }
0x71: {  	_ =	shalt  }
0x72: {  	_ =	shalt  }
0x73: {  	_ =	shalt  }
0x74: {  	_ =	shalt  }
0x75: {  	_ =	shalt  }
0x76: {  	_ =	shalt  }
0x77: {  	_ =	shalt  }
0x78: {  	_ =	shalt  }
0x79: {  	_ =	shalt  }
0x7a: {  	_ =	shalt  }
0x7b: {  	_ =	shalt  }
0x7c: {  	_ =	shalt  }
0x7d: {  	_ =	shalt  }
0x7e: {  	_ =	shalt  }
0x7f: {  	_ =	shalt  }
0x80: {  	_ =	shalt  }
0x81: {  	_ =	shalt  }
0x82: {  	_ =	shalt  }
0x83: {  	_ =	shalt  }
0x84: {  	_ =	shalt  }
0x85: {  	_ =	shalt  }
0x86: {  	_ =	shalt  }
0x87: {  	_ =	shalt  }
.Lfunc_end0:
.L_simem_size_0:
called_computation.1_lowered:
.L_overlay_start_0:
0x88: {  	s2 =	sld [smem:$0x3FD9]  }
0x89: {  	s3 =	sld [smem:$0x3FFE];
	_ =	sdelay $0x1  }
0x8a: {  	s1 =	srdreg.scid  }
0x8b: {  	s0 =	sand.u32 $0x1, s1  }
0x8c: {  	s16 =	sshll.u32 s0, $0xA;
	s2 =	sadd.s32 s3, s2  }
0x8d: {  	s2 =	sadd.s32 s2, s16  }
0x8e: {  	[smem:$0x3FB3] =	sst s2  }
0x8f: {  	_ = 	snop  }
0x90: {  	(tm) =	ssettm $0x1  }
0x91: {  	s17 =	sld [smem:$0x3FFB];
	_ =	sdelay $0x3  }
0x92: {  	_ =	strace s17  }
0x93: {  	s2 =	sld [smem:$0x3FFC];
	_ =	sdelay $0x3  }
0x94: {  	_ =	strace s2  }
0x95: {  	s2 =	sld [smem:$0x3FFD];
	_ =	sdelay $0x3  }
0x96: {  	_ =	strace s2  }
0x97: {  	_ =	strace $0x8FFFFFFF  }
0x98: {  	s18 =	sld [smem:$0x3FDB];
	_ =	sdelay $0x1  }
0x99: {  	s19 =	simm.s32 $_scs_section_size  }
0x9a: {  	s4 =	simm.s32 $_size__tile_overlayer_lowered;
	s5 =	simm.s32 $_tile_overlayer_lowered  }
0x9b: {  	s22 =	simm.s32 $0x1BFF;
	s21 =	sshll.u32 s5, $0x1;
	s2 =	sadd.s32 s19, s18  }
0x9c: {  	s6 =	simm.s32 $0x0;
	s20 =	sshll.u32 s4, $0x1;
	s4 =	sadd.s32 s21, s2  }
0x9d: {  	[timem:s6], [sflag:s22] =	dma.local [hbm:s4], s20  }
0x9e: {  	_ =	swait.ge [sflag:s22], s20  }
0x9f: {  	s3 =	ssub.s32 $0x0, s20;
	[sflag:s22] =	ssyncset.done $0x0  }
0xa0: {  	[sflag:s22] =	ssyncadd.s32 s3;
	_ =	sdelay $0x1  }
0xa1: {  	s23 =	simm.s32 $0x1B8B  }
0xa2: {  	_ =	swait.ge [sflag:s23], $0x1  }
0xa3: {  	[sflag:s23] =	ssyncset.done $0x0  }
0xa4: {  	s25 =	simm.s32 $0x1B8E;
	s24 =	sld [smem:$0x3FFE];
	[sflag:s23] =	ssyncadd.s32 $0xFFFFFFFF  }
0xa5: {  	s26 =	simm.s32 $execute0_lowered;
	[smem:$0x3FD2] =	sst s25  }
0xa6: {  	s4 =	sshll.u32 s26, $0x1;
	_ =	strace $0x80000049;
	[dreg:$0x1] =	wrdreg $0xFFFFFFFF  }
0xa7: {  	s28 =	simm.s32 $_size_execute0_lowered;
	s2 =	sadd.s32 s2, s4;
	[dreg:$0x0] =	wrdreg $0x0  }
0xa8: {  	s4 =	sshll.u32 s28, $0x1;
	[dreg:$0x2] =	wrdreg s2  }
0xa9: {  	[dreg:$0x3] =	wrdreg s4  }
0xaa: {  	[dreg:$0x4] =	wrdreg $0xC0  }
0xab: {  	_ =	task [dreg:s6], $0x5FFFF  }
0xac: {  	[dreg:$0x1] =	wrdreg $0xFFFFFFFF  }
0xad: {  	[dreg:$0x0] =	wrdreg $0x60  }
0xae: {  	[dreg:$0x2] =	wrdreg s24  }
0xaf: {  	[dreg:$0x3] =	wrdreg $0x96000  }
0xb0: {  	[dreg:$0x4] =	wrdreg $0x9  }
0xb1: {  	_ =	task.clear_ibuf [dreg:s6], $0x5FFFF;
	_ =	strace $0x90000049  }
0xb2: {  	s29 =	simm.s32 $0x9;
	_ =	strace $0x8000004B  }
0xb3: {  	_ =	swait.ge [sflag:s29], $0x1  }
0xb4: {  	[sflag:s29] =	ssyncadd.s32 $0xFFFFFFFF  }
0xb5: {  	_ =	strace $0x9000004B  }
0xb6: {  	_ =	sfence  }
0xb7: {  	s30 =	sld [smem:$0x0];
	_ =	sdelay $0x2  }
0xb8: {  	s31 =	sshll.u32 s1, $0xD;
	s1 =	sshrl.u32 s1, $0x2  }
0xb9: {  	s3 =	sand.u32 $0x4000, s31;
	s1 =	sadd.s32 s1, s30  }
0xba: {  	s0 =	sor.u32 s3, s0;
	s1 =	sshll.u32 s1, $0x11  }
0xbb: {  	s0 =	sor.u32 s1, s0  }
0xbc: {  	s0 =	sadd.s32 $0x8F2B, s0  }
0xbd: {  	[sflag:s0] =	ssyncadd.remote.s32 $0x1  }
0xbe: {  	_ =	sfence.sel $0xFFFF  }
0xbf: {  	[dreg:$0x0] =	wrdreg $0xFFFFFFFF;
	(pc) =	sbr.abs _section_cstart, $3  }
0xc0: {  	[dreg:$0x1] =	wrdreg $0xFFFFFFFF  }
0xc1: {  	_ =	task.clear_ibuf [dreg:s6], $0x2FFFF;
	_ =	strace $0x9FFFFFFF  }
0xc2: {  	(tm) =	ssettm $0x7FFFFFFF  }
0xc3: {  	_ =	shalt  }
tec
execute0_lowered:
.L_overlay_start_1:
0x0: {  	(tag) =	ssettag $0x1  }
0x1: {  	s0 =	rddreg [dreg:$0x0]  }
0x2: {  	s1 =	rddreg [dreg:$0x1];
	s2 =	simm.s32 $0x0;
	s3 =	srdreg.scid  }
0x3: {  	s7 =	stileid.u32;
	s29 =	simm.s32 $0x10;
	s30 =	simm.s32 $0x1  }
0x4: {  	s28 =	simm.s32 $0x2;
	s31 =	simm.s32 $0x9;
	s8 =	smul.u32 $0x4E000, s7  }
0x5: {  	[smem:$0x7FF] =	sst s2;
	s6 =	sand.u32 $0x1, s3;
	s11 =	smul.u32 $0x2700, s7  }
0x6: {  	s3 =	sadd.s32 $0x2DA00, s0;
	s4 =	sadd.s32 $0x12A00, s0;
	s9 =	smul.u32 $0x27100, s6  }
0x7: {  	s5 =	sadd.s32 $0x5200, s0;
	s0 =	sadd.s32 $0x7BC00, s0;
	s13 =	smul.u32 $0x138800, s6  }
0x8: {  	s19 =	sshll.u32 s7, $0x6;
	s21 =	sadd.s32 $0x138000, s1;
	s18 =	smul.u32 $0x6C000, s6  }
0x9: {  	_ =	strace $0x8000004A;
	s10 =	ssub.s32 $0x2, s6;
	s6 =	smul.u32 $0x6C00, s7  }
0xa: {  	s14 =	sor.u32 $0x1C10, s19;
	[dreg:$0x6] =	wrdreg s21;
	s12 =	sshrl.u32 s10, $0x1  }
0xb: {  	s8 =	sshrl.u32 s8, $0x2;
	[dreg:$0x5] =	wrdreg s14;
	s10 =	ssub.s32 s10, s12  }
0xc: {  	s9 =	sadd.s32 s11, s9;
	s8 =	sadd.s32 s8, s1;
	s22 =	sshrl.u32 s13, $0x3  }
0xd: {  	s24 =	sshrl.u32 s6, $0x3;
	[dreg:$0x3] =	wrdreg s8;
	s20 =	sadd.s32 s3, s9  }
0xe: {  	s12 =	sadd.s32 s5, s24;
	s24 =	smax.u32 s10, $0x1;
	[dreg:$0x4] =	wrdreg s20  }
0xf: {  	s25 =	smul.u32 $0x13800, s7;
	s8 =	sadd.s32 $0x27000, s22;
	[dreg:$0x14] =	wrdreg s24  }
0x10: {  	p0 =	sne.s32 s7, $0x0;
	s16 =	sadd.s32 s3, s8;
	[dreg:$0x8] =	wrdreg s12  }
0x11: {  	s7 =	simm.s32 $0xF;
	s17 =	sadd.s32 $0x10, s12;
	[dreg:$0x9] =	wrdreg s16  }
0x12: {  	s11 =	sadd.s32 s6, s18;
	s19 =	sadd.s32 $0x20, s12;
	[dreg:$0xb] =	wrdreg s17  }
0x13: {  	s23 =	sshrl.u32 s11, $0x3;
	s21 =	sadd.s32 $0x30, s12;
	[dreg:$0xd] =	wrdreg s19  }
0x14: {  	s15 =	sadd.s32 s4, s23;
	s23 =	sadd.s32 $0x40, s12;
	[dreg:$0xf] =	wrdreg s21  }
0x15: {  	s9 =	sadd.s32 s25, s13;
	s13 =	simm.s32 $0x8;
	[dreg:$0x13] =	wrdreg s23  }
0x16: {  	s9 =	sshrl.u32 s9, $0x3;
	s26 =	sadd.s32 $0x10, s15;
	[dreg:$0x7] =	wrdreg s15  }
0x17: {  	s24 =	simm.s32 $0x6000;
	s18 =	sadd.s32 $0x20, s15;
	[dreg:$0xa] =	wrdreg s26  }
0x18: {  	s20 =	sadd.s32 $0x30, s15;
	s9 =	sadd.s32 s0, s9;
	[dreg:$0xc] =	wrdreg s18  }
0x19: {  	s0 =	sadd.s32 s0, s8;
	s22 =	sadd.s32 $0x40, s15;
	[dreg:$0xe] =	wrdreg s20  }
0x1a: {  	s25 =	sadd.s32 $0x50, s15;
	s17 =	simm.s32 $0x9500;
	[dreg:$0x10] =	wrdreg s9  }
0x1b: {  	s21 =	simm.s32 $0x9280;
	s23 =	simm.s32 $0x9580;
	[dreg:$0x11] =	wrdreg s0  }
.Ltmp0:
0x1c: {  	s19 =	simm.s32 $0x3;
	[dreg:$0x12] =	wrdreg s22;
	(pc) =	sbr.rel .LBB2_1-.Ltmp0, $4  }
0x1d: {  	s15 =	simm.s32 $0x0;
	[dreg:$0x15] =	wrdreg s25;
	s26 =	sadd.s32 $0x50, s12  }
0x1e: {  	s18 =	simm.s32 $0x9200;
	s20 =	simm.s32 $0x60;
	s22 =	simm.s32 $0x3000  }
0x1f: {  	s25 =	simm.s32 $0xA;
	s12 =	simm.s32 $0xB;
	s9 =	simm.s32 $0xC  }
0x20: {  	s0 =	simm.s32 $0xE;
	[dreg:$0x16] =	wrdreg s26;
	s26 =	simm.s32 $0x7  }
.LBB2_4:
0x21: {  	_ =	swait.ge [sflag:s19], $0x3000  }
0x22: {  	[sflag:s19] =	ssyncset.done $0x0  }
0x23: {  	[sflag:s19] =	ssyncadd.s32 $0xFFFFD000  }
0x24: {  	_ =	swait.ge [sflag:s7], $0x80  }
0x25: {  	[sflag:s7] =	ssyncset.done $0x0  }
0x26: {  	s23 =	simm.s32 $0x9580;
	[sflag:s7] =	ssyncadd.s32 $0xFFFFFF80  }
0x27: {  	[spmem:s1] =	stream.indirect.scatter.add.f32 [tilespmem:s24], [sflag:$0x10], $0x80, s23, s20, $0xb8;
	[tilespmem:$0x1CEC0] =	vst v63  }
0x28: {  	_ =	swait.ge [sflag:s29], $0x3000  }
0x29: {  	[sflag:s29] =	ssyncset.done $0x0  }
0x2a: {  	[sflag:s29] =	ssyncadd.s32 $0xFFFFD000  }
0x2b: {  	[bflag:$0x0] =	sbarrier.arrive $0xFFFF  }
0x2c: {  	s14 =	rddreg [dreg:$0x5]  }
0x2d: {  	s8 =	rddreg [dreg:$0x10]  }
0x2e: {  	s10 =	rddreg [dreg:$0x18]  }
0x2f: {  	[hbm:s8], [sflag:s14] =	dma.local [spmem:s10], $0x2700  }
0x30: {  	_ =	swait.ge [sflag:s29], $0x2700  }
0x31: {  	[sflag:s29] =	ssyncset.done $0x0;
	s8 =	rddreg [dreg:$0x11]  }
0x32: {  	s10 =	rddreg [dreg:$0x19];
	[sflag:s29] =	ssyncadd.s32 $0xFFFFD900  }
0x33: {  	[hbm:s8], [sflag:s14] =	dma.local @!p0 [spmem:s10], $0x100  }
0x34: {  	s8 =	simm.s32 @!p0 $0x10  }
0x35: {  	_ =	swait.ge @!p0 [sflag:s8], $0x100  }
0x36: {  	s15 =	rddreg [dreg:$0x17]  }
0x37: {  	s21 =	rddreg [dreg:$0x14];
	s15 =	sadd.s32 $0x1, s15  }
0x38: {  	p1 =	sne.s32 s15, s21  }
.Ltmp1:
0x39: {  	_ = 	snop;
	(pc) =	sbr.rel @!p1 .LBB2_5-.Ltmp1, $3  }
0x3a: {  	_ =	sdelay $0x1  }
0x3b: {  	[sflag:s8] =	ssyncset.done @!p0 $0x0  }
0x3c: {  	s18 =	simm.s32 $0x9200;
	[sflag:s8] =	ssyncadd.s32 @!p0 $0xFFFFFF00;
	s21 =	simm.s32 $0x9280  }
.LBB2_1:
0x3d: {  	[dreg:$0x17] =	wrdreg s15  }
0x3e: {  	s8 =	rddreg [dreg:$0x3]  }
0x3f: {  	s15 =	rddreg [dreg:$0x4];
	s10 =	sshrl.u32 s8, $0x3  }
0x40: {  	[dreg:$0x18] =	wrdreg s10  }
0x41: {  	[spmem:s10], [sflag:s14] =	dma.local [hbm:s15], $0x2700  }
0x42: {  	_ =	swait.ge [sflag:s29], $0x2700  }
0x43: {  	s8 =	rddreg [dreg:$0x6]  }
0x44: {  	[sflag:s29] =	ssyncset.done $0x0;
	s10 =	sshrl.u32 @!p0 s8, $0x3;
	s8 =	rddreg [dreg:$0x9]  }
0x45: {  	[sflag:s29] =	ssyncadd.s32 $0xFFFFD900;
	[dreg:$0x19] =	wrdreg s10  }
0x46: {  	[spmem:s10], [sflag:s14] =	dma.local @!p0 [hbm:s8], $0x100  }
0x47: {  	s8 =	simm.s32 @!p0 $0x10  }
0x48: {  	_ =	swait.ge @!p0 [sflag:s8], $0x100  }
0x49: {  	[sflag:s8] =	ssyncset.done @!p0 $0x0  }
0x4a: {  	s10 =	simm.s32 $0x9000;
	s16 =	rddreg [dreg:$0x7];
	[sflag:s8] =	ssyncadd.s32 @!p0 $0xFFFFFF00  }
0x4b: {  	[tilespmem:s10], [sflag:$0x4] =	stream.linear.gather [hbm4b:s16+s2], $0x80, $0x38;
	[tilespmem:$0x1CEC0] =	vst v63  }
0x4c: {  	s15 =	simm.s32 $0x9300;
	s14 =	rddreg [dreg:$0x8]  }
0x4d: {  	[tilespmem:s15], [sflag:$0xA] =	stream.linear.gather [hbm4b:s14+s2], $0x80, $0x38;
	[tilespmem:$0x1CEC0] =	vst v63  }
0x4e: {  	s16 =	rddreg [dreg:$0xa];
	s14 =	simm.s32 $0x9080  }
0x4f: {  	[tilespmem:s14], [sflag:$0x5] =	stream.linear.gather [hbm4b:s16+s2], $0x80, $0x38;
	[tilespmem:$0x1CEC0] =	vst v63  }
0x50: {  	s15 =	rddreg [dreg:$0xb];
	s16 =	simm.s32 $0x9380  }
0x51: {  	[tilespmem:s16], [sflag:$0xB] =	stream.linear.gather [hbm4b:s15+s2], $0x80, $0x38;
	[tilespmem:$0x1CEC0] =	vst v63  }
0x52: {  	s16 =	rddreg [dreg:$0xc];
	s15 =	simm.s32 $0x9100  }
0x53: {  	[tilespmem:s15], [sflag:$0x6] =	stream.linear.gather [hbm4b:s16+s2], $0x80, $0x38;
	[tilespmem:$0x1CEC0] =	vst v63  }
0x54: {  	s8 =	rddreg [dreg:$0xd];
	s16 =	simm.s32 $0x9400  }
0x55: {  	[tilespmem:s16], [sflag:$0xC] =	stream.linear.gather [hbm4b:s8+s2], $0x80, $0x38;
	[tilespmem:$0x1CEC0] =	vst v63  }
0x56: {  	s8 =	rddreg [dreg:$0xe];
	s16 =	simm.s32 $0x9180  }
0x57: {  	[tilespmem:s16], [sflag:$0x7] =	stream.linear.gather [hbm4b:s8+s2], $0x80, $0x38;
	[tilespmem:$0x1CEC0] =	vst v63  }
0x58: {  	s8 =	rddreg [dreg:$0xf];
	s16 =	simm.s32 $0x9480  }
0x59: {  	[tilespmem:s16], [sflag:$0xD] =	stream.linear.gather [hbm4b:s8+s2], $0x80, $0x38;
	[tilespmem:$0x1CEC0] =	vst v63  }
0x5a: {  	s16 =	rddreg [dreg:$0x12]  }
0x5b: {  	[tilespmem:s18], [sflag:$0x8] =	stream.linear.gather [hbm4b:s16+s2], $0x80, $0x38;
	[tilespmem:$0x1CEC0] =	vst v63  }
0x5c: {  	s16 =	rddreg [dreg:$0x13]  }
0x5d: {  	[tilespmem:s17], [sflag:$0xE] =	stream.linear.gather [hbm4b:s16+s2], $0x80, $0x38;
	[tilespmem:$0x1CEC0] =	vst v63  }
0x5e: {  	s17 =	rddreg [dreg:$0x15]  }
0x5f: {  	[tilespmem:s21], [sflag:$0x9] =	stream.linear.gather [hbm4b:s17+s2], $0x80, $0x38;
	[tilespmem:$0x1CEC0] =	vst v63  }
0x60: {  	s16 =	rddreg [dreg:$0x16];
	s17 =	simm.s32 $0x4  }
0x61: {  	[tilespmem:s23], [sflag:$0xF] =	stream.linear.gather [hbm4b:s16+s2], $0x80, $0x38;
	[tilespmem:$0x1CEC0] =	vst v63  }
0x62: {  	_ =	swait.ge [sflag:s17], $0x80  }
0x63: {  	[sflag:s17] =	ssyncset.done $0x0  }
0x64: {  	s21 =	simm.s32 $0x5;
	[sflag:s17] =	ssyncadd.s32 $0xFFFFFF80  }
0x65: {  	[tilespmem:s2], [sflag:$0x1] =	stream.indirect.gather [hbm4b:s3+s20], $0x80, s10, s20, $0xb8;
	[tilespmem:$0x1CEC0] =	vst v63  }
0x66: {  	_ =	swait.ge [sflag:s21], $0x80  }
0x67: {  	[sflag:s21] =	ssyncset.done $0x0  }
0x68: {  	s23 =	simm.s32 $0x6;
	[sflag:s21] =	ssyncadd.s32 $0xFFFFFF80  }
0x69: {  	[tilespmem:s22], [sflag:$0x2] =	stream.indirect.gather [hbm4b:s3+s20], $0x80, s14, s20, $0xb8;
	[tilespmem:$0x1CEC0] =	vst v63  }
0x6a: {  	_ =	swait.ge [sflag:s23], $0x80  }
0x6b: {  	[sflag:s23] =	ssyncset.done $0x0  }
0x6c: {  	[sflag:s23] =	ssyncadd.s32 $0xFFFFFF80  }
0x6d: {  	[tilespmem:s24], [sflag:$0x3] =	stream.indirect.gather [hbm4b:s3+s20], $0x80, s15, s20, $0xb8;
	[tilespmem:$0x1CEC0] =	vst v63  }
0x6e: {  	s8 =	simm.s32 $0x580;
	s23 =	simm.s32 $0x9500;
	[bflag:$0x0] =	sbarrier.arrive $0xFFFF  }
.LBB2_2:
0x6f: {  	_ =	swait.ge [sflag:s30], $0x3000  }
0x70: {  	[sflag:s30] =	ssyncset.done $0x0  }
0x71: {  	[sflag:s30] =	ssyncadd.s32 $0xFFFFD000  }
0x72: {  	_ =	swait.ge [sflag:s25], $0x80  }
0x73: {  	[sflag:s25] =	ssyncset.done $0x0  }
0x74: {  	s10 =	simm.s32 $0x9300;
	[sflag:s25] =	ssyncadd.s32 $0xFFFFFF80  }
0x75: {  	[spmem:s1] =	stream.indirect.scatter.add.f32 [tilespmem:s2], [sflag:$0x10], $0x80, s10, s20, $0xb8;
	[tilespmem:$0x1CEC0] =	vst v63  }
0x76: {  	_ =	swait.ge [sflag:s29], $0x3000  }
0x77: {  	[sflag:s29] =	ssyncset.done $0x0  }
0x78: {  	[sflag:s29] =	ssyncadd.s32 $0xFFFFD000  }
0x79: {  	_ =	swait.ge [sflag:s26], $0x80  }
0x7a: {  	p1 =	seq.s32 s8, $0x6B80;
	[sflag:s26] =	ssyncset.done $0x0  }
0x7b: {  	s15 =	simm.s32 $0x9180;
	s10 =	sadd.s32 @!p1 $0xFFFFFD80, s8;
	[sflag:s26] =	ssyncadd.s32 $0xFFFFFF80  }
0x7c: {  	[tilespmem:s2], [sflag:$0x1] =	stream.indirect.gather [hbm4b:s3+s20], $0x80, s15, s20, $0xb8;
	[tilespmem:$0x1CEC0] =	vst v63  }
0x7d: {  	s15 =	sand.u32 @!p1 $0x1FC00, s10  }
0x7e: {  	s16 =	sand.u32 @!p1 $0x300, s10;
	s14 =	sadd.s32 @!p1 s11, s15  }
0x7f: {  	s15 =	sadd.s32 @!p1 s6, s15;
	s10 =	sor.u32 @!p1 s16, s14  }
0x80: {  	s14 =	simm.s32 @!p1 $0x9000;
	s15 =	sor.u32 @!p1 s16, s15;
	s10 =	sshrl.u32 @!p1 s10, $0x3  }
0x81: {  	s15 =	sshrl.u32 @!p1 s15, $0x3;
	s17 =	sadd.s32 @!p1 s4, s10;
	s10 =	simm.s32 @!p1 $0x0  }
0x82: {  	[tilespmem:s14], [sflag:$0x4] =	stream.linear.gather @!p1 [hbm4b:s17+s10], $0x80, $0x38;
	[tilespmem:$0x1CEC0] =	vst v63  }
0x83: {  	s16 =	simm.s32 @!p1 $0x9300;
	s15 =	sadd.s32 @!p1 s5, s15  }
0x84: {  	[tilespmem:s16], [sflag:$0xA] =	stream.linear.gather @!p1 [hbm4b:s15+s10], $0x80, $0x38;
	[tilespmem:$0x1CEC0] =	vst v63  }
0x85: {  	_ =	swait.ge [sflag:s28], $0x3000  }
0x86: {  	[sflag:s28] =	ssyncset.done $0x0  }
0x87: {  	[sflag:s28] =	ssyncadd.s32 $0xFFFFD000  }
0x88: {  	_ =	swait.ge [sflag:s12], $0x80  }
0x89: {  	[sflag:s12] =	ssyncset.done $0x0  }
0x8a: {  	s16 =	simm.s32 $0x9380;
	[sflag:s12] =	ssyncadd.s32 $0xFFFFFF80  }
0x8b: {  	[spmem:s1] =	stream.indirect.scatter.add.f32 [tilespmem:s22], [sflag:$0x10], $0x80, s16, s20, $0xb8;
	[tilespmem:$0x1CEC0] =	vst v63  }
0x8c: {  	_ =	swait.ge [sflag:s29], $0x3000  }
0x8d: {  	s15 =	sadd.s32 @!p1 $0xFFFFFE00, s8;
	[sflag:s29] =	ssyncset.done $0x0  }
0x8e: {  	s16 =	sand.u32 @!p1 $0x1FC00, s15;
	[sflag:s29] =	ssyncadd.s32 $0xFFFFD000  }
0x8f: {  	s15 =	sand.u32 @!p1 $0x380, s15;
	s17 =	sadd.s32 @!p1 s11, s16;
	_ =	swait.ge [sflag:s13], $0x80  }
0x90: {  	s16 =	sadd.s32 @!p1 s6, s16;
	s17 =	sor.u32 @!p1 s15, s17;
	[sflag:s13] =	ssyncset.done $0x0  }
0x91: {  	s15 =	sor.u32 @!p1 s15, s16;
	s17 =	sshrl.u32 @!p1 s17, $0x3;
	[sflag:s13] =	ssyncadd.s32 $0xFFFFFF80  }
0x92: {  	[tilespmem:s22], [sflag:$0x2] =	stream.indirect.gather [hbm4b:s3+s20], $0x80, s18, s20, $0xb8;
	[tilespmem:$0x1CEC0] =	vst v63  }
0x93: {  	s15 =	sshrl.u32 @!p1 s15, $0x3;
	s17 =	sadd.s32 @!p1 s4, s17;
	s18 =	simm.s32 @!p1 $0x9080  }
0x94: {  	[tilespmem:s18], [sflag:$0x5] =	stream.linear.gather @!p1 [hbm4b:s17+s10], $0x80, $0x38;
	[tilespmem:$0x1CEC0] =	vst v63  }
0x95: {  	s16 =	simm.s32 @!p1 $0x9380;
	s15 =	sadd.s32 @!p1 s5, s15  }
0x96: {  	[tilespmem:s16], [sflag:$0xB] =	stream.linear.gather @!p1 [hbm4b:s15+s10], $0x80, $0x38;
	[tilespmem:$0x1CEC0] =	vst v63  }
0x97: {  	_ =	swait.ge [sflag:s19], $0x3000  }
0x98: {  	[sflag:s19] =	ssyncset.done $0x0  }
0x99: {  	[sflag:s19] =	ssyncadd.s32 $0xFFFFD000  }
0x9a: {  	_ =	swait.ge [sflag:s9], $0x80  }
0x9b: {  	[sflag:s9] =	ssyncset.done $0x0  }
0x9c: {  	s17 =	simm.s32 $0x9400;
	[sflag:s9] =	ssyncadd.s32 $0xFFFFFF80  }
0x9d: {  	[spmem:s1] =	stream.indirect.scatter.add.f32 [tilespmem:s24], [sflag:$0x10], $0x80, s17, s20, $0xb8;
	[tilespmem:$0x1CEC0] =	vst v63  }
0x9e: {  	_ =	swait.ge [sflag:s29], $0x3000  }
0x9f: {  	[sflag:s29] =	ssyncset.done $0x0  }
0xa0: {  	[sflag:s29] =	ssyncadd.s32 $0xFFFFD000  }
0xa1: {  	_ =	swait.ge [sflag:s31], $0x80  }
0xa2: {  	[sflag:s31] =	ssyncset.done $0x0  }
0xa3: {  	s18 =	simm.s32 $0x9280;
	s15 =	simm.s32 @p1 $0x1;
	[sflag:s31] =	ssyncadd.s32 $0xFFFFFF80  }
0xa4: {  	[tilespmem:s24], [sflag:$0x3] =	stream.indirect.gather [hbm4b:s3+s20], $0x80, s18, s20, $0xb8;
	[tilespmem:$0x1CEC0] =	vst v63  }
0xa5: {  	_ =	swait.ge @p1 [sflag:s15], $0x3000  }
0xa6: {  	[sflag:s15] =	ssyncset.done @p1 $0x0  }
0xa7: {  	[sflag:s15] =	ssyncadd.s32 @p1 $0xFFFFD000;
	s15 =	simm.s32 @p1 $0xD  }
0xa8: {  	_ =	swait.ge @p1 [sflag:s15], $0x80  }
0xa9: {  	s16 =	simm.s32 @p1 $0x9480;
	[sflag:s15] =	ssyncset.done @p1 $0x0  }
0xaa: {  	s17 =	simm.s32 @p1 $0x0;
	[sflag:s15] =	ssyncadd.s32 @p1 $0xFFFFFF80;
	s15 =	simm.s32 @p1 $0x60  }
0xab: {  	[spmem:s1] =	stream.indirect.scatter.add.f32 @p1 [tilespmem:s17], [sflag:$0x10], $0x80, s16, s15, $0xb8;
	[tilespmem:$0x1CEC0] =	vst v63  }
0xac: {  	s15 =	sadd.s32 @!p1 $0xFFFFFE80, s8  }
0xad: {  	s16 =	sadd.s32 @!p1 $0xFFFFFA80, s8;
	s17 =	simm.s32 @p1 $0x10;
	s15 =	sand.u32 @!p1 $0x1FC00, s15  }
0xae: {  	s16 =	sand.u32 @!p1 $0x300, s16;
	_ =	swait.ge @p1 [sflag:s17], $0x3000;
	s18 =	sadd.s32 @!p1 s11, s15  }
0xaf: {  	[sflag:s17] =	ssyncset.done @p1 $0x0;
	s15 =	sadd.s32 @!p1 s6, s15;
	s18 =	sor.u32 @!p1 s16, s18  }
0xb0: {  	[sflag:s17] =	ssyncadd.s32 @p1 $0xFFFFD000;
	s15 =	sor.u32 @!p1 s16, s15;
	s18 =	sshrl.u32 @!p1 s18, $0x3  }
0xb1: {  	s15 =	sshrl.u32 @!p1 s15, $0x3;
	s17 =	sadd.s32 @!p1 s4, s18;
	s18 =	simm.s32 @!p1 $0x9100  }
0xb2: {  	[tilespmem:s18], [sflag:$0x6] =	stream.linear.gather @!p1 [hbm4b:s17+s10], $0x80, $0x38;
	[tilespmem:$0x1CEC0] =	vst v63  }
0xb3: {  	s16 =	simm.s32 @!p1 $0x9400;
	s15 =	sadd.s32 @!p1 s5, s15  }
0xb4: {  	[tilespmem:s16], [sflag:$0xC] =	stream.linear.gather @!p1 [hbm4b:s15+s10], $0x80, $0x38;
	[tilespmem:$0x1CEC0] =	vst v63  }
0xb5: {  	s15 =	simm.s32 @!p1 $0x1  }
0xb6: {  	_ =	swait.ge @!p1 [sflag:s15], $0x3000  }
0xb7: {  	[sflag:s15] =	ssyncset.done @!p1 $0x0  }
0xb8: {  	[sflag:s15] =	ssyncadd.s32 @!p1 $0xFFFFD000;
	s15 =	simm.s32 @!p1 $0xD  }
0xb9: {  	_ =	swait.ge @!p1 [sflag:s15], $0x80  }
0xba: {  	s17 =	simm.s32 @!p1 $0x10;
	[sflag:s15] =	ssyncset.done @!p1 $0x0  }
0xbb: {  	s16 =	simm.s32 @!p1 $0x9480;
	[sflag:s15] =	ssyncadd.s32 @!p1 $0xFFFFFF80;
	s15 =	simm.s32 @!p1 $0x60  }
0xbc: {  	[spmem:s1] =	stream.indirect.scatter.add.f32 @!p1 [tilespmem:s10], [sflag:$0x10], $0x80, s16, s15, $0xb8;
	[tilespmem:$0x1CEC0] =	vst v63  }
0xbd: {  	_ =	swait.ge @!p1 [sflag:s17], $0x3000  }
0xbe: {  	[sflag:s17] =	ssyncset.done @!p1 $0x0  }
0xbf: {  	[sflag:s17] =	ssyncadd.s32 @!p1 $0xFFFFD000;
	s17 =	simm.s32 @!p1 $0x4  }
0xc0: {  	_ =	swait.ge @!p1 [sflag:s17], $0x80  }
0xc1: {  	[sflag:s17] =	ssyncset.done @!p1 $0x0  }
0xc2: {  	[sflag:s17] =	ssyncadd.s32 @!p1 $0xFFFFFF80  }
0xc3: {  	[tilespmem:s10], [sflag:$0x1] =	stream.indirect.gather @!p1 [hbm4b:s3+s15], $0x80, s14, s15, $0xb8;
	[tilespmem:$0x1CEC0] =	vst v63  }
0xc4: {  	s14 =	sadd.s32 @!p1 $0xFFFFFF00, s8  }
0xc5: {  	s15 =	sand.u32 @!p1 $0x1FC00, s14  }
0xc6: {  	s14 =	sand.u32 @!p1 $0x380, s14;
	s17 =	sadd.s32 @!p1 s11, s15  }
0xc7: {  	s15 =	sadd.s32 @!p1 s6, s15;
	s17 =	sor.u32 @!p1 s14, s17  }
0xc8: {  	s14 =	sor.u32 @!p1 s14, s15;
	s17 =	sshrl.u32 @!p1 s17, $0x3  }
0xc9: {  	s18 =	simm.s32 @!p1 $0x9180;
	s14 =	sshrl.u32 @!p1 s14, $0x3;
	s17 =	sadd.s32 @!p1 s4, s17  }
0xca: {  	[tilespmem:s18], [sflag:$0x7] =	stream.linear.gather @!p1 [hbm4b:s17+s10], $0x80, $0x38;
	[tilespmem:$0x1CEC0] =	vst v63  }
0xcb: {  	s14 =	sadd.s32 @!p1 s5, s14  }
0xcc: {  	[tilespmem:s16], [sflag:$0xD] =	stream.linear.gather @!p1 [hbm4b:s14+s10], $0x80, $0x38;
	[tilespmem:$0x1CEC0] =	vst v63  }
0xcd: {  	_ =	swait.ge [sflag:s28], $0x3000  }
0xce: {  	[sflag:s28] =	ssyncset.done $0x0  }
0xcf: {  	[sflag:s28] =	ssyncadd.s32 $0xFFFFD000  }
0xd0: {  	_ =	swait.ge [sflag:s0], $0x80  }
0xd1: {  	[sflag:s0] =	ssyncset.done $0x0  }
.Ltmp2:
0xd2: {  	[sflag:s0] =	ssyncadd.s32 $0xFFFFFF80;
	(pc) =	sbr.rel @p1 .LBB2_4-.Ltmp2, $4  }
0xd3: {  	[spmem:s1] =	stream.indirect.scatter.add.f32 [tilespmem:s22], [sflag:$0x10], $0x80, s23, s20, $0xb8;
	[tilespmem:$0x1CEC0] =	vst v63  }
0xd4: {  	_ =	swait.ge [sflag:s29], $0x3000  }
0xd5: {  	[sflag:s29] =	ssyncset.done $0x0  }
0xd6: {  	s21 =	simm.s32 $0x9200;
	s17 =	simm.s32 $0x9500;
	[sflag:s29] =	ssyncadd.s32 $0xFFFFD000  }
0xd7: {  	s10 =	simm.s32 $0x5  }
0xd8: {  	s18 =	sadd.s32 $0xFFFFFF80, s8;
	_ =	swait.ge [sflag:s10], $0x80  }
0xd9: {  	s16 =	simm.s32 $0x9080;
	s14 =	sand.u32 $0x1FC00, s18;
	[sflag:s10] =	ssyncset.done $0x0  }
0xda: {  	s15 =	sadd.s32 s11, s14;
	[sflag:s10] =	ssyncadd.s32 $0xFFFFFF80;
	s10 =	sand.u32 $0x300, s18  }
0xdb: {  	[tilespmem:s22], [sflag:$0x2] =	stream.indirect.gather [hbm4b:s3+s20], $0x80, s16, s20, $0xb8;
	[tilespmem:$0x1CEC0] =	vst v63  }
0xdc: {  	s14 =	sadd.s32 s6, s14;
	s15 =	sor.u32 s10, s15  }
0xdd: {  	s10 =	sor.u32 s10, s14;
	s15 =	sshrl.u32 s15, $0x3  }
0xde: {  	s10 =	sshrl.u32 s10, $0x3;
	s15 =	sadd.s32 s4, s15  }
0xdf: {  	[tilespmem:s21], [sflag:$0x8] =	stream.linear.gather [hbm4b:s15+s2], $0x80, $0x38;
	[tilespmem:$0x1CEC0] =	vst v63  }
0xe0: {  	s10 =	sadd.s32 s5, s10  }
0xe1: {  	[tilespmem:s17], [sflag:$0xE] =	stream.linear.gather [hbm4b:s10+s2], $0x80, $0x38;
	[tilespmem:$0x1CEC0] =	vst v63  }
0xe2: {  	_ =	swait.ge [sflag:s19], $0x3000  }
0xe3: {  	[sflag:s19] =	ssyncset.done $0x0  }
0xe4: {  	[sflag:s19] =	ssyncadd.s32 $0xFFFFD000  }
0xe5: {  	_ =	swait.ge [sflag:s7], $0x80  }
0xe6: {  	[sflag:s7] =	ssyncset.done $0x0  }
0xe7: {  	s16 =	simm.s32 $0x9580;
	[sflag:s7] =	ssyncadd.s32 $0xFFFFFF80  }
0xe8: {  	[spmem:s1] =	stream.indirect.scatter.add.f32 [tilespmem:s24], [sflag:$0x10], $0x80, s16, s20, $0xb8;
	[tilespmem:$0x1CEC0] =	vst v63  }
0xe9: {  	_ =	swait.ge [sflag:s29], $0x3000  }
0xea: {  	[sflag:s29] =	ssyncset.done $0x0  }
0xeb: {  	s23 =	simm.s32 $0x6;
	[sflag:s29] =	ssyncadd.s32 $0xFFFFD000  }
0xec: {  	_ =	swait.ge [sflag:s23], $0x80  }
0xed: {  	s14 =	simm.s32 $0x9100;
	s15 =	sand.u32 $0x1FC00, s8;
	[sflag:s23] =	ssyncset.done $0x0  }
0xee: {  	s21 =	sand.u32 $0x380, s8;
	s18 =	sadd.s32 s11, s15;
	[sflag:s23] =	ssyncadd.s32 $0xFFFFFF80  }
0xef: {  	[tilespmem:s24], [sflag:$0x3] =	stream.indirect.gather [hbm4b:s3+s20], $0x80, s14, s20, $0xb8;
	[tilespmem:$0x1CEC0] =	vst v63  }
0xf0: {  	s8 =	sadd.s32 $0x300, s8;
	s10 =	sadd.s32 s6, s15;
	s14 =	sor.u32 s21, s18  }
.Ltmp3:
0xf1: {  	s10 =	sor.u32 s21, s10;
	s14 =	sshrl.u32 s14, $0x3;
	(pc) =	sbr.rel .LBB2_2-.Ltmp3, $4  }
0xf2: {  	s10 =	sshrl.u32 s10, $0x3;
	s23 =	simm.s32 $0x9280;
	s14 =	sadd.s32 s4, s14  }
0xf3: {  	[tilespmem:s23], [sflag:$0x9] =	stream.linear.gather [hbm4b:s14+s2], $0x80, $0x38;
	[tilespmem:$0x1CEC0] =	vst v63  }
0xf4: {  	s10 =	sadd.s32 s5, s10;
	s18 =	simm.s32 $0x9200;
	s23 =	simm.s32 $0x9500  }
0xf5: {  	[tilespmem:s16], [sflag:$0xF] =	stream.linear.gather [hbm4b:s10+s2], $0x80, $0x38;
	[tilespmem:$0x1CEC0] =	vst v63  }
.LBB2_5:
0xf6: {  	_ =	sfence.sel $0x180000  }
0xf7: {  	[bflag:$0x0] =	sbarrier.arrive $0xFFFF  }
0xf8: {  	_ =	strace $0x9000004A  }
0xf9: {  	[bflag:$0x2] =	sbarrier.arrive $0xFFFF  }
0xfa: {  	s0 =	rddreg [dreg:$0x2]  }
0xfb: {  	s0 =	sadd.s32 @!p0 $0x100000, s0  }
0xfc: {  	[sflag:s0] =	ssyncadd.tile.s32 @!p0 $0x1;
	_ =	shalt  }
.Lfunc_end2:
_tile_overlayer_lowered:
.L_overlay_start_2:
0xfd: {  	(tag) =	ssettag $0x2  }
0xfe: {  	s0 =	rddreg [dreg:$0x0];
	s2 =	stileid.u32  }
0xff: {  	s1 =	rddreg [dreg:$0x1];
	p0 =	sne.s32 s2, $0x0  }
0x100: {  	s3 =	rddreg [dreg:$0x2];
	[bflag:$0x3] =	sbarrier.arrive $0xFFFF;
	s2 =	simm.s32 @!p0 $0x1C10  }
0x101: {  	[timem:s3], [sflag:s2] =	dma.local @!p0 [hbm:s0], s1  }
0x102: {  	s0 =	simm.s32 @!p0 $0x10  }
0x103: {  	_ =	swait.ge @!p0 [sflag:s0], s1  }
0x104: {  	s1 =	ssub.s32 @!p0 $0x0, s1;
	[sflag:s0] =	ssyncset.done @!p0 $0x0  }
0x105: {  	[sflag:s0] =	ssyncadd.s32 @!p0 s1  }
0x106: {  	[bflag:$0x3] =	sbarrier.arrive $0xFFFF  }
0x107: {  	_ =	shalt  }

// kernel: kernel.20.cloned.1.call-start
scs
__scs_entry_jumppad:
0x0: {  	(pc) =	sbr.rel $0x88, $3  }
0x1: {  	(tag) =	ssettag $0x0;
	lr =	simm.s32 $0x1  }
0x2: {  	[smem:$0x3F8C] =	sst lr;
	_ =	strace $0xD0000000  }
0x3: {  	_ = 	snop  }
0x4: {  	_ = 	snop  }
0x5: {  	_ = 	snop  }
0x6: {  	_ = 	snop  }
0x7: {  	_ = 	snop  }
__scs_overlays_trampoline_lowered:
0x8: {  	[smem:$0x3F9B] =	sst s0  }
0x9: {  	[smem:$0x3F9C] =	sst s1  }
0xa: {  	[smem:$0x3F9D] =	sst s2  }
0xb: {  	[smem:$0x3F9E] =	sst s3  }
0xc: {  	[smem:$0x3F9F] =	sst s4  }
0xd: {  	[smem:$0x3FA0] =	sst s5  }
0xe: {  	[smem:$0x3FA1] =	sst s6  }
0xf: {  	[smem:$0x3FA2] =	sst s7  }
0x10: {  	[smem:$0x3FA3] =	sst s8  }
0x11: {  	[smem:$0x3FA4] =	sst s9;
	s0 =	simm.s32 @!p0 $0x0  }
0x12: {  	s1 =	sld [smem:$0x3F8A];
	s0 =	simm.s32 @p0 $0x1  }
0x13: {  	[smem:$0x3FA5] =	sst s0;
	s0 =	simm.s32 @!p1 $0x0  }
0x14: {  	s2 =	sld [smem:$0x3F89];
	s0 =	simm.s32 @p1 $0x1  }
0x15: {  	[smem:$0x3FA6] =	sst s0;
	s0 =	simm.s32 @!p2 $0x0  }
0x16: {  	s3 =	sld [smem:$0x3FDB];
	s0 =	simm.s32 @p2 $0x1  }
0x17: {  	s4 =	simm.s32 $0x1BF5;
	[smem:$0x3FA8] =	sst s0  }
0x18: {  	s0 =	sld [smem:$0x3F8B];
	_ =	swait.ge [sflag:s4], $0x0  }
0x19: {  	s7 =	sld [smem:$0x3F8C]  }
0x1a: {  	s8 =	sadd.s32 $0xFFFFE003, lr  }
0x1b: {  	s9 =	sadd.s32 $0xFFFFFEF7, lr;
	s5 =	simm.s32 $0xFFFFFFFF;
	p2 =	slt.u32 s8, $0xFFFFF086  }
0x1c: {  	p1 =	slt.u32 s9, $0xF7A;
	s5 =	simm.s32 @!p2 $0x0  }
0x1d: {  	s5 =	simm.s32 @p1 $0x1;
	p0 =	seq.s32 s7, s2  }
0x1e: {  	s7 =	smul.u32 @!p0 $0xF7A, s2;
	p2 =	seq.s32 @!p0 s5, $0x0  }
0x1f: {  	s9 =	smul.u32 $0xF7A, s1;
	s8 =	simm.s32 @!p0 $0x1BF5;
	p2 =	por !p2, p0  }
0x20: {  	[sflag:s8] =	ssyncset.s32 @!p0 $0xFFFFF086;
	s6 =	sadd.s32 @!p0 s3, s7;
	s7 =	simm.s32 @!p0 $0x108  }
0x21: {  	s3 =	sadd.s32 s3, s9;
	s6 =	sadd.s32 @!p0 $0x88, s6;
	s7 =	simm.s32 @p2 $0x1082  }
0x22: {  	[simem:s7], [sflag:s8] =	dma.local @!p0 [hbm:s6], $0xF7A  }
0x23: {  	s9 =	sor.u32 $0xD0000000, s2;
	s6 =	simm.s32 $0x108;
	_ =	swait.ge @!p0 [sflag:s8], $0x0  }
0x24: {  	s3 =	sadd.s32 $0x88, s3;
	s6 =	simm.s32 @!p1 $0x1082;
	[sflag:s4] =	ssyncset.s32 $0xFFFFF086  }
0x25: {  	[simem:s6], [sflag:s4] =	dma.local [hbm:s3], $0xF7A  }
0x26: {  	[smem:$0x3F8C] =	sst s1;
	(tag) =	ssettag s2;
	_ =	strace s9  }
0x27: {  	s1 =	sld [smem:$0x3F9C]  }
0x28: {  	s2 =	sld [smem:$0x3F9D]  }
0x29: {  	s4 =	sld [smem:$0x3F9F]  }
0x2a: {  	p0 =	seq.s32 s5, $0x0;
	s5 =	sld [smem:$0x3FA0]  }
0x2b: {  	s6 =	sld [smem:$0x3FA1]  }
0x2c: {  	s7 =	sld [smem:$0x3FA2]  }
0x2d: {  	s3 =	simm.s32 $0x108;
	s8 =	sld [smem:$0x3FA3]  }
0x2e: {  	s3 =	simm.s32 @!p0 $0x1082;
	s9 =	sld [smem:$0x3FA4]  }
0x2f: {  	lr =	sadd.s32 s0, s3;
	s0 =	sld [smem:$0x3F9B]  }
0x30: {  	s3 =	sld [smem:$0x3F9E]  }
0x31: {  	[smem:$0x3FA7] =	sst s10  }
0x32: {  	s10 =	sld [smem:$0x3FA5];
	_ =	sdelay $0x3  }
0x33: {  	p0 =	seq.s32 s10, $0x1;
	s10 =	sld [smem:$0x3FA7];
	_ =	sdelay $0x3  }
0x34: {  	[smem:$0x3FA7] =	sst s10  }
0x35: {  	s10 =	sld [smem:$0x3FA6];
	_ =	sdelay $0x3  }
0x36: {  	p1 =	seq.s32 s10, $0x1;
	s10 =	sld [smem:$0x3FA7];
	_ =	sdelay $0x3  }
0x37: {  	[smem:$0x3FA7] =	sst s10  }
0x38: {  	s10 =	sld [smem:$0x3FA8]  }
0x39: {  	_ = 	snop;
	(pc) =	sbr.ind lr, $3  }
0x3a: {  	_ = 	snop  }
0x3b: {  	_ = 	snop  }
0x3c: {  	p2 =	seq.s32 s10, $0x1;
	s10 =	sld [smem:$0x3FA7]  }
0x3d: {  	_ =	shalt  }
0x3e: {  	_ =	shalt  }
0x3f: {  	_ =	shalt  }
0x40: {  	_ =	shalt  }
0x41: {  	_ =	shalt  }
0x42: {  	_ =	shalt  }
0x43: {  	_ =	shalt  }
0x44: {  	_ =	shalt  }
0x45: {  	_ =	shalt  }
0x46: {  	_ =	shalt  }
0x47: {  	_ =	shalt  }
0x48: {  	_ =	shalt  }
0x49: {  	_ =	shalt  }
0x4a: {  	_ =	shalt  }
0x4b: {  	_ =	shalt  }
0x4c: {  	_ =	shalt  }
0x4d: {  	_ =	shalt  }
0x4e: {  	_ =	shalt  }
0x4f: {  	_ =	shalt  }
0x50: {  	_ =	shalt  }
0x51: {  	_ =	shalt  }
0x52: {  	_ =	shalt  }
0x53: {  	_ =	shalt  }
0x54: {  	_ =	shalt  }
0x55: {  	_ =	shalt  }
0x56: {  	_ =	shalt  }
0x57: {  	_ =	shalt  }
0x58: {  	_ =	shalt  }
0x59: {  	_ =	shalt  }
0x5a: {  	_ =	shalt  }
0x5b: {  	_ =	shalt  }
0x5c: {  	_ =	shalt  }
0x5d: {  	_ =	shalt  }
0x5e: {  	_ =	shalt  }
0x5f: {  	_ =	shalt  }
0x60: {  	_ =	shalt  }
0x61: {  	_ =	shalt  }
0x62: {  	_ =	shalt  }
0x63: {  	_ =	shalt  }
0x64: {  	_ =	shalt  }
0x65: {  	_ =	shalt  }
0x66: {  	_ =	shalt  }
0x67: {  	_ =	shalt  }
0x68: {  	_ =	shalt  }
0x69: {  	_ =	shalt  }
0x6a: {  	_ =	shalt  }
0x6b: {  	_ =	shalt  }
0x6c: {  	_ =	shalt  }
0x6d: {  	_ =	shalt  }
0x6e: {  	_ =	shalt  }
0x6f: {  	_ =	shalt  }
0x70: {  	_ =	shalt  }
0x71: {  	_ =	shalt  }
0x72: {  	_ =	shalt  }
0x73: {  	_ =	shalt  }
0x74: {  	_ =	shalt  }
0x75: {  	_ =	shalt  }
0x76: {  	_ =	shalt  }
0x77: {  	_ =	shalt  }
0x78: {  	_ =	shalt  }
0x79: {  	_ =	shalt  }
0x7a: {  	_ =	shalt  }
0x7b: {  	_ =	shalt  }
0x7c: {  	_ =	shalt  }
0x7d: {  	_ =	shalt  }
0x7e: {  	_ =	shalt  }
0x7f: {  	_ =	shalt  }
0x80: {  	_ =	shalt  }
0x81: {  	_ =	shalt  }
0x82: {  	_ =	shalt  }
0x83: {  	_ =	shalt  }
0x84: {  	_ =	shalt  }
0x85: {  	_ =	shalt  }
0x86: {  	_ =	shalt  }
0x87: {  	_ =	shalt  }
.Lfunc_end0:
.L_simem_size_0:
called_computation.2_lowered:
.L_overlay_start_0:
0x88: {  	s2 =	sld [smem:$0x3FD9]  }
0x89: {  	s3 =	sld [smem:$0x3FFE];
	_ =	sdelay $0x1  }
0x8a: {  	s1 =	srdreg.scid  }
0x8b: {  	s0 =	sand.u32 $0x1, s1  }
0x8c: {  	s16 =	sshll.u32 s0, $0xA;
	s2 =	sadd.s32 s3, s2  }
0x8d: {  	s2 =	sadd.s32 s2, s16  }
0x8e: {  	[smem:$0x3FB3] =	sst s2  }
0x8f: {  	_ = 	snop  }
0x90: {  	(tm) =	ssettm $0x1  }
0x91: {  	s17 =	sld [smem:$0x3FFB];
	_ =	sdelay $0x3  }
0x92: {  	_ =	strace s17  }
0x93: {  	s2 =	sld [smem:$0x3FFC];
	_ =	sdelay $0x3  }
0x94: {  	_ =	strace s2  }
0x95: {  	s2 =	sld [smem:$0x3FFD];
	_ =	sdelay $0x3  }
0x96: {  	_ =	strace s2  }
0x97: {  	_ =	strace $0x8FFFFFFF  }
0x98: {  	s18 =	sld [smem:$0x3FDB];
	_ =	sdelay $0x1  }
0x99: {  	s19 =	simm.s32 $_scs_section_size  }
0x9a: {  	s4 =	simm.s32 $_size__tile_overlayer_lowered;
	s5 =	simm.s32 $_tile_overlayer_lowered  }
0x9b: {  	s22 =	simm.s32 $0x1BFF;
	s21 =	sshll.u32 s5, $0x1;
	s2 =	sadd.s32 s19, s18  }
0x9c: {  	s6 =	simm.s32 $0x0;
	s20 =	sshll.u32 s4, $0x1;
	s4 =	sadd.s32 s21, s2  }
0x9d: {  	[timem:s6], [sflag:s22] =	dma.local [hbm:s4], s20  }
0x9e: {  	_ =	swait.ge [sflag:s22], s20  }
0x9f: {  	s3 =	ssub.s32 $0x0, s20;
	[sflag:s22] =	ssyncset.done $0x0  }
0xa0: {  	[sflag:s22] =	ssyncadd.s32 s3;
	_ =	sdelay $0x1  }
0xa1: {  	s23 =	simm.s32 $0x1B8B  }
0xa2: {  	_ =	swait.ge [sflag:s23], $0x1  }
0xa3: {  	[sflag:s23] =	ssyncset.done $0x0  }
0xa4: {  	s25 =	simm.s32 $0x1B8E;
	s24 =	sld [smem:$0x3FFE];
	[sflag:s23] =	ssyncadd.s32 $0xFFFFFFFF  }
0xa5: {  	s26 =	simm.s32 $execute0_lowered;
	[smem:$0x3FD2] =	sst s25  }
0xa6: {  	s4 =	sshll.u32 s26, $0x1;
	_ =	strace $0x8000004C;
	[dreg:$0x1] =	wrdreg $0xFFFFFFFF  }
0xa7: {  	s28 =	simm.s32 $_size_execute0_lowered;
	s2 =	sadd.s32 s2, s4;
	[dreg:$0x0] =	wrdreg $0x0  }
0xa8: {  	s4 =	sshll.u32 s28, $0x1;
	[dreg:$0x2] =	wrdreg s2  }
0xa9: {  	[dreg:$0x3] =	wrdreg s4  }
0xaa: {  	[dreg:$0x4] =	wrdreg $0xC0  }
0xab: {  	_ =	task [dreg:s6], $0x5FFFF  }
0xac: {  	[dreg:$0x1] =	wrdreg $0xFFFFFFFF  }
0xad: {  	[dreg:$0x0] =	wrdreg $0x60  }
0xae: {  	[dreg:$0x2] =	wrdreg s24  }
0xaf: {  	[dreg:$0x3] =	wrdreg $0x96000  }
0xb0: {  	[dreg:$0x4] =	wrdreg $0x9  }
0xb1: {  	_ =	task.clear_ibuf [dreg:s6], $0x5FFFF;
	_ =	strace $0x9000004C  }
0xb2: {  	s29 =	simm.s32 $0x9;
	_ =	strace $0x8000004E  }
0xb3: {  	_ =	swait.ge [sflag:s29], $0x1  }
0xb4: {  	[sflag:s29] =	ssyncadd.s32 $0xFFFFFFFF  }
0xb5: {  	_ =	strace $0x9000004E  }
0xb6: {  	_ =	sfence  }
0xb7: {  	s30 =	sld [smem:$0x0];
	_ =	sdelay $0x2  }
0xb8: {  	s31 =	sshll.u32 s1, $0xD;
	s1 =	sshrl.u32 s1, $0x2  }
0xb9: {  	s3 =	sand.u32 $0x4000, s31;
	s1 =	sadd.s32 s1, s30  }
0xba: {  	s0 =	sor.u32 s3, s0;
	s1 =	sshll.u32 s1, $0x11  }
0xbb: {  	s0 =	sor.u32 s1, s0  }
0xbc: {  	s0 =	sadd.s32 $0x8F2B, s0  }
0xbd: {  	[sflag:s0] =	ssyncadd.remote.s32 $0x1  }
0xbe: {  	_ =	sfence.sel $0xFFFF  }
0xbf: {  	[dreg:$0x0] =	wrdreg $0xFFFFFFFF;
	(pc) =	sbr.abs _section_cstart, $3  }
0xc0: {  	[dreg:$0x1] =	wrdreg $0xFFFFFFFF  }
0xc1: {  	_ =	task.clear_ibuf [dreg:s6], $0x2FFFF;
	_ =	strace $0x9FFFFFFF  }
0xc2: {  	(tm) =	ssettm $0x7FFFFFFF  }
0xc3: {  	_ =	shalt  }
tec
execute0_lowered:
.L_overlay_start_1:
0x0: {  	(tag) =	ssettag $0x1  }
0x1: {  	s0 =	rddreg [dreg:$0x0]  }
0x2: {  	s1 =	rddreg [dreg:$0x1];
	s2 =	simm.s32 $0x0;
	s3 =	srdreg.scid  }
0x3: {  	s7 =	stileid.u32;
	s29 =	simm.s32 $0x10;
	s30 =	simm.s32 $0x1  }
0x4: {  	s28 =	simm.s32 $0x2;
	s31 =	simm.s32 $0x9;
	s8 =	smul.u32 $0x4E000, s7  }
0x5: {  	[smem:$0x7FF] =	sst s2;
	s6 =	sand.u32 $0x1, s3;
	s11 =	smul.u32 $0x2700, s7  }
0x6: {  	s3 =	sadd.s32 $0x2DA00, s0;
	s4 =	sadd.s32 $0x12A00, s0;
	s9 =	smul.u32 $0x27100, s6  }
0x7: {  	s5 =	sadd.s32 $0x5200, s0;
	s0 =	sadd.s32 $0x7BC00, s0;
	s13 =	smul.u32 $0x138800, s6  }
0x8: {  	s19 =	sshll.u32 s7, $0x6;
	s21 =	sadd.s32 $0x138000, s1;
	s18 =	smul.u32 $0x6C000, s6  }
0x9: {  	_ =	strace $0x8000004D;
	s10 =	ssub.s32 $0x2, s6;
	s6 =	smul.u32 $0x6C00, s7  }
0xa: {  	s14 =	sor.u32 $0x1C10, s19;
	[dreg:$0x6] =	wrdreg s21;
	s12 =	sshrl.u32 s10, $0x1  }
0xb: {  	s8 =	sshrl.u32 s8, $0x2;
	[dreg:$0x5] =	wrdreg s14;
	s10 =	ssub.s32 s10, s12  }
0xc: {  	s9 =	sadd.s32 s11, s9;
	s8 =	sadd.s32 s8, s1;
	s22 =	sshrl.u32 s13, $0x3  }
0xd: {  	s24 =	sshrl.u32 s6, $0x3;
	[dreg:$0x3] =	wrdreg s8;
	s20 =	sadd.s32 s3, s9  }
0xe: {  	s12 =	sadd.s32 s5, s24;
	s24 =	smax.u32 s10, $0x1;
	[dreg:$0x4] =	wrdreg s20  }
0xf: {  	s25 =	smul.u32 $0x13800, s7;
	s8 =	sadd.s32 $0x27000, s22;
	[dreg:$0x14] =	wrdreg s24  }
0x10: {  	p0 =	sne.s32 s7, $0x0;
	s16 =	sadd.s32 s3, s8;
	[dreg:$0x8] =	wrdreg s12  }
0x11: {  	s7 =	simm.s32 $0xF;
	s17 =	sadd.s32 $0x10, s12;
	[dreg:$0x9] =	wrdreg s16  }
0x12: {  	s11 =	sadd.s32 s6, s18;
	s19 =	sadd.s32 $0x20, s12;
	[dreg:$0xb] =	wrdreg s17  }
0x13: {  	s23 =	sshrl.u32 s11, $0x3;
	s21 =	sadd.s32 $0x30, s12;
	[dreg:$0xd] =	wrdreg s19  }
0x14: {  	s15 =	sadd.s32 s4, s23;
	s23 =	sadd.s32 $0x40, s12;
	[dreg:$0xf] =	wrdreg s21  }
0x15: {  	s9 =	sadd.s32 s25, s13;
	s13 =	simm.s32 $0x8;
	[dreg:$0x13] =	wrdreg s23  }
0x16: {  	s9 =	sshrl.u32 s9, $0x3;
	s26 =	sadd.s32 $0x10, s15;
	[dreg:$0x7] =	wrdreg s15  }
0x17: {  	s24 =	simm.s32 $0x6000;
	s18 =	sadd.s32 $0x20, s15;
	[dreg:$0xa] =	wrdreg s26  }
0x18: {  	s20 =	sadd.s32 $0x30, s15;
	s9 =	sadd.s32 s0, s9;
	[dreg:$0xc] =	wrdreg s18  }
0x19: {  	s0 =	sadd.s32 s0, s8;
	s22 =	sadd.s32 $0x40, s15;
	[dreg:$0xe] =	wrdreg s20  }
0x1a: {  	s25 =	sadd.s32 $0x50, s15;
	s17 =	simm.s32 $0x9500;
	[dreg:$0x10] =	wrdreg s9  }
0x1b: {  	s21 =	simm.s32 $0x9280;
	s23 =	simm.s32 $0x9580;
	[dreg:$0x11] =	wrdreg s0  }
.Ltmp0:
0x1c: {  	s19 =	simm.s32 $0x3;
	[dreg:$0x12] =	wrdreg s22;
	(pc) =	sbr.rel .LBB2_1-.Ltmp0, $4  }
0x1d: {  	s15 =	simm.s32 $0x0;
	[dreg:$0x15] =	wrdreg s25;
	s26 =	sadd.s32 $0x50, s12  }
0x1e: {  	s18 =	simm.s32 $0x9200;
	s20 =	simm.s32 $0x60;
	s22 =	simm.s32 $0x3000  }
0x1f: {  	s25 =	simm.s32 $0xA;
	s12 =	simm.s32 $0xB;
	s9 =	simm.s32 $0xC  }
0x20: {  	s0 =	simm.s32 $0xE;
	[dreg:$0x16] =	wrdreg s26;
	s26 =	simm.s32 $0x7  }
.LBB2_4:
0x21: {  	_ =	swait.ge [sflag:s19], $0x3000  }
0x22: {  	[sflag:s19] =	ssyncset.done $0x0  }
0x23: {  	[sflag:s19] =	ssyncadd.s32 $0xFFFFD000  }
0x24: {  	_ =	swait.ge [sflag:s7], $0x80  }
0x25: {  	[sflag:s7] =	ssyncset.done $0x0  }
0x26: {  	s23 =	simm.s32 $0x9580;
	[sflag:s7] =	ssyncadd.s32 $0xFFFFFF80  }
0x27: {  	[spmem:s1] =	stream.indirect.scatter.add.f32 [tilespmem:s24], [sflag:$0x10], $0x80, s23, s20, $0xb8;
	[tilespmem:$0x1CEC0] =	vst v63  }
0x28: {  	_ =	swait.ge [sflag:s29], $0x3000  }
0x29: {  	[sflag:s29] =	ssyncset.done $0x0  }
0x2a: {  	[sflag:s29] =	ssyncadd.s32 $0xFFFFD000  }
0x2b: {  	[bflag:$0x0] =	sbarrier.arrive $0xFFFF  }
0x2c: {  	s14 =	rddreg [dreg:$0x5]  }
0x2d: {  	s8 =	rddreg [dreg:$0x10]  }
0x2e: {  	s10 =	rddreg [dreg:$0x18]  }
0x2f: {  	[hbm:s8], [sflag:s14] =	dma.local [spmem:s10], $0x2700  }
0x30: {  	_ =	swait.ge [sflag:s29], $0x2700  }
0x31: {  	[sflag:s29] =	ssyncset.done $0x0;
	s8 =	rddreg [dreg:$0x11]  }
0x32: {  	s10 =	rddreg [dreg:$0x19];
	[sflag:s29] =	ssyncadd.s32 $0xFFFFD900  }
0x33: {  	[hbm:s8], [sflag:s14] =	dma.local @!p0 [spmem:s10], $0x100  }
0x34: {  	s8 =	simm.s32 @!p0 $0x10  }
0x35: {  	_ =	swait.ge @!p0 [sflag:s8], $0x100  }
0x36: {  	s15 =	rddreg [dreg:$0x17]  }
0x37: {  	s21 =	rddreg [dreg:$0x14];
	s15 =	sadd.s32 $0x1, s15  }
0x38: {  	p1 =	sne.s32 s15, s21  }
.Ltmp1:
0x39: {  	_ = 	snop;
	(pc) =	sbr.rel @!p1 .LBB2_5-.Ltmp1, $3  }
0x3a: {  	_ =	sdelay $0x1  }
0x3b: {  	[sflag:s8] =	ssyncset.done @!p0 $0x0  }
0x3c: {  	s18 =	simm.s32 $0x9200;
	[sflag:s8] =	ssyncadd.s32 @!p0 $0xFFFFFF00;
	s21 =	simm.s32 $0x9280  }
.LBB2_1:
0x3d: {  	[dreg:$0x17] =	wrdreg s15  }
0x3e: {  	s8 =	rddreg [dreg:$0x3]  }
0x3f: {  	s15 =	rddreg [dreg:$0x4];
	s10 =	sshrl.u32 s8, $0x3  }
0x40: {  	[dreg:$0x18] =	wrdreg s10  }
0x41: {  	[spmem:s10], [sflag:s14] =	dma.local [hbm:s15], $0x2700  }
0x42: {  	_ =	swait.ge [sflag:s29], $0x2700  }
0x43: {  	s8 =	rddreg [dreg:$0x6]  }
0x44: {  	[sflag:s29] =	ssyncset.done $0x0;
	s10 =	sshrl.u32 @!p0 s8, $0x3;
	s8 =	rddreg [dreg:$0x9]  }
0x45: {  	[sflag:s29] =	ssyncadd.s32 $0xFFFFD900;
	[dreg:$0x19] =	wrdreg s10  }
0x46: {  	[spmem:s10], [sflag:s14] =	dma.local @!p0 [hbm:s8], $0x100  }
0x47: {  	s8 =	simm.s32 @!p0 $0x10  }
0x48: {  	_ =	swait.ge @!p0 [sflag:s8], $0x100  }
0x49: {  	[sflag:s8] =	ssyncset.done @!p0 $0x0  }
0x4a: {  	s10 =	simm.s32 $0x9000;
	s16 =	rddreg [dreg:$0x7];
	[sflag:s8] =	ssyncadd.s32 @!p0 $0xFFFFFF00  }
0x4b: {  	[tilespmem:s10], [sflag:$0x4] =	stream.linear.gather [hbm4b:s16+s2], $0x80, $0x38;
	[tilespmem:$0x1CEC0] =	vst v63  }
0x4c: {  	s15 =	simm.s32 $0x9300;
	s14 =	rddreg [dreg:$0x8]  }
0x4d: {  	[tilespmem:s15], [sflag:$0xA] =	stream.linear.gather [hbm4b:s14+s2], $0x80, $0x38;
	[tilespmem:$0x1CEC0] =	vst v63  }
0x4e: {  	s16 =	rddreg [dreg:$0xa];
	s14 =	simm.s32 $0x9080  }
0x4f: {  	[tilespmem:s14], [sflag:$0x5] =	stream.linear.gather [hbm4b:s16+s2], $0x80, $0x38;
	[tilespmem:$0x1CEC0] =	vst v63  }
0x50: {  	s15 =	rddreg [dreg:$0xb];
	s16 =	simm.s32 $0x9380  }
0x51: {  	[tilespmem:s16], [sflag:$0xB] =	stream.linear.gather [hbm4b:s15+s2], $0x80, $0x38;
	[tilespmem:$0x1CEC0] =	vst v63  }
0x52: {  	s16 =	rddreg [dreg:$0xc];
	s15 =	simm.s32 $0x9100  }
0x53: {  	[tilespmem:s15], [sflag:$0x6] =	stream.linear.gather [hbm4b:s16+s2], $0x80, $0x38;
	[tilespmem:$0x1CEC0] =	vst v63  }
0x54: {  	s8 =	rddreg [dreg:$0xd];
	s16 =	simm.s32 $0x9400  }
0x55: {  	[tilespmem:s16], [sflag:$0xC] =	stream.linear.gather [hbm4b:s8+s2], $0x80, $0x38;
	[tilespmem:$0x1CEC0] =	vst v63  }
0x56: {  	s8 =	rddreg [dreg:$0xe];
	s16 =	simm.s32 $0x9180  }
0x57: {  	[tilespmem:s16], [sflag:$0x7] =	stream.linear.gather [hbm4b:s8+s2], $0x80, $0x38;
	[tilespmem:$0x1CEC0] =	vst v63  }
0x58: {  	s8 =	rddreg [dreg:$0xf];
	s16 =	simm.s32 $0x9480  }
0x59: {  	[tilespmem:s16], [sflag:$0xD] =	stream.linear.gather [hbm4b:s8+s2], $0x80, $0x38;
	[tilespmem:$0x1CEC0] =	vst v63  }
0x5a: {  	s16 =	rddreg [dreg:$0x12]  }
0x5b: {  	[tilespmem:s18], [sflag:$0x8] =	stream.linear.gather [hbm4b:s16+s2], $0x80, $0x38;
	[tilespmem:$0x1CEC0] =	vst v63  }
0x5c: {  	s16 =	rddreg [dreg:$0x13]  }
0x5d: {  	[tilespmem:s17], [sflag:$0xE] =	stream.linear.gather [hbm4b:s16+s2], $0x80, $0x38;
	[tilespmem:$0x1CEC0] =	vst v63  }
0x5e: {  	s17 =	rddreg [dreg:$0x15]  }
0x5f: {  	[tilespmem:s21], [sflag:$0x9] =	stream.linear.gather [hbm4b:s17+s2], $0x80, $0x38;
	[tilespmem:$0x1CEC0] =	vst v63  }
0x60: {  	s16 =	rddreg [dreg:$0x16];
	s17 =	simm.s32 $0x4  }
0x61: {  	[tilespmem:s23], [sflag:$0xF] =	stream.linear.gather [hbm4b:s16+s2], $0x80, $0x38;
	[tilespmem:$0x1CEC0] =	vst v63  }
0x62: {  	_ =	swait.ge [sflag:s17], $0x80  }
0x63: {  	[sflag:s17] =	ssyncset.done $0x0  }
0x64: {  	s21 =	simm.s32 $0x5;
	[sflag:s17] =	ssyncadd.s32 $0xFFFFFF80  }
0x65: {  	[tilespmem:s2], [sflag:$0x1] =	stream.indirect.gather [hbm4b:s3+s20], $0x80, s10, s20, $0xb8;
	[tilespmem:$0x1CEC0] =	vst v63  }
0x66: {  	_ =	swait.ge [sflag:s21], $0x80  }
0x67: {  	[sflag:s21] =	ssyncset.done $0x0  }
0x68: {  	s23 =	simm.s32 $0x6;
	[sflag:s21] =	ssyncadd.s32 $0xFFFFFF80  }
0x69: {  	[tilespmem:s22], [sflag:$0x2] =	stream.indirect.gather [hbm4b:s3+s20], $0x80, s14, s20, $0xb8;
	[tilespmem:$0x1CEC0] =	vst v63  }
0x6a: {  	_ =	swait.ge [sflag:s23], $0x80  }
0x6b: {  	[sflag:s23] =	ssyncset.done $0x0  }
0x6c: {  	[sflag:s23] =	ssyncadd.s32 $0xFFFFFF80  }
0x6d: {  	[tilespmem:s24], [sflag:$0x3] =	stream.indirect.gather [hbm4b:s3+s20], $0x80, s15, s20, $0xb8;
	[tilespmem:$0x1CEC0] =	vst v63  }
0x6e: {  	s8 =	simm.s32 $0x580;
	s23 =	simm.s32 $0x9500;
	[bflag:$0x0] =	sbarrier.arrive $0xFFFF  }
.LBB2_2:
0x6f: {  	_ =	swait.ge [sflag:s30], $0x3000  }
0x70: {  	[sflag:s30] =	ssyncset.done $0x0  }
0x71: {  	[sflag:s30] =	ssyncadd.s32 $0xFFFFD000  }
0x72: {  	_ =	swait.ge [sflag:s25], $0x80  }
0x73: {  	[sflag:s25] =	ssyncset.done $0x0  }
0x74: {  	s10 =	simm.s32 $0x9300;
	[sflag:s25] =	ssyncadd.s32 $0xFFFFFF80  }
0x75: {  	[spmem:s1] =	stream.indirect.scatter.add.f32 [tilespmem:s2], [sflag:$0x10], $0x80, s10, s20, $0xb8;
	[tilespmem:$0x1CEC0] =	vst v63  }
0x76: {  	_ =	swait.ge [sflag:s29], $0x3000  }
0x77: {  	[sflag:s29] =	ssyncset.done $0x0  }
0x78: {  	[sflag:s29] =	ssyncadd.s32 $0xFFFFD000  }
0x79: {  	_ =	swait.ge [sflag:s26], $0x80  }
0x7a: {  	p1 =	seq.s32 s8, $0x6B80;
	[sflag:s26] =	ssyncset.done $0x0  }
0x7b: {  	s15 =	simm.s32 $0x9180;
	s10 =	sadd.s32 @!p1 $0xFFFFFD80, s8;
	[sflag:s26] =	ssyncadd.s32 $0xFFFFFF80  }
0x7c: {  	[tilespmem:s2], [sflag:$0x1] =	stream.indirect.gather [hbm4b:s3+s20], $0x80, s15, s20, $0xb8;
	[tilespmem:$0x1CEC0] =	vst v63  }
0x7d: {  	s15 =	sand.u32 @!p1 $0x1FC00, s10  }
0x7e: {  	s16 =	sand.u32 @!p1 $0x300, s10;
	s14 =	sadd.s32 @!p1 s11, s15  }
0x7f: {  	s15 =	sadd.s32 @!p1 s6, s15;
	s10 =	sor.u32 @!p1 s16, s14  }
0x80: {  	s14 =	simm.s32 @!p1 $0x9000;
	s15 =	sor.u32 @!p1 s16, s15;
	s10 =	sshrl.u32 @!p1 s10, $0x3  }
0x81: {  	s15 =	sshrl.u32 @!p1 s15, $0x3;
	s17 =	sadd.s32 @!p1 s4, s10;
	s10 =	simm.s32 @!p1 $0x0  }
0x82: {  	[tilespmem:s14], [sflag:$0x4] =	stream.linear.gather @!p1 [hbm4b:s17+s10], $0x80, $0x38;
	[tilespmem:$0x1CEC0] =	vst v63  }
0x83: {  	s16 =	simm.s32 @!p1 $0x9300;
	s15 =	sadd.s32 @!p1 s5, s15  }
0x84: {  	[tilespmem:s16], [sflag:$0xA] =	stream.linear.gather @!p1 [hbm4b:s15+s10], $0x80, $0x38;
	[tilespmem:$0x1CEC0] =	vst v63  }
0x85: {  	_ =	swait.ge [sflag:s28], $0x3000  }
0x86: {  	[sflag:s28] =	ssyncset.done $0x0  }
0x87: {  	[sflag:s28] =	ssyncadd.s32 $0xFFFFD000  }
0x88: {  	_ =	swait.ge [sflag:s12], $0x80  }
0x89: {  	[sflag:s12] =	ssyncset.done $0x0  }
0x8a: {  	s16 =	simm.s32 $0x9380;
	[sflag:s12] =	ssyncadd.s32 $0xFFFFFF80  }
0x8b: {  	[spmem:s1] =	stream.indirect.scatter.add.f32 [tilespmem:s22], [sflag:$0x10], $0x80, s16, s20, $0xb8;
	[tilespmem:$0x1CEC0] =	vst v63  }
0x8c: {  	_ =	swait.ge [sflag:s29], $0x3000  }
0x8d: {  	s15 =	sadd.s32 @!p1 $0xFFFFFE00, s8;
	[sflag:s29] =	ssyncset.done $0x0  }
0x8e: {  	s16 =	sand.u32 @!p1 $0x1FC00, s15;
	[sflag:s29] =	ssyncadd.s32 $0xFFFFD000  }
0x8f: {  	s15 =	sand.u32 @!p1 $0x380, s15;
	s17 =	sadd.s32 @!p1 s11, s16;
	_ =	swait.ge [sflag:s13], $0x80  }
0x90: {  	s16 =	sadd.s32 @!p1 s6, s16;
	s17 =	sor.u32 @!p1 s15, s17;
	[sflag:s13] =	ssyncset.done $0x0  }
0x91: {  	s15 =	sor.u32 @!p1 s15, s16;
	s17 =	sshrl.u32 @!p1 s17, $0x3;
	[sflag:s13] =	ssyncadd.s32 $0xFFFFFF80  }
0x92: {  	[tilespmem:s22], [sflag:$0x2] =	stream.indirect.gather [hbm4b:s3+s20], $0x80, s18, s20, $0xb8;
	[tilespmem:$0x1CEC0] =	vst v63  }
0x93: {  	s15 =	sshrl.u32 @!p1 s15, $0x3;
	s17 =	sadd.s32 @!p1 s4, s17;
	s18 =	simm.s32 @!p1 $0x9080  }
0x94: {  	[tilespmem:s18], [sflag:$0x5] =	stream.linear.gather @!p1 [hbm4b:s17+s10], $0x80, $0x38;
	[tilespmem:$0x1CEC0] =	vst v63  }
0x95: {  	s16 =	simm.s32 @!p1 $0x9380;
	s15 =	sadd.s32 @!p1 s5, s15  }
0x96: {  	[tilespmem:s16], [sflag:$0xB] =	stream.linear.gather @!p1 [hbm4b:s15+s10], $0x80, $0x38;
	[tilespmem:$0x1CEC0] =	vst v63  }
0x97: {  	_ =	swait.ge [sflag:s19], $0x3000  }
0x98: {  	[sflag:s19] =	ssyncset.done $0x0  }
0x99: {  	[sflag:s19] =	ssyncadd.s32 $0xFFFFD000  }
0x9a: {  	_ =	swait.ge [sflag:s9], $0x80  }
0x9b: {  	[sflag:s9] =	ssyncset.done $0x0  }
0x9c: {  	s17 =	simm.s32 $0x9400;
	[sflag:s9] =	ssyncadd.s32 $0xFFFFFF80  }
0x9d: {  	[spmem:s1] =	stream.indirect.scatter.add.f32 [tilespmem:s24], [sflag:$0x10], $0x80, s17, s20, $0xb8;
	[tilespmem:$0x1CEC0] =	vst v63  }
0x9e: {  	_ =	swait.ge [sflag:s29], $0x3000  }
0x9f: {  	[sflag:s29] =	ssyncset.done $0x0  }
0xa0: {  	[sflag:s29] =	ssyncadd.s32 $0xFFFFD000  }
0xa1: {  	_ =	swait.ge [sflag:s31], $0x80  }
0xa2: {  	[sflag:s31] =	ssyncset.done $0x0  }
0xa3: {  	s18 =	simm.s32 $0x9280;
	s15 =	simm.s32 @p1 $0x1;
	[sflag:s31] =	ssyncadd.s32 $0xFFFFFF80  }
0xa4: {  	[tilespmem:s24], [sflag:$0x3] =	stream.indirect.gather [hbm4b:s3+s20], $0x80, s18, s20, $0xb8;
	[tilespmem:$0x1CEC0] =	vst v63  }
0xa5: {  	_ =	swait.ge @p1 [sflag:s15], $0x3000  }
0xa6: {  	[sflag:s15] =	ssyncset.done @p1 $0x0  }
0xa7: {  	[sflag:s15] =	ssyncadd.s32 @p1 $0xFFFFD000;
	s15 =	simm.s32 @p1 $0xD  }
0xa8: {  	_ =	swait.ge @p1 [sflag:s15], $0x80  }
0xa9: {  	s16 =	simm.s32 @p1 $0x9480;
	[sflag:s15] =	ssyncset.done @p1 $0x0  }
0xaa: {  	s17 =	simm.s32 @p1 $0x0;
	[sflag:s15] =	ssyncadd.s32 @p1 $0xFFFFFF80;
	s15 =	simm.s32 @p1 $0x60  }
0xab: {  	[spmem:s1] =	stream.indirect.scatter.add.f32 @p1 [tilespmem:s17], [sflag:$0x10], $0x80, s16, s15, $0xb8;
	[tilespmem:$0x1CEC0] =	vst v63  }
0xac: {  	s15 =	sadd.s32 @!p1 $0xFFFFFE80, s8  }
0xad: {  	s16 =	sadd.s32 @!p1 $0xFFFFFA80, s8;
	s17 =	simm.s32 @p1 $0x10;
	s15 =	sand.u32 @!p1 $0x1FC00, s15  }
0xae: {  	s16 =	sand.u32 @!p1 $0x300, s16;
	_ =	swait.ge @p1 [sflag:s17], $0x3000;
	s18 =	sadd.s32 @!p1 s11, s15  }
0xaf: {  	[sflag:s17] =	ssyncset.done @p1 $0x0;
	s15 =	sadd.s32 @!p1 s6, s15;
	s18 =	sor.u32 @!p1 s16, s18  }
0xb0: {  	[sflag:s17] =	ssyncadd.s32 @p1 $0xFFFFD000;
	s15 =	sor.u32 @!p1 s16, s15;
	s18 =	sshrl.u32 @!p1 s18, $0x3  }
0xb1: {  	s15 =	sshrl.u32 @!p1 s15, $0x3;
	s17 =	sadd.s32 @!p1 s4, s18;
	s18 =	simm.s32 @!p1 $0x9100  }
0xb2: {  	[tilespmem:s18], [sflag:$0x6] =	stream.linear.gather @!p1 [hbm4b:s17+s10], $0x80, $0x38;
	[tilespmem:$0x1CEC0] =	vst v63  }
0xb3: {  	s16 =	simm.s32 @!p1 $0x9400;
	s15 =	sadd.s32 @!p1 s5, s15  }
0xb4: {  	[tilespmem:s16], [sflag:$0xC] =	stream.linear.gather @!p1 [hbm4b:s15+s10], $0x80, $0x38;
	[tilespmem:$0x1CEC0] =	vst v63  }
0xb5: {  	s15 =	simm.s32 @!p1 $0x1  }
0xb6: {  	_ =	swait.ge @!p1 [sflag:s15], $0x3000  }
0xb7: {  	[sflag:s15] =	ssyncset.done @!p1 $0x0  }
0xb8: {  	[sflag:s15] =	ssyncadd.s32 @!p1 $0xFFFFD000;
	s15 =	simm.s32 @!p1 $0xD  }
0xb9: {  	_ =	swait.ge @!p1 [sflag:s15], $0x80  }
0xba: {  	s17 =	simm.s32 @!p1 $0x10;
	[sflag:s15] =	ssyncset.done @!p1 $0x0  }
0xbb: {  	s16 =	simm.s32 @!p1 $0x9480;
	[sflag:s15] =	ssyncadd.s32 @!p1 $0xFFFFFF80;
	s15 =	simm.s32 @!p1 $0x60  }
0xbc: {  	[spmem:s1] =	stream.indirect.scatter.add.f32 @!p1 [tilespmem:s10], [sflag:$0x10], $0x80, s16, s15, $0xb8;
	[tilespmem:$0x1CEC0] =	vst v63  }
0xbd: {  	_ =	swait.ge @!p1 [sflag:s17], $0x3000  }
0xbe: {  	[sflag:s17] =	ssyncset.done @!p1 $0x0  }
0xbf: {  	[sflag:s17] =	ssyncadd.s32 @!p1 $0xFFFFD000;
	s17 =	simm.s32 @!p1 $0x4  }
0xc0: {  	_ =	swait.ge @!p1 [sflag:s17], $0x80  }
0xc1: {  	[sflag:s17] =	ssyncset.done @!p1 $0x0  }
0xc2: {  	[sflag:s17] =	ssyncadd.s32 @!p1 $0xFFFFFF80  }
0xc3: {  	[tilespmem:s10], [sflag:$0x1] =	stream.indirect.gather @!p1 [hbm4b:s3+s15], $0x80, s14, s15, $0xb8;
	[tilespmem:$0x1CEC0] =	vst v63  }
0xc4: {  	s14 =	sadd.s32 @!p1 $0xFFFFFF00, s8  }
0xc5: {  	s15 =	sand.u32 @!p1 $0x1FC00, s14  }
0xc6: {  	s14 =	sand.u32 @!p1 $0x380, s14;
	s17 =	sadd.s32 @!p1 s11, s15  }
0xc7: {  	s15 =	sadd.s32 @!p1 s6, s15;
	s17 =	sor.u32 @!p1 s14, s17  }
0xc8: {  	s14 =	sor.u32 @!p1 s14, s15;
	s17 =	sshrl.u32 @!p1 s17, $0x3  }
0xc9: {  	s18 =	simm.s32 @!p1 $0x9180;
	s14 =	sshrl.u32 @!p1 s14, $0x3;
	s17 =	sadd.s32 @!p1 s4, s17  }
0xca: {  	[tilespmem:s18], [sflag:$0x7] =	stream.linear.gather @!p1 [hbm4b:s17+s10], $0x80, $0x38;
	[tilespmem:$0x1CEC0] =	vst v63  }
0xcb: {  	s14 =	sadd.s32 @!p1 s5, s14  }
0xcc: {  	[tilespmem:s16], [sflag:$0xD] =	stream.linear.gather @!p1 [hbm4b:s14+s10], $0x80, $0x38;
	[tilespmem:$0x1CEC0] =	vst v63  }
0xcd: {  	_ =	swait.ge [sflag:s28], $0x3000  }
0xce: {  	[sflag:s28] =	ssyncset.done $0x0  }
0xcf: {  	[sflag:s28] =	ssyncadd.s32 $0xFFFFD000  }
0xd0: {  	_ =	swait.ge [sflag:s0], $0x80  }
0xd1: {  	[sflag:s0] =	ssyncset.done $0x0  }
.Ltmp2:
0xd2: {  	[sflag:s0] =	ssyncadd.s32 $0xFFFFFF80;
	(pc) =	sbr.rel @p1 .LBB2_4-.Ltmp2, $4  }
0xd3: {  	[spmem:s1] =	stream.indirect.scatter.add.f32 [tilespmem:s22], [sflag:$0x10], $0x80, s23, s20, $0xb8;
	[tilespmem:$0x1CEC0] =	vst v63  }
0xd4: {  	_ =	swait.ge [sflag:s29], $0x3000  }
0xd5: {  	[sflag:s29] =	ssyncset.done $0x0  }
0xd6: {  	s21 =	simm.s32 $0x9200;
	s17 =	simm.s32 $0x9500;
	[sflag:s29] =	ssyncadd.s32 $0xFFFFD000  }
0xd7: {  	s10 =	simm.s32 $0x5  }
0xd8: {  	s18 =	sadd.s32 $0xFFFFFF80, s8;
	_ =	swait.ge [sflag:s10], $0x80  }
0xd9: {  	s16 =	simm.s32 $0x9080;
	s14 =	sand.u32 $0x1FC00, s18;
	[sflag:s10] =	ssyncset.done $0x0  }
0xda: {  	s15 =	sadd.s32 s11, s14;
	[sflag:s10] =	ssyncadd.s32 $0xFFFFFF80;
	s10 =	sand.u32 $0x300, s18  }
0xdb: {  	[tilespmem:s22], [sflag:$0x2] =	stream.indirect.gather [hbm4b:s3+s20], $0x80, s16, s20, $0xb8;
	[tilespmem:$0x1CEC0] =	vst v63  }
0xdc: {  	s14 =	sadd.s32 s6, s14;
	s15 =	sor.u32 s10, s15  }
0xdd: {  	s10 =	sor.u32 s10, s14;
	s15 =	sshrl.u32 s15, $0x3  }
0xde: {  	s10 =	sshrl.u32 s10, $0x3;
	s15 =	sadd.s32 s4, s15  }
0xdf: {  	[tilespmem:s21], [sflag:$0x8] =	stream.linear.gather [hbm4b:s15+s2], $0x80, $0x38;
	[tilespmem:$0x1CEC0] =	vst v63  }
0xe0: {  	s10 =	sadd.s32 s5, s10  }
0xe1: {  	[tilespmem:s17], [sflag:$0xE] =	stream.linear.gather [hbm4b:s10+s2], $0x80, $0x38;
	[tilespmem:$0x1CEC0] =	vst v63  }
0xe2: {  	_ =	swait.ge [sflag:s19], $0x3000  }
0xe3: {  	[sflag:s19] =	ssyncset.done $0x0  }
0xe4: {  	[sflag:s19] =	ssyncadd.s32 $0xFFFFD000  }
0xe5: {  	_ =	swait.ge [sflag:s7], $0x80  }
0xe6: {  	[sflag:s7] =	ssyncset.done $0x0  }
0xe7: {  	s16 =	simm.s32 $0x9580;
	[sflag:s7] =	ssyncadd.s32 $0xFFFFFF80  }
0xe8: {  	[spmem:s1] =	stream.indirect.scatter.add.f32 [tilespmem:s24], [sflag:$0x10], $0x80, s16, s20, $0xb8;
	[tilespmem:$0x1CEC0] =	vst v63  }
0xe9: {  	_ =	swait.ge [sflag:s29], $0x3000  }
0xea: {  	[sflag:s29] =	ssyncset.done $0x0  }
0xeb: {  	s23 =	simm.s32 $0x6;
	[sflag:s29] =	ssyncadd.s32 $0xFFFFD000  }
0xec: {  	_ =	swait.ge [sflag:s23], $0x80  }
0xed: {  	s14 =	simm.s32 $0x9100;
	s15 =	sand.u32 $0x1FC00, s8;
	[sflag:s23] =	ssyncset.done $0x0  }
0xee: {  	s21 =	sand.u32 $0x380, s8;
	s18 =	sadd.s32 s11, s15;
	[sflag:s23] =	ssyncadd.s32 $0xFFFFFF80  }
0xef: {  	[tilespmem:s24], [sflag:$0x3] =	stream.indirect.gather [hbm4b:s3+s20], $0x80, s14, s20, $0xb8;
	[tilespmem:$0x1CEC0] =	vst v63  }
0xf0: {  	s8 =	sadd.s32 $0x300, s8;
	s10 =	sadd.s32 s6, s15;
	s14 =	sor.u32 s21, s18  }
.Ltmp3:
0xf1: {  	s10 =	sor.u32 s21, s10;
	s14 =	sshrl.u32 s14, $0x3;
	(pc) =	sbr.rel .LBB2_2-.Ltmp3, $4  }
0xf2: {  	s10 =	sshrl.u32 s10, $0x3;
	s23 =	simm.s32 $0x9280;
	s14 =	sadd.s32 s4, s14  }
0xf3: {  	[tilespmem:s23], [sflag:$0x9] =	stream.linear.gather [hbm4b:s14+s2], $0x80, $0x38;
	[tilespmem:$0x1CEC0] =	vst v63  }
0xf4: {  	s10 =	sadd.s32 s5, s10;
	s18 =	simm.s32 $0x9200;
	s23 =	simm.s32 $0x9500  }
0xf5: {  	[tilespmem:s16], [sflag:$0xF] =	stream.linear.gather [hbm4b:s10+s2], $0x80, $0x38;
	[tilespmem:$0x1CEC0] =	vst v63  }
.LBB2_5:
0xf6: {  	_ =	sfence.sel $0x180000  }
0xf7: {  	[bflag:$0x0] =	sbarrier.arrive $0xFFFF  }
0xf8: {  	_ =	strace $0x9000004D  }
0xf9: {  	[bflag:$0x2] =	sbarrier.arrive $0xFFFF  }
0xfa: {  	s0 =	rddreg [dreg:$0x2]  }
0xfb: {  	s0 =	sadd.s32 @!p0 $0x100000, s0  }
0xfc: {  	[sflag:s0] =	ssyncadd.tile.s32 @!p0 $0x1;
	_ =	shalt  }
.Lfunc_end2:
_tile_overlayer_lowered:
.L_overlay_start_2:
0xfd: {  	(tag) =	ssettag $0x2  }
0xfe: {  	s0 =	rddreg [dreg:$0x0];
	s2 =	stileid.u32  }
0xff: {  	s1 =	rddreg [dreg:$0x1];
	p0 =	sne.s32 s2, $0x0  }
0x100: {  	s3 =	rddreg [dreg:$0x2];
	[bflag:$0x3] =	sbarrier.arrive $0xFFFF;
	s2 =	simm.s32 @!p0 $0x1C10  }
0x101: {  	[timem:s3], [sflag:s2] =	dma.local @!p0 [hbm:s0], s1  }
0x102: {  	s0 =	simm.s32 @!p0 $0x10  }
0x103: {  	_ =	swait.ge @!p0 [sflag:s0], s1  }
0x104: {  	s1 =	ssub.s32 @!p0 $0x0, s1;
	[sflag:s0] =	ssyncset.done @!p0 $0x0  }
0x105: {  	[sflag:s0] =	ssyncadd.s32 @!p0 s1  }
0x106: {  	[bflag:$0x3] =	sbarrier.arrive $0xFFFF  }
0x107: {  	_ =	shalt  }

</sc_bundles>
